<compile_context>
chip_gen: v7x
topology: tpu7x:2x2x1
jax: 0.10.2.dev20260603
libtpu: 0.0.44.dev20260713+nightly
codegen_flags: <defaults>
</compile_context>

<pallas_src>
import jax
import jax.numpy as jnp
from jax import lax
from jax.experimental import pallas as pl
from jax.experimental.pallas import tpu as pltpu
from jax.experimental.pallas import tpu_sc as plsc

N_NODES = 10000
N_EDGES = 320000
D_IN = 128
D_HID = 16
D_OUT = 128

NC = 2
NS = 16
NW = NC * NS
GROUP = 128
GPT = 80
NE_PAD = NW * GPT * GROUP
N_PAD = 10240
ROWS_PER_SUB = N_PAD // NS
M_BLK = 2048


NBUF = 4


def _zero_slab_via(buf, target_sh, base_r):
    for k in range(GROUP):
        buf[k, :] = jnp.zeros((D_HID,), jnp.float32)
    for k in range(ROWS_PER_SUB // GROUP):
        pltpu.sync_copy(buf, target_sh.at[pl.ds(base_r + k * GROUP, GROUP)])


def _sc_pass(feat_hbm, e2_hbm, w_hbm, acc_out, cnt_out,
             src_v, dst_v, w_v, ones_v,
             rows0, rows1, rows2, rows3, acc_sh, cnt_sh, feat_sh,
             gsem0, gsem1, gsem2, gsem3, ssem0, ssem1, ssem2, ssem3, csem,
             *, do_cnt):
    c = lax.axis_index("c")
    s = lax.axis_index("s")
    wid = c * NS + s
    rows = (rows0, rows1, rows2, rows3)
    gsem = (gsem0, gsem1, gsem2, gsem3)
    ssem = (ssem0, ssem1, ssem2, ssem3)
    base_r = s * ROWS_PER_SUB

    _zero_slab_via(rows0, acc_sh, base_r)
    pltpu.sync_copy(feat_hbm.at[pl.ds(base_r, ROWS_PER_SUB)],
                    feat_sh.at[pl.ds(base_r, ROWS_PER_SUB)])
    if do_cnt:
        for k in range(GROUP // 16):
            ones_v[0, pl.ds(k * 16, 16)] = jnp.ones((16,), jnp.float32)
            ones_v[1, pl.ds(k * 16, 16)] = jnp.zeros((16,), jnp.float32)
        for k in range(ROWS_PER_SUB // GROUP):
            pltpu.sync_copy(ones_v.at[1],
                            cnt_sh.at[pl.ds(base_r + k * GROUP, GROUP)])

    base = wid * GPT
    pltpu.sync_copy(e2_hbm.at[0, pl.ds(base, GPT)], src_v)
    pltpu.sync_copy(e2_hbm.at[1, pl.ds(base, GPT)], dst_v)
    pltpu.sync_copy(w_hbm.at[pl.ds(base, GPT)], w_v)
    plsc.subcore_barrier()

    iota = lax.iota(jnp.int32, 16)

    def gather_start(j, b):
        pltpu.async_copy(feat_sh.at[src_v.at[j]], rows[b], gsem[b])

    def gather_wait(j, b):
        pltpu.make_async_copy(feat_sh.at[src_v.at[j]], rows[b],
                              gsem[b]).wait()

    def scatter_start(j, b):
        pltpu.async_copy(rows[b], acc_sh.at[dst_v.at[j]], ssem[b], add=True)

    def scatter_wait(j, b):
        pltpu.make_async_copy(rows[b], acc_sh.at[dst_v.at[j]],
                              ssem[b]).wait()

    def scale(j, b):
        rv = rows[b]
        jj = jnp.full((16,), j, dtype=jnp.int32)

        @plsc.parallel_loop(0, GROUP, 1, unroll=8)
        def _(i):
            ii = jnp.full((16,), i, dtype=jnp.int32)
            wsplat = plsc.load_gather(w_v, [jj, ii])
            row = plsc.load_gather(rv, [ii, iota])
            plsc.store_scatter(rv, [ii, iota], row * wsplat)

    gather_start(0, 0)
    gather_start(1, 1)

    def handle_group(j4, u):
        j = NBUF * j4 + u
        b = (u + 2) % NBUF
        gather_wait(j, u)
        if u < 2:
            @pl.when(j4 > 0)
            def _():
                scatter_wait(j - 2, b)
            gather_start(j + 2, b)
        else:
            @pl.when(j + 2 < GPT)
            def _():
                scatter_wait(j - 2, b)
                gather_start(j + 2, b)
        scale(j, u)
        scatter_start(j, u)
        if do_cnt:
            pltpu.async_copy(ones_v.at[0], cnt_sh.at[dst_v.at[j]], csem,
                             add=True)

    def outer_body(j4, _):
        for u in range(NBUF):
            handle_group(j4, u)
        return 0

    lax.fori_loop(0, GPT // NBUF, outer_body, 0)
    for jt in range(GPT - NBUF, GPT):
        scatter_wait(jt, jt % NBUF)
    if do_cnt:
        def cnt_drain(j, _):
            pltpu.make_async_copy(ones_v.at[0], cnt_sh.at[dst_v.at[j]],
                                  csem).wait()
            return 0
        lax.fori_loop(0, GPT, cnt_drain, 0)
    plsc.subcore_barrier()

    pltpu.sync_copy(acc_sh.at[pl.ds(base_r, ROWS_PER_SUB)],
                    acc_out.at[c, pl.ds(base_r, ROWS_PER_SUB)])
    if do_cnt:
        @pl.when(s == 0)
        def _():
            pltpu.sync_copy(cnt_sh, cnt_out.at[pl.ds(c * N_PAD, N_PAD)])


def _sc_pass2_body(acc1_hbm, cnt_hbm, xr_hbm, b1_hbm, e2_hbm,
                   w_hbm, acc_out, h_out,
                   src_v, dst_v, w_v, a0_v, a1_v, c0_v, c1_v, xr_v, b_v,
                   h_v, h_v2,
                   rows0, rows1, rows2, rows3, acc_sh, h_sh,
                   gsem0, gsem1, gsem2, gsem3, ssem0, ssem1, ssem2, ssem3):
    c = lax.axis_index("c")
    s = lax.axis_index("s")
    wid = c * NS + s
    rows = (rows0, rows1, rows2, rows3)
    gsem = (gsem0, gsem1, gsem2, gsem3)
    ssem = (ssem0, ssem1, ssem2, ssem3)
    iota = lax.iota(jnp.int32, 16)
    base_r = s * ROWS_PER_SUB

    _zero_slab_via(rows0, acc_sh, base_r)
    pltpu.sync_copy(acc1_hbm.at[0, pl.ds(base_r, ROWS_PER_SUB)], a0_v)
    pltpu.sync_copy(acc1_hbm.at[1, pl.ds(base_r, ROWS_PER_SUB)], a1_v)
    pltpu.sync_copy(cnt_hbm.at[pl.ds(base_r, ROWS_PER_SUB)], c0_v)
    pltpu.sync_copy(cnt_hbm.at[pl.ds(N_PAD + base_r, ROWS_PER_SUB)], c1_v)
    pltpu.sync_copy(xr_hbm.at[pl.ds(base_r, ROWS_PER_SUB)], xr_v)
    pltpu.sync_copy(b1_hbm, b_v)
    bias = b_v[...]

    @plsc.parallel_loop(0, ROWS_PER_SUB, 1, unroll=4)
    def _(r):
        rr = jnp.full((16,), r, dtype=jnp.int32)
        a = plsc.load_gather(a0_v, [rr, iota]) + plsc.load_gather(a1_v, [rr, iota])
        cs = plsc.load_gather(c0_v, [rr]) + plsc.load_gather(c1_v, [rr])
        mean = a / jnp.maximum(cs, 1.0)
        hrow = jnp.maximum(mean + plsc.load_gather(xr_v, [rr, iota]) + bias,
                           0.0)
        plsc.store_scatter(h_v, [rr, iota], hrow)
        plsc.store_scatter(h_v2, [rr // 8, (rr % 8) * 16 + iota], hrow)

    pltpu.sync_copy(h_v, h_sh.at[pl.ds(base_r, ROWS_PER_SUB)])

    @pl.when(c == 0)
    def _():
        pltpu.sync_copy(h_v2, h_out.at[pl.ds(s * (ROWS_PER_SUB // 8),
                                             ROWS_PER_SUB // 8)])

    base = wid * GPT
    pltpu.sync_copy(e2_hbm.at[0, pl.ds(base, GPT)], src_v)
    pltpu.sync_copy(e2_hbm.at[1, pl.ds(base, GPT)], dst_v)
    pltpu.sync_copy(w_hbm.at[pl.ds(base, GPT)], w_v)
    plsc.subcore_barrier()

    def gather_start(j, b):
        pltpu.async_copy(h_sh.at[src_v.at[j]], rows[b], gsem[b])

    def gather_wait(j, b):
        pltpu.make_async_copy(h_sh.at[src_v.at[j]], rows[b], gsem[b]).wait()

    def scatter_start(j, b):
        pltpu.async_copy(rows[b], acc_sh.at[dst_v.at[j]], ssem[b], add=True)

    def scatter_wait(j, b):
        pltpu.make_async_copy(rows[b], acc_sh.at[dst_v.at[j]],
                              ssem[b]).wait()

    def scale(j, b):
        rv = rows[b]
        jj = jnp.full((16,), j, dtype=jnp.int32)

        @plsc.parallel_loop(0, GROUP, 1, unroll=8)
        def _(i):
            ii = jnp.full((16,), i, dtype=jnp.int32)
            wsplat = plsc.load_gather(w_v, [jj, ii])
            row = plsc.load_gather(rv, [ii, iota])
            plsc.store_scatter(rv, [ii, iota], row * wsplat)

    gather_start(0, 0)
    gather_start(1, 1)

    def handle_group(j4, u):
        j = NBUF * j4 + u
        b = (u + 2) % NBUF
        gather_wait(j, u)
        if u < 2:
            @pl.when(j4 > 0)
            def _():
                scatter_wait(j - 2, b)
            gather_start(j + 2, b)
        else:
            @pl.when(j + 2 < GPT)
            def _():
                scatter_wait(j - 2, b)
                gather_start(j + 2, b)
        scale(j, u)
        scatter_start(j, u)

    def outer_body(j4, _):
        for u in range(NBUF):
            handle_group(j4, u)
        return 0

    lax.fori_loop(0, GPT // NBUF, outer_body, 0)
    for jt in range(GPT - NBUF, GPT):
        scatter_wait(jt, jt % NBUF)
    plsc.subcore_barrier()

    pltpu.sync_copy(acc_sh.at[pl.ds(base_r, ROWS_PER_SUB)], a0_v)

    @plsc.parallel_loop(0, ROWS_PER_SUB, 1, unroll=4)
    def _(r):
        rr = jnp.full((16,), r, dtype=jnp.int32)
        cs = plsc.load_gather(c0_v, [rr]) + plsc.load_gather(c1_v, [rr])
        q = plsc.load_gather(a0_v, [rr, iota]) / jnp.maximum(cs, 1.0)
        plsc.store_scatter(h_v2, [rr // 8, (rr % 8) * 16 + iota], q)

    pltpu.sync_copy(h_v2, acc_out.at[c, pl.ds(s * (ROWS_PER_SUB // 8),
                                              ROWS_PER_SUB // 8)])


def _make_sc_pass2():
    mesh = plsc.VectorSubcoreMesh(core_axis_name="c", subcore_axis_name="s",
                                  num_cores=NC, num_subcores=NS)
    out_type = (jax.ShapeDtypeStruct((NC, N_PAD // 8, 8 * D_HID),
                                     jnp.float32),
                jax.ShapeDtypeStruct((N_PAD // 8, 8 * D_HID), jnp.float32))
    scratch = (
        pltpu.VMEM((GPT, GROUP), jnp.int32),
        pltpu.VMEM((GPT, GROUP), jnp.int32),
        pltpu.VMEM((GPT, GROUP), jnp.float32),
        pltpu.VMEM((ROWS_PER_SUB, D_HID), jnp.float32),
        pltpu.VMEM((ROWS_PER_SUB, D_HID), jnp.float32),
        pltpu.VMEM((ROWS_PER_SUB,), jnp.float32),
        pltpu.VMEM((ROWS_PER_SUB,), jnp.float32),
        pltpu.VMEM((ROWS_PER_SUB, D_HID), jnp.float32),
        pltpu.VMEM((D_HID,), jnp.float32),
        pltpu.VMEM((ROWS_PER_SUB, D_HID), jnp.float32),
        pltpu.VMEM((ROWS_PER_SUB // 8, 8 * D_HID), jnp.float32),
        pltpu.VMEM((GROUP, D_HID), jnp.float32),
        pltpu.VMEM((GROUP, D_HID), jnp.float32),
        pltpu.VMEM((GROUP, D_HID), jnp.float32),
        pltpu.VMEM((GROUP, D_HID), jnp.float32),
        pltpu.VMEM_SHARED((N_PAD, D_HID), jnp.float32),
        pltpu.VMEM_SHARED((N_PAD, D_HID), jnp.float32),
    ) + (pltpu.SemaphoreType.DMA,) * 8

    return pl.kernel(_sc_pass2_body, out_type=out_type, mesh=mesh,
                     scratch_types=scratch,
                     compiler_params=pltpu.CompilerParams(
                         needs_layout_passes=False,
                         use_tc_tiling_on_sc=False))


def _make_sc_pass(do_cnt):
    mesh = plsc.VectorSubcoreMesh(core_axis_name="c", subcore_axis_name="s",
                                  num_cores=NC, num_subcores=NS)
    out_type = (jax.ShapeDtypeStruct((NC, N_PAD, D_HID), jnp.float32),
                jax.ShapeDtypeStruct((NC * N_PAD,), jnp.float32))
    scratch = (
        pltpu.VMEM((GPT, GROUP), jnp.int32),
        pltpu.VMEM((GPT, GROUP), jnp.int32),
        pltpu.VMEM((GPT, GROUP), jnp.float32),
        pltpu.VMEM((2, GROUP), jnp.float32),
        pltpu.VMEM((GROUP, D_HID), jnp.float32),
        pltpu.VMEM((GROUP, D_HID), jnp.float32),
        pltpu.VMEM((GROUP, D_HID), jnp.float32),
        pltpu.VMEM((GROUP, D_HID), jnp.float32),
        pltpu.VMEM_SHARED((N_PAD, D_HID), jnp.float32),
        pltpu.VMEM_SHARED((N_PAD,), jnp.float32),
        pltpu.VMEM_SHARED((N_PAD, D_HID), jnp.float32),
    ) + (pltpu.SemaphoreType.DMA,) * 9

    def body(feat, e2, w, acc_out, cnt_out,
             src_v, dst_v, w_v, ones_v, rows0, rows1, rows2, rows3,
             acc_sh, cnt_sh, feat_sh, gsem0, gsem1, gsem2, gsem3,
             ssem0, ssem1, ssem2, ssem3, csem):
        _sc_pass(feat, e2, w, acc_out, cnt_out,
                 src_v, dst_v, w_v, ones_v, rows0, rows1, rows2, rows3,
                 acc_sh, cnt_sh, feat_sh, gsem0, gsem1, gsem2, gsem3,
                 ssem0, ssem1, ssem2, ssem3, csem, do_cnt=do_cnt)

    return pl.kernel(body, out_type=out_type, mesh=mesh,
                     scratch_types=scratch,
                     compiler_params=pltpu.CompilerParams(
                         needs_layout_passes=False,
                         use_tc_tiling_on_sc=False))


_sc_pass1 = _make_sc_pass(True)
_sc_pass2 = _make_sc_pass2()


def _mm_body(x_ref, wl_ref, wr_ref, xl_ref, xr_ref):
    x = x_ref[...]
    xl_ref[...] = jnp.dot(x, wl_ref[...], preferred_element_type=jnp.float32)
    xr_ref[...] = jnp.dot(x, wr_ref[...], preferred_element_type=jnp.float32)


def _out_body(q0_ref, q1_ref, h_ref, wl_ref, wr_ref, b_ref, o_ref):
    mean = q0_ref[0] + q1_ref[0]
    acc = (jnp.dot(mean, wl_ref[...], preferred_element_type=jnp.float32)
           + jnp.dot(h_ref[...], wr_ref[...],
                     preferred_element_type=jnp.float32))
    o_ref[...] = acc.reshape(M_BLK, D_OUT) + b_ref[...]


def _row_spec(width):
    return pl.BlockSpec((M_BLK, width), lambda i: (i, 0))


def _full_spec(shape):
    return pl.BlockSpec(shape, lambda i: (0,) * len(shape))


def kernel(x, edge_index, edge_weight, W_l1, b_l1, W_r1, b_r1,
           W_l2, b_l2, W_r2, b_r2):
    f32 = jnp.float32
    pad = NE_PAD - N_EDGES
    pad2 = jnp.stack([jnp.zeros((pad,), jnp.int32),
                      jnp.full((pad,), N_PAD - 1, jnp.int32)])
    e2 = jnp.concatenate([edge_index.astype(jnp.int32), pad2], axis=1
                         ).reshape(2, NW * GPT, GROUP)
    w = jnp.concatenate([edge_weight, jnp.zeros((pad,), f32)]
                        ).reshape(NW * GPT, GROUP)

    grid = (N_NODES + M_BLK - 1) // M_BLK
    grid_a = N_PAD // 2048

    xl, xr = pl.pallas_call(
        _mm_body,
        grid=(grid_a,),
        in_specs=[pl.BlockSpec((2048, D_IN), lambda i: (i, 0)),
                  _full_spec((D_IN, D_HID)), _full_spec((D_IN, D_HID))],
        out_specs=[pl.BlockSpec((2048, D_HID), lambda i: (i, 0))] * 2,
        out_shape=[jax.ShapeDtypeStruct((N_PAD, D_HID), f32)] * 2,
    )(x, W_l1, W_r1)

    acc1, cnt = _sc_pass1(xl, e2, w)
    b1 = b_l1 + b_r1

    acc2, h = _sc_pass2(acc1, cnt, xr, b1, e2, w)

    b2 = (b_l2 + b_r2).reshape(1, D_OUT)
    eye8 = jnp.eye(8, dtype=f32)
    wbd_l = jnp.kron(eye8, W_l2)
    wbd_r = jnp.kron(eye8, W_r2)
    mb8 = M_BLK // 8
    out = pl.pallas_call(
        _out_body,
        grid=(grid,),
        in_specs=[pl.BlockSpec((1, mb8, 8 * D_HID), lambda i: (0, i, 0)),
                  pl.BlockSpec((1, mb8, 8 * D_HID), lambda i: (1, i, 0)),
                  pl.BlockSpec((mb8, 8 * D_HID), lambda i: (i, 0)),
                  _full_spec((8 * D_HID, 8 * D_OUT)),
                  _full_spec((8 * D_HID, 8 * D_OUT)),
                  _full_spec((1, D_OUT))],
        out_specs=_row_spec(D_OUT),
        out_shape=jax.ShapeDtypeStruct((N_NODES, D_OUT), f32),
    )(acc2, acc2, h, wbd_l, wbd_r, b2)

    return out

# --- scband reference (transcript-rebuilt; emitter-appended) ---
"""Pipeline reference for scband-sage2-84954453114990 (READ-ONLY COPY).

The authoritative reference and input builder live on the scoring server;
editing this copy changes nothing except your own understanding.
"""

import jax, jax.numpy as jnp
import numpy as np

N_NODES = 10000
N_EDGES = 320000
D_IN = 128
D_HID = 16
D_OUT = 128

def setup_inputs(seed: int = 0) -> dict:
    key = jax.random.key(seed)
    ks = jax.random.split(key, 12)
    x = jax.random.normal(ks[0], (N_NODES, D_IN), dtype=jnp.float32)
    edge_index = jax.random.randint(ks[1], (2, N_EDGES), 0, N_NODES, dtype=jnp.int64)
    edge_weight = jax.random.uniform(ks[2], (N_EDGES,), dtype=jnp.float32)
    s1 = 1.0 / np.sqrt(D_IN)
    s2 = 1.0 / np.sqrt(D_HID)
    W_l1 = jax.random.normal(ks[3], (D_IN, D_HID), dtype=jnp.float32) * s1
    b_l1 = jnp.zeros((D_HID,), dtype=jnp.float32)
    W_r1 = jax.random.normal(ks[4], (D_IN, D_HID), dtype=jnp.float32) * s1
    b_r1 = jnp.zeros((D_HID,), dtype=jnp.float32)
    W_l2 = jax.random.normal(ks[5], (D_HID, D_OUT), dtype=jnp.float32) * s2
    b_l2 = jnp.zeros((D_OUT,), dtype=jnp.float32)
    W_r2 = jax.random.normal(ks[6], (D_HID, D_OUT), dtype=jnp.float32) * s2
    b_r2 = jnp.zeros((D_OUT,), dtype=jnp.float32)
    return {"x": x, "edge_index": edge_index, "edge_weight": edge_weight,
            "W_l1": W_l1, "b_l1": b_l1, "W_r1": W_r1, "b_r1": b_r1,
            "W_l2": W_l2, "b_l2": b_l2, "W_r2": W_r2, "b_r2": b_r2}

def _sage_conv(x, edge_index, edge_weight, W_l, b_l, W_r, b_r):
    src = edge_index[0]
    dst = edge_index[1]
    msgs = x[src] * edge_weight[:, None]
    agg = jax.ops.segment_sum(msgs, dst, num_segments=N_NODES)
    cnt = jax.ops.segment_sum(jnp.ones((msgs.shape[0],), dtype=x.dtype), dst, num_segments=N_NODES)
    mean = agg / jnp.clip(cnt, 1.0)[:, None]
    return mean @ W_l + b_l + x @ W_r + b_r

def reference(x, edge_index, edge_weight, W_l1, b_l1, W_r1, b_r1, W_l2, b_l2, W_r2, b_r2):
    h = jax.nn.relu(_sage_conv(x, edge_index, edge_weight, W_l1, b_l1, W_r1, b_r1))
    # dropout is identity in eval mode (training=False)
    out = _sage_conv(h, edge_index, edge_weight, W_l2, b_l2, W_r2, b_r2)
    return out

if __name__ == "__main__":
    import jax
    _d = setup_inputs()
    print(jax.jit(kernel)(*tuple(_d.values())))

</pallas_src>

<mosaic_0001>
#map = affine_map<(d0, d1) -> (0, 0)>
#map1 = affine_map<(d0, d1) -> (0, 0, 0)>
#map2 = affine_map<(d0, d1) -> (0)>
module attributes {stable_mosaic.version = 14 : i64} {
  func.func @body(%arg0: i32, %arg1: i32, %arg2: memref<10240x16xf32, #tpu.memory_space<hbm>>, %arg3: memref<2x2560x128xi32, #tpu.memory_space<hbm>>, %arg4: memref<2560x128xf32, #tpu.memory_space<hbm>>, %arg5: memref<2x10240x16xf32, #tpu.memory_space<hbm>>, %arg6: memref<20480xf32, #tpu.memory_space<hbm>>, %arg7: memref<80x128xi32, #tpu.memory_space<vmem>>, %arg8: memref<80x128xi32, #tpu.memory_space<vmem>>, %arg9: memref<80x128xf32, #tpu.memory_space<vmem>>, %arg10: memref<2x128xf32, #tpu.memory_space<vmem>>, %arg11: memref<128x16xf32, #tpu.memory_space<vmem>>, %arg12: memref<128x16xf32, #tpu.memory_space<vmem>>, %arg13: memref<128x16xf32, #tpu.memory_space<vmem>>, %arg14: memref<128x16xf32, #tpu.memory_space<vmem>>, %arg15: memref<10240x16xf32, #tpu.memory_space<vmem_shared>>, %arg16: memref<10240xf32, #tpu.memory_space<vmem_shared>>, %arg17: memref<10240x16xf32, #tpu.memory_space<vmem_shared>>, %arg18: memref<!tpu.dma_semaphore, #tpu.memory_space<semaphore_mem>>, %arg19: memref<!tpu.dma_semaphore, #tpu.memory_space<semaphore_mem>>, %arg20: memref<!tpu.dma_semaphore, #tpu.memory_space<semaphore_mem>>, %arg21: memref<!tpu.dma_semaphore, #tpu.memory_space<semaphore_mem>>, %arg22: memref<!tpu.dma_semaphore, #tpu.memory_space<semaphore_mem>>, %arg23: memref<!tpu.dma_semaphore, #tpu.memory_space<semaphore_mem>>, %arg24: memref<!tpu.dma_semaphore, #tpu.memory_space<semaphore_mem>>, %arg25: memref<!tpu.dma_semaphore, #tpu.memory_space<semaphore_mem>>, %arg26: memref<!tpu.dma_semaphore, #tpu.memory_space<semaphore_mem>>) attributes {dimension_semantics = [#tpu.dimension_semantics<core_parallel>, #tpu.dimension_semantics<subcore_parallel>], iteration_bounds = array<i64: 2, 16>, scalar_prefetch = 0 : i64, scratch_operands = 20 : i64, tpu.core_type = #tpu.core_type<sc_vector_subcore>, window_params = [{transform_indices = #map}, {transform_indices = #map1}, {transform_indices = #map}, {transform_indices = #map1}, {transform_indices = #map2}]} {
    %mul3A = arith.constant 16 : i32
    %mul3A_0 = arith.muli %arg0, %mul3A : i32
    %add3A = arith.addi %mul3A_0, %arg1 : i32
    %mul3A_1 = arith.constant 640 : i32
    %mul3A_2 = arith.muli %arg1, %mul3A_1 : i32
    %broadcast_in_dim3A = arith.constant 0.000000e+00 : f32
    %broadcast_in_dim3A_3 = vector.broadcast %broadcast_in_dim3A : f32 to vector<16xf32>
    %swap3A = arith.constant 0 : i32
    %swap3A_4 = arith.index_cast %swap3A : i32 to index
    %swap3A_5 = arith.constant 0 : index
    %swap3A_6 = tpu.vector_load %arg11[%swap3A_4, %swap3A_5] {strides = array<i32>} : memref<128x16xf32, #tpu.memory_space<vmem>>, vector<16xf32>,
    tpu.vector_store %arg11[%swap3A_4, %swap3A_5], %broadcast_in_dim3A_3 {strides = array<i32>} : memref<128x16xf32, #tpu.memory_space<vmem>>, vector<16xf32>,
    %broadcast_in_dim3A_7 = arith.constant 0.000000e+00 : f32
    %broadcast_in_dim3A_8 = vector.broadcast %broadcast_in_dim3A_7 : f32 to vector<16xf32>
    %swap3A_9 = arith.constant 1 : i32
    %swap3A_10 = arith.index_cast %swap3A_9 : i32 to index
    %swap3A_11 = arith.constant 0 : index
    %swap3A_12 = tpu.vector_load %arg11[%swap3A_10, %swap3A_11] {strides = array<i32>} : memref<128x16xf32, #tpu.memory_space<vmem>>, vector<16xf32>,
    tpu.vector_store %arg11[%swap3A_10, %swap3A_11], %broadcast_in_dim3A_8 {strides = array<i32>} : memref<128x16xf32, #tpu.memory_space<vmem>>, vector<16xf32>,
    %broadcast_in_dim3A_13 = arith.constant 0.000000e+00 : f32
    %broadcast_in_dim3A_14 = vector.broadcast %broadcast_in_dim3A_13 : f32 to vector<16xf32>
    %swap3A_15 = arith.constant 2 : i32
    %swap3A_16 = arith.index_cast %swap3A_15 : i32 to index
    %swap3A_17 = arith.constant 0 : index
    %swap3A_18 = tpu.vector_load %arg11[%swap3A_16, %swap3A_17] {strides = array<i32>} : memref<128x16xf32, #tpu.memory_space<vmem>>, vector<16xf32>,
    tpu.vector_store %arg11[%swap3A_16, %swap3A_17], %broadcast_in_dim3A_14 {strides = array<i32>} : memref<128x16xf32, #tpu.memory_space<vmem>>, vector<16xf32>,
    %broadcast_in_dim3A_19 = arith.constant 0.000000e+00 : f32
    %broadcast_in_dim3A_20 = vector.broadcast %broadcast_in_dim3A_19 : f32 to vector<16xf32>
    %swap3A_21 = arith.constant 3 : i32
    %swap3A_22 = arith.index_cast %swap3A_21 : i32 to index
    %swap3A_23 = arith.constant 0 : index
    %swap3A_24 = tpu.vector_load %arg11[%swap3A_22, %swap3A_23] {strides = array<i32>} : memref<128x16xf32, #tpu.memory_space<vmem>>, vector<16xf32>,
    tpu.vector_store %arg11[%swap3A_22, %swap3A_23], %broadcast_in_dim3A_20 {strides = array<i32>} : memref<128x16xf32, #tpu.memory_space<vmem>>, vector<16xf32>,
    %broadcast_in_dim3A_25 = arith.constant 0.000000e+00 : f32
    %broadcast_in_dim3A_26 = vector.broadcast %broadcast_in_dim3A_25 : f32 to vector<16xf32>
    %swap3A_27 = arith.constant 4 : i32
    %swap3A_28 = arith.index_cast %swap3A_27 : i32 to index
    %swap3A_29 = arith.constant 0 : index
    %swap3A_30 = tpu.vector_load %arg11[%swap3A_28, %swap3A_29] {strides = array<i32>} : memref<128x16xf32, #tpu.memory_space<vmem>>, vector<16xf32>,
    tpu.vector_store %arg11[%swap3A_28, %swap3A_29], %broadcast_in_dim3A_26 {strides = array<i32>} : memref<128x16xf32, #tpu.memory_space<vmem>>, vector<16xf32>,
    %broadcast_in_dim3A_31 = arith.constant 0.000000e+00 : f32
    %broadcast_in_dim3A_32 = vector.broadcast %broadcast_in_dim3A_31 : f32 to vector<16xf32>
    %swap3A_33 = arith.constant 5 : i32
    %swap3A_34 = arith.index_cast %swap3A_33 : i32 to index
    %swap3A_35 = arith.constant 0 : index
    %swap3A_36 = tpu.vector_load %arg11[%swap3A_34, %swap3A_35] {strides = array<i32>} : memref<128x16xf32, #tpu.memory_space<vmem>>, vector<16xf32>,
    tpu.vector_store %arg11[%swap3A_34, %swap3A_35], %broadcast_in_dim3A_32 {strides = array<i32>} : memref<128x16xf32, #tpu.memory_space<vmem>>, vector<16xf32>,
    %broadcast_in_dim3A_37 = arith.constant 0.000000e+00 : f32
    %broadcast_in_dim3A_38 = vector.broadcast %broadcast_in_dim3A_37 : f32 to vector<16xf32>
    %swap3A_39 = arith.constant 6 : i32
    %swap3A_40 = arith.index_cast %swap3A_39 : i32 to index
    %swap3A_41 = arith.constant 0 : index
    %swap3A_42 = tpu.vector_load %arg11[%swap3A_40, %swap3A_41] {strides = array<i32>} : memref<128x16xf32, #tpu.memory_space<vmem>>, vector<16xf32>,
    tpu.vector_store %arg11[%swap3A_40, %swap3A_41], %broadcast_in_dim3A_38 {strides = array<i32>} : memref<128x16xf32, #tpu.memory_space<vmem>>, vector<16xf32>,
    %broadcast_in_dim3A_43 = arith.constant 0.000000e+00 : f32
    %broadcast_in_dim3A_44 = vector.broadcast %broadcast_in_dim3A_43 : f32 to vector<16xf32>
    %swap3A_45 = arith.constant 7 : i32
    %swap3A_46 = arith.index_cast %swap3A_45 : i32 to index
    %swap3A_47 = arith.constant 0 : index
    %swap3A_48 = tpu.vector_load %arg11[%swap3A_46, %swap3A_47] {strides = array<i32>} : memref<128x16xf32, #tpu.memory_space<vmem>>, vector<16xf32>,
    tpu.vector_store %arg11[%swap3A_46, %swap3A_47], %broadcast_in_dim3A_44 {strides = array<i32>} : memref<128x16xf32, #tpu.memory_space<vmem>>, vector<16xf32>,
    %broadcast_in_dim3A_49 = arith.constant 0.000000e+00 : f32
    %broadcast_in_dim3A_50 = vector.broadcast %broadcast_in_dim3A_49 : f32 to vector<16xf32>
    %swap3A_51 = arith.constant 8 : i32
    %swap3A_52 = arith.index_cast %swap3A_51 : i32 to index
    %swap3A_53 = arith.constant 0 : index
    %swap3A_54 = tpu.vector_load %arg11[%swap3A_52, %swap3A_53] {strides = array<i32>} : memref<128x16xf32, #tpu.memory_space<vmem>>, vector<16xf32>,
    tpu.vector_store %arg11[%swap3A_52, %swap3A_53], %broadcast_in_dim3A_50 {strides = array<i32>} : memref<128x16xf32, #tpu.memory_space<vmem>>, vector<16xf32>,
    %broadcast_in_dim3A_55 = arith.constant 0.000000e+00 : f32
    %broadcast_in_dim3A_56 = vector.broadcast %broadcast_in_dim3A_55 : f32 to vector<16xf32>
    %swap3A_57 = arith.constant 9 : i32
    %swap3A_58 = arith.index_cast %swap3A_57 : i32 to index
    %swap3A_59 = arith.constant 0 : index
    %swap3A_60 = tpu.vector_load %arg11[%swap3A_58, %swap3A_59] {strides = array<i32>} : memref<128x16xf32, #tpu.memory_space<vmem>>, vector<16xf32>,
    tpu.vector_store %arg11[%swap3A_58, %swap3A_59], %broadcast_in_dim3A_56 {strides = array<i32>} : memref<128x16xf32, #tpu.memory_space<vmem>>, vector<16xf32>,
    %broadcast_in_dim3A_61 = arith.constant 0.000000e+00 : f32
    %broadcast_in_dim3A_62 = vector.broadcast %broadcast_in_dim3A_61 : f32 to vector<16xf32>
    %swap3A_63 = arith.constant 10 : i32
    %swap3A_64 = arith.index_cast %swap3A_63 : i32 to index
    %swap3A_65 = arith.constant 0 : index
    %swap3A_66 = tpu.vector_load %arg11[%swap3A_64, %swap3A_65] {strides = array<i32>} : memref<128x16xf32, #tpu.memory_space<vmem>>, vector<16xf32>,
    tpu.vector_store %arg11[%swap3A_64, %swap3A_65], %broadcast_in_dim3A_62 {strides = array<i32>} : memref<128x16xf32, #tpu.memory_space<vmem>>, vector<16xf32>,
    %broadcast_in_dim3A_67 = arith.constant 0.000000e+00 : f32
    %broadcast_in_dim3A_68 = vector.broadcast %broadcast_in_dim3A_67 : f32 to vector<16xf32>
    %swap3A_69 = arith.constant 11 : i32
    %swap3A_70 = arith.index_cast %swap3A_69 : i32 to index
    %swap3A_71 = arith.constant 0 : index
    %swap3A_72 = tpu.vector_load %arg11[%swap3A_70, %swap3A_71] {strides = array<i32>} : memref<128x16xf32, #tpu.memory_space<vmem>>, vector<16xf32>,
    tpu.vector_store %arg11[%swap3A_70, %swap3A_71], %broadcast_in_dim3A_68 {strides = array<i32>} : memref<128x16xf32, #tpu.memory_space<vmem>>, vector<16xf32>,
    %broadcast_in_dim3A_73 = arith.constant 0.000000e+00 : f32
    %broadcast_in_dim3A_74 = vector.broadcast %broadcast_in_dim3A_73 : f32 to vector<16xf32>
    %swap3A_75 = arith.constant 12 : i32
    %swap3A_76 = arith.index_cast %swap3A_75 : i32 to index
    %swap3A_77 = arith.constant 0 : index
    %swap3A_78 = tpu.vector_load %arg11[%swap3A_76, %swap3A_77] {strides = array<i32>} : memref<128x16xf32, #tpu.memory_space<vmem>>, vector<16xf32>,
    tpu.vector_store %arg11[%swap3A_76, %swap3A_77], %broadcast_in_dim3A_74 {strides = array<i32>} : memref<128x16xf32, #tpu.memory_space<vmem>>, vector<16xf32>,
    %broadcast_in_dim3A_79 = arith.constant 0.000000e+00 : f32
    %broadcast_in_dim3A_80 = vector.broadcast %broadcast_in_dim3A_79 : f32 to vector<16xf32>
    %swap3A_81 = arith.constant 13 : i32
    %swap3A_82 = arith.index_cast %swap3A_81 : i32 to index
    %swap3A_83 = arith.constant 0 : index
    %swap3A_84 = tpu.vector_load %arg11[%swap3A_82, %swap3A_83] {strides = array<i32>} : memref<128x16xf32, #tpu.memory_space<vmem>>, vector<16xf32>,
    tpu.vector_store %arg11[%swap3A_82, %swap3A_83], %broadcast_in_dim3A_80 {strides = array<i32>} : memref<128x16xf32, #tpu.memory_space<vmem>>, vector<16xf32>,
    %broadcast_in_dim3A_85 = arith.constant 0.000000e+00 : f32
    %broadcast_in_dim3A_86 = vector.broadcast %broadcast_in_dim3A_85 : f32 to vector<16xf32>
    %swap3A_87 = arith.constant 14 : i32
    %swap3A_88 = arith.index_cast %swap3A_87 : i32 to index
    %swap3A_89 = arith.constant 0 : index
    %swap3A_90 = tpu.vector_load %arg11[%swap3A_88, %swap3A_89] {strides = array<i32>} : memref<128x16xf32, #tpu.memory_space<vmem>>, vector<16xf32>,
    tpu.vector_store %arg11[%swap3A_88, %swap3A_89], %broadcast_in_dim3A_86 {strides = array<i32>} : memref<128x16xf32, #tpu.memory_space<vmem>>, vector<16xf32>,
    %broadcast_in_dim3A_91 = arith.constant 0.000000e+00 : f32
    %broadcast_in_dim3A_92 = vector.broadcast %broadcast_in_dim3A_91 : f32 to vector<16xf32>
    %swap3A_93 = arith.constant 15 : i32
    %swap3A_94 = arith.index_cast %swap3A_93 : i32 to index
    %swap3A_95 = arith.constant 0 : index
    %swap3A_96 = tpu.vector_load %arg11[%swap3A_94, %swap3A_95] {strides = array<i32>} : memref<128x16xf32, #tpu.memory_space<vmem>>, vector<16xf32>,
    tpu.vector_store %arg11[%swap3A_94, %swap3A_95], %broadcast_in_dim3A_92 {strides = array<i32>} : memref<128x16xf32, #tpu.memory_space<vmem>>, vector<16xf32>,
    %broadcast_in_dim3A_97 = arith.constant 0.000000e+00 : f32
    %broadcast_in_dim3A_98 = vector.broadcast %broadcast_in_dim3A_97 : f32 to vector<16xf32>
    %swap3A_99 = arith.constant 16 : i32
    %swap3A_100 = arith.index_cast %swap3A_99 : i32 to index
    %swap3A_101 = arith.constant 0 : index
    %swap3A_102 = tpu.vector_load %arg11[%swap3A_100, %swap3A_101] {strides = array<i32>} : memref<128x16xf32, #tpu.memory_space<vmem>>, vector<16xf32>,
    tpu.vector_store %arg11[%swap3A_100, %swap3A_101], %broadcast_in_dim3A_98 {strides = array<i32>} : memref<128x16xf32, #tpu.memory_space<vmem>>, vector<16xf32>,
    %broadcast_in_dim3A_103 = arith.constant 0.000000e+00 : f32
    %broadcast_in_dim3A_104 = vector.broadcast %broadcast_in_dim3A_103 : f32 to vector<16xf32>
    %swap3A_105 = arith.constant 17 : i32
    %swap3A_106 = arith.index_cast %swap3A_105 : i32 to index
    %swap3A_107 = arith.constant 0 : index
    %swap3A_108 = tpu.vector_load %arg11[%swap3A_106, %swap3A_107] {strides = array<i32>} : memref<128x16xf32, #tpu.memory_space<vmem>>, vector<16xf32>,
    tpu.vector_store %arg11[%swap3A_106, %swap3A_107], %broadcast_in_dim3A_104 {strides = array<i32>} : memref<128x16xf32, #tpu.memory_space<vmem>>, vector<16xf32>,
    %broadcast_in_dim3A_109 = arith.constant 0.000000e+00 : f32
    %broadcast_in_dim3A_110 = vector.broadcast %broadcast_in_dim3A_109 : f32 to vector<16xf32>
    %swap3A_111 = arith.constant 18 : i32
    %swap3A_112 = arith.index_cast %swap3A_111 : i32 to index
    %swap3A_113 = arith.constant 0 : index
    %swap3A_114 = tpu.vector_load %arg11[%swap3A_112, %swap3A_113] {strides = array<i32>} : memref<128x16xf32, #tpu.memory_space<vmem>>, vector<16xf32>,
    tpu.vector_store %arg11[%swap3A_112, %swap3A_113], %broadcast_in_dim3A_110 {strides = array<i32>} : memref<128x16xf32, #tpu.memory_space<vmem>>, vector<16xf32>,
    %broadcast_in_dim3A_115 = arith.constant 0.000000e+00 : f32
    %broadcast_in_dim3A_116 = vector.broadcast %broadcast_in_dim3A_115 : f32 to vector<16xf32>
    %swap3A_117 = arith.constant 19 : i32
    %swap3A_118 = arith.index_cast %swap3A_117 : i32 to index
    %swap3A_119 = arith.constant 0 : index
    %swap3A_120 = tpu.vector_load %arg11[%swap3A_118, %swap3A_119] {strides = array<i32>} : memref<128x16xf32, #tpu.memory_space<vmem>>, vector<16xf32>,
    tpu.vector_store %arg11[%swap3A_118, %swap3A_119], %broadcast_in_dim3A_116 {strides = array<i32>} : memref<128x16xf32, #tpu.memory_space<vmem>>, vector<16xf32>,
    %broadcast_in_dim3A_121 = arith.constant 0.000000e+00 : f32
    %broadcast_in_dim3A_122 = vector.broadcast %broadcast_in_dim3A_121 : f32 to vector<16xf32>
    %swap3A_123 = arith.constant 20 : i32
    %swap3A_124 = arith.index_cast %swap3A_123 : i32 to index
    %swap3A_125 = arith.constant 0 : index
    %swap3A_126 = tpu.vector_load %arg11[%swap3A_124, %swap3A_125] {strides = array<i32>} : memref<128x16xf32, #tpu.memory_space<vmem>>, vector<16xf32>,
    tpu.vector_store %arg11[%swap3A_124, %swap3A_125], %broadcast_in_dim3A_122 {strides = array<i32>} : memref<128x16xf32, #tpu.memory_space<vmem>>, vector<16xf32>,
    %broadcast_in_dim3A_127 = arith.constant 0.000000e+00 : f32
    %broadcast_in_dim3A_128 = vector.broadcast %broadcast_in_dim3A_127 : f32 to vector<16xf32>
    %swap3A_129 = arith.constant 21 : i32
    %swap3A_130 = arith.index_cast %swap3A_129 : i32 to index
    %swap3A_131 = arith.constant 0 : index
    %swap3A_132 = tpu.vector_load %arg11[%swap3A_130, %swap3A_131] {strides = array<i32>} : memref<128x16xf32, #tpu.memory_space<vmem>>, vector<16xf32>,
    tpu.vector_store %arg11[%swap3A_130, %swap3A_131], %broadcast_in_dim3A_128 {strides = array<i32>} : memref<128x16xf32, #tpu.memory_space<vmem>>, vector<16xf32>,
    %broadcast_in_dim3A_133 = arith.constant 0.000000e+00 : f32
    %broadcast_in_dim3A_134 = vector.broadcast %broadcast_in_dim3A_133 : f32 to vector<16xf32>
    %swap3A_135 = arith.constant 22 : i32
    %swap3A_136 = arith.index_cast %swap3A_135 : i32 to index
    %swap3A_137 = arith.constant 0 : index
    %swap3A_138 = tpu.vector_load %arg11[%swap3A_136, %swap3A_137] {strides = array<i32>} : memref<128x16xf32, #tpu.memory_space<vmem>>, vector<16xf32>,
    tpu.vector_store %arg11[%swap3A_136, %swap3A_137], %broadcast_in_dim3A_134 {strides = array<i32>} : memref<128x16xf32, #tpu.memory_space<vmem>>, vector<16xf32>,
    %broadcast_in_dim3A_139 = arith.constant 0.000000e+00 : f32
    %broadcast_in_dim3A_140 = vector.broadcast %broadcast_in_dim3A_139 : f32 to vector<16xf32>
    %swap3A_141 = arith.constant 23 : i32
    %swap3A_142 = arith.index_cast %swap3A_141 : i32 to index
    %swap3A_143 = arith.constant 0 : index
    %swap3A_144 = tpu.vector_load %arg11[%swap3A_142, %swap3A_143] {strides = array<i32>} : memref<128x16xf32, #tpu.memory_space<vmem>>, vector<16xf32>,
    tpu.vector_store %arg11[%swap3A_142, %swap3A_143], %broadcast_in_dim3A_140 {strides = array<i32>} : memref<128x16xf32, #tpu.memory_space<vmem>>, vector<16xf32>,
    %broadcast_in_dim3A_145 = arith.constant 0.000000e+00 : f32
    %broadcast_in_dim3A_146 = vector.broadcast %broadcast_in_dim3A_145 : f32 to vector<16xf32>
    %swap3A_147 = arith.constant 24 : i32
    %swap3A_148 = arith.index_cast %swap3A_147 : i32 to index
    %swap3A_149 = arith.constant 0 : index
    %swap3A_150 = tpu.vector_load %arg11[%swap3A_148, %swap3A_149] {strides = array<i32>} : memref<128x16xf32, #tpu.memory_space<vmem>>, vector<16xf32>,
    tpu.vector_store %arg11[%swap3A_148, %swap3A_149], %broadcast_in_dim3A_146 {strides = array<i32>} : memref<128x16xf32, #tpu.memory_space<vmem>>, vector<16xf32>,
    %broadcast_in_dim3A_151 = arith.constant 0.000000e+00 : f32
    %broadcast_in_dim3A_152 = vector.broadcast %broadcast_in_dim3A_151 : f32 to vector<16xf32>
    %swap3A_153 = arith.constant 25 : i32
    %swap3A_154 = arith.index_cast %swap3A_153 : i32 to index
    %swap3A_155 = arith.constant 0 : index
    %swap3A_156 = tpu.vector_load %arg11[%swap3A_154, %swap3A_155] {strides = array<i32>} : memref<128x16xf32, #tpu.memory_space<vmem>>, vector<16xf32>,
    tpu.vector_store %arg11[%swap3A_154, %swap3A_155], %broadcast_in_dim3A_152 {strides = array<i32>} : memref<128x16xf32, #tpu.memory_space<vmem>>, vector<16xf32>,
    %broadcast_in_dim3A_157 = arith.constant 0.000000e+00 : f32
    %broadcast_in_dim3A_158 = vector.broadcast %broadcast_in_dim3A_157 : f32 to vector<16xf32>
    %swap3A_159 = arith.constant 26 : i32
    %swap3A_160 = arith.index_cast %swap3A_159 : i32 to index
    %swap3A_161 = arith.constant 0 : index
    %swap3A_162 = tpu.vector_load %arg11[%swap3A_160, %swap3A_161] {strides = array<i32>} : memref<128x16xf32, #tpu.memory_space<vmem>>, vector<16xf32>,
    tpu.vector_store %arg11[%swap3A_160, %swap3A_161], %broadcast_in_dim3A_158 {strides = array<i32>} : memref<128x16xf32, #tpu.memory_space<vmem>>, vector<16xf32>,
    %broadcast_in_dim3A_163 = arith.constant 0.000000e+00 : f32
    %broadcast_in_dim3A_164 = vector.broadcast %broadcast_in_dim3A_163 : f32 to vector<16xf32>
    %swap3A_165 = arith.constant 27 : i32
    %swap3A_166 = arith.index_cast %swap3A_165 : i32 to index
    %swap3A_167 = arith.constant 0 : index
    %swap3A_168 = tpu.vector_load %arg11[%swap3A_166, %swap3A_167] {strides = array<i32>} : memref<128x16xf32, #tpu.memory_space<vmem>>, vector<16xf32>,
    tpu.vector_store %arg11[%swap3A_166, %swap3A_167], %broadcast_in_dim3A_164 {strides = array<i32>} : memref<128x16xf32, #tpu.memory_space<vmem>>, vector<16xf32>,
    %broadcast_in_dim3A_169 = arith.constant 0.000000e+00 : f32
    %broadcast_in_dim3A_170 = vector.broadcast %broadcast_in_dim3A_169 : f32 to vector<16xf32>
    %swap3A_171 = arith.constant 28 : i32
    %swap3A_172 = arith.index_cast %swap3A_171 : i32 to index
    %swap3A_173 = arith.constant 0 : index
    %swap3A_174 = tpu.vector_load %arg11[%swap3A_172, %swap3A_173] {strides = array<i32>} : memref<128x16xf32, #tpu.memory_space<vmem>>, vector<16xf32>,
    tpu.vector_store %arg11[%swap3A_172, %swap3A_173], %broadcast_in_dim3A_170 {strides = array<i32>} : memref<128x16xf32, #tpu.memory_space<vmem>>, vector<16xf32>,
    %broadcast_in_dim3A_175 = arith.constant 0.000000e+00 : f32
    %broadcast_in_dim3A_176 = vector.broadcast %broadcast_in_dim3A_175 : f32 to vector<16xf32>
    %swap3A_177 = arith.constant 29 : i32
    %swap3A_178 = arith.index_cast %swap3A_177 : i32 to index
    %swap3A_179 = arith.constant 0 : index
    %swap3A_180 = tpu.vector_load %arg11[%swap3A_178, %swap3A_179] {strides = array<i32>} : memref<128x16xf32, #tpu.memory_space<vmem>>, vector<16xf32>,
    tpu.vector_store %arg11[%swap3A_178, %swap3A_179], %broadcast_in_dim3A_176 {strides = array<i32>} : memref<128x16xf32, #tpu.memory_space<vmem>>, vector<16xf32>,
    %broadcast_in_dim3A_181 = arith.constant 0.000000e+00 : f32
    %broadcast_in_dim3A_182 = vector.broadcast %broadcast_in_dim3A_181 : f32 to vector<16xf32>
    %swap3A_183 = arith.constant 30 : i32
    %swap3A_184 = arith.index_cast %swap3A_183 : i32 to index
    %swap3A_185 = arith.constant 0 : index
    %swap3A_186 = tpu.vector_load %arg11[%swap3A_184, %swap3A_185] {strides = array<i32>} : memref<128x16xf32, #tpu.memory_space<vmem>>, vector<16xf32>,
    tpu.vector_store %arg11[%swap3A_184, %swap3A_185], %broadcast_in_dim3A_182 {strides = array<i32>} : memref<128x16xf32, #tpu.memory_space<vmem>>, vector<16xf32>,
    %broadcast_in_dim3A_187 = arith.constant 0.000000e+00 : f32
    %broadcast_in_dim3A_188 = vector.broadcast %broadcast_in_dim3A_187 : f32 to vector<16xf32>
    %swap3A_189 = arith.constant 31 : i32
    %swap3A_190 = arith.index_cast %swap3A_189 : i32 to index
    %swap3A_191 = arith.constant 0 : index
    %swap3A_192 = tpu.vector_load %arg11[%swap3A_190, %swap3A_191] {strides = array<i32>} : memref<128x16xf32, #tpu.memory_space<vmem>>, vector<16xf32>,
    tpu.vector_store %arg11[%swap3A_190, %swap3A_191], %broadcast_in_dim3A_188 {strides = array<i32>} : memref<128x16xf32, #tpu.memory_space<vmem>>, vector<16xf32>,
    %broadcast_in_dim3A_193 = arith.constant 0.000000e+00 : f32
    %broadcast_in_dim3A_194 = vector.broadcast %broadcast_in_dim3A_193 : f32 to vector<16xf32>
    %swap3A_195 = arith.constant 32 : i32
    %swap3A_196 = arith.index_cast %swap3A_195 : i32 to index
    %swap3A_197 = arith.constant 0 : index
    %swap3A_198 = tpu.vector_load %arg11[%swap3A_196, %swap3A_197] {strides = array<i32>} : memref<128x16xf32, #tpu.memory_space<vmem>>, vector<16xf32>,
    tpu.vector_store %arg11[%swap3A_196, %swap3A_197], %broadcast_in_dim3A_194 {strides = array<i32>} : memref<128x16xf32, #tpu.memory_space<vmem>>, vector<16xf32>,
    %broadcast_in_dim3A_199 = arith.constant 0.000000e+00 : f32
    %broadcast_in_dim3A_200 = vector.broadcast %broadcast_in_dim3A_199 : f32 to vector<16xf32>
    %swap3A_201 = arith.constant 33 : i32
    %swap3A_202 = arith.index_cast %swap3A_201 : i32 to index
    %swap3A_203 = arith.constant 0 : index
    %swap3A_204 = tpu.vector_load %arg11[%swap3A_202, %swap3A_203] {strides = array<i32>} : memref<128x16xf32, #tpu.memory_space<vmem>>, vector<16xf32>,
    tpu.vector_store %arg11[%swap3A_202, %swap3A_203], %broadcast_in_dim3A_200 {strides = array<i32>} : memref<128x16xf32, #tpu.memory_space<vmem>>, vector<16xf32>,
    %broadcast_in_dim3A_205 = arith.constant 0.000000e+00 : f32
    %broadcast_in_dim3A_206 = vector.broadcast %broadcast_in_dim3A_205 : f32 to vector<16xf32>
    %swap3A_207 = arith.constant 34 : i32
    %swap3A_208 = arith.index_cast %swap3A_207 : i32 to index
    %swap3A_209 = arith.constant 0 : index
    %swap3A_210 = tpu.vector_load %arg11[%swap3A_208, %swap3A_209] {strides = array<i32>} : memref<128x16xf32, #tpu.memory_space<vmem>>, vector<16xf32>,
    tpu.vector_store %arg11[%swap3A_208, %swap3A_209], %broadcast_in_dim3A_206 {strides = array<i32>} : memref<128x16xf32, #tpu.memory_space<vmem>>, vector<16xf32>,
    %broadcast_in_dim3A_211 = arith.constant 0.000000e+00 : f32
    %broadcast_in_dim3A_212 = vector.broadcast %broadcast_in_dim3A_211 : f32 to vector<16xf32>
    %swap3A_213 = arith.constant 35 : i32
    %swap3A_214 = arith.index_cast %swap3A_213 : i32 to index
    %swap3A_215 = arith.constant 0 : index
    %swap3A_216 = tpu.vector_load %arg11[%swap3A_214, %swap3A_215] {strides = array<i32>} : memref<128x16xf32, #tpu.memory_space<vmem>>, vector<16xf32>,
    tpu.vector_store %arg11[%swap3A_214, %swap3A_215], %broadcast_in_dim3A_212 {strides = array<i32>} : memref<128x16xf32, #tpu.memory_space<vmem>>, vector<16xf32>,
    %broadcast_in_dim3A_217 = arith.constant 0.000000e+00 : f32
    %broadcast_in_dim3A_218 = vector.broadcast %broadcast_in_dim3A_217 : f32 to vector<16xf32>
    %swap3A_219 = arith.constant 36 : i32
    %swap3A_220 = arith.index_cast %swap3A_219 : i32 to index
    %swap3A_221 = arith.constant 0 : index
    %swap3A_222 = tpu.vector_load %arg11[%swap3A_220, %swap3A_221] {strides = array<i32>} : memref<128x16xf32, #tpu.memory_space<vmem>>, vector<16xf32>,
    tpu.vector_store %arg11[%swap3A_220, %swap3A_221], %broadcast_in_dim3A_218 {strides = array<i32>} : memref<128x16xf32, #tpu.memory_space<vmem>>, vector<16xf32>,
    %broadcast_in_dim3A_223 = arith.constant 0.000000e+00 : f32
    %broadcast_in_dim3A_224 = vector.broadcast %broadcast_in_dim3A_223 : f32 to vector<16xf32>
    %swap3A_225 = arith.constant 37 : i32
    %swap3A_226 = arith.index_cast %swap3A_225 : i32 to index
    %swap3A_227 = arith.constant 0 : index
    %swap3A_228 = tpu.vector_load %arg11[%swap3A_226, %swap3A_227] {strides = array<i32>} : memref<128x16xf32, #tpu.memory_space<vmem>>, vector<16xf32>,
    tpu.vector_store %arg11[%swap3A_226, %swap3A_227], %broadcast_in_dim3A_224 {strides = array<i32>} : memref<128x16xf32, #tpu.memory_space<vmem>>, vector<16xf32>,
    %broadcast_in_dim3A_229 = arith.constant 0.000000e+00 : f32
    %broadcast_in_dim3A_230 = vector.broadcast %broadcast_in_dim3A_229 : f32 to vector<16xf32>
    %swap3A_231 = arith.constant 38 : i32
    %swap3A_232 = arith.index_cast %swap3A_231 : i32 to index
    %swap3A_233 = arith.constant 0 : index
    %swap3A_234 = tpu.vector_load %arg11[%swap3A_232, %swap3A_233] {strides = array<i32>} : memref<128x16xf32, #tpu.memory_space<vmem>>, vector<16xf32>,
    tpu.vector_store %arg11[%swap3A_232, %swap3A_233], %broadcast_in_dim3A_230 {strides = array<i32>} : memref<128x16xf32, #tpu.memory_space<vmem>>, vector<16xf32>,
    %broadcast_in_dim3A_235 = arith.constant 0.000000e+00 : f32
    %broadcast_in_dim3A_236 = vector.broadcast %broadcast_in_dim3A_235 : f32 to vector<16xf32>
    %swap3A_237 = arith.constant 39 : i32
    %swap3A_238 = arith.index_cast %swap3A_237 : i32 to index
    %swap3A_239 = arith.constant 0 : index
    %swap3A_240 = tpu.vector_load %arg11[%swap3A_238, %swap3A_239] {strides = array<i32>} : memref<128x16xf32, #tpu.memory_space<vmem>>, vector<16xf32>,
    tpu.vector_store %arg11[%swap3A_238, %swap3A_239], %broadcast_in_dim3A_236 {strides = array<i32>} : memref<128x16xf32, #tpu.memory_space<vmem>>, vector<16xf32>,
    %broadcast_in_dim3A_241 = arith.constant 0.000000e+00 : f32
    %broadcast_in_dim3A_242 = vector.broadcast %broadcast_in_dim3A_241 : f32 to vector<16xf32>
    %swap3A_243 = arith.constant 40 : i32
    %swap3A_244 = arith.index_cast %swap3A_243 : i32 to index
    %swap3A_245 = arith.constant 0 : index
    %swap3A_246 = tpu.vector_load %arg11[%swap3A_244, %swap3A_245] {strides = array<i32>} : memref<128x16xf32, #tpu.memory_space<vmem>>, vector<16xf32>,
    tpu.vector_store %arg11[%swap3A_244, %swap3A_245], %broadcast_in_dim3A_242 {strides = array<i32>} : memref<128x16xf32, #tpu.memory_space<vmem>>, vector<16xf32>,
    %broadcast_in_dim3A_247 = arith.constant 0.000000e+00 : f32
    %broadcast_in_dim3A_248 = vector.broadcast %broadcast_in_dim3A_247 : f32 to vector<16xf32>
    %swap3A_249 = arith.constant 41 : i32
    %swap3A_250 = arith.index_cast %swap3A_249 : i32 to index
    %swap3A_251 = arith.constant 0 : index
    %swap3A_252 = tpu.vector_load %arg11[%swap3A_250, %swap3A_251] {strides = array<i32>} : memref<128x16xf32, #tpu.memory_space<vmem>>, vector<16xf32>,
    tpu.vector_store %arg11[%swap3A_250, %swap3A_251], %broadcast_in_dim3A_248 {strides = array<i32>} : memref<128x16xf32, #tpu.memory_space<vmem>>, vector<16xf32>,
    %broadcast_in_dim3A_253 = arith.constant 0.000000e+00 : f32
    %broadcast_in_dim3A_254 = vector.broadcast %broadcast_in_dim3A_253 : f32 to vector<16xf32>
    %swap3A_255 = arith.constant 42 : i32
    %swap3A_256 = arith.index_cast %swap3A_255 : i32 to index
    %swap3A_257 = arith.constant 0 : index
    %swap3A_258 = tpu.vector_load %arg11[%swap3A_256, %swap3A_257] {strides = array<i32>} : memref<128x16xf32, #tpu.memory_space<vmem>>, vector<16xf32>,
    tpu.vector_store %arg11[%swap3A_256, %swap3A_257], %broadcast_in_dim3A_254 {strides = array<i32>} : memref<128x16xf32, #tpu.memory_space<vmem>>, vector<16xf32>,
    %broadcast_in_dim3A_259 = arith.constant 0.000000e+00 : f32
    %broadcast_in_dim3A_260 = vector.broadcast %broadcast_in_dim3A_259 : f32 to vector<16xf32>
    %swap3A_261 = arith.constant 43 : i32
    %swap3A_262 = arith.index_cast %swap3A_261 : i32 to index
    %swap3A_263 = arith.constant 0 : index
    %swap3A_264 = tpu.vector_load %arg11[%swap3A_262, %swap3A_263] {strides = array<i32>} : memref<128x16xf32, #tpu.memory_space<vmem>>, vector<16xf32>,
    tpu.vector_store %arg11[%swap3A_262, %swap3A_263], %broadcast_in_dim3A_260 {strides = array<i32>} : memref<128x16xf32, #tpu.memory_space<vmem>>, vector<16xf32>,
    %broadcast_in_dim3A_265 = arith.constant 0.000000e+00 : f32
    %broadcast_in_dim3A_266 = vector.broadcast %broadcast_in_dim3A_265 : f32 to vector<16xf32>
    %swap3A_267 = arith.constant 44 : i32
    %swap3A_268 = arith.index_cast %swap3A_267 : i32 to index
    %swap3A_269 = arith.constant 0 : index
    %swap3A_270 = tpu.vector_load %arg11[%swap3A_268, %swap3A_269] {strides = array<i32>} : memref<128x16xf32, #tpu.memory_space<vmem>>, vector<16xf32>,
    tpu.vector_store %arg11[%swap3A_268, %swap3A_269], %broadcast_in_dim3A_266 {strides = array<i32>} : memref<128x16xf32, #tpu.memory_space<vmem>>, vector<16xf32>,
    %broadcast_in_dim3A_271 = arith.constant 0.000000e+00 : f32
    %broadcast_in_dim3A_272 = vector.broadcast %broadcast_in_dim3A_271 : f32 to vector<16xf32>
    %swap3A_273 = arith.constant 45 : i32
    %swap3A_274 = arith.index_cast %swap3A_273 : i32 to index
    %swap3A_275 = arith.constant 0 : index
    %swap3A_276 = tpu.vector_load %arg11[%swap3A_274, %swap3A_275] {strides = array<i32>} : memref<128x16xf32, #tpu.memory_space<vmem>>, vector<16xf32>,
    tpu.vector_store %arg11[%swap3A_274, %swap3A_275], %broadcast_in_dim3A_272 {strides = array<i32>} : memref<128x16xf32, #tpu.memory_space<vmem>>, vector<16xf32>,
    %broadcast_in_dim3A_277 = arith.constant 0.000000e+00 : f32
    %broadcast_in_dim3A_278 = vector.broadcast %broadcast_in_dim3A_277 : f32 to vector<16xf32>
    %swap3A_279 = arith.constant 46 : i32
    %swap3A_280 = arith.index_cast %swap3A_279 : i32 to index
    %swap3A_281 = arith.constant 0 : index
    %swap3A_282 = tpu.vector_load %arg11[%swap3A_280, %swap3A_281] {strides = array<i32>} : memref<128x16xf32, #tpu.memory_space<vmem>>, vector<16xf32>,
    tpu.vector_store %arg11[%swap3A_280, %swap3A_281], %broadcast_in_dim3A_278 {strides = array<i32>} : memref<128x16xf32, #tpu.memory_space<vmem>>, vector<16xf32>,
    %broadcast_in_dim3A_283 = arith.constant 0.000000e+00 : f32
    %broadcast_in_dim3A_284 = vector.broadcast %broadcast_in_dim3A_283 : f32 to vector<16xf32>
    %swap3A_285 = arith.constant 47 : i32
    %swap3A_286 = arith.index_cast %swap3A_285 : i32 to index
    %swap3A_287 = arith.constant 0 : index
    %swap3A_288 = tpu.vector_load %arg11[%swap3A_286, %swap3A_287] {strides = array<i32>} : memref<128x16xf32, #tpu.memory_space<vmem>>, vector<16xf32>,
    tpu.vector_store %arg11[%swap3A_286, %swap3A_287], %broadcast_in_dim3A_284 {strides = array<i32>} : memref<128x16xf32, #tpu.memory_space<vmem>>, vector<16xf32>,
    %broadcast_in_dim3A_289 = arith.constant 0.000000e+00 : f32
    %broadcast_in_dim3A_290 = vector.broadcast %broadcast_in_dim3A_289 : f32 to vector<16xf32>
    %swap3A_291 = arith.constant 48 : i32
    %swap3A_292 = arith.index_cast %swap3A_291 : i32 to index
    %swap3A_293 = arith.constant 0 : index
    %swap3A_294 = tpu.vector_load %arg11[%swap3A_292, %swap3A_293] {strides = array<i32>} : memref<128x16xf32, #tpu.memory_space<vmem>>, vector<16xf32>,
    tpu.vector_store %arg11[%swap3A_292, %swap3A_293], %broadcast_in_dim3A_290 {strides = array<i32>} : memref<128x16xf32, #tpu.memory_space<vmem>>, vector<16xf32>,
    %broadcast_in_dim3A_295 = arith.constant 0.000000e+00 : f32
    %broadcast_in_dim3A_296 = vector.broadcast %broadcast_in_dim3A_295 : f32 to vector<16xf32>
    %swap3A_297 = arith.constant 49 : i32
    %swap3A_298 = arith.index_cast %swap3A_297 : i32 to index
    %swap3A_299 = arith.constant 0 : index
    %swap3A_300 = tpu.vector_load %arg11[%swap3A_298, %swap3A_299] {strides = array<i32>} : memref<128x16xf32, #tpu.memory_space<vmem>>, vector<16xf32>,
    tpu.vector_store %arg11[%swap3A_298, %swap3A_299], %broadcast_in_dim3A_296 {strides = array<i32>} : memref<128x16xf32, #tpu.memory_space<vmem>>, vector<16xf32>,
    %broadcast_in_dim3A_301 = arith.constant 0.000000e+00 : f32
    %broadcast_in_dim3A_302 = vector.broadcast %broadcast_in_dim3A_301 : f32 to vector<16xf32>
    %swap3A_303 = arith.constant 50 : i32
    %swap3A_304 = arith.index_cast %swap3A_303 : i32 to index
    %swap3A_305 = arith.constant 0 : index
    %swap3A_306 = tpu.vector_load %arg11[%swap3A_304, %swap3A_305] {strides = array<i32>} : memref<128x16xf32, #tpu.memory_space<vmem>>, vector<16xf32>,
    tpu.vector_store %arg11[%swap3A_304, %swap3A_305], %broadcast_in_dim3A_302 {strides = array<i32>} : memref<128x16xf32, #tpu.memory_space<vmem>>, vector<16xf32>,
    %broadcast_in_dim3A_307 = arith.constant 0.000000e+00 : f32
    %broadcast_in_dim3A_308 = vector.broadcast %broadcast_in_dim3A_307 : f32 to vector<16xf32>
    %swap3A_309 = arith.constant 51 : i32
    %swap3A_310 = arith.index_cast %swap3A_309 : i32 to index
    %swap3A_311 = arith.constant 0 : index
    %swap3A_312 = tpu.vector_load %arg11[%swap3A_310, %swap3A_311] {strides = array<i32>} : memref<128x16xf32, #tpu.memory_space<vmem>>, vector<16xf32>,
    tpu.vector_store %arg11[%swap3A_310, %swap3A_311], %broadcast_in_dim3A_308 {strides = array<i32>} : memref<128x16xf32, #tpu.memory_space<vmem>>, vector<16xf32>,
    %broadcast_in_dim3A_313 = arith.constant 0.000000e+00 : f32
    %broadcast_in_dim3A_314 = vector.broadcast %broadcast_in_dim3A_313 : f32 to vector<16xf32>
    %swap3A_315 = arith.constant 52 : i32
    %swap3A_316 = arith.index_cast %swap3A_315 : i32 to index
    %swap3A_317 = arith.constant 0 : index
    %swap3A_318 = tpu.vector_load %arg11[%swap3A_316, %swap3A_317] {strides = array<i32>} : memref<128x16xf32, #tpu.memory_space<vmem>>, vector<16xf32>,
    tpu.vector_store %arg11[%swap3A_316, %swap3A_317], %broadcast_in_dim3A_314 {strides = array<i32>} : memref<128x16xf32, #tpu.memory_space<vmem>>, vector<16xf32>,
    %broadcast_in_dim3A_319 = arith.constant 0.000000e+00 : f32
    %broadcast_in_dim3A_320 = vector.broadcast %broadcast_in_dim3A_319 : f32 to vector<16xf32>
    %swap3A_321 = arith.constant 53 : i32
    %swap3A_322 = arith.index_cast %swap3A_321 : i32 to index
    %swap3A_323 = arith.constant 0 : index
    %swap3A_324 = tpu.vector_load %arg11[%swap3A_322, %swap3A_323] {strides = array<i32>} : memref<128x16xf32, #tpu.memory_space<vmem>>, vector<16xf32>,
    tpu.vector_store %arg11[%swap3A_322, %swap3A_323], %broadcast_in_dim3A_320 {strides = array<i32>} : memref<128x16xf32, #tpu.memory_space<vmem>>, vector<16xf32>,
    %broadcast_in_dim3A_325 = arith.constant 0.000000e+00 : f32
    %broadcast_in_dim3A_326 = vector.broadcast %broadcast_in_dim3A_325 : f32 to vector<16xf32>
    %swap3A_327 = arith.constant 54 : i32
    %swap3A_328 = arith.index_cast %swap3A_327 : i32 to index
    %swap3A_329 = arith.constant 0 : index
    %swap3A_330 = tpu.vector_load %arg11[%swap3A_328, %swap3A_329] {strides = array<i32>} : memref<128x16xf32, #tpu.memory_space<vmem>>, vector<16xf32>,
    tpu.vector_store %arg11[%swap3A_328, %swap3A_329], %broadcast_in_dim3A_326 {strides = array<i32>} : memref<128x16xf32, #tpu.memory_space<vmem>>, vector<16xf32>,
    %broadcast_in_dim3A_331 = arith.constant 0.000000e+00 : f32
    %broadcast_in_dim3A_332 = vector.broadcast %broadcast_in_dim3A_331 : f32 to vector<16xf32>
    %swap3A_333 = arith.constant 55 : i32
    %swap3A_334 = arith.index_cast %swap3A_333 : i32 to index
    %swap3A_335 = arith.constant 0 : index
    %swap3A_336 = tpu.vector_load %arg11[%swap3A_334, %swap3A_335] {strides = array<i32>} : memref<128x16xf32, #tpu.memory_space<vmem>>, vector<16xf32>,
    tpu.vector_store %arg11[%swap3A_334, %swap3A_335], %broadcast_in_dim3A_332 {strides = array<i32>} : memref<128x16xf32, #tpu.memory_space<vmem>>, vector<16xf32>,
    %broadcast_in_dim3A_337 = arith.constant 0.000000e+00 : f32
    %broadcast_in_dim3A_338 = vector.broadcast %broadcast_in_dim3A_337 : f32 to vector<16xf32>
    %swap3A_339 = arith.constant 56 : i32
    %swap3A_340 = arith.index_cast %swap3A_339 : i32 to index
    %swap3A_341 = arith.constant 0 : index
    %swap3A_342 = tpu.vector_load %arg11[%swap3A_340, %swap3A_341] {strides = array<i32>} : memref<128x16xf32, #tpu.memory_space<vmem>>, vector<16xf32>,
    tpu.vector_store %arg11[%swap3A_340, %swap3A_341], %broadcast_in_dim3A_338 {strides = array<i32>} : memref<128x16xf32, #tpu.memory_space<vmem>>, vector<16xf32>,
    %broadcast_in_dim3A_343 = arith.constant 0.000000e+00 : f32
    %broadcast_in_dim3A_344 = vector.broadcast %broadcast_in_dim3A_343 : f32 to vector<16xf32>
    %swap3A_345 = arith.constant 57 : i32
    %swap3A_346 = arith.index_cast %swap3A_345 : i32 to index
    %swap3A_347 = arith.constant 0 : index
    %swap3A_348 = tpu.vector_load %arg11[%swap3A_346, %swap3A_347] {strides = array<i32>} : memref<128x16xf32, #tpu.memory_space<vmem>>, vector<16xf32>,
    tpu.vector_store %arg11[%swap3A_346, %swap3A_347], %broadcast_in_dim3A_344 {strides = array<i32>} : memref<128x16xf32, #tpu.memory_space<vmem>>, vector<16xf32>,
    %broadcast_in_dim3A_349 = arith.constant 0.000000e+00 : f32
    %broadcast_in_dim3A_350 = vector.broadcast %broadcast_in_dim3A_349 : f32 to vector<16xf32>
    %swap3A_351 = arith.constant 58 : i32
    %swap3A_352 = arith.index_cast %swap3A_351 : i32 to index
    %swap3A_353 = arith.constant 0 : index
    %swap3A_354 = tpu.vector_load %arg11[%swap3A_352, %swap3A_353] {strides = array<i32>} : memref<128x16xf32, #tpu.memory_space<vmem>>, vector<16xf32>,
    tpu.vector_store %arg11[%swap3A_352, %swap3A_353], %broadcast_in_dim3A_350 {strides = array<i32>} : memref<128x16xf32, #tpu.memory_space<vmem>>, vector<16xf32>,
    %broadcast_in_dim3A_355 = arith.constant 0.000000e+00 : f32
    %broadcast_in_dim3A_356 = vector.broadcast %broadcast_in_dim3A_355 : f32 to vector<16xf32>
    %swap3A_357 = arith.constant 59 : i32
    %swap3A_358 = arith.index_cast %swap3A_357 : i32 to index
    %swap3A_359 = arith.constant 0 : index
    %swap3A_360 = tpu.vector_load %arg11[%swap3A_358, %swap3A_359] {strides = array<i32>} : memref<128x16xf32, #tpu.memory_space<vmem>>, vector<16xf32>,
    tpu.vector_store %arg11[%swap3A_358, %swap3A_359], %broadcast_in_dim3A_356 {strides = array<i32>} : memref<128x16xf32, #tpu.memory_space<vmem>>, vector<16xf32>,
    %broadcast_in_dim3A_361 = arith.constant 0.000000e+00 : f32
    %broadcast_in_dim3A_362 = vector.broadcast %broadcast_in_dim3A_361 : f32 to vector<16xf32>
    %swap3A_363 = arith.constant 60 : i32
    %swap3A_364 = arith.index_cast %swap3A_363 : i32 to index
    %swap3A_365 = arith.constant 0 : index
    %swap3A_366 = tpu.vector_load %arg11[%swap3A_364, %swap3A_365] {strides = array<i32>} : memref<128x16xf32, #tpu.memory_space<vmem>>, vector<16xf32>,
    tpu.vector_store %arg11[%swap3A_364, %swap3A_365], %broadcast_in_dim3A_362 {strides = array<i32>} : memref<128x16xf32, #tpu.memory_space<vmem>>, vector<16xf32>,
    %broadcast_in_dim3A_367 = arith.constant 0.000000e+00 : f32
    %broadcast_in_dim3A_368 = vector.broadcast %broadcast_in_dim3A_367 : f32 to vector<16xf32>
    %swap3A_369 = arith.constant 61 : i32
    %swap3A_370 = arith.index_cast %swap3A_369 : i32 to index
    %swap3A_371 = arith.constant 0 : index
    %swap3A_372 = tpu.vector_load %arg11[%swap3A_370, %swap3A_371] {strides = array<i32>} : memref<128x16xf32, #tpu.memory_space<vmem>>, vector<16xf32>,
    tpu.vector_store %arg11[%swap3A_370, %swap3A_371], %broadcast_in_dim3A_368 {strides = array<i32>} : memref<128x16xf32, #tpu.memory_space<vmem>>, vector<16xf32>,
    %broadcast_in_dim3A_373 = arith.constant 0.000000e+00 : f32
    %broadcast_in_dim3A_374 = vector.broadcast %broadcast_in_dim3A_373 : f32 to vector<16xf32>
    %swap3A_375 = arith.constant 62 : i32
    %swap3A_376 = arith.index_cast %swap3A_375 : i32 to index
    %swap3A_377 = arith.constant 0 : index
    %swap3A_378 = tpu.vector_load %arg11[%swap3A_376, %swap3A_377] {strides = array<i32>} : memref<128x16xf32, #tpu.memory_space<vmem>>, vector<16xf32>,
    tpu.vector_store %arg11[%swap3A_376, %swap3A_377], %broadcast_in_dim3A_374 {strides = array<i32>} : memref<128x16xf32, #tpu.memory_space<vmem>>, vector<16xf32>,
    %broadcast_in_dim3A_379 = arith.constant 0.000000e+00 : f32
    %broadcast_in_dim3A_380 = vector.broadcast %broadcast_in_dim3A_379 : f32 to vector<16xf32>
    %swap3A_381 = arith.constant 63 : i32
    %swap3A_382 = arith.index_cast %swap3A_381 : i32 to index
    %swap3A_383 = arith.constant 0 : index
    %swap3A_384 = tpu.vector_load %arg11[%swap3A_382, %swap3A_383] {strides = array<i32>} : memref<128x16xf32, #tpu.memory_space<vmem>>, vector<16xf32>,
    tpu.vector_store %arg11[%swap3A_382, %swap3A_383], %broadcast_in_dim3A_380 {strides = array<i32>} : memref<128x16xf32, #tpu.memory_space<vmem>>, vector<16xf32>,
    %broadcast_in_dim3A_385 = arith.constant 0.000000e+00 : f32
    %broadcast_in_dim3A_386 = vector.broadcast %broadcast_in_dim3A_385 : f32 to vector<16xf32>
    %swap3A_387 = arith.constant 64 : i32
    %swap3A_388 = arith.index_cast %swap3A_387 : i32 to index
    %swap3A_389 = arith.constant 0 : index
    %swap3A_390 = tpu.vector_load %arg11[%swap3A_388, %swap3A_389] {strides = array<i32>} : memref<128x16xf32, #tpu.memory_space<vmem>>, vector<16xf32>,
    tpu.vector_store %arg11[%swap3A_388, %swap3A_389], %broadcast_in_dim3A_386 {strides = array<i32>} : memref<128x16xf32, #tpu.memory_space<vmem>>, vector<16xf32>,
    %broadcast_in_dim3A_391 = arith.constant 0.000000e+00 : f32
    %broadcast_in_dim3A_392 = vector.broadcast %broadcast_in_dim3A_391 : f32 to vector<16xf32>
    %swap3A_393 = arith.constant 65 : i32
    %swap3A_394 = arith.index_cast %swap3A_393 : i32 to index
    %swap3A_395 = arith.constant 0 : index
    %swap3A_396 = tpu.vector_load %arg11[%swap3A_394, %swap3A_395] {strides = array<i32>} : memref<128x16xf32, #tpu.memory_space<vmem>>, vector<16xf32>,
    tpu.vector_store %arg11[%swap3A_394, %swap3A_395], %broadcast_in_dim3A_392 {strides = array<i32>} : memref<128x16xf32, #tpu.memory_space<vmem>>, vector<16xf32>,
    %broadcast_in_dim3A_397 = arith.constant 0.000000e+00 : f32
    %broadcast_in_dim3A_398 = vector.broadcast %broadcast_in_dim3A_397 : f32 to vector<16xf32>
    %swap3A_399 = arith.constant 66 : i32
    %swap3A_400 = arith.index_cast %swap3A_399 : i32 to index
    %swap3A_401 = arith.constant 0 : index
    %swap3A_402 = tpu.vector_load %arg11[%swap3A_400, %swap3A_401] {strides = array<i32>} : memref<128x16xf32, #tpu.memory_space<vmem>>, vector<16xf32>,
    tpu.vector_store %arg11[%swap3A_400, %swap3A_401], %broadcast_in_dim3A_398 {strides = array<i32>} : memref<128x16xf32, #tpu.memory_space<vmem>>, vector<16xf32>,
    %broadcast_in_dim3A_403 = arith.constant 0.000000e+00 : f32
    %broadcast_in_dim3A_404 = vector.broadcast %broadcast_in_dim3A_403 : f32 to vector<16xf32>
    %swap3A_405 = arith.constant 67 : i32
    %swap3A_406 = arith.index_cast %swap3A_405 : i32 to index
    %swap3A_407 = arith.constant 0 : index
    %swap3A_408 = tpu.vector_load %arg11[%swap3A_406, %swap3A_407] {strides = array<i32>} : memref<128x16xf32, #tpu.memory_space<vmem>>, vector<16xf32>,
    tpu.vector_store %arg11[%swap3A_406, %swap3A_407], %broadcast_in_dim3A_404 {strides = array<i32>} : memref<128x16xf32, #tpu.memory_space<vmem>>, vector<16xf32>,
    %broadcast_in_dim3A_409 = arith.constant 0.000000e+00 : f32
    %broadcast_in_dim3A_410 = vector.broadcast %broadcast_in_dim3A_409 : f32 to vector<16xf32>
    %swap3A_411 = arith.constant 68 : i32
    %swap3A_412 = arith.index_cast %swap3A_411 : i32 to index
    %swap3A_413 = arith.constant 0 : index
    %swap3A_414 = tpu.vector_load %arg11[%swap3A_412, %swap3A_413] {strides = array<i32>} : memref<128x16xf32, #tpu.memory_space<vmem>>, vector<16xf32>,
    tpu.vector_store %arg11[%swap3A_412, %swap3A_413], %broadcast_in_dim3A_410 {strides = array<i32>} : memref<128x16xf32, #tpu.memory_space<vmem>>, vector<16xf32>,
    %broadcast_in_dim3A_415 = arith.constant 0.000000e+00 : f32
    %broadcast_in_dim3A_416 = vector.broadcast %broadcast_in_dim3A_415 : f32 to vector<16xf32>
    %swap3A_417 = arith.constant 69 : i32
    %swap3A_418 = arith.index_cast %swap3A_417 : i32 to index
    %swap3A_419 = arith.constant 0 : index
    %swap3A_420 = tpu.vector_load %arg11[%swap3A_418, %swap3A_419] {strides = array<i32>} : memref<128x16xf32, #tpu.memory_space<vmem>>, vector<16xf32>,
    tpu.vector_store %arg11[%swap3A_418, %swap3A_419], %broadcast_in_dim3A_416 {strides = array<i32>} : memref<128x16xf32, #tpu.memory_space<vmem>>, vector<16xf32>,
    %broadcast_in_dim3A_421 = arith.constant 0.000000e+00 : f32
    %broadcast_in_dim3A_422 = vector.broadcast %broadcast_in_dim3A_421 : f32 to vector<16xf32>
    %swap3A_423 = arith.constant 70 : i32
    %swap3A_424 = arith.index_cast %swap3A_423 : i32 to index
    %swap3A_425 = arith.constant 0 : index
    %swap3A_426 = tpu.vector_load %arg11[%swap3A_424, %swap3A_425] {strides = array<i32>} : memref<128x16xf32, #tpu.memory_space<vmem>>, vector<16xf32>,
    tpu.vector_store %arg11[%swap3A_424, %swap3A_425], %broadcast_in_dim3A_422 {strides = array<i32>} : memref<128x16xf32, #tpu.memory_space<vmem>>, vector<16xf32>,
    %broadcast_in_dim3A_427 = arith.constant 0.000000e+00 : f32
    %broadcast_in_dim3A_428 = vector.broadcast %broadcast_in_dim3A_427 : f32 to vector<16xf32>
    %swap3A_429 = arith.constant 71 : i32
    %swap3A_430 = arith.index_cast %swap3A_429 : i32 to index
    %swap3A_431 = arith.constant 0 : index
    %swap3A_432 = tpu.vector_load %arg11[%swap3A_430, %swap3A_431] {strides = array<i32>} : memref<128x16xf32, #tpu.memory_space<vmem>>, vector<16xf32>,
    tpu.vector_store %arg11[%swap3A_430, %swap3A_431], %broadcast_in_dim3A_428 {strides = array<i32>} : memref<128x16xf32, #tpu.memory_space<vmem>>, vector<16xf32>,
    %broadcast_in_dim3A_433 = arith.constant 0.000000e+00 : f32
    %broadcast_in_dim3A_434 = vector.broadcast %broadcast_in_dim3A_433 : f32 to vector<16xf32>
    %swap3A_435 = arith.constant 72 : i32
    %swap3A_436 = arith.index_cast %swap3A_435 : i32 to index
    %swap3A_437 = arith.constant 0 : index
    %swap3A_438 = tpu.vector_load %arg11[%swap3A_436, %swap3A_437] {strides = array<i32>} : memref<128x16xf32, #tpu.memory_space<vmem>>, vector<16xf32>,
    tpu.vector_store %arg11[%swap3A_436, %swap3A_437], %broadcast_in_dim3A_434 {strides = array<i32>} : memref<128x16xf32, #tpu.memory_space<vmem>>, vector<16xf32>,
    %broadcast_in_dim3A_439 = arith.constant 0.000000e+00 : f32
    %broadcast_in_dim3A_440 = vector.broadcast %broadcast_in_dim3A_439 : f32 to vector<16xf32>
    %swap3A_441 = arith.constant 73 : i32
    %swap3A_442 = arith.index_cast %swap3A_441 : i32 to index
    %swap3A_443 = arith.constant 0 : index
    %swap3A_444 = tpu.vector_load %arg11[%swap3A_442, %swap3A_443] {strides = array<i32>} : memref<128x16xf32, #tpu.memory_space<vmem>>, vector<16xf32>,
    tpu.vector_store %arg11[%swap3A_442, %swap3A_443], %broadcast_in_dim3A_440 {strides = array<i32>} : memref<128x16xf32, #tpu.memory_space<vmem>>, vector<16xf32>,
    %broadcast_in_dim3A_445 = arith.constant 0.000000e+00 : f32
    %broadcast_in_dim3A_446 = vector.broadcast %broadcast_in_dim3A_445 : f32 to vector<16xf32>
    %swap3A_447 = arith.constant 74 : i32
    %swap3A_448 = arith.index_cast %swap3A_447 : i32 to index
    %swap3A_449 = arith.constant 0 : index
    %swap3A_450 = tpu.vector_load %arg11[%swap3A_448, %swap3A_449] {strides = array<i32>} : memref<128x16xf32, #tpu.memory_space<vmem>>, vector<16xf32>,
    tpu.vector_store %arg11[%swap3A_448, %swap3A_449], %broadcast_in_dim3A_446 {strides = array<i32>} : memref<128x16xf32, #tpu.memory_space<vmem>>, vector<16xf32>,
    %broadcast_in_dim3A_451 = arith.constant 0.000000e+00 : f32
    %broadcast_in_dim3A_452 = vector.broadcast %broadcast_in_dim3A_451 : f32 to vector<16xf32>
    %swap3A_453 = arith.constant 75 : i32
    %swap3A_454 = arith.index_cast %swap3A_453 : i32 to index
    %swap3A_455 = arith.constant 0 : index
    %swap3A_456 = tpu.vector_load %arg11[%swap3A_454, %swap3A_455] {strides = array<i32>} : memref<128x16xf32, #tpu.memory_space<vmem>>, vector<16xf32>,
    tpu.vector_store %arg11[%swap3A_454, %swap3A_455], %broadcast_in_dim3A_452 {strides = array<i32>} : memref<128x16xf32, #tpu.memory_space<vmem>>, vector<16xf32>,
    %broadcast_in_dim3A_457 = arith.constant 0.000000e+00 : f32
    %broadcast_in_dim3A_458 = vector.broadcast %broadcast_in_dim3A_457 : f32 to vector<16xf32>
    %swap3A_459 = arith.constant 76 : i32
    %swap3A_460 = arith.index_cast %swap3A_459 : i32 to index
    %swap3A_461 = arith.constant 0 : index
    %swap3A_462 = tpu.vector_load %arg11[%swap3A_460, %swap3A_461] {strides = array<i32>} : memref<128x16xf32, #tpu.memory_space<vmem>>, vector<16xf32>,
    tpu.vector_store %arg11[%swap3A_460, %swap3A_461], %broadcast_in_dim3A_458 {strides = array<i32>} : memref<128x16xf32, #tpu.memory_space<vmem>>, vector<16xf32>,
    %broadcast_in_dim3A_463 = arith.constant 0.000000e+00 : f32
    %broadcast_in_dim3A_464 = vector.broadcast %broadcast_in_dim3A_463 : f32 to vector<16xf32>
    %swap3A_465 = arith.constant 77 : i32
    %swap3A_466 = arith.index_cast %swap3A_465 : i32 to index
    %swap3A_467 = arith.constant 0 : index
    %swap3A_468 = tpu.vector_load %arg11[%swap3A_466, %swap3A_467] {strides = array<i32>} : memref<128x16xf32, #tpu.memory_space<vmem>>, vector<16xf32>,
    tpu.vector_store %arg11[%swap3A_466, %swap3A_467], %broadcast_in_dim3A_464 {strides = array<i32>} : memref<128x16xf32, #tpu.memory_space<vmem>>, vector<16xf32>,
    %broadcast_in_dim3A_469 = arith.constant 0.000000e+00 : f32
    %broadcast_in_dim3A_470 = vector.broadcast %broadcast_in_dim3A_469 : f32 to vector<16xf32>
    %swap3A_471 = arith.constant 78 : i32
    %swap3A_472 = arith.index_cast %swap3A_471 : i32 to index
    %swap3A_473 = arith.constant 0 : index
    %swap3A_474 = tpu.vector_load %arg11[%swap3A_472, %swap3A_473] {strides = array<i32>} : memref<128x16xf32, #tpu.memory_space<vmem>>, vector<16xf32>,
    tpu.vector_store %arg11[%swap3A_472, %swap3A_473], %broadcast_in_dim3A_470 {strides = array<i32>} : memref<128x16xf32, #tpu.memory_space<vmem>>, vector<16xf32>,
    %broadcast_in_dim3A_475 = arith.constant 0.000000e+00 : f32
    %broadcast_in_dim3A_476 = vector.broadcast %broadcast_in_dim3A_475 : f32 to vector<16xf32>
    %swap3A_477 = arith.constant 79 : i32
    %swap3A_478 = arith.index_cast %swap3A_477 : i32 to index
    %swap3A_479 = arith.constant 0 : index
    %swap3A_480 = tpu.vector_load %arg11[%swap3A_478, %swap3A_479] {strides = array<i32>} : memref<128x16xf32, #tpu.memory_space<vmem>>, vector<16xf32>,
    tpu.vector_store %arg11[%swap3A_478, %swap3A_479], %broadcast_in_dim3A_476 {strides = array<i32>} : memref<128x16xf32, #tpu.memory_space<vmem>>, vector<16xf32>,
    %broadcast_in_dim3A_481 = arith.constant 0.000000e+00 : f32
    %broadcast_in_dim3A_482 = vector.broadcast %broadcast_in_dim3A_481 : f32 to vector<16xf32>
    %swap3A_483 = arith.constant 80 : i32
    %swap3A_484 = arith.index_cast %swap3A_483 : i32 to index
    %swap3A_485 = arith.constant 0 : index
    %swap3A_486 = tpu.vector_load %arg11[%swap3A_484, %swap3A_485] {strides = array<i32>} : memref<128x16xf32, #tpu.memory_space<vmem>>, vector<16xf32>,
    tpu.vector_store %arg11[%swap3A_484, %swap3A_485], %broadcast_in_dim3A_482 {strides = array<i32>} : memref<128x16xf32, #tpu.memory_space<vmem>>, vector<16xf32>,
    %broadcast_in_dim3A_487 = arith.constant 0.000000e+00 : f32
    %broadcast_in_dim3A_488 = vector.broadcast %broadcast_in_dim3A_487 : f32 to vector<16xf32>
    %swap3A_489 = arith.constant 81 : i32
    %swap3A_490 = arith.index_cast %swap3A_489 : i32 to index
    %swap3A_491 = arith.constant 0 : index
    %swap3A_492 = tpu.vector_load %arg11[%swap3A_490, %swap3A_491] {strides = array<i32>} : memref<128x16xf32, #tpu.memory_space<vmem>>, vector<16xf32>,
    tpu.vector_store %arg11[%swap3A_490, %swap3A_491], %broadcast_in_dim3A_488 {strides = array<i32>} : memref<128x16xf32, #tpu.memory_space<vmem>>, vector<16xf32>,
    %broadcast_in_dim3A_493 = arith.constant 0.000000e+00 : f32
    %broadcast_in_dim3A_494 = vector.broadcast %broadcast_in_dim3A_493 : f32 to vector<16xf32>
    %swap3A_495 = arith.constant 82 : i32
    %swap3A_496 = arith.index_cast %swap3A_495 : i32 to index
    %swap3A_497 = arith.constant 0 : index
    %swap3A_498 = tpu.vector_load %arg11[%swap3A_496, %swap3A_497] {strides = array<i32>} : memref<128x16xf32, #tpu.memory_space<vmem>>, vector<16xf32>,
    tpu.vector_store %arg11[%swap3A_496, %swap3A_497], %broadcast_in_dim3A_494 {strides = array<i32>} : memref<128x16xf32, #tpu.memory_space<vmem>>, vector<16xf32>,
    %broadcast_in_dim3A_499 = arith.constant 0.000000e+00 : f32
    %broadcast_in_dim3A_500 = vector.broadcast %broadcast_in_dim3A_499 : f32 to vector<16xf32>
    %swap3A_501 = arith.constant 83 : i32
    %swap3A_502 = arith.index_cast %swap3A_501 : i32 to index
    %swap3A_503 = arith.constant 0 : index
    %swap3A_504 = tpu.vector_load %arg11[%swap3A_502, %swap3A_503] {strides = array<i32>} : memref<128x16xf32, #tpu.memory_space<vmem>>, vector<16xf32>,
    tpu.vector_store %arg11[%swap3A_502, %swap3A_503], %broadcast_in_dim3A_500 {strides = array<i32>} : memref<128x16xf32, #tpu.memory_space<vmem>>, vector<16xf32>,
    %broadcast_in_dim3A_505 = arith.constant 0.000000e+00 : f32
    %broadcast_in_dim3A_506 = vector.broadcast %broadcast_in_dim3A_505 : f32 to vector<16xf32>
    %swap3A_507 = arith.constant 84 : i32
    %swap3A_508 = arith.index_cast %swap3A_507 : i32 to index
    %swap3A_509 = arith.constant 0 : index
    %swap3A_510 = tpu.vector_load %arg11[%swap3A_508, %swap3A_509] {strides = array<i32>} : memref<128x16xf32, #tpu.memory_space<vmem>>, vector<16xf32>,
    tpu.vector_store %arg11[%swap3A_508, %swap3A_509], %broadcast_in_dim3A_506 {strides = array<i32>} : memref<128x16xf32, #tpu.memory_space<vmem>>, vector<16xf32>,
    %broadcast_in_dim3A_511 = arith.constant 0.000000e+00 : f32
    %broadcast_in_dim3A_512 = vector.broadcast %broadcast_in_dim3A_511 : f32 to vector<16xf32>
    %swap3A_513 = arith.constant 85 : i32
    %swap3A_514 = arith.index_cast %swap3A_513 : i32 to index
    %swap3A_515 = arith.constant 0 : index
    %swap3A_516 = tpu.vector_load %arg11[%swap3A_514, %swap3A_515] {strides = array<i32>} : memref<128x16xf32, #tpu.memory_space<vmem>>, vector<16xf32>,
    tpu.vector_store %arg11[%swap3A_514, %swap3A_515], %broadcast_in_dim3A_512 {strides = array<i32>} : memref<128x16xf32, #tpu.memory_space<vmem>>, vector<16xf32>,
    %broadcast_in_dim3A_517 = arith.constant 0.000000e+00 : f32
    %broadcast_in_dim3A_518 = vector.broadcast %broadcast_in_dim3A_517 : f32 to vector<16xf32>
    %swap3A_519 = arith.constant 86 : i32
    %swap3A_520 = arith.index_cast %swap3A_519 : i32 to index
    %swap3A_521 = arith.constant 0 : index
    %swap3A_522 = tpu.vector_load %arg11[%swap3A_520, %swap3A_521] {strides = array<i32>} : memref<128x16xf32, #tpu.memory_space<vmem>>, vector<16xf32>,
    tpu.vector_store %arg11[%swap3A_520, %swap3A_521], %broadcast_in_dim3A_518 {strides = array<i32>} : memref<128x16xf32, #tpu.memory_space<vmem>>, vector<16xf32>,
    %broadcast_in_dim3A_523 = arith.constant 0.000000e+00 : f32
    %broadcast_in_dim3A_524 = vector.broadcast %broadcast_in_dim3A_523 : f32 to vector<16xf32>
    %swap3A_525 = arith.constant 87 : i32
    %swap3A_526 = arith.index_cast %swap3A_525 : i32 to index
    %swap3A_527 = arith.constant 0 : index
    %swap3A_528 = tpu.vector_load %arg11[%swap3A_526, %swap3A_527] {strides = array<i32>} : memref<128x16xf32, #tpu.memory_space<vmem>>, vector<16xf32>,
    tpu.vector_store %arg11[%swap3A_526, %swap3A_527], %broadcast_in_dim3A_524 {strides = array<i32>} : memref<128x16xf32, #tpu.memory_space<vmem>>, vector<16xf32>,
    %broadcast_in_dim3A_529 = arith.constant 0.000000e+00 : f32
    %broadcast_in_dim3A_530 = vector.broadcast %broadcast_in_dim3A_529 : f32 to vector<16xf32>
    %swap3A_531 = arith.constant 88 : i32
    %swap3A_532 = arith.index_cast %swap3A_531 : i32 to index
    %swap3A_533 = arith.constant 0 : index
    %swap3A_534 = tpu.vector_load %arg11[%swap3A_532, %swap3A_533] {strides = array<i32>} : memref<128x16xf32, #tpu.memory_space<vmem>>, vector<16xf32>,
    tpu.vector_store %arg11[%swap3A_532, %swap3A_533], %broadcast_in_dim3A_530 {strides = array<i32>} : memref<128x16xf32, #tpu.memory_space<vmem>>, vector<16xf32>,
    %broadcast_in_dim3A_535 = arith.constant 0.000000e+00 : f32
    %broadcast_in_dim3A_536 = vector.broadcast %broadcast_in_dim3A_535 : f32 to vector<16xf32>
    %swap3A_537 = arith.constant 89 : i32
    %swap3A_538 = arith.index_cast %swap3A_537 : i32 to index
    %swap3A_539 = arith.constant 0 : index
    %swap3A_540 = tpu.vector_load %arg11[%swap3A_538, %swap3A_539] {strides = array<i32>} : memref<128x16xf32, #tpu.memory_space<vmem>>, vector<16xf32>,
    tpu.vector_store %arg11[%swap3A_538, %swap3A_539], %broadcast_in_dim3A_536 {strides = array<i32>} : memref<128x16xf32, #tpu.memory_space<vmem>>, vector<16xf32>,
    %broadcast_in_dim3A_541 = arith.constant 0.000000e+00 : f32
    %broadcast_in_dim3A_542 = vector.broadcast %broadcast_in_dim3A_541 : f32 to vector<16xf32>
    %swap3A_543 = arith.constant 90 : i32
    %swap3A_544 = arith.index_cast %swap3A_543 : i32 to index
    %swap3A_545 = arith.constant 0 : index
    %swap3A_546 = tpu.vector_load %arg11[%swap3A_544, %swap3A_545] {strides = array<i32>} : memref<128x16xf32, #tpu.memory_space<vmem>>, vector<16xf32>,
    tpu.vector_store %arg11[%swap3A_544, %swap3A_545], %broadcast_in_dim3A_542 {strides = array<i32>} : memref<128x16xf32, #tpu.memory_space<vmem>>, vector<16xf32>,
    %broadcast_in_dim3A_547 = arith.constant 0.000000e+00 : f32
    %broadcast_in_dim3A_548 = vector.broadcast %broadcast_in_dim3A_547 : f32 to vector<16xf32>
    %swap3A_549 = arith.constant 91 : i32
    %swap3A_550 = arith.index_cast %swap3A_549 : i32 to index
    %swap3A_551 = arith.constant 0 : index
    %swap3A_552 = tpu.vector_load %arg11[%swap3A_550, %swap3A_551] {strides = array<i32>} : memref<128x16xf32, #tpu.memory_space<vmem>>, vector<16xf32>,
    tpu.vector_store %arg11[%swap3A_550, %swap3A_551], %broadcast_in_dim3A_548 {strides = array<i32>} : memref<128x16xf32, #tpu.memory_space<vmem>>, vector<16xf32>,
    %broadcast_in_dim3A_553 = arith.constant 0.000000e+00 : f32
    %broadcast_in_dim3A_554 = vector.broadcast %broadcast_in_dim3A_553 : f32 to vector<16xf32>
    %swap3A_555 = arith.constant 92 : i32
    %swap3A_556 = arith.index_cast %swap3A_555 : i32 to index
    %swap3A_557 = arith.constant 0 : index
    %swap3A_558 = tpu.vector_load %arg11[%swap3A_556, %swap3A_557] {strides = array<i32>} : memref<128x16xf32, #tpu.memory_space<vmem>>, vector<16xf32>,
    tpu.vector_store %arg11[%swap3A_556, %swap3A_557], %broadcast_in_dim3A_554 {strides = array<i32>} : memref<128x16xf32, #tpu.memory_space<vmem>>, vector<16xf32>,
    %broadcast_in_dim3A_559 = arith.constant 0.000000e+00 : f32
    %broadcast_in_dim3A_560 = vector.broadcast %broadcast_in_dim3A_559 : f32 to vector<16xf32>
    %swap3A_561 = arith.constant 93 : i32
    %swap3A_562 = arith.index_cast %swap3A_561 : i32 to index
    %swap3A_563 = arith.constant 0 : index
    %swap3A_564 = tpu.vector_load %arg11[%swap3A_562, %swap3A_563] {strides = array<i32>} : memref<128x16xf32, #tpu.memory_space<vmem>>, vector<16xf32>,
    tpu.vector_store %arg11[%swap3A_562, %swap3A_563], %broadcast_in_dim3A_560 {strides = array<i32>} : memref<128x16xf32, #tpu.memory_space<vmem>>, vector<16xf32>,
    %broadcast_in_dim3A_565 = arith.constant 0.000000e+00 : f32
    %broadcast_in_dim3A_566 = vector.broadcast %broadcast_in_dim3A_565 : f32 to vector<16xf32>
    %swap3A_567 = arith.constant 94 : i32
    %swap3A_568 = arith.index_cast %swap3A_567 : i32 to index
    %swap3A_569 = arith.constant 0 : index
    %swap3A_570 = tpu.vector_load %arg11[%swap3A_568, %swap3A_569] {strides = array<i32>} : memref<128x16xf32, #tpu.memory_space<vmem>>, vector<16xf32>,
    tpu.vector_store %arg11[%swap3A_568, %swap3A_569], %broadcast_in_dim3A_566 {strides = array<i32>} : memref<128x16xf32, #tpu.memory_space<vmem>>, vector<16xf32>,
    %broadcast_in_dim3A_571 = arith.constant 0.000000e+00 : f32
    %broadcast_in_dim3A_572 = vector.broadcast %broadcast_in_dim3A_571 : f32 to vector<16xf32>
    %swap3A_573 = arith.constant 95 : i32
    %swap3A_574 = arith.index_cast %swap3A_573 : i32 to index
    %swap3A_575 = arith.constant 0 : index
    %swap3A_576 = tpu.vector_load %arg11[%swap3A_574, %swap3A_575] {strides = array<i32>} : memref<128x16xf32, #tpu.memory_space<vmem>>, vector<16xf32>,
    tpu.vector_store %arg11[%swap3A_574, %swap3A_575], %broadcast_in_dim3A_572 {strides = array<i32>} : memref<128x16xf32, #tpu.memory_space<vmem>>, vector<16xf32>,
    %broadcast_in_dim3A_577 = arith.constant 0.000000e+00 : f32
    %broadcast_in_dim3A_578 = vector.broadcast %broadcast_in_dim3A_577 : f32 to vector<16xf32>
    %swap3A_579 = arith.constant 96 : i32
    %swap3A_580 = arith.index_cast %swap3A_579 : i32 to index
    %swap3A_581 = arith.constant 0 : index
    %swap3A_582 = tpu.vector_load %arg11[%swap3A_580, %swap3A_581] {strides = array<i32>} : memref<128x16xf32, #tpu.memory_space<vmem>>, vector<16xf32>,
    tpu.vector_store %arg11[%swap3A_580, %swap3A_581], %broadcast_in_dim3A_578 {strides = array<i32>} : memref<128x16xf32, #tpu.memory_space<vmem>>, vector<16xf32>,
    %broadcast_in_dim3A_583 = arith.constant 0.000000e+00 : f32
    %broadcast_in_dim3A_584 = vector.broadcast %broadcast_in_dim3A_583 : f32 to vector<16xf32>
    %swap3A_585 = arith.constant 97 : i32
    %swap3A_586 = arith.index_cast %swap3A_585 : i32 to index
    %swap3A_587 = arith.constant 0 : index
    %swap3A_588 = tpu.vector_load %arg11[%swap3A_586, %swap3A_587] {strides = array<i32>} : memref<128x16xf32, #tpu.memory_space<vmem>>, vector<16xf32>,
    tpu.vector_store %arg11[%swap3A_586, %swap3A_587], %broadcast_in_dim3A_584 {strides = array<i32>} : memref<128x16xf32, #tpu.memory_space<vmem>>, vector<16xf32>,
    %broadcast_in_dim3A_589 = arith.constant 0.000000e+00 : f32
    %broadcast_in_dim3A_590 = vector.broadcast %broadcast_in_dim3A_589 : f32 to vector<16xf32>
    %swap3A_591 = arith.constant 98 : i32
    %swap3A_592 = arith.index_cast %swap3A_591 : i32 to index
    %swap3A_593 = arith.constant 0 : index
    %swap3A_594 = tpu.vector_load %arg11[%swap3A_592, %swap3A_593] {strides = array<i32>} : memref<128x16xf32, #tpu.memory_space<vmem>>, vector<16xf32>,
    tpu.vector_store %arg11[%swap3A_592, %swap3A_593], %broadcast_in_dim3A_590 {strides = array<i32>} : memref<128x16xf32, #tpu.memory_space<vmem>>, vector<16xf32>,
    %broadcast_in_dim3A_595 = arith.constant 0.000000e+00 : f32
    %broadcast_in_dim3A_596 = vector.broadcast %broadcast_in_dim3A_595 : f32 to vector<16xf32>
    %swap3A_597 = arith.constant 99 : i32
    %swap3A_598 = arith.index_cast %swap3A_597 : i32 to index
    %swap3A_599 = arith.constant 0 : index
    %swap3A_600 = tpu.vector_load %arg11[%swap3A_598, %swap3A_599] {strides = array<i32>} : memref<128x16xf32, #tpu.memory_space<vmem>>, vector<16xf32>,
    tpu.vector_store %arg11[%swap3A_598, %swap3A_599], %broadcast_in_dim3A_596 {strides = array<i32>} : memref<128x16xf32, #tpu.memory_space<vmem>>, vector<16xf32>,
    %broadcast_in_dim3A_601 = arith.constant 0.000000e+00 : f32
    %broadcast_in_dim3A_602 = vector.broadcast %broadcast_in_dim3A_601 : f32 to vector<16xf32>
    %swap3A_603 = arith.constant 100 : i32
    %swap3A_604 = arith.index_cast %swap3A_603 : i32 to index
    %swap3A_605 = arith.constant 0 : index
    %swap3A_606 = tpu.vector_load %arg11[%swap3A_604, %swap3A_605] {strides = array<i32>} : memref<128x16xf32, #tpu.memory_space<vmem>>, vector<16xf32>,
    tpu.vector_store %arg11[%swap3A_604, %swap3A_605], %broadcast_in_dim3A_602 {strides = array<i32>} : memref<128x16xf32, #tpu.memory_space<vmem>>, vector<16xf32>,
    %broadcast_in_dim3A_607 = arith.constant 0.000000e+00 : f32
    %broadcast_in_dim3A_608 = vector.broadcast %broadcast_in_dim3A_607 : f32 to vector<16xf32>
    %swap3A_609 = arith.constant 101 : i32
    %swap3A_610 = arith.index_cast %swap3A_609 : i32 to index
    %swap3A_611 = arith.constant 0 : index
    %swap3A_612 = tpu.vector_load %arg11[%swap3A_610, %swap3A_611] {strides = array<i32>} : memref<128x16xf32, #tpu.memory_space<vmem>>, vector<16xf32>,
    tpu.vector_store %arg11[%swap3A_610, %swap3A_611], %broadcast_in_dim3A_608 {strides = array<i32>} : memref<128x16xf32, #tpu.memory_space<vmem>>, vector<16xf32>,
    %broadcast_in_dim3A_613 = arith.constant 0.000000e+00 : f32
    %broadcast_in_dim3A_614 = vector.broadcast %broadcast_in_dim3A_613 : f32 to vector<16xf32>
    %swap3A_615 = arith.constant 102 : i32
    %swap3A_616 = arith.index_cast %swap3A_615 : i32 to index
    %swap3A_617 = arith.constant 0 : index
    %swap3A_618 = tpu.vector_load %arg11[%swap3A_616, %swap3A_617] {strides = array<i32>} : memref<128x16xf32, #tpu.memory_space<vmem>>, vector<16xf32>,
    tpu.vector_store %arg11[%swap3A_616, %swap3A_617], %broadcast_in_dim3A_614 {strides = array<i32>} : memref<128x16xf32, #tpu.memory_space<vmem>>, vector<16xf32>,
    %broadcast_in_dim3A_619 = arith.constant 0.000000e+00 : f32
    %broadcast_in_dim3A_620 = vector.broadcast %broadcast_in_dim3A_619 : f32 to vector<16xf32>
    %swap3A_621 = arith.constant 103 : i32
    %swap3A_622 = arith.index_cast %swap3A_621 : i32 to index
    %swap3A_623 = arith.constant 0 : index
    %swap3A_624 = tpu.vector_load %arg11[%swap3A_622, %swap3A_623] {strides = array<i32>} : memref<128x16xf32, #tpu.memory_space<vmem>>, vector<16xf32>,
    tpu.vector_store %arg11[%swap3A_622, %swap3A_623], %broadcast_in_dim3A_620 {strides = array<i32>} : memref<128x16xf32, #tpu.memory_space<vmem>>, vector<16xf32>,
    %broadcast_in_dim3A_625 = arith.constant 0.000000e+00 : f32
    %broadcast_in_dim3A_626 = vector.broadcast %broadcast_in_dim3A_625 : f32 to vector<16xf32>
    %swap3A_627 = arith.constant 104 : i32
    %swap3A_628 = arith.index_cast %swap3A_627 : i32 to index
    %swap3A_629 = arith.constant 0 : index
    %swap3A_630 = tpu.vector_load %arg11[%swap3A_628, %swap3A_629] {strides = array<i32>} : memref<128x16xf32, #tpu.memory_space<vmem>>, vector<16xf32>,
    tpu.vector_store %arg11[%swap3A_628, %swap3A_629], %broadcast_in_dim3A_626 {strides = array<i32>} : memref<128x16xf32, #tpu.memory_space<vmem>>, vector<16xf32>,
    %broadcast_in_dim3A_631 = arith.constant 0.000000e+00 : f32
    %broadcast_in_dim3A_632 = vector.broadcast %broadcast_in_dim3A_631 : f32 to vector<16xf32>
    %swap3A_633 = arith.constant 105 : i32
    %swap3A_634 = arith.index_cast %swap3A_633 : i32 to index
    %swap3A_635 = arith.constant 0 : index
    %swap3A_636 = tpu.vector_load %arg11[%swap3A_634, %swap3A_635] {strides = array<i32>} : memref<128x16xf32, #tpu.memory_space<vmem>>, vector<16xf32>,
    tpu.vector_store %arg11[%swap3A_634, %swap3A_635], %broadcast_in_dim3A_632 {strides = array<i32>} : memref<128x16xf32, #tpu.memory_space<vmem>>, vector<16xf32>,
    %broadcast_in_dim3A_637 = arith.constant 0.000000e+00 : f32
    %broadcast_in_dim3A_638 = vector.broadcast %broadcast_in_dim3A_637 : f32 to vector<16xf32>
    %swap3A_639 = arith.constant 106 : i32
    %swap3A_640 = arith.index_cast %swap3A_639 : i32 to index
    %swap3A_641 = arith.constant 0 : index
    %swap3A_642 = tpu.vector_load %arg11[%swap3A_640, %swap3A_641] {strides = array<i32>} : memref<128x16xf32, #tpu.memory_space<vmem>>, vector<16xf32>,
    tpu.vector_store %arg11[%swap3A_640, %swap3A_641], %broadcast_in_dim3A_638 {strides = array<i32>} : memref<128x16xf32, #tpu.memory_space<vmem>>, vector<16xf32>,
    %broadcast_in_dim3A_643 = arith.constant 0.000000e+00 : f32
    %broadcast_in_dim3A_644 = vector.broadcast %broadcast_in_dim3A_643 : f32 to vector<16xf32>
    %swap3A_645 = arith.constant 107 : i32
    %swap3A_646 = arith.index_cast %swap3A_645 : i32 to index
    %swap3A_647 = arith.constant 0 : index
    %swap3A_648 = tpu.vector_load %arg11[%swap3A_646, %swap3A_647] {strides = array<i32>} : memref<128x16xf32, #tpu.memory_space<vmem>>, vector<16xf32>,
    tpu.vector_store %arg11[%swap3A_646, %swap3A_647], %broadcast_in_dim3A_644 {strides = array<i32>} : memref<128x16xf32, #tpu.memory_space<vmem>>, vector<16xf32>,
    %broadcast_in_dim3A_649 = arith.constant 0.000000e+00 : f32
    %broadcast_in_dim3A_650 = vector.broadcast %broadcast_in_dim3A_649 : f32 to vector<16xf32>
    %swap3A_651 = arith.constant 108 : i32
    %swap3A_652 = arith.index_cast %swap3A_651 : i32 to index
    %swap3A_653 = arith.constant 0 : index
    %swap3A_654 = tpu.vector_load %arg11[%swap3A_652, %swap3A_653] {strides = array<i32>} : memref<128x16xf32, #tpu.memory_space<vmem>>, vector<16xf32>,
    tpu.vector_store %arg11[%swap3A_652, %swap3A_653], %broadcast_in_dim3A_650 {strides = array<i32>} : memref<128x16xf32, #tpu.memory_space<vmem>>, vector<16xf32>,
    %broadcast_in_dim3A_655 = arith.constant 0.000000e+00 : f32
    %broadcast_in_dim3A_656 = vector.broadcast %broadcast_in_dim3A_655 : f32 to vector<16xf32>
    %swap3A_657 = arith.constant 109 : i32
    %swap3A_658 = arith.index_cast %swap3A_657 : i32 to index
    %swap3A_659 = arith.constant 0 : index
    %swap3A_660 = tpu.vector_load %arg11[%swap3A_658, %swap3A_659] {strides = array<i32>} : memref<128x16xf32, #tpu.memory_space<vmem>>, vector<16xf32>,
    tpu.vector_store %arg11[%swap3A_658, %swap3A_659], %broadcast_in_dim3A_656 {strides = array<i32>} : memref<128x16xf32, #tpu.memory_space<vmem>>, vector<16xf32>,
    %broadcast_in_dim3A_661 = arith.constant 0.000000e+00 : f32
    %broadcast_in_dim3A_662 = vector.broadcast %broadcast_in_dim3A_661 : f32 to vector<16xf32>
    %swap3A_663 = arith.constant 110 : i32
    %swap3A_664 = arith.index_cast %swap3A_663 : i32 to index
    %swap3A_665 = arith.constant 0 : index
    %swap3A_666 = tpu.vector_load %arg11[%swap3A_664, %swap3A_665] {strides = array<i32>} : memref<128x16xf32, #tpu.memory_space<vmem>>, vector<16xf32>,
    tpu.vector_store %arg11[%swap3A_664, %swap3A_665], %broadcast_in_dim3A_662 {strides = array<i32>} : memref<128x16xf32, #tpu.memory_space<vmem>>, vector<16xf32>,
    %broadcast_in_dim3A_667 = arith.constant 0.000000e+00 : f32
    %broadcast_in_dim3A_668 = vector.broadcast %broadcast_in_dim3A_667 : f32 to vector<16xf32>
    %swap3A_669 = arith.constant 111 : i32
    %swap3A_670 = arith.index_cast %swap3A_669 : i32 to index
    %swap3A_671 = arith.constant 0 : index
    %swap3A_672 = tpu.vector_load %arg11[%swap3A_670, %swap3A_671] {strides = array<i32>} : memref<128x16xf32, #tpu.memory_space<vmem>>, vector<16xf32>,
    tpu.vector_store %arg11[%swap3A_670, %swap3A_671], %broadcast_in_dim3A_668 {strides = array<i32>} : memref<128x16xf32, #tpu.memory_space<vmem>>, vector<16xf32>,
    %broadcast_in_dim3A_673 = arith.constant 0.000000e+00 : f32
    %broadcast_in_dim3A_674 = vector.broadcast %broadcast_in_dim3A_673 : f32 to vector<16xf32>
    %swap3A_675 = arith.constant 112 : i32
    %swap3A_676 = arith.index_cast %swap3A_675 : i32 to index
    %swap3A_677 = arith.constant 0 : index
    %swap3A_678 = tpu.vector_load %arg11[%swap3A_676, %swap3A_677] {strides = array<i32>} : memref<128x16xf32, #tpu.memory_space<vmem>>, vector<16xf32>,
    tpu.vector_store %arg11[%swap3A_676, %swap3A_677], %broadcast_in_dim3A_674 {strides = array<i32>} : memref<128x16xf32, #tpu.memory_space<vmem>>, vector<16xf32>,
    %broadcast_in_dim3A_679 = arith.constant 0.000000e+00 : f32
    %broadcast_in_dim3A_680 = vector.broadcast %broadcast_in_dim3A_679 : f32 to vector<16xf32>
    %swap3A_681 = arith.constant 113 : i32
    %swap3A_682 = arith.index_cast %swap3A_681 : i32 to index
    %swap3A_683 = arith.constant 0 : index
    %swap3A_684 = tpu.vector_load %arg11[%swap3A_682, %swap3A_683] {strides = array<i32>} : memref<128x16xf32, #tpu.memory_space<vmem>>, vector<16xf32>,
    tpu.vector_store %arg11[%swap3A_682, %swap3A_683], %broadcast_in_dim3A_680 {strides = array<i32>} : memref<128x16xf32, #tpu.memory_space<vmem>>, vector<16xf32>,
    %broadcast_in_dim3A_685 = arith.constant 0.000000e+00 : f32
    %broadcast_in_dim3A_686 = vector.broadcast %broadcast_in_dim3A_685 : f32 to vector<16xf32>
    %swap3A_687 = arith.constant 114 : i32
    %swap3A_688 = arith.index_cast %swap3A_687 : i32 to index
    %swap3A_689 = arith.constant 0 : index
    %swap3A_690 = tpu.vector_load %arg11[%swap3A_688, %swap3A_689] {strides = array<i32>} : memref<128x16xf32, #tpu.memory_space<vmem>>, vector<16xf32>,
    tpu.vector_store %arg11[%swap3A_688, %swap3A_689], %broadcast_in_dim3A_686 {strides = array<i32>} : memref<128x16xf32, #tpu.memory_space<vmem>>, vector<16xf32>,
    %broadcast_in_dim3A_691 = arith.constant 0.000000e+00 : f32
    %broadcast_in_dim3A_692 = vector.broadcast %broadcast_in_dim3A_691 : f32 to vector<16xf32>
    %swap3A_693 = arith.constant 115 : i32
    %swap3A_694 = arith.index_cast %swap3A_693 : i32 to index
    %swap3A_695 = arith.constant 0 : index
    %swap3A_696 = tpu.vector_load %arg11[%swap3A_694, %swap3A_695] {strides = array<i32>} : memref<128x16xf32, #tpu.memory_space<vmem>>, vector<16xf32>,
    tpu.vector_store %arg11[%swap3A_694, %swap3A_695], %broadcast_in_dim3A_692 {strides = array<i32>} : memref<128x16xf32, #tpu.memory_space<vmem>>, vector<16xf32>,
    %broadcast_in_dim3A_697 = arith.constant 0.000000e+00 : f32
    %broadcast_in_dim3A_698 = vector.broadcast %broadcast_in_dim3A_697 : f32 to vector<16xf32>
    %swap3A_699 = arith.constant 116 : i32
    %swap3A_700 = arith.index_cast %swap3A_699 : i32 to index
    %swap3A_701 = arith.constant 0 : index
    %swap3A_702 = tpu.vector_load %arg11[%swap3A_700, %swap3A_701] {strides = array<i32>} : memref<128x16xf32, #tpu.memory_space<vmem>>, vector<16xf32>,
    tpu.vector_store %arg11[%swap3A_700, %swap3A_701], %broadcast_in_dim3A_698 {strides = array<i32>} : memref<128x16xf32, #tpu.memory_space<vmem>>, vector<16xf32>,
    %broadcast_in_dim3A_703 = arith.constant 0.000000e+00 : f32
    %broadcast_in_dim3A_704 = vector.broadcast %broadcast_in_dim3A_703 : f32 to vector<16xf32>
    %swap3A_705 = arith.constant 117 : i32
    %swap3A_706 = arith.index_cast %swap3A_705 : i32 to index
    %swap3A_707 = arith.constant 0 : index
    %swap3A_708 = tpu.vector_load %arg11[%swap3A_706, %swap3A_707] {strides = array<i32>} : memref<128x16xf32, #tpu.memory_space<vmem>>, vector<16xf32>,
    tpu.vector_store %arg11[%swap3A_706, %swap3A_707], %broadcast_in_dim3A_704 {strides = array<i32>} : memref<128x16xf32, #tpu.memory_space<vmem>>, vector<16xf32>,
    %broadcast_in_dim3A_709 = arith.constant 0.000000e+00 : f32
    %broadcast_in_dim3A_710 = vector.broadcast %broadcast_in_dim3A_709 : f32 to vector<16xf32>
    %swap3A_711 = arith.constant 118 : i32
    %swap3A_712 = arith.index_cast %swap3A_711 : i32 to index
    %swap3A_713 = arith.constant 0 : index
    %swap3A_714 = tpu.vector_load %arg11[%swap3A_712, %swap3A_713] {strides = array<i32>} : memref<128x16xf32, #tpu.memory_space<vmem>>, vector<16xf32>,
    tpu.vector_store %arg11[%swap3A_712, %swap3A_713], %broadcast_in_dim3A_710 {strides = array<i32>} : memref<128x16xf32, #tpu.memory_space<vmem>>, vector<16xf32>,
    %broadcast_in_dim3A_715 = arith.constant 0.000000e+00 : f32
    %broadcast_in_dim3A_716 = vector.broadcast %broadcast_in_dim3A_715 : f32 to vector<16xf32>
    %swap3A_717 = arith.constant 119 : i32
    %swap3A_718 = arith.index_cast %swap3A_717 : i32 to index
    %swap3A_719 = arith.constant 0 : index
    %swap3A_720 = tpu.vector_load %arg11[%swap3A_718, %swap3A_719] {strides = array<i32>} : memref<128x16xf32, #tpu.memory_space<vmem>>, vector<16xf32>,
    tpu.vector_store %arg11[%swap3A_718, %swap3A_719], %broadcast_in_dim3A_716 {strides = array<i32>} : memref<128x16xf32, #tpu.memory_space<vmem>>, vector<16xf32>,
    %broadcast_in_dim3A_721 = arith.constant 0.000000e+00 : f32
    %broadcast_in_dim3A_722 = vector.broadcast %broadcast_in_dim3A_721 : f32 to vector<16xf32>
    %swap3A_723 = arith.constant 120 : i32
    %swap3A_724 = arith.index_cast %swap3A_723 : i32 to index
    %swap3A_725 = arith.constant 0 : index
    %swap3A_726 = tpu.vector_load %arg11[%swap3A_724, %swap3A_725] {strides = array<i32>} : memref<128x16xf32, #tpu.memory_space<vmem>>, vector<16xf32>,
    tpu.vector_store %arg11[%swap3A_724, %swap3A_725], %broadcast_in_dim3A_722 {strides = array<i32>} : memref<128x16xf32, #tpu.memory_space<vmem>>, vector<16xf32>,
    %broadcast_in_dim3A_727 = arith.constant 0.000000e+00 : f32
    %broadcast_in_dim3A_728 = vector.broadcast %broadcast_in_dim3A_727 : f32 to vector<16xf32>
    %swap3A_729 = arith.constant 121 : i32
    %swap3A_730 = arith.index_cast %swap3A_729 : i32 to index
    %swap3A_731 = arith.constant 0 : index
    %swap3A_732 = tpu.vector_load %arg11[%swap3A_730, %swap3A_731] {strides = array<i32>} : memref<128x16xf32, #tpu.memory_space<vmem>>, vector<16xf32>,
    tpu.vector_store %arg11[%swap3A_730, %swap3A_731], %broadcast_in_dim3A_728 {strides = array<i32>} : memref<128x16xf32, #tpu.memory_space<vmem>>, vector<16xf32>,
    %broadcast_in_dim3A_733 = arith.constant 0.000000e+00 : f32
    %broadcast_in_dim3A_734 = vector.broadcast %broadcast_in_dim3A_733 : f32 to vector<16xf32>
    %swap3A_735 = arith.constant 122 : i32
    %swap3A_736 = arith.index_cast %swap3A_735 : i32 to index
    %swap3A_737 = arith.constant 0 : index
    %swap3A_738 = tpu.vector_load %arg11[%swap3A_736, %swap3A_737] {strides = array<i32>} : memref<128x16xf32, #tpu.memory_space<vmem>>, vector<16xf32>,
    tpu.vector_store %arg11[%swap3A_736, %swap3A_737], %broadcast_in_dim3A_734 {strides = array<i32>} : memref<128x16xf32, #tpu.memory_space<vmem>>, vector<16xf32>,
    %broadcast_in_dim3A_739 = arith.constant 0.000000e+00 : f32
    %broadcast_in_dim3A_740 = vector.broadcast %broadcast_in_dim3A_739 : f32 to vector<16xf32>
    %swap3A_741 = arith.constant 123 : i32
    %swap3A_742 = arith.index_cast %swap3A_741 : i32 to index
    %swap3A_743 = arith.constant 0 : index
    %swap3A_744 = tpu.vector_load %arg11[%swap3A_742, %swap3A_743] {strides = array<i32>} : memref<128x16xf32, #tpu.memory_space<vmem>>, vector<16xf32>,
    tpu.vector_store %arg11[%swap3A_742, %swap3A_743], %broadcast_in_dim3A_740 {strides = array<i32>} : memref<128x16xf32, #tpu.memory_space<vmem>>, vector<16xf32>,
    %broadcast_in_dim3A_745 = arith.constant 0.000000e+00 : f32
    %broadcast_in_dim3A_746 = vector.broadcast %broadcast_in_dim3A_745 : f32 to vector<16xf32>
    %swap3A_747 = arith.constant 124 : i32
    %swap3A_748 = arith.index_cast %swap3A_747 : i32 to index
    %swap3A_749 = arith.constant 0 : index
    %swap3A_750 = tpu.vector_load %arg11[%swap3A_748, %swap3A_749] {strides = array<i32>} : memref<128x16xf32, #tpu.memory_space<vmem>>, vector<16xf32>,
    tpu.vector_store %arg11[%swap3A_748, %swap3A_749], %broadcast_in_dim3A_746 {strides = array<i32>} : memref<128x16xf32, #tpu.memory_space<vmem>>, vector<16xf32>,
    %broadcast_in_dim3A_751 = arith.constant 0.000000e+00 : f32
    %broadcast_in_dim3A_752 = vector.broadcast %broadcast_in_dim3A_751 : f32 to vector<16xf32>
    %swap3A_753 = arith.constant 125 : i32
    %swap3A_754 = arith.index_cast %swap3A_753 : i32 to index
    %swap3A_755 = arith.constant 0 : index
    %swap3A_756 = tpu.vector_load %arg11[%swap3A_754, %swap3A_755] {strides = array<i32>} : memref<128x16xf32, #tpu.memory_space<vmem>>, vector<16xf32>,
    tpu.vector_store %arg11[%swap3A_754, %swap3A_755], %broadcast_in_dim3A_752 {strides = array<i32>} : memref<128x16xf32, #tpu.memory_space<vmem>>, vector<16xf32>,
    %broadcast_in_dim3A_757 = arith.constant 0.000000e+00 : f32
    %broadcast_in_dim3A_758 = vector.broadcast %broadcast_in_dim3A_757 : f32 to vector<16xf32>
    %swap3A_759 = arith.constant 126 : i32
    %swap3A_760 = arith.index_cast %swap3A_759 : i32 to index
    %swap3A_761 = arith.constant 0 : index
    %swap3A_762 = tpu.vector_load %arg11[%swap3A_760, %swap3A_761] {strides = array<i32>} : memref<128x16xf32, #tpu.memory_space<vmem>>, vector<16xf32>,
    tpu.vector_store %arg11[%swap3A_760, %swap3A_761], %broadcast_in_dim3A_758 {strides = array<i32>} : memref<128x16xf32, #tpu.memory_space<vmem>>, vector<16xf32>,
    %broadcast_in_dim3A_763 = arith.constant 0.000000e+00 : f32
    %broadcast_in_dim3A_764 = vector.broadcast %broadcast_in_dim3A_763 : f32 to vector<16xf32>
    %swap3A_765 = arith.constant 127 : i32
    %swap3A_766 = arith.index_cast %swap3A_765 : i32 to index
    %swap3A_767 = arith.constant 0 : index
    %swap3A_768 = tpu.vector_load %arg11[%swap3A_766, %swap3A_767] {strides = array<i32>} : memref<128x16xf32, #tpu.memory_space<vmem>>, vector<16xf32>,
    tpu.vector_store %arg11[%swap3A_766, %swap3A_767], %broadcast_in_dim3A_764 {strides = array<i32>} : memref<128x16xf32, #tpu.memory_space<vmem>>, vector<16xf32>,
    %add3A_769 = arith.constant 0 : i32
    %add3A_770 = arith.addi %mul3A_2, %add3A_769 : i32
    "tpu.region"() ({
      %run_scoped3A_949 = tpu.sem_alloc : memref<!tpu.dma_semaphore, #tpu.memory_space<semaphore_mem>>
      %dma_start3A_950 = arith.constant 0 : i32
      %dma_start3A_951 = tpu.memref_slice %arg15[%add3A_770, %dma_start3A_950] : memref<10240x16xf32, #tpu.memory_space<vmem_shared>> -> memref<128x16xf32, #tpu.memory_space<vmem_shared>>
      %dma_start3A_952 = arith.constant 0 : i32
      %dma_start3A_953 = tpu.memref_slice %arg15[%add3A_770, %dma_start3A_952] : memref<10240x16xf32, #tpu.memory_space<vmem_shared>> -> memref<128x16xf32, #tpu.memory_space<vmem_shared>>
      tpu.enqueue_dma source(%arg11 : memref<128x16xf32, #tpu.memory_space<vmem>>) target(%dma_start3A_953 : memref<128x16xf32, #tpu.memory_space<vmem_shared>>) target_semaphore(%run_scoped3A_949 : memref<!tpu.dma_semaphore, #tpu.memory_space<semaphore_mem>>)
      %dma_wait3A_954 = arith.constant 0 : i32
      %dma_wait3A_955 = tpu.memref_slice %arg15[%add3A_770, %dma_wait3A_954] : memref<10240x16xf32, #tpu.memory_space<vmem_shared>> -> memref<128x16xf32, #tpu.memory_space<vmem_shared>>
      %dma_wait3A_956 = arith.constant 0 : i32
      %dma_wait3A_957 = tpu.memref_slice %arg15[%add3A_770, %dma_wait3A_956] : memref<10240x16xf32, #tpu.memory_space<vmem_shared>> -> memref<128x16xf32, #tpu.memory_space<vmem_shared>>
      tpu.wait_dma2 semaphore(%run_scoped3A_949 : memref<!tpu.dma_semaphore, #tpu.memory_space<semaphore_mem>>) src(%arg11 : memref<128x16xf32, #tpu.memory_space<vmem>>) dst(%dma_wait3A_957 : memref<128x16xf32, #tpu.memory_space<vmem_shared>>)
      tpu.yield
    }) : () -> ()
    %add3A_771 = arith.constant 128 : i32
    %add3A_772 = arith.addi %mul3A_2, %add3A_771 : i32
    "tpu.region"() ({
      %run_scoped3A_949 = tpu.sem_alloc : memref<!tpu.dma_semaphore, #tpu.memory_space<semaphore_mem>>
      %dma_start3A_950 = arith.constant 0 : i32
      %dma_start3A_951 = tpu.memref_slice %arg15[%add3A_772, %dma_start3A_950] : memref<10240x16xf32, #tpu.memory_space<vmem_shared>> -> memref<128x16xf32, #tpu.memory_space<vmem_shared>>
      %dma_start3A_952 = arith.constant 0 : i32
      %dma_start3A_953 = tpu.memref_slice %arg15[%add3A_772, %dma_start3A_952] : memref<10240x16xf32, #tpu.memory_space<vmem_shared>> -> memref<128x16xf32, #tpu.memory_space<vmem_shared>>
      tpu.enqueue_dma source(%arg11 : memref<128x16xf32, #tpu.memory_space<vmem>>) target(%dma_start3A_953 : memref<128x16xf32, #tpu.memory_space<vmem_shared>>) target_semaphore(%run_scoped3A_949 : memref<!tpu.dma_semaphore, #tpu.memory_space<semaphore_mem>>)
      %dma_wait3A_954 = arith.constant 0 : i32
      %dma_wait3A_955 = tpu.memref_slice %arg15[%add3A_772, %dma_wait3A_954] : memref<10240x16xf32, #tpu.memory_space<vmem_shared>> -> memref<128x16xf32, #tpu.memory_space<vmem_shared>>
      %dma_wait3A_956 = arith.constant 0 : i32
      %dma_wait3A_957 = tpu.memref_slice %arg15[%add3A_772, %dma_wait3A_956] : memref<10240x16xf32, #tpu.memory_space<vmem_shared>> -> memref<128x16xf32, #tpu.memory_space<vmem_shared>>
      tpu.wait_dma2 semaphore(%run_scoped3A_949 : memref<!tpu.dma_semaphore, #tpu.memory_space<semaphore_mem>>) src(%arg11 : memref<128x16xf32, #tpu.memory_space<vmem>>) dst(%dma_wait3A_957 : memref<128x16xf32, #tpu.memory_space<vmem_shared>>)
      tpu.yield
    }) : () -> ()
    %add3A_773 = arith.constant 256 : i32
    %add3A_774 = arith.addi %mul3A_2, %add3A_773 : i32
    "tpu.region"() ({
      %run_scoped3A_949 = tpu.sem_alloc : memref<!tpu.dma_semaphore, #tpu.memory_space<semaphore_mem>>
      %dma_start3A_950 = arith.constant 0 : i32
      %dma_start3A_951 = tpu.memref_slice %arg15[%add3A_774, %dma_start3A_950] : memref<10240x16xf32, #tpu.memory_space<vmem_shared>> -> memref<128x16xf32, #tpu.memory_space<vmem_shared>>
      %dma_start3A_952 = arith.constant 0 : i32
      %dma_start3A_953 = tpu.memref_slice %arg15[%add3A_774, %dma_start3A_952] : memref<10240x16xf32, #tpu.memory_space<vmem_shared>> -> memref<128x16xf32, #tpu.memory_space<vmem_shared>>
      tpu.enqueue_dma source(%arg11 : memref<128x16xf32, #tpu.memory_space<vmem>>) target(%dma_start3A_953 : memref<128x16xf32, #tpu.memory_space<vmem_shared>>) target_semaphore(%run_scoped3A_949 : memref<!tpu.dma_semaphore, #tpu.memory_space<semaphore_mem>>)
      %dma_wait3A_954 = arith.constant 0 : i32
      %dma_wait3A_955 = tpu.memref_slice %arg15[%add3A_774, %dma_wait3A_954] : memref<10240x16xf32, #tpu.memory_space<vmem_shared>> -> memref<128x16xf32, #tpu.memory_space<vmem_shared>>
      %dma_wait3A_956 = arith.constant 0 : i32
      %dma_wait3A_957 = tpu.memref_slice %arg15[%add3A_774, %dma_wait3A_956] : memref<10240x16xf32, #tpu.memory_space<vmem_shared>> -> memref<128x16xf32, #tpu.memory_space<vmem_shared>>
      tpu.wait_dma2 semaphore(%run_scoped3A_949 : memref<!tpu.dma_semaphore, #tpu.memory_space<semaphore_mem>>) src(%arg11 : memref<128x16xf32, #tpu.memory_space<vmem>>) dst(%dma_wait3A_957 : memref<128x16xf32, #tpu.memory_space<vmem_shared>>)
      tpu.yield
    }) : () -> ()
    %add3A_775 = arith.constant 384 : i32
    %add3A_776 = arith.addi %mul3A_2, %add3A_775 : i32
    "tpu.region"() ({
      %run_scoped3A_949 = tpu.sem_alloc : memref<!tpu.dma_semaphore, #tpu.memory_space<semaphore_mem>>
      %dma_start3A_950 = arith.constant 0 : i32
      %dma_start3A_951 = tpu.memref_slice %arg15[%add3A_776, %dma_start3A_950] : memref<10240x16xf32, #tpu.memory_space<vmem_shared>> -> memref<128x16xf32, #tpu.memory_space<vmem_shared>>
      %dma_start3A_952 = arith.constant 0 : i32
      %dma_start3A_953 = tpu.memref_slice %arg15[%add3A_776, %dma_start3A_952] : memref<10240x16xf32, #tpu.memory_space<vmem_shared>> -> memref<128x16xf32, #tpu.memory_space<vmem_shared>>
      tpu.enqueue_dma source(%arg11 : memref<128x16xf32, #tpu.memory_space<vmem>>) target(%dma_start3A_953 : memref<128x16xf32, #tpu.memory_space<vmem_shared>>) target_semaphore(%run_scoped3A_949 : memref<!tpu.dma_semaphore, #tpu.memory_space<semaphore_mem>>)
      %dma_wait3A_954 = arith.constant 0 : i32
      %dma_wait3A_955 = tpu.memref_slice %arg15[%add3A_776, %dma_wait3A_954] : memref<10240x16xf32, #tpu.memory_space<vmem_shared>> -> memref<128x16xf32, #tpu.memory_space<vmem_shared>>
      %dma_wait3A_956 = arith.constant 0 : i32
      %dma_wait3A_957 = tpu.memref_slice %arg15[%add3A_776, %dma_wait3A_956] : memref<10240x16xf32, #tpu.memory_space<vmem_shared>> -> memref<128x16xf32, #tpu.memory_space<vmem_shared>>
      tpu.wait_dma2 semaphore(%run_scoped3A_949 : memref<!tpu.dma_semaphore, #tpu.memory_space<semaphore_mem>>) src(%arg11 : memref<128x16xf32, #tpu.memory_space<vmem>>) dst(%dma_wait3A_957 : memref<128x16xf32, #tpu.memory_space<vmem_shared>>)
      tpu.yield
    }) : () -> ()
    %add3A_777 = arith.constant 512 : i32
    %add3A_778 = arith.addi %mul3A_2, %add3A_777 : i32
    "tpu.region"() ({
      %run_scoped3A_949 = tpu.sem_alloc : memref<!tpu.dma_semaphore, #tpu.memory_space<semaphore_mem>>
      %dma_start3A_950 = arith.constant 0 : i32
      %dma_start3A_951 = tpu.memref_slice %arg15[%add3A_778, %dma_start3A_950] : memref<10240x16xf32, #tpu.memory_space<vmem_shared>> -> memref<128x16xf32, #tpu.memory_space<vmem_shared>>
      %dma_start3A_952 = arith.constant 0 : i32
      %dma_start3A_953 = tpu.memref_slice %arg15[%add3A_778, %dma_start3A_952] : memref<10240x16xf32, #tpu.memory_space<vmem_shared>> -> memref<128x16xf32, #tpu.memory_space<vmem_shared>>
      tpu.enqueue_dma source(%arg11 : memref<128x16xf32, #tpu.memory_space<vmem>>) target(%dma_start3A_953 : memref<128x16xf32, #tpu.memory_space<vmem_shared>>) target_semaphore(%run_scoped3A_949 : memref<!tpu.dma_semaphore, #tpu.memory_space<semaphore_mem>>)
      %dma_wait3A_954 = arith.constant 0 : i32
      %dma_wait3A_955 = tpu.memref_slice %arg15[%add3A_778, %dma_wait3A_954] : memref<10240x16xf32, #tpu.memory_space<vmem_shared>> -> memref<128x16xf32, #tpu.memory_space<vmem_shared>>
      %dma_wait3A_956 = arith.constant 0 : i32
      %dma_wait3A_957 = tpu.memref_slice %arg15[%add3A_778, %dma_wait3A_956] : memref<10240x16xf32, #tpu.memory_space<vmem_shared>> -> memref<128x16xf32, #tpu.memory_space<vmem_shared>>
      tpu.wait_dma2 semaphore(%run_scoped3A_949 : memref<!tpu.dma_semaphore, #tpu.memory_space<semaphore_mem>>) src(%arg11 : memref<128x16xf32, #tpu.memory_space<vmem>>) dst(%dma_wait3A_957 : memref<128x16xf32, #tpu.memory_space<vmem_shared>>)
      tpu.yield
    }) : () -> ()
    "tpu.region"() ({
      %run_scoped3A_949 = tpu.sem_alloc : memref<!tpu.dma_semaphore, #tpu.memory_space<semaphore_mem>>
      %dma_start3A_950 = arith.constant 0 : i32
      %dma_start3A_951 = tpu.memref_slice %arg17[%mul3A_2, %dma_start3A_950] : memref<10240x16xf32, #tpu.memory_space<vmem_shared>> -> memref<640x16xf32, #tpu.memory_space<vmem_shared>>
      %dma_start3A_952 = arith.constant 0 : i32
      %dma_start3A_953 = tpu.memref_slice %arg2[%mul3A_2, %dma_start3A_952] : memref<10240x16xf32, #tpu.memory_space<hbm>> -> memref<640x16xf32, #tpu.memory_space<hbm>>
      tpu.enqueue_dma source(%dma_start3A_953 : memref<640x16xf32, #tpu.memory_space<hbm>>) target(%dma_start3A_951 : memref<640x16xf32, #tpu.memory_space<vmem_shared>>) target_semaphore(%run_scoped3A_949 : memref<!tpu.dma_semaphore, #tpu.memory_space<semaphore_mem>>)
      %dma_wait3A_954 = arith.constant 0 : i32
      %dma_wait3A_955 = tpu.memref_slice %arg17[%mul3A_2, %dma_wait3A_954] : memref<10240x16xf32, #tpu.memory_space<vmem_shared>> -> memref<640x16xf32, #tpu.memory_space<vmem_shared>>
      %dma_wait3A_956 = arith.constant 0 : i32
      %dma_wait3A_957 = tpu.memref_slice %arg2[%mul3A_2, %dma_wait3A_956] : memref<10240x16xf32, #tpu.memory_space<hbm>> -> memref<640x16xf32, #tpu.memory_space<hbm>>
      tpu.wait_dma2 semaphore(%run_scoped3A_949 : memref<!tpu.dma_semaphore, #tpu.memory_space<semaphore_mem>>) src(%dma_wait3A_957 : memref<640x16xf32, #tpu.memory_space<hbm>>) dst(%dma_wait3A_955 : memref<640x16xf32, #tpu.memory_space<vmem_shared>>)
      tpu.yield
    }) : () -> ()
    %broadcast_in_dim3A_779 = arith.constant 1.000000e+00 : f32
    %broadcast_in_dim3A_780 = vector.broadcast %broadcast_in_dim3A_779 : f32 to vector<16xf32>
    %swap3A_781 = arith.constant 0 : i32
    %swap3A_782 = arith.index_cast %swap3A_781 : i32 to index
    %swap3A_783 = arith.constant 0 : index
    %swap3A_784 = tpu.vector_load %arg10[%swap3A_782, %swap3A_783] {strides = array<i32>} : memref<2x128xf32, #tpu.memory_space<vmem>>, vector<16xf32>,
    tpu.vector_store %arg10[%swap3A_782, %swap3A_783], %broadcast_in_dim3A_780 {strides = array<i32>} : memref<2x128xf32, #tpu.memory_space<vmem>>, vector<16xf32>,
    %broadcast_in_dim3A_785 = arith.constant 0.000000e+00 : f32
    %broadcast_in_dim3A_786 = vector.broadcast %broadcast_in_dim3A_785 : f32 to vector<16xf32>
    %swap3A_787 = arith.constant 1 : i32
    %swap3A_788 = arith.index_cast %swap3A_787 : i32 to index
    %swap3A_789 = arith.constant 0 : index
    %swap3A_790 = tpu.vector_load %arg10[%swap3A_788, %swap3A_789] {strides = array<i32>} : memref<2x128xf32, #tpu.memory_space<vmem>>, vector<16xf32>,
    tpu.vector_store %arg10[%swap3A_788, %swap3A_789], %broadcast_in_dim3A_786 {strides = array<i32>} : memref<2x128xf32, #tpu.memory_space<vmem>>, vector<16xf32>,
    %broadcast_in_dim3A_791 = arith.constant 1.000000e+00 : f32
    %broadcast_in_dim3A_792 = vector.broadcast %broadcast_in_dim3A_791 : f32 to vector<16xf32>
    %swap3A_793 = arith.constant 0 : i32
    %swap3A_794 = arith.index_cast %swap3A_793 : i32 to index
    %swap3A_795 = arith.constant 16 : index
    %swap3A_796 = tpu.vector_load %arg10[%swap3A_794, %swap3A_795] {strides = array<i32>} : memref<2x128xf32, #tpu.memory_space<vmem>>, vector<16xf32>,
    tpu.vector_store %arg10[%swap3A_794, %swap3A_795], %broadcast_in_dim3A_792 {strides = array<i32>} : memref<2x128xf32, #tpu.memory_space<vmem>>, vector<16xf32>,
    %broadcast_in_dim3A_797 = arith.constant 0.000000e+00 : f32
    %broadcast_in_dim3A_798 = vector.broadcast %broadcast_in_dim3A_797 : f32 to vector<16xf32>
    %swap3A_799 = arith.constant 1 : i32
    %swap3A_800 = arith.index_cast %swap3A_799 : i32 to index
    %swap3A_801 = arith.constant 16 : index
    %swap3A_802 = tpu.vector_load %arg10[%swap3A_800, %swap3A_801] {strides = array<i32>} : memref<2x128xf32, #tpu.memory_space<vmem>>, vector<16xf32>,
    tpu.vector_store %arg10[%swap3A_800, %swap3A_801], %broadcast_in_dim3A_798 {strides = array<i32>} : memref<2x128xf32, #tpu.memory_space<vmem>>, vector<16xf32>,
    %broadcast_in_dim3A_803 = arith.constant 1.000000e+00 : f32
    %broadcast_in_dim3A_804 = vector.broadcast %broadcast_in_dim3A_803 : f32 to vector<16xf32>
    %swap3A_805 = arith.constant 0 : i32
    %swap3A_806 = arith.index_cast %swap3A_805 : i32 to index
    %swap3A_807 = arith.constant 32 : index
    %swap3A_808 = tpu.vector_load %arg10[%swap3A_806, %swap3A_807] {strides = array<i32>} : memref<2x128xf32, #tpu.memory_space<vmem>>, vector<16xf32>,
    tpu.vector_store %arg10[%swap3A_806, %swap3A_807], %broadcast_in_dim3A_804 {strides = array<i32>} : memref<2x128xf32, #tpu.memory_space<vmem>>, vector<16xf32>,
    %broadcast_in_dim3A_809 = arith.constant 0.000000e+00 : f32
    %broadcast_in_dim3A_810 = vector.broadcast %broadcast_in_dim3A_809 : f32 to vector<16xf32>
    %swap3A_811 = arith.constant 1 : i32
    %swap3A_812 = arith.index_cast %swap3A_811 : i32 to index
    %swap3A_813 = arith.constant 32 : index
    %swap3A_814 = tpu.vector_load %arg10[%swap3A_812, %swap3A_813] {strides = array<i32>} : memref<2x128xf32, #tpu.memory_space<vmem>>, vector<16xf32>,
    tpu.vector_store %arg10[%swap3A_812, %swap3A_813], %broadcast_in_dim3A_810 {strides = array<i32>} : memref<2x128xf32, #tpu.memory_space<vmem>>, vector<16xf32>,
    %broadcast_in_dim3A_815 = arith.constant 1.000000e+00 : f32
    %broadcast_in_dim3A_816 = vector.broadcast %broadcast_in_dim3A_815 : f32 to vector<16xf32>
    %swap3A_817 = arith.constant 0 : i32
    %swap3A_818 = arith.index_cast %swap3A_817 : i32 to index
    %swap3A_819 = arith.constant 48 : index
    %swap3A_820 = tpu.vector_load %arg10[%swap3A_818, %swap3A_819] {strides = array<i32>} : memref<2x128xf32, #tpu.memory_space<vmem>>, vector<16xf32>,
    tpu.vector_store %arg10[%swap3A_818, %swap3A_819], %broadcast_in_dim3A_816 {strides = array<i32>} : memref<2x128xf32, #tpu.memory_space<vmem>>, vector<16xf32>,
    %broadcast_in_dim3A_821 = arith.constant 0.000000e+00 : f32
    %broadcast_in_dim3A_822 = vector.broadcast %broadcast_in_dim3A_821 : f32 to vector<16xf32>
    %swap3A_823 = arith.constant 1 : i32
    %swap3A_824 = arith.index_cast %swap3A_823 : i32 to index
    %swap3A_825 = arith.constant 48 : index
    %swap3A_826 = tpu.vector_load %arg10[%swap3A_824, %swap3A_825] {strides = array<i32>} : memref<2x128xf32, #tpu.memory_space<vmem>>, vector<16xf32>,
    tpu.vector_store %arg10[%swap3A_824, %swap3A_825], %broadcast_in_dim3A_822 {strides = array<i32>} : memref<2x128xf32, #tpu.memory_space<vmem>>, vector<16xf32>,
    %broadcast_in_dim3A_827 = arith.constant 1.000000e+00 : f32
    %broadcast_in_dim3A_828 = vector.broadcast %broadcast_in_dim3A_827 : f32 to vector<16xf32>
    %swap3A_829 = arith.constant 0 : i32
    %swap3A_830 = arith.index_cast %swap3A_829 : i32 to index
    %swap3A_831 = arith.constant 64 : index
    %swap3A_832 = tpu.vector_load %arg10[%swap3A_830, %swap3A_831] {strides = array<i32>} : memref<2x128xf32, #tpu.memory_space<vmem>>, vector<16xf32>,
    tpu.vector_store %arg10[%swap3A_830, %swap3A_831], %broadcast_in_dim3A_828 {strides = array<i32>} : memref<2x128xf32, #tpu.memory_space<vmem>>, vector<16xf32>,
    %broadcast_in_dim3A_833 = arith.constant 0.000000e+00 : f32
    %broadcast_in_dim3A_834 = vector.broadcast %broadcast_in_dim3A_833 : f32 to vector<16xf32>
    %swap3A_835 = arith.constant 1 : i32
    %swap3A_836 = arith.index_cast %swap3A_835 : i32 to index
    %swap3A_837 = arith.constant 64 : index
    %swap3A_838 = tpu.vector_load %arg10[%swap3A_836, %swap3A_837] {strides = array<i32>} : memref<2x128xf32, #tpu.memory_space<vmem>>, vector<16xf32>,
    tpu.vector_store %arg10[%swap3A_836, %swap3A_837], %broadcast_in_dim3A_834 {strides = array<i32>} : memref<2x128xf32, #tpu.memory_space<vmem>>, vector<16xf32>,
    %broadcast_in_dim3A_839 = arith.constant 1.000000e+00 : f32
    %broadcast_in_dim3A_840 = vector.broadcast %broadcast_in_dim3A_839 : f32 to vector<16xf32>
    %swap3A_841 = arith.constant 0 : i32
    %swap3A_842 = arith.index_cast %swap3A_841 : i32 to index
    %swap3A_843 = arith.constant 80 : index
    %swap3A_844 = tpu.vector_load %arg10[%swap3A_842, %swap3A_843] {strides = array<i32>} : memref<2x128xf32, #tpu.memory_space<vmem>>, vector<16xf32>,
    tpu.vector_store %arg10[%swap3A_842, %swap3A_843], %broadcast_in_dim3A_840 {strides = array<i32>} : memref<2x128xf32, #tpu.memory_space<vmem>>, vector<16xf32>,
    %broadcast_in_dim3A_845 = arith.constant 0.000000e+00 : f32
    %broadcast_in_dim3A_846 = vector.broadcast %broadcast_in_dim3A_845 : f32 to vector<16xf32>
    %swap3A_847 = arith.constant 1 : i32
    %swap3A_848 = arith.index_cast %swap3A_847 : i32 to index
    %swap3A_849 = arith.constant 80 : index
    %swap3A_850 = tpu.vector_load %arg10[%swap3A_848, %swap3A_849] {strides = array<i32>} : memref<2x128xf32, #tpu.memory_space<vmem>>, vector<16xf32>,
    tpu.vector_store %arg10[%swap3A_848, %swap3A_849], %broadcast_in_dim3A_846 {strides = array<i32>} : memref<2x128xf32, #tpu.memory_space<vmem>>, vector<16xf32>,
    %broadcast_in_dim3A_851 = arith.constant 1.000000e+00 : f32
    %broadcast_in_dim3A_852 = vector.broadcast %broadcast_in_dim3A_851 : f32 to vector<16xf32>
    %swap3A_853 = arith.constant 0 : i32
    %swap3A_854 = arith.index_cast %swap3A_853 : i32 to index
    %swap3A_855 = arith.constant 96 : index
    %swap3A_856 = tpu.vector_load %arg10[%swap3A_854, %swap3A_855] {strides = array<i32>} : memref<2x128xf32, #tpu.memory_space<vmem>>, vector<16xf32>,
    tpu.vector_store %arg10[%swap3A_854, %swap3A_855], %broadcast_in_dim3A_852 {strides = array<i32>} : memref<2x128xf32, #tpu.memory_space<vmem>>, vector<16xf32>,
    %broadcast_in_dim3A_857 = arith.constant 0.000000e+00 : f32
    %broadcast_in_dim3A_858 = vector.broadcast %broadcast_in_dim3A_857 : f32 to vector<16xf32>
    %swap3A_859 = arith.constant 1 : i32
    %swap3A_860 = arith.index_cast %swap3A_859 : i32 to index
    %swap3A_861 = arith.constant 96 : index
    %swap3A_862 = tpu.vector_load %arg10[%swap3A_860, %swap3A_861] {strides = array<i32>} : memref<2x128xf32, #tpu.memory_space<vmem>>, vector<16xf32>,
    tpu.vector_store %arg10[%swap3A_860, %swap3A_861], %broadcast_in_dim3A_858 {strides = array<i32>} : memref<2x128xf32, #tpu.memory_space<vmem>>, vector<16xf32>,
    %broadcast_in_dim3A_863 = arith.constant 1.000000e+00 : f32
    %broadcast_in_dim3A_864 = vector.broadcast %broadcast_in_dim3A_863 : f32 to vector<16xf32>
    %swap3A_865 = arith.constant 0 : i32
    %swap3A_866 = arith.index_cast %swap3A_865 : i32 to index
    %swap3A_867 = arith.constant 112 : index
    %swap3A_868 = tpu.vector_load %arg10[%swap3A_866, %swap3A_867] {strides = array<i32>} : memref<2x128xf32, #tpu.memory_space<vmem>>, vector<16xf32>,
    tpu.vector_store %arg10[%swap3A_866, %swap3A_867], %broadcast_in_dim3A_864 {strides = array<i32>} : memref<2x128xf32, #tpu.memory_space<vmem>>, vector<16xf32>,
    %broadcast_in_dim3A_869 = arith.constant 0.000000e+00 : f32
    %broadcast_in_dim3A_870 = vector.broadcast %broadcast_in_dim3A_869 : f32 to vector<16xf32>
    %swap3A_871 = arith.constant 1 : i32
    %swap3A_872 = arith.index_cast %swap3A_871 : i32 to index
    %swap3A_873 = arith.constant 112 : index
    %swap3A_874 = tpu.vector_load %arg10[%swap3A_872, %swap3A_873] {strides = array<i32>} : memref<2x128xf32, #tpu.memory_space<vmem>>, vector<16xf32>,
    tpu.vector_store %arg10[%swap3A_872, %swap3A_873], %broadcast_in_dim3A_870 {strides = array<i32>} : memref<2x128xf32, #tpu.memory_space<vmem>>, vector<16xf32>,
    %add3A_875 = arith.constant 0 : i32
    %add3A_876 = arith.addi %mul3A_2, %add3A_875 : i32
    %run_scoped3A = arith.constant 1 : i32
    "tpu.region"() ({
      %run_scoped3A_949 = tpu.sem_alloc : memref<!tpu.dma_semaphore, #tpu.memory_space<semaphore_mem>>
      %dma_start3A_950 = arith.constant 0 : i32
      %dma_start3A_951 = tpu.memref_slice %arg10[%run_scoped3A, %dma_start3A_950] : memref<2x128xf32, #tpu.memory_space<vmem>> -> memref<1x128xf32, #tpu.memory_space<vmem>>
      %dma_start3A_952 = tpu.memref_squeeze %dma_start3A_951 : memref<1x128xf32, #tpu.memory_space<vmem>> -> memref<128xf32, #tpu.memory_space<vmem>>
      %dma_start3A_953 = tpu.memref_slice %arg16[%add3A_876] : memref<10240xf32, #tpu.memory_space<vmem_shared>> -> memref<128xf32, #tpu.memory_space<vmem_shared>>
      %dma_start3A_954 = tpu.memref_slice %arg16[%add3A_876] : memref<10240xf32, #tpu.memory_space<vmem_shared>> -> memref<128xf32, #tpu.memory_space<vmem_shared>>
      %dma_start3A_955 = arith.constant 0 : i32
      %dma_start3A_956 = tpu.memref_slice %arg10[%run_scoped3A, %dma_start3A_955] : memref<2x128xf32, #tpu.memory_space<vmem>> -> memref<1x128xf32, #tpu.memory_space<vmem>>
      %dma_start3A_957 = tpu.memref_squeeze %dma_start3A_956 : memref<1x128xf32, #tpu.memory_space<vmem>> -> memref<128xf32, #tpu.memory_space<vmem>>
      tpu.enqueue_dma source(%dma_start3A_957 : memref<128xf32, #tpu.memory_space<vmem>>) target(%dma_start3A_954 : memref<128xf32, #tpu.memory_space<vmem_shared>>) target_semaphore(%run_scoped3A_949 : memref<!tpu.dma_semaphore, #tpu.memory_space<semaphore_mem>>)
      %dma_wait3A_958 = arith.constant 0 : i32
      %dma_wait3A_959 = tpu.memref_slice %arg10[%run_scoped3A, %dma_wait3A_958] : memref<2x128xf32, #tpu.memory_space<vmem>> -> memref<1x128xf32, #tpu.memory_space<vmem>>
      %dma_wait3A_960 = tpu.memref_squeeze %dma_wait3A_959 : memref<1x128xf32, #tpu.memory_space<vmem>> -> memref<128xf32, #tpu.memory_space<vmem>>
      %dma_wait3A_961 = tpu.memref_slice %arg16[%add3A_876] : memref<10240xf32, #tpu.memory_space<vmem_shared>> -> memref<128xf32, #tpu.memory_space<vmem_shared>>
      %dma_wait3A_962 = tpu.memref_slice %arg16[%add3A_876] : memref<10240xf32, #tpu.memory_space<vmem_shared>> -> memref<128xf32, #tpu.memory_space<vmem_shared>>
      %dma_wait3A_963 = arith.constant 0 : i32
      %dma_wait3A_964 = tpu.memref_slice %arg10[%run_scoped3A, %dma_wait3A_963] : memref<2x128xf32, #tpu.memory_space<vmem>> -> memref<1x128xf32, #tpu.memory_space<vmem>>
      %dma_wait3A_965 = tpu.memref_squeeze %dma_wait3A_964 : memref<1x128xf32, #tpu.memory_space<vmem>> -> memref<128xf32, #tpu.memory_space<vmem>>
      tpu.wait_dma2 semaphore(%run_scoped3A_949 : memref<!tpu.dma_semaphore, #tpu.memory_space<semaphore_mem>>) src(%dma_wait3A_965 : memref<128xf32, #tpu.memory_space<vmem>>) dst(%dma_wait3A_962 : memref<128xf32, #tpu.memory_space<vmem_shared>>)
      tpu.yield
    }) : () -> ()
    %add3A_877 = arith.constant 128 : i32
    %add3A_878 = arith.addi %mul3A_2, %add3A_877 : i32
    %run_scoped3A_879 = arith.constant 1 : i32
    "tpu.region"() ({
      %run_scoped3A_949 = tpu.sem_alloc : memref<!tpu.dma_semaphore, #tpu.memory_space<semaphore_mem>>
      %dma_start3A_950 = arith.constant 0 : i32
      %dma_start3A_951 = tpu.memref_slice %arg10[%run_scoped3A_879, %dma_start3A_950] : memref<2x128xf32, #tpu.memory_space<vmem>> -> memref<1x128xf32, #tpu.memory_space<vmem>>
      %dma_start3A_952 = tpu.memref_squeeze %dma_start3A_951 : memref<1x128xf32, #tpu.memory_space<vmem>> -> memref<128xf32, #tpu.memory_space<vmem>>
      %dma_start3A_953 = tpu.memref_slice %arg16[%add3A_878] : memref<10240xf32, #tpu.memory_space<vmem_shared>> -> memref<128xf32, #tpu.memory_space<vmem_shared>>
      %dma_start3A_954 = tpu.memref_slice %arg16[%add3A_878] : memref<10240xf32, #tpu.memory_space<vmem_shared>> -> memref<128xf32, #tpu.memory_space<vmem_shared>>
      %dma_start3A_955 = arith.constant 0 : i32
      %dma_start3A_956 = tpu.memref_slice %arg10[%run_scoped3A_879, %dma_start3A_955] : memref<2x128xf32, #tpu.memory_space<vmem>> -> memref<1x128xf32, #tpu.memory_space<vmem>>
      %dma_start3A_957 = tpu.memref_squeeze %dma_start3A_956 : memref<1x128xf32, #tpu.memory_space<vmem>> -> memref<128xf32, #tpu.memory_space<vmem>>
      tpu.enqueue_dma source(%dma_start3A_957 : memref<128xf32, #tpu.memory_space<vmem>>) target(%dma_start3A_954 : memref<128xf32, #tpu.memory_space<vmem_shared>>) target_semaphore(%run_scoped3A_949 : memref<!tpu.dma_semaphore, #tpu.memory_space<semaphore_mem>>)
      %dma_wait3A_958 = arith.constant 0 : i32
      %dma_wait3A_959 = tpu.memref_slice %arg10[%run_scoped3A_879, %dma_wait3A_958] : memref<2x128xf32, #tpu.memory_space<vmem>> -> memref<1x128xf32, #tpu.memory_space<vmem>>
      %dma_wait3A_960 = tpu.memref_squeeze %dma_wait3A_959 : memref<1x128xf32, #tpu.memory_space<vmem>> -> memref<128xf32, #tpu.memory_space<vmem>>
      %dma_wait3A_961 = tpu.memref_slice %arg16[%add3A_878] : memref<10240xf32, #tpu.memory_space<vmem_shared>> -> memref<128xf32, #tpu.memory_space<vmem_shared>>
      %dma_wait3A_962 = tpu.memref_slice %arg16[%add3A_878] : memref<10240xf32, #tpu.memory_space<vmem_shared>> -> memref<128xf32, #tpu.memory_space<vmem_shared>>
      %dma_wait3A_963 = arith.constant 0 : i32
      %dma_wait3A_964 = tpu.memref_slice %arg10[%run_scoped3A_879, %dma_wait3A_963] : memref<2x128xf32, #tpu.memory_space<vmem>> -> memref<1x128xf32, #tpu.memory_space<vmem>>
      %dma_wait3A_965 = tpu.memref_squeeze %dma_wait3A_964 : memref<1x128xf32, #tpu.memory_space<vmem>> -> memref<128xf32, #tpu.memory_space<vmem>>
      tpu.wait_dma2 semaphore(%run_scoped3A_949 : memref<!tpu.dma_semaphore, #tpu.memory_space<semaphore_mem>>) src(%dma_wait3A_965 : memref<128xf32, #tpu.memory_space<vmem>>) dst(%dma_wait3A_962 : memref<128xf32, #tpu.memory_space<vmem_shared>>)
      tpu.yield
    }) : () -> ()
    %add3A_880 = arith.constant 256 : i32
    %add3A_881 = arith.addi %mul3A_2, %add3A_880 : i32
    %run_scoped3A_882 = arith.constant 1 : i32
    "tpu.region"() ({
      %run_scoped3A_949 = tpu.sem_alloc : memref<!tpu.dma_semaphore, #tpu.memory_space<semaphore_mem>>
      %dma_start3A_950 = arith.constant 0 : i32
      %dma_start3A_951 = tpu.memref_slice %arg10[%run_scoped3A_882, %dma_start3A_950] : memref<2x128xf32, #tpu.memory_space<vmem>> -> memref<1x128xf32, #tpu.memory_space<vmem>>
      %dma_start3A_952 = tpu.memref_squeeze %dma_start3A_951 : memref<1x128xf32, #tpu.memory_space<vmem>> -> memref<128xf32, #tpu.memory_space<vmem>>
      %dma_start3A_953 = tpu.memref_slice %arg16[%add3A_881] : memref<10240xf32, #tpu.memory_space<vmem_shared>> -> memref<128xf32, #tpu.memory_space<vmem_shared>>
      %dma_start3A_954 = tpu.memref_slice %arg16[%add3A_881] : memref<10240xf32, #tpu.memory_space<vmem_shared>> -> memref<128xf32, #tpu.memory_space<vmem_shared>>
      %dma_start3A_955 = arith.constant 0 : i32
      %dma_start3A_956 = tpu.memref_slice %arg10[%run_scoped3A_882, %dma_start3A_955] : memref<2x128xf32, #tpu.memory_space<vmem>> -> memref<1x128xf32, #tpu.memory_space<vmem>>
      %dma_start3A_957 = tpu.memref_squeeze %dma_start3A_956 : memref<1x128xf32, #tpu.memory_space<vmem>> -> memref<128xf32, #tpu.memory_space<vmem>>
      tpu.enqueue_dma source(%dma_start3A_957 : memref<128xf32, #tpu.memory_space<vmem>>) target(%dma_start3A_954 : memref<128xf32, #tpu.memory_space<vmem_shared>>) target_semaphore(%run_scoped3A_949 : memref<!tpu.dma_semaphore, #tpu.memory_space<semaphore_mem>>)
      %dma_wait3A_958 = arith.constant 0 : i32
      %dma_wait3A_959 = tpu.memref_slice %arg10[%run_scoped3A_882, %dma_wait3A_958] : memref<2x128xf32, #tpu.memory_space<vmem>> -> memref<1x128xf32, #tpu.memory_space<vmem>>
      %dma_wait3A_960 = tpu.memref_squeeze %dma_wait3A_959 : memref<1x128xf32, #tpu.memory_space<vmem>> -> memref<128xf32, #tpu.memory_space<vmem>>
      %dma_wait3A_961 = tpu.memref_slice %arg16[%add3A_881] : memref<10240xf32, #tpu.memory_space<vmem_shared>> -> memref<128xf32, #tpu.memory_space<vmem_shared>>
      %dma_wait3A_962 = tpu.memref_slice %arg16[%add3A_881] : memref<10240xf32, #tpu.memory_space<vmem_shared>> -> memref<128xf32, #tpu.memory_space<vmem_shared>>
      %dma_wait3A_963 = arith.constant 0 : i32
      %dma_wait3A_964 = tpu.memref_slice %arg10[%run_scoped3A_882, %dma_wait3A_963] : memref<2x128xf32, #tpu.memory_space<vmem>> -> memref<1x128xf32, #tpu.memory_space<vmem>>
      %dma_wait3A_965 = tpu.memref_squeeze %dma_wait3A_964 : memref<1x128xf32, #tpu.memory_space<vmem>> -> memref<128xf32, #tpu.memory_space<vmem>>
      tpu.wait_dma2 semaphore(%run_scoped3A_949 : memref<!tpu.dma_semaphore, #tpu.memory_space<semaphore_mem>>) src(%dma_wait3A_965 : memref<128xf32, #tpu.memory_space<vmem>>) dst(%dma_wait3A_962 : memref<128xf32, #tpu.memory_space<vmem_shared>>)
      tpu.yield
    }) : () -> ()
    %add3A_883 = arith.constant 384 : i32
    %add3A_884 = arith.addi %mul3A_2, %add3A_883 : i32
    %run_scoped3A_885 = arith.constant 1 : i32
    "tpu.region"() ({
      %run_scoped3A_949 = tpu.sem_alloc : memref<!tpu.dma_semaphore, #tpu.memory_space<semaphore_mem>>
      %dma_start3A_950 = arith.constant 0 : i32
      %dma_start3A_951 = tpu.memref_slice %arg10[%run_scoped3A_885, %dma_start3A_950] : memref<2x128xf32, #tpu.memory_space<vmem>> -> memref<1x128xf32, #tpu.memory_space<vmem>>
      %dma_start3A_952 = tpu.memref_squeeze %dma_start3A_951 : memref<1x128xf32, #tpu.memory_space<vmem>> -> memref<128xf32, #tpu.memory_space<vmem>>
      %dma_start3A_953 = tpu.memref_slice %arg16[%add3A_884] : memref<10240xf32, #tpu.memory_space<vmem_shared>> -> memref<128xf32, #tpu.memory_space<vmem_shared>>
      %dma_start3A_954 = tpu.memref_slice %arg16[%add3A_884] : memref<10240xf32, #tpu.memory_space<vmem_shared>> -> memref<128xf32, #tpu.memory_space<vmem_shared>>
      %dma_start3A_955 = arith.constant 0 : i32
      %dma_start3A_956 = tpu.memref_slice %arg10[%run_scoped3A_885, %dma_start3A_955] : memref<2x128xf32, #tpu.memory_space<vmem>> -> memref<1x128xf32, #tpu.memory_space<vmem>>
      %dma_start3A_957 = tpu.memref_squeeze %dma_start3A_956 : memref<1x128xf32, #tpu.memory_space<vmem>> -> memref<128xf32, #tpu.memory_space<vmem>>
      tpu.enqueue_dma source(%dma_start3A_957 : memref<128xf32, #tpu.memory_space<vmem>>) target(%dma_start3A_954 : memref<128xf32, #tpu.memory_space<vmem_shared>>) target_semaphore(%run_scoped3A_949 : memref<!tpu.dma_semaphore, #tpu.memory_space<semaphore_mem>>)
      %dma_wait3A_958 = arith.constant 0 : i32
      %dma_wait3A_959 = tpu.memref_slice %arg10[%run_scoped3A_885, %dma_wait3A_958] : memref<2x128xf32, #tpu.memory_space<vmem>> -> memref<1x128xf32, #tpu.memory_space<vmem>>
      %dma_wait3A_960 = tpu.memref_squeeze %dma_wait3A_959 : memref<1x128xf32, #tpu.memory_space<vmem>> -> memref<128xf32, #tpu.memory_space<vmem>>
      %dma_wait3A_961 = tpu.memref_slice %arg16[%add3A_884] : memref<10240xf32, #tpu.memory_space<vmem_shared>> -> memref<128xf32, #tpu.memory_space<vmem_shared>>
      %dma_wait3A_962 = tpu.memref_slice %arg16[%add3A_884] : memref<10240xf32, #tpu.memory_space<vmem_shared>> -> memref<128xf32, #tpu.memory_space<vmem_shared>>
      %dma_wait3A_963 = arith.constant 0 : i32
      %dma_wait3A_964 = tpu.memref_slice %arg10[%run_scoped3A_885, %dma_wait3A_963] : memref<2x128xf32, #tpu.memory_space<vmem>> -> memref<1x128xf32, #tpu.memory_space<vmem>>
      %dma_wait3A_965 = tpu.memref_squeeze %dma_wait3A_964 : memref<1x128xf32, #tpu.memory_space<vmem>> -> memref<128xf32, #tpu.memory_space<vmem>>
      tpu.wait_dma2 semaphore(%run_scoped3A_949 : memref<!tpu.dma_semaphore, #tpu.memory_space<semaphore_mem>>) src(%dma_wait3A_965 : memref<128xf32, #tpu.memory_space<vmem>>) dst(%dma_wait3A_962 : memref<128xf32, #tpu.memory_space<vmem_shared>>)
      tpu.yield
    }) : () -> ()
    %add3A_886 = arith.constant 512 : i32
    %add3A_887 = arith.addi %mul3A_2, %add3A_886 : i32
    %run_scoped3A_888 = arith.constant 1 : i32
    "tpu.region"() ({
      %run_scoped3A_949 = tpu.sem_alloc : memref<!tpu.dma_semaphore, #tpu.memory_space<semaphore_mem>>
      %dma_start3A_950 = arith.constant 0 : i32
      %dma_start3A_951 = tpu.memref_slice %arg10[%run_scoped3A_888, %dma_start3A_950] : memref<2x128xf32, #tpu.memory_space<vmem>> -> memref<1x128xf32, #tpu.memory_space<vmem>>
      %dma_start3A_952 = tpu.memref_squeeze %dma_start3A_951 : memref<1x128xf32, #tpu.memory_space<vmem>> -> memref<128xf32, #tpu.memory_space<vmem>>
      %dma_start3A_953 = tpu.memref_slice %arg16[%add3A_887] : memref<10240xf32, #tpu.memory_space<vmem_shared>> -> memref<128xf32, #tpu.memory_space<vmem_shared>>
      %dma_start3A_954 = tpu.memref_slice %arg16[%add3A_887] : memref<10240xf32, #tpu.memory_space<vmem_shared>> -> memref<128xf32, #tpu.memory_space<vmem_shared>>
      %dma_start3A_955 = arith.constant 0 : i32
      %dma_start3A_956 = tpu.memref_slice %arg10[%run_scoped3A_888, %dma_start3A_955] : memref<2x128xf32, #tpu.memory_space<vmem>> -> memref<1x128xf32, #tpu.memory_space<vmem>>
      %dma_start3A_957 = tpu.memref_squeeze %dma_start3A_956 : memref<1x128xf32, #tpu.memory_space<vmem>> -> memref<128xf32, #tpu.memory_space<vmem>>
      tpu.enqueue_dma source(%dma_start3A_957 : memref<128xf32, #tpu.memory_space<vmem>>) target(%dma_start3A_954 : memref<128xf32, #tpu.memory_space<vmem_shared>>) target_semaphore(%run_scoped3A_949 : memref<!tpu.dma_semaphore, #tpu.memory_space<semaphore_mem>>)
      %dma_wait3A_958 = arith.constant 0 : i32
      %dma_wait3A_959 = tpu.memref_slice %arg10[%run_scoped3A_888, %dma_wait3A_958] : memref<2x128xf32, #tpu.memory_space<vmem>> -> memref<1x128xf32, #tpu.memory_space<vmem>>
      %dma_wait3A_960 = tpu.memref_squeeze %dma_wait3A_959 : memref<1x128xf32, #tpu.memory_space<vmem>> -> memref<128xf32, #tpu.memory_space<vmem>>
      %dma_wait3A_961 = tpu.memref_slice %arg16[%add3A_887] : memref<10240xf32, #tpu.memory_space<vmem_shared>> -> memref<128xf32, #tpu.memory_space<vmem_shared>>
      %dma_wait3A_962 = tpu.memref_slice %arg16[%add3A_887] : memref<10240xf32, #tpu.memory_space<vmem_shared>> -> memref<128xf32, #tpu.memory_space<vmem_shared>>
      %dma_wait3A_963 = arith.constant 0 : i32
      %dma_wait3A_964 = tpu.memref_slice %arg10[%run_scoped3A_888, %dma_wait3A_963] : memref<2x128xf32, #tpu.memory_space<vmem>> -> memref<1x128xf32, #tpu.memory_space<vmem>>
      %dma_wait3A_965 = tpu.memref_squeeze %dma_wait3A_964 : memref<1x128xf32, #tpu.memory_space<vmem>> -> memref<128xf32, #tpu.memory_space<vmem>>
      tpu.wait_dma2 semaphore(%run_scoped3A_949 : memref<!tpu.dma_semaphore, #tpu.memory_space<semaphore_mem>>) src(%dma_wait3A_965 : memref<128xf32, #tpu.memory_space<vmem>>) dst(%dma_wait3A_962 : memref<128xf32, #tpu.memory_space<vmem_shared>>)
      tpu.yield
    }) : () -> ()
    %mul3A_889 = arith.constant 80 : i32
    %mul3A_890 = arith.muli %add3A, %mul3A_889 : i32
    %run_scoped3A_891 = arith.constant 0 : i32
    "tpu.region"() ({
      %run_scoped3A_949 = tpu.sem_alloc : memref<!tpu.dma_semaphore, #tpu.memory_space<semaphore_mem>>
      %dma_start3A_950 = arith.constant 0 : i32
      %dma_start3A_951 = tpu.memref_slice %arg3[%run_scoped3A_891, %mul3A_890, %dma_start3A_950] : memref<2x2560x128xi32, #tpu.memory_space<hbm>> -> memref<1x80x128xi32, #tpu.memory_space<hbm>>
      %dma_start3A_952 = tpu.memref_squeeze %dma_start3A_951 : memref<1x80x128xi32, #tpu.memory_space<hbm>> -> memref<80x128xi32, #tpu.memory_space<hbm>>
      %dma_start3A_953 = arith.constant 0 : i32
      %dma_start3A_954 = tpu.memref_slice %arg3[%run_scoped3A_891, %mul3A_890, %dma_start3A_953] : memref<2x2560x128xi32, #tpu.memory_space<hbm>> -> memref<1x80x128xi32, #tpu.memory_space<hbm>>
      %dma_start3A_955 = tpu.memref_squeeze %dma_start3A_954 : memref<1x80x128xi32, #tpu.memory_space<hbm>> -> memref<80x128xi32, #tpu.memory_space<hbm>>
      tpu.enqueue_dma source(%dma_start3A_955 : memref<80x128xi32, #tpu.memory_space<hbm>>) target(%arg7 : memref<80x128xi32, #tpu.memory_space<vmem>>) target_semaphore(%run_scoped3A_949 : memref<!tpu.dma_semaphore, #tpu.memory_space<semaphore_mem>>)
      %dma_wait3A_956 = arith.constant 0 : i32
      %dma_wait3A_957 = tpu.memref_slice %arg3[%run_scoped3A_891, %mul3A_890, %dma_wait3A_956] : memref<2x2560x128xi32, #tpu.memory_space<hbm>> -> memref<1x80x128xi32, #tpu.memory_space<hbm>>
      %dma_wait3A_958 = tpu.memref_squeeze %dma_wait3A_957 : memref<1x80x128xi32, #tpu.memory_space<hbm>> -> memref<80x128xi32, #tpu.memory_space<hbm>>
      %dma_wait3A_959 = arith.constant 0 : i32
      %dma_wait3A_960 = tpu.memref_slice %arg3[%run_scoped3A_891, %mul3A_890, %dma_wait3A_959] : memref<2x2560x128xi32, #tpu.memory_space<hbm>> -> memref<1x80x128xi32, #tpu.memory_space<hbm>>
      %dma_wait3A_961 = tpu.memref_squeeze %dma_wait3A_960 : memref<1x80x128xi32, #tpu.memory_space<hbm>> -> memref<80x128xi32, #tpu.memory_space<hbm>>
      tpu.wait_dma2 semaphore(%run_scoped3A_949 : memref<!tpu.dma_semaphore, #tpu.memory_space<semaphore_mem>>) src(%dma_wait3A_961 : memref<80x128xi32, #tpu.memory_space<hbm>>) dst(%arg7 : memref<80x128xi32, #tpu.memory_space<vmem>>)
      tpu.yield
    }) : () -> ()
    %run_scoped3A_892 = arith.constant 1 : i32
    "tpu.region"() ({
      %run_scoped3A_949 = tpu.sem_alloc : memref<!tpu.dma_semaphore, #tpu.memory_space<semaphore_mem>>
      %dma_start3A_950 = arith.constant 0 : i32
      %dma_start3A_951 = tpu.memref_slice %arg3[%run_scoped3A_892, %mul3A_890, %dma_start3A_950] : memref<2x2560x128xi32, #tpu.memory_space<hbm>> -> memref<1x80x128xi32, #tpu.memory_space<hbm>>
      %dma_start3A_952 = tpu.memref_squeeze %dma_start3A_951 : memref<1x80x128xi32, #tpu.memory_space<hbm>> -> memref<80x128xi32, #tpu.memory_space<hbm>>
      %dma_start3A_953 = arith.constant 0 : i32
      %dma_start3A_954 = tpu.memref_slice %arg3[%run_scoped3A_892, %mul3A_890, %dma_start3A_953] : memref<2x2560x128xi32, #tpu.memory_space<hbm>> -> memref<1x80x128xi32, #tpu.memory_space<hbm>>
      %dma_start3A_955 = tpu.memref_squeeze %dma_start3A_954 : memref<1x80x128xi32, #tpu.memory_space<hbm>> -> memref<80x128xi32, #tpu.memory_space<hbm>>
      tpu.enqueue_dma source(%dma_start3A_955 : memref<80x128xi32, #tpu.memory_space<hbm>>) target(%arg8 : memref<80x128xi32, #tpu.memory_space<vmem>>) target_semaphore(%run_scoped3A_949 : memref<!tpu.dma_semaphore, #tpu.memory_space<semaphore_mem>>)
      %dma_wait3A_956 = arith.constant 0 : i32
      %dma_wait3A_957 = tpu.memref_slice %arg3[%run_scoped3A_892, %mul3A_890, %dma_wait3A_956] : memref<2x2560x128xi32, #tpu.memory_space<hbm>> -> memref<1x80x128xi32, #tpu.memory_space<hbm>>
      %dma_wait3A_958 = tpu.memref_squeeze %dma_wait3A_957 : memref<1x80x128xi32, #tpu.memory_space<hbm>> -> memref<80x128xi32, #tpu.memory_space<hbm>>
      %dma_wait3A_959 = arith.constant 0 : i32
      %dma_wait3A_960 = tpu.memref_slice %arg3[%run_scoped3A_892, %mul3A_890, %dma_wait3A_959] : memref<2x2560x128xi32, #tpu.memory_space<hbm>> -> memref<1x80x128xi32, #tpu.memory_space<hbm>>
      %dma_wait3A_961 = tpu.memref_squeeze %dma_wait3A_960 : memref<1x80x128xi32, #tpu.memory_space<hbm>> -> memref<80x128xi32, #tpu.memory_space<hbm>>
      tpu.wait_dma2 semaphore(%run_scoped3A_949 : memref<!tpu.dma_semaphore, #tpu.memory_space<semaphore_mem>>) src(%dma_wait3A_961 : memref<80x128xi32, #tpu.memory_space<hbm>>) dst(%arg8 : memref<80x128xi32, #tpu.memory_space<vmem>>)
      tpu.yield
    }) : () -> ()
    "tpu.region"() ({
      %run_scoped3A_949 = tpu.sem_alloc : memref<!tpu.dma_semaphore, #tpu.memory_space<semaphore_mem>>
      %dma_start3A_950 = arith.constant 0 : i32
      %dma_start3A_951 = tpu.memref_slice %arg4[%mul3A_890, %dma_start3A_950] : memref<2560x128xf32, #tpu.memory_space<hbm>> -> memref<80x128xf32, #tpu.memory_space<hbm>>
      %dma_start3A_952 = arith.constant 0 : i32
      %dma_start3A_953 = tpu.memref_slice %arg4[%mul3A_890, %dma_start3A_952] : memref<2560x128xf32, #tpu.memory_space<hbm>> -> memref<80x128xf32, #tpu.memory_space<hbm>>
      tpu.enqueue_dma source(%dma_start3A_953 : memref<80x128xf32, #tpu.memory_space<hbm>>) target(%arg9 : memref<80x128xf32, #tpu.memory_space<vmem>>) target_semaphore(%run_scoped3A_949 : memref<!tpu.dma_semaphore, #tpu.memory_space<semaphore_mem>>)
      %dma_wait3A_954 = arith.constant 0 : i32
      %dma_wait3A_955 = tpu.memref_slice %arg4[%mul3A_890, %dma_wait3A_954] : memref<2560x128xf32, #tpu.memory_space<hbm>> -> memref<80x128xf32, #tpu.memory_space<hbm>>
      %dma_wait3A_956 = arith.constant 0 : i32
      %dma_wait3A_957 = tpu.memref_slice %arg4[%mul3A_890, %dma_wait3A_956] : memref<2560x128xf32, #tpu.memory_space<hbm>> -> memref<80x128xf32, #tpu.memory_space<hbm>>
      tpu.wait_dma2 semaphore(%run_scoped3A_949 : memref<!tpu.dma_semaphore, #tpu.memory_space<semaphore_mem>>) src(%dma_wait3A_957 : memref<80x128xf32, #tpu.memory_space<hbm>>) dst(%arg9 : memref<80x128xf32, #tpu.memory_space<vmem>>)
      tpu.yield
    }) : () -> ()
    %barrier3A = arith.constant 0 : index
    tpu.barrier barrier_id(%barrier3A)
    %iota3A = tpu.iota {dimensions = array<i32: 0>} : vector<16xi32>
    %dma_start3A = arith.constant 0 : i32
    %dma_start3A_893 = arith.constant 0 : i32
    %dma_start3A_894 = tpu.memref_slice %arg7[%dma_start3A, %dma_start3A_893] : memref<80x128xi32, #tpu.memory_space<vmem>> -> memref<1x128xi32, #tpu.memory_space<vmem>>
    %dma_start3A_895 = tpu.memref_squeeze %dma_start3A_894 : memref<1x128xi32, #tpu.memory_space<vmem>> -> memref<128xi32, #tpu.memory_space<vmem>>
    %dma_start3A_896 = arith.constant 0 : i32
    %dma_start3A_897 = arith.constant 0 : i32
    %dma_start3A_898 = tpu.memref_slice %arg17[%dma_start3A_896, %dma_start3A_897] : memref<10240x16xf32, #tpu.memory_space<vmem_shared>> -> memref<10240x16xf32, #tpu.memory_space<vmem_shared>>
    tpu.enqueue_indirect_dma source(%dma_start3A_898 : memref<10240x16xf32, #tpu.memory_space<vmem_shared>>) target(%arg11 : memref<128x16xf32, #tpu.memory_space<vmem>>) offsets(%dma_start3A_895 : memref<128xi32, #tpu.memory_space<vmem>>) semaphore(%arg18 : memref<!tpu.dma_semaphore, #tpu.memory_space<semaphore_mem>>)
    %dma_start3A_899 = arith.constant 1 : i32
    %dma_start3A_900 = arith.constant 0 : i32
    %dma_start3A_901 = tpu.memref_slice %arg7[%dma_start3A_899, %dma_start3A_900] : memref<80x128xi32, #tpu.memory_space<vmem>> -> memref<1x128xi32, #tpu.memory_space<vmem>>
    %dma_start3A_902 = tpu.memref_squeeze %dma_start3A_901 : memref<1x128xi32, #tpu.memory_space<vmem>> -> memref<128xi32, #tpu.memory_space<vmem>>
    %dma_start3A_903 = arith.constant 0 : i32
    %dma_start3A_904 = arith.constant 0 : i32
    %dma_start3A_905 = tpu.memref_slice %arg17[%dma_start3A_903, %dma_start3A_904] : memref<10240x16xf32, #tpu.memory_space<vmem_shared>> -> memref<10240x16xf32, #tpu.memory_space<vmem_shared>>
    tpu.enqueue_indirect_dma source(%dma_start3A_905 : memref<10240x16xf32, #tpu.memory_space<vmem_shared>>) target(%arg12 : memref<128x16xf32, #tpu.memory_space<vmem>>) offsets(%dma_start3A_902 : memref<128xi32, #tpu.memory_space<vmem>>) semaphore(%arg19 : memref<!tpu.dma_semaphore, #tpu.memory_space<semaphore_mem>>)
    %scan3A = arith.constant 0 : i32
    %scan3A_906 = arith.constant 0 : i32
    %scan3A_907 = arith.constant 20 : i32
    %scan3A_908 = arith.addi %scan3A_906, %scan3A_907 : i32
    %scan3A_909 = arith.constant 1 : i32
    %scan3A_910 = scf.for %scan3A_949 = %scan3A_906 to %scan3A_908 step %scan3A_909 iter_args(%scan3A_950 = %scan3A) -> (i32)  : i32 {
      %mul3A_951 = arith.constant 4 : i32
      %mul3A_952 = arith.muli %mul3A_951, %scan3A_949 : i32
      %add3A_953 = arith.constant 0 : i32
      %add3A_954 = arith.addi %mul3A_952, %add3A_953 : i32
      %dma_wait3A_955 = arith.constant 0 : i32
      %dma_wait3A_956 = tpu.memref_slice %arg7[%add3A_954, %dma_wait3A_955] : memref<80x128xi32, #tpu.memory_space<vmem>> -> memref<1x128xi32, #tpu.memory_space<vmem>>
      %dma_wait3A_957 = tpu.memref_squeeze %dma_wait3A_956 : memref<1x128xi32, #tpu.memory_space<vmem>> -> memref<128xi32, #tpu.memory_space<vmem>>
      %dma_wait3A_958 = arith.constant 0 : i32
      %dma_wait3A_959 = arith.constant 0 : i32
      %dma_wait3A_960 = tpu.memref_slice %arg17[%dma_wait3A_958, %dma_wait3A_959] : memref<10240x16xf32, #tpu.memory_space<vmem_shared>> -> memref<10240x16xf32, #tpu.memory_space<vmem_shared>>
      tpu.wait_indirect_dma semaphore(%arg18 : memref<!tpu.dma_semaphore, #tpu.memory_space<semaphore_mem>>) src(%dma_wait3A_960 : memref<10240x16xf32, #tpu.memory_space<vmem_shared>>) dst(%arg11 : memref<128x16xf32, #tpu.memory_space<vmem>>)
      %gt3A = arith.constant 0 : i32
      %gt3A_961 = arith.cmpi sgt, %scan3A_949, %gt3A : i32
      %convert_element_type3A_962 = arith.extui %gt3A_961 : i1 to i32
      %cond3A_963 = arith.constant 0 : i32
      %cond3A_964 = arith.cmpi ne, %convert_element_type3A_962, %cond3A_963 : i32
      scf.if %cond3A_964 {
        %sub3A = arith.constant 2 : i32
        %sub3A_1105 = arith.subi %add3A_954, %sub3A : i32
        %dma_wait3A_1106 = arith.constant 0 : i32
        %dma_wait3A_1107 = tpu.memref_slice %arg8[%sub3A_1105, %dma_wait3A_1106] : memref<80x128xi32, #tpu.memory_space<vmem>> -> memref<1x128xi32, #tpu.memory_space<vmem>>
        %dma_wait3A_1108 = tpu.memref_squeeze %dma_wait3A_1107 : memref<1x128xi32, #tpu.memory_space<vmem>> -> memref<128xi32, #tpu.memory_space<vmem>>
        %dma_wait3A_1109 = arith.constant 0 : i32
        %dma_wait3A_1110 = arith.constant 0 : i32
        %dma_wait3A_1111 = tpu.memref_slice %arg15[%dma_wait3A_1109, %dma_wait3A_1110] : memref<10240x16xf32, #tpu.memory_space<vmem_shared>> -> memref<10240x16xf32, #tpu.memory_space<vmem_shared>>
        tpu.wait_indirect_dma semaphore(%arg24 : memref<!tpu.dma_semaphore, #tpu.memory_space<semaphore_mem>>) src(%arg13 : memref<128x16xf32, #tpu.memory_space<vmem>>) dst(%dma_wait3A_1111 : memref<10240x16xf32, #tpu.memory_space<vmem_shared>>)
      } else {
      }
      %add3A_965 = arith.constant 2 : i32
      %add3A_966 = arith.addi %add3A_954, %add3A_965 : i32
      %dma_start3A_967 = arith.constant 0 : i32
      %dma_start3A_968 = tpu.memref_slice %arg7[%add3A_966, %dma_start3A_967] : memref<80x128xi32, #tpu.memory_space<vmem>> -> memref<1x128xi32, #tpu.memory_space<vmem>>
      %dma_start3A_969 = tpu.memref_squeeze %dma_start3A_968 : memref<1x128xi32, #tpu.memory_space<vmem>> -> memref<128xi32, #tpu.memory_space<vmem>>
      %dma_start3A_970 = arith.constant 0 : i32
      %dma_start3A_971 = arith.constant 0 : i32
      %dma_start3A_972 = tpu.memref_slice %arg17[%dma_start3A_970, %dma_start3A_971] : memref<10240x16xf32, #tpu.memory_space<vmem_shared>> -> memref<10240x16xf32, #tpu.memory_space<vmem_shared>>
      tpu.enqueue_indirect_dma source(%dma_start3A_972 : memref<10240x16xf32, #tpu.memory_space<vmem_shared>>) target(%arg13 : memref<128x16xf32, #tpu.memory_space<vmem>>) offsets(%dma_start3A_969 : memref<128xi32, #tpu.memory_space<vmem>>) semaphore(%arg20 : memref<!tpu.dma_semaphore, #tpu.memory_space<semaphore_mem>>)
      %broadcast_in_dim3A_973 = vector.broadcast %add3A_954 : i32 to vector<16xi32>
      %parallel_loop3A = arith.constant 0 : i32
      %parallel_loop3A_974 = arith.constant 128 : i32
      %parallel_loop3A_975 = arith.constant 1 : i32
      scf.for %parallel_loop3A_1105 = %parallel_loop3A to %parallel_loop3A_974 step %parallel_loop3A_975  : i32 {
        %parallel_loop3A_1106 = vector.broadcast %parallel_loop3A_1105 : i32 to vector<16xi32>
        %parallel_loop3A_1107 = tpu.vector_load_idx %arg9[%broadcast_in_dim3A_973, %parallel_loop3A_1106] : memref<80x128xf32, #tpu.memory_space<vmem>>[vector<16xi32>, vector<16xi32>], vector<16xf32>,
        %parallel_loop3A_1108 = tpu.vector_load_idx %arg11[%parallel_loop3A_1106, %iota3A] : memref<128x16xf32, #tpu.memory_space<vmem>>[vector<16xi32>, vector<16xi32>], vector<16xf32>,
        %parallel_loop3A_1109 = arith.mulf %parallel_loop3A_1108, %parallel_loop3A_1107 : vector<16xf32>
        tpu.vector_store_idx %arg11[%parallel_loop3A_1106, %iota3A], %parallel_loop3A_1109 : memref<128x16xf32, #tpu.memory_space<vmem>>[vector<16xi32>, vector<16xi32>], vector<16xf32>,
      } {sc.loop_unroll_factor = 8 : i64, sc.parallel_access}
      %dma_start3A_976 = arith.constant 0 : i32
      %dma_start3A_977 = tpu.memref_slice %arg8[%add3A_954, %dma_start3A_976] : memref<80x128xi32, #tpu.memory_space<vmem>> -> memref<1x128xi32, #tpu.memory_space<vmem>>
      %dma_start3A_978 = tpu.memref_squeeze %dma_start3A_977 : memref<1x128xi32, #tpu.memory_space<vmem>> -> memref<128xi32, #tpu.memory_space<vmem>>
      %dma_start3A_979 = arith.constant 0 : i32
      %dma_start3A_980 = arith.constant 0 : i32
      %dma_start3A_981 = tpu.memref_slice %arg15[%dma_start3A_979, %dma_start3A_980] : memref<10240x16xf32, #tpu.memory_space<vmem_shared>> -> memref<10240x16xf32, #tpu.memory_space<vmem_shared>>
      tpu.enqueue_indirect_dma source(%arg11 : memref<128x16xf32, #tpu.memory_space<vmem>>) target(%dma_start3A_981 : memref<10240x16xf32, #tpu.memory_space<vmem_shared>>) offsets(%dma_start3A_978 : memref<128xi32, #tpu.memory_space<vmem>>) semaphore(%arg22 : memref<!tpu.dma_semaphore, #tpu.memory_space<semaphore_mem>>) {add = true}
      %dma_start3A_982 = arith.constant 0 : i32
      %dma_start3A_983 = arith.constant 0 : i32
      %dma_start3A_984 = tpu.memref_slice %arg10[%dma_start3A_982, %dma_start3A_983] : memref<2x128xf32, #tpu.memory_space<vmem>> -> memref<1x128xf32, #tpu.memory_space<vmem>>
      %dma_start3A_985 = tpu.memref_squeeze %dma_start3A_984 : memref<1x128xf32, #tpu.memory_space<vmem>> -> memref<128xf32, #tpu.memory_space<vmem>>
      %dma_start3A_986 = arith.constant 0 : i32
      %dma_start3A_987 = tpu.memref_slice %arg8[%add3A_954, %dma_start3A_986] : memref<80x128xi32, #tpu.memory_space<vmem>> -> memref<1x128xi32, #tpu.memory_space<vmem>>
      %dma_start3A_988 = tpu.memref_squeeze %dma_start3A_987 : memref<1x128xi32, #tpu.memory_space<vmem>> -> memref<128xi32, #tpu.memory_space<vmem>>
      %dma_start3A_989 = arith.constant 0 : i32
      %dma_start3A_990 = tpu.memref_slice %arg16[%dma_start3A_989] : memref<10240xf32, #tpu.memory_space<vmem_shared>> -> memref<10240xf32, #tpu.memory_space<vmem_shared>>
      tpu.enqueue_indirect_dma source(%dma_start3A_985 : memref<128xf32, #tpu.memory_space<vmem>>) target(%dma_start3A_990 : memref<10240xf32, #tpu.memory_space<vmem_shared>>) offsets(%dma_start3A_988 : memref<128xi32, #tpu.memory_space<vmem>>) semaphore(%arg26 : memref<!tpu.dma_semaphore, #tpu.memory_space<semaphore_mem>>) {add = true}
      %mul3A_991 = arith.constant 4 : i32
      %mul3A_992 = arith.muli %mul3A_991, %scan3A_949 : i32
      %add3A_993 = arith.constant 1 : i32
      %add3A_994 = arith.addi %mul3A_992, %add3A_993 : i32
      %dma_wait3A_995 = arith.constant 0 : i32
      %dma_wait3A_996 = tpu.memref_slice %arg7[%add3A_994, %dma_wait3A_995] : memref<80x128xi32, #tpu.memory_space<vmem>> -> memref<1x128xi32, #tpu.memory_space<vmem>>
      %dma_wait3A_997 = tpu.memref_squeeze %dma_wait3A_996 : memref<1x128xi32, #tpu.memory_space<vmem>> -> memref<128xi32, #tpu.memory_space<vmem>>
      %dma_wait3A_998 = arith.constant 0 : i32
      %dma_wait3A_999 = arith.constant 0 : i32
      %dma_wait3A_1000 = tpu.memref_slice %arg17[%dma_wait3A_998, %dma_wait3A_999] : memref<10240x16xf32, #tpu.memory_space<vmem_shared>> -> memref<10240x16xf32, #tpu.memory_space<vmem_shared>>
      tpu.wait_indirect_dma semaphore(%arg19 : memref<!tpu.dma_semaphore, #tpu.memory_space<semaphore_mem>>) src(%dma_wait3A_1000 : memref<10240x16xf32, #tpu.memory_space<vmem_shared>>) dst(%arg12 : memref<128x16xf32, #tpu.memory_space<vmem>>)
      %gt3A_1001 = arith.constant 0 : i32
      %gt3A_1002 = arith.cmpi sgt, %scan3A_949, %gt3A_1001 : i32
      %convert_element_type3A_1003 = arith.extui %gt3A_1002 : i1 to i32
      %cond3A_1004 = arith.constant 0 : i32
      %cond3A_1005 = arith.cmpi ne, %convert_element_type3A_1003, %cond3A_1004 : i32
      scf.if %cond3A_1005 {
        %sub3A = arith.constant 2 : i32
        %sub3A_1105 = arith.subi %add3A_994, %sub3A : i32
        %dma_wait3A_1106 = arith.constant 0 : i32
        %dma_wait3A_1107 = tpu.memref_slice %arg8[%sub3A_1105, %dma_wait3A_1106] : memref<80x128xi32, #tpu.memory_space<vmem>> -> memref<1x128xi32, #tpu.memory_space<vmem>>
        %dma_wait3A_1108 = tpu.memref_squeeze %dma_wait3A_1107 : memref<1x128xi32, #tpu.memory_space<vmem>> -> memref<128xi32, #tpu.memory_space<vmem>>
        %dma_wait3A_1109 = arith.constant 0 : i32
        %dma_wait3A_1110 = arith.constant 0 : i32
        %dma_wait3A_1111 = tpu.memref_slice %arg15[%dma_wait3A_1109, %dma_wait3A_1110] : memref<10240x16xf32, #tpu.memory_space<vmem_shared>> -> memref<10240x16xf32, #tpu.memory_space<vmem_shared>>
        tpu.wait_indirect_dma semaphore(%arg25 : memref<!tpu.dma_semaphore, #tpu.memory_space<semaphore_mem>>) src(%arg14 : memref<128x16xf32, #tpu.memory_space<vmem>>) dst(%dma_wait3A_1111 : memref<10240x16xf32, #tpu.memory_space<vmem_shared>>)
      } else {
      }
      %add3A_1006 = arith.constant 2 : i32
      %add3A_1007 = arith.addi %add3A_994, %add3A_1006 : i32
      %dma_start3A_1008 = arith.constant 0 : i32
      %dma_start3A_1009 = tpu.memref_slice %arg7[%add3A_1007, %dma_start3A_1008] : memref<80x128xi32, #tpu.memory_space<vmem>> -> memref<1x128xi32, #tpu.memory_space<vmem>>
      %dma_start3A_1010 = tpu.memref_squeeze %dma_start3A_1009 : memref<1x128xi32, #tpu.memory_space<vmem>> -> memref<128xi32, #tpu.memory_space<vmem>>
      %dma_start3A_1011 = arith.constant 0 : i32
      %dma_start3A_1012 = arith.constant 0 : i32
      %dma_start3A_1013 = tpu.memref_slice %arg17[%dma_start3A_1011, %dma_start3A_1012] : memref<10240x16xf32, #tpu.memory_space<vmem_shared>> -> memref<10240x16xf32, #tpu.memory_space<vmem_shared>>
      tpu.enqueue_indirect_dma source(%dma_start3A_1013 : memref<10240x16xf32, #tpu.memory_space<vmem_shared>>) target(%arg14 : memref<128x16xf32, #tpu.memory_space<vmem>>) offsets(%dma_start3A_1010 : memref<128xi32, #tpu.memory_space<vmem>>) semaphore(%arg21 : memref<!tpu.dma_semaphore, #tpu.memory_space<semaphore_mem>>)
      %broadcast_in_dim3A_1014 = vector.broadcast %add3A_994 : i32 to vector<16xi32>
      %parallel_loop3A_1015 = arith.constant 0 : i32
      %parallel_loop3A_1016 = arith.constant 128 : i32
      %parallel_loop3A_1017 = arith.constant 1 : i32
      scf.for %parallel_loop3A_1105 = %parallel_loop3A_1015 to %parallel_loop3A_1016 step %parallel_loop3A_1017  : i32 {
        %parallel_loop3A_1106 = vector.broadcast %parallel_loop3A_1105 : i32 to vector<16xi32>
        %parallel_loop3A_1107 = tpu.vector_load_idx %arg9[%broadcast_in_dim3A_1014, %parallel_loop3A_1106] : memref<80x128xf32, #tpu.memory_space<vmem>>[vector<16xi32>, vector<16xi32>], vector<16xf32>,
        %parallel_loop3A_1108 = tpu.vector_load_idx %arg12[%parallel_loop3A_1106, %iota3A] : memref<128x16xf32, #tpu.memory_space<vmem>>[vector<16xi32>, vector<16xi32>], vector<16xf32>,
        %parallel_loop3A_1109 = arith.mulf %parallel_loop3A_1108, %parallel_loop3A_1107 : vector<16xf32>
        tpu.vector_store_idx %arg12[%parallel_loop3A_1106, %iota3A], %parallel_loop3A_1109 : memref<128x16xf32, #tpu.memory_space<vmem>>[vector<16xi32>, vector<16xi32>], vector<16xf32>,
      } {sc.loop_unroll_factor = 8 : i64, sc.parallel_access}
      %dma_start3A_1018 = arith.constant 0 : i32
      %dma_start3A_1019 = tpu.memref_slice %arg8[%add3A_994, %dma_start3A_1018] : memref<80x128xi32, #tpu.memory_space<vmem>> -> memref<1x128xi32, #tpu.memory_space<vmem>>
      %dma_start3A_1020 = tpu.memref_squeeze %dma_start3A_1019 : memref<1x128xi32, #tpu.memory_space<vmem>> -> memref<128xi32, #tpu.memory_space<vmem>>
      %dma_start3A_1021 = arith.constant 0 : i32
      %dma_start3A_1022 = arith.constant 0 : i32
      %dma_start3A_1023 = tpu.memref_slice %arg15[%dma_start3A_1021, %dma_start3A_1022] : memref<10240x16xf32, #tpu.memory_space<vmem_shared>> -> memref<10240x16xf32, #tpu.memory_space<vmem_shared>>
      tpu.enqueue_indirect_dma source(%arg12 : memref<128x16xf32, #tpu.memory_space<vmem>>) target(%dma_start3A_1023 : memref<10240x16xf32, #tpu.memory_space<vmem_shared>>) offsets(%dma_start3A_1020 : memref<128xi32, #tpu.memory_space<vmem>>) semaphore(%arg23 : memref<!tpu.dma_semaphore, #tpu.memory_space<semaphore_mem>>) {add = true}
      %dma_start3A_1024 = arith.constant 0 : i32
      %dma_start3A_1025 = arith.constant 0 : i32
      %dma_start3A_1026 = tpu.memref_slice %arg10[%dma_start3A_1024, %dma_start3A_1025] : memref<2x128xf32, #tpu.memory_space<vmem>> -> memref<1x128xf32, #tpu.memory_space<vmem>>
      %dma_start3A_1027 = tpu.memref_squeeze %dma_start3A_1026 : memref<1x128xf32, #tpu.memory_space<vmem>> -> memref<128xf32, #tpu.memory_space<vmem>>
      %dma_start3A_1028 = arith.constant 0 : i32
      %dma_start3A_1029 = tpu.memref_slice %arg8[%add3A_994, %dma_start3A_1028] : memref<80x128xi32, #tpu.memory_space<vmem>> -> memref<1x128xi32, #tpu.memory_space<vmem>>
      %dma_start3A_1030 = tpu.memref_squeeze %dma_start3A_1029 : memref<1x128xi32, #tpu.memory_space<vmem>> -> memref<128xi32, #tpu.memory_space<vmem>>
      %dma_start3A_1031 = arith.constant 0 : i32
      %dma_start3A_1032 = tpu.memref_slice %arg16[%dma_start3A_1031] : memref<10240xf32, #tpu.memory_space<vmem_shared>> -> memref<10240xf32, #tpu.memory_space<vmem_shared>>
      tpu.enqueue_indirect_dma source(%dma_start3A_1027 : memref<128xf32, #tpu.memory_space<vmem>>) target(%dma_start3A_1032 : memref<10240xf32, #tpu.memory_space<vmem_shared>>) offsets(%dma_start3A_1030 : memref<128xi32, #tpu.memory_space<vmem>>) semaphore(%arg26 : memref<!tpu.dma_semaphore, #tpu.memory_space<semaphore_mem>>) {add = true}
      %mul3A_1033 = arith.constant 4 : i32
      %mul3A_1034 = arith.muli %mul3A_1033, %scan3A_949 : i32
      %add3A_1035 = arith.constant 2 : i32
      %add3A_1036 = arith.addi %mul3A_1034, %add3A_1035 : i32
      %dma_wait3A_1037 = arith.constant 0 : i32
      %dma_wait3A_1038 = tpu.memref_slice %arg7[%add3A_1036, %dma_wait3A_1037] : memref<80x128xi32, #tpu.memory_space<vmem>> -> memref<1x128xi32, #tpu.memory_space<vmem>>
      %dma_wait3A_1039 = tpu.memref_squeeze %dma_wait3A_1038 : memref<1x128xi32, #tpu.memory_space<vmem>> -> memref<128xi32, #tpu.memory_space<vmem>>
      %dma_wait3A_1040 = arith.constant 0 : i32
      %dma_wait3A_1041 = arith.constant 0 : i32
      %dma_wait3A_1042 = tpu.memref_slice %arg17[%dma_wait3A_1040, %dma_wait3A_1041] : memref<10240x16xf32, #tpu.memory_space<vmem_shared>> -> memref<10240x16xf32, #tpu.memory_space<vmem_shared>>
      tpu.wait_indirect_dma semaphore(%arg20 : memref<!tpu.dma_semaphore, #tpu.memory_space<semaphore_mem>>) src(%dma_wait3A_1042 : memref<10240x16xf32, #tpu.memory_space<vmem_shared>>) dst(%arg13 : memref<128x16xf32, #tpu.memory_space<vmem>>)
      %add3A_1043 = arith.constant 2 : i32
      %add3A_1044 = arith.addi %add3A_1036, %add3A_1043 : i32
      %lt3A = arith.constant 80 : i32
      %lt3A_1045 = arith.cmpi slt, %add3A_1044, %lt3A : i32
      %convert_element_type3A_1046 = arith.extui %lt3A_1045 : i1 to i32
      %cond3A_1047 = arith.constant 0 : i32
      %cond3A_1048 = arith.cmpi ne, %convert_element_type3A_1046, %cond3A_1047 : i32
      scf.if %cond3A_1048 {
        %sub3A = arith.constant 2 : i32
        %sub3A_1105 = arith.subi %add3A_1036, %sub3A : i32
        %dma_wait3A_1106 = arith.constant 0 : i32
        %dma_wait3A_1107 = tpu.memref_slice %arg8[%sub3A_1105, %dma_wait3A_1106] : memref<80x128xi32, #tpu.memory_space<vmem>> -> memref<1x128xi32, #tpu.memory_space<vmem>>
        %dma_wait3A_1108 = tpu.memref_squeeze %dma_wait3A_1107 : memref<1x128xi32, #tpu.memory_space<vmem>> -> memref<128xi32, #tpu.memory_space<vmem>>
        %dma_wait3A_1109 = arith.constant 0 : i32
        %dma_wait3A_1110 = arith.constant 0 : i32
        %dma_wait3A_1111 = tpu.memref_slice %arg15[%dma_wait3A_1109, %dma_wait3A_1110] : memref<10240x16xf32, #tpu.memory_space<vmem_shared>> -> memref<10240x16xf32, #tpu.memory_space<vmem_shared>>
        tpu.wait_indirect_dma semaphore(%arg22 : memref<!tpu.dma_semaphore, #tpu.memory_space<semaphore_mem>>) src(%arg11 : memref<128x16xf32, #tpu.memory_space<vmem>>) dst(%dma_wait3A_1111 : memref<10240x16xf32, #tpu.memory_space<vmem_shared>>)
        %add3A_1112 = arith.constant 2 : i32
        %add3A_1113 = arith.addi %add3A_1036, %add3A_1112 : i32
        %dma_start3A_1114 = arith.constant 0 : i32
        %dma_start3A_1115 = tpu.memref_slice %arg7[%add3A_1113, %dma_start3A_1114] : memref<80x128xi32, #tpu.memory_space<vmem>> -> memref<1x128xi32, #tpu.memory_space<vmem>>
        %dma_start3A_1116 = tpu.memref_squeeze %dma_start3A_1115 : memref<1x128xi32, #tpu.memory_space<vmem>> -> memref<128xi32, #tpu.memory_space<vmem>>
        %dma_start3A_1117 = arith.constant 0 : i32
        %dma_start3A_1118 = arith.constant 0 : i32
        %dma_start3A_1119 = tpu.memref_slice %arg17[%dma_start3A_1117, %dma_start3A_1118] : memref<10240x16xf32, #tpu.memory_space<vmem_shared>> -> memref<10240x16xf32, #tpu.memory_space<vmem_shared>>
        tpu.enqueue_indirect_dma source(%dma_start3A_1119 : memref<10240x16xf32, #tpu.memory_space<vmem_shared>>) target(%arg11 : memref<128x16xf32, #tpu.memory_space<vmem>>) offsets(%dma_start3A_1116 : memref<128xi32, #tpu.memory_space<vmem>>) semaphore(%arg18 : memref<!tpu.dma_semaphore, #tpu.memory_space<semaphore_mem>>)
      } else {
      }
      %broadcast_in_dim3A_1049 = vector.broadcast %add3A_1036 : i32 to vector<16xi32>
      %parallel_loop3A_1050 = arith.constant 0 : i32
      %parallel_loop3A_1051 = arith.constant 128 : i32
      %parallel_loop3A_1052 = arith.constant 1 : i32
      scf.for %parallel_loop3A_1105 = %parallel_loop3A_1050 to %parallel_loop3A_1051 step %parallel_loop3A_1052  : i32 {
        %parallel_loop3A_1106 = vector.broadcast %parallel_loop3A_1105 : i32 to vector<16xi32>
        %parallel_loop3A_1107 = tpu.vector_load_idx %arg9[%broadcast_in_dim3A_1049, %parallel_loop3A_1106] : memref<80x128xf32, #tpu.memory_space<vmem>>[vector<16xi32>, vector<16xi32>], vector<16xf32>,
        %parallel_loop3A_1108 = tpu.vector_load_idx %arg13[%parallel_loop3A_1106, %iota3A] : memref<128x16xf32, #tpu.memory_space<vmem>>[vector<16xi32>, vector<16xi32>], vector<16xf32>,
        %parallel_loop3A_1109 = arith.mulf %parallel_loop3A_1108, %parallel_loop3A_1107 : vector<16xf32>
        tpu.vector_store_idx %arg13[%parallel_loop3A_1106, %iota3A], %parallel_loop3A_1109 : memref<128x16xf32, #tpu.memory_space<vmem>>[vector<16xi32>, vector<16xi32>], vector<16xf32>,
      } {sc.loop_unroll_factor = 8 : i64, sc.parallel_access}
      %dma_start3A_1053 = arith.constant 0 : i32
      %dma_start3A_1054 = tpu.memref_slice %arg8[%add3A_1036, %dma_start3A_1053] : memref<80x128xi32, #tpu.memory_space<vmem>> -> memref<1x128xi32, #tpu.memory_space<vmem>>
      %dma_start3A_1055 = tpu.memref_squeeze %dma_start3A_1054 : memref<1x128xi32, #tpu.memory_space<vmem>> -> memref<128xi32, #tpu.memory_space<vmem>>
      %dma_start3A_1056 = arith.constant 0 : i32
      %dma_start3A_1057 = arith.constant 0 : i32
      %dma_start3A_1058 = tpu.memref_slice %arg15[%dma_start3A_1056, %dma_start3A_1057] : memref<10240x16xf32, #tpu.memory_space<vmem_shared>> -> memref<10240x16xf32, #tpu.memory_space<vmem_shared>>
      tpu.enqueue_indirect_dma source(%arg13 : memref<128x16xf32, #tpu.memory_space<vmem>>) target(%dma_start3A_1058 : memref<10240x16xf32, #tpu.memory_space<vmem_shared>>) offsets(%dma_start3A_1055 : memref<128xi32, #tpu.memory_space<vmem>>) semaphore(%arg24 : memref<!tpu.dma_semaphore, #tpu.memory_space<semaphore_mem>>) {add = true}
      %dma_start3A_1059 = arith.constant 0 : i32
      %dma_start3A_1060 = arith.constant 0 : i32
      %dma_start3A_1061 = tpu.memref_slice %arg10[%dma_start3A_1059, %dma_start3A_1060] : memref<2x128xf32, #tpu.memory_space<vmem>> -> memref<1x128xf32, #tpu.memory_space<vmem>>
      %dma_start3A_1062 = tpu.memref_squeeze %dma_start3A_1061 : memref<1x128xf32, #tpu.memory_space<vmem>> -> memref<128xf32, #tpu.memory_space<vmem>>
      %dma_start3A_1063 = arith.constant 0 : i32
      %dma_start3A_1064 = tpu.memref_slice %arg8[%add3A_1036, %dma_start3A_1063] : memref<80x128xi32, #tpu.memory_space<vmem>> -> memref<1x128xi32, #tpu.memory_space<vmem>>
      %dma_start3A_1065 = tpu.memref_squeeze %dma_start3A_1064 : memref<1x128xi32, #tpu.memory_space<vmem>> -> memref<128xi32, #tpu.memory_space<vmem>>
      %dma_start3A_1066 = arith.constant 0 : i32
      %dma_start3A_1067 = tpu.memref_slice %arg16[%dma_start3A_1066] : memref<10240xf32, #tpu.memory_space<vmem_shared>> -> memref<10240xf32, #tpu.memory_space<vmem_shared>>
      tpu.enqueue_indirect_dma source(%dma_start3A_1062 : memref<128xf32, #tpu.memory_space<vmem>>) target(%dma_start3A_1067 : memref<10240xf32, #tpu.memory_space<vmem_shared>>) offsets(%dma_start3A_1065 : memref<128xi32, #tpu.memory_space<vmem>>) semaphore(%arg26 : memref<!tpu.dma_semaphore, #tpu.memory_space<semaphore_mem>>) {add = true}
      %mul3A_1068 = arith.constant 4 : i32
      %mul3A_1069 = arith.muli %mul3A_1068, %scan3A_949 : i32
      %add3A_1070 = arith.constant 3 : i32
      %add3A_1071 = arith.addi %mul3A_1069, %add3A_1070 : i32
      %dma_wait3A_1072 = arith.constant 0 : i32
      %dma_wait3A_1073 = tpu.memref_slice %arg7[%add3A_1071, %dma_wait3A_1072] : memref<80x128xi32, #tpu.memory_space<vmem>> -> memref<1x128xi32, #tpu.memory_space<vmem>>
      %dma_wait3A_1074 = tpu.memref_squeeze %dma_wait3A_1073 : memref<1x128xi32, #tpu.memory_space<vmem>> -> memref<128xi32, #tpu.memory_space<vmem>>
      %dma_wait3A_1075 = arith.constant 0 : i32
      %dma_wait3A_1076 = arith.constant 0 : i32
      %dma_wait3A_1077 = tpu.memref_slice %arg17[%dma_wait3A_1075, %dma_wait3A_1076] : memref<10240x16xf32, #tpu.memory_space<vmem_shared>> -> memref<10240x16xf32, #tpu.memory_space<vmem_shared>>
      tpu.wait_indirect_dma semaphore(%arg21 : memref<!tpu.dma_semaphore, #tpu.memory_space<semaphore_mem>>) src(%dma_wait3A_1077 : memref<10240x16xf32, #tpu.memory_space<vmem_shared>>) dst(%arg14 : memref<128x16xf32, #tpu.memory_space<vmem>>)
      %add3A_1078 = arith.constant 2 : i32
      %add3A_1079 = arith.addi %add3A_1071, %add3A_1078 : i32
      %lt3A_1080 = arith.constant 80 : i32
      %lt3A_1081 = arith.cmpi slt, %add3A_1079, %lt3A_1080 : i32
      %convert_element_type3A_1082 = arith.extui %lt3A_1081 : i1 to i32
      %cond3A_1083 = arith.constant 0 : i32
      %cond3A_1084 = arith.cmpi ne, %convert_element_type3A_1082, %cond3A_1083 : i32
      scf.if %cond3A_1084 {
        %sub3A = arith.constant 2 : i32
        %sub3A_1105 = arith.subi %add3A_1071, %sub3A : i32
        %dma_wait3A_1106 = arith.constant 0 : i32
        %dma_wait3A_1107 = tpu.memref_slice %arg8[%sub3A_1105, %dma_wait3A_1106] : memref<80x128xi32, #tpu.memory_space<vmem>> -> memref<1x128xi32, #tpu.memory_space<vmem>>
        %dma_wait3A_1108 = tpu.memref_squeeze %dma_wait3A_1107 : memref<1x128xi32, #tpu.memory_space<vmem>> -> memref<128xi32, #tpu.memory_space<vmem>>
        %dma_wait3A_1109 = arith.constant 0 : i32
        %dma_wait3A_1110 = arith.constant 0 : i32
        %dma_wait3A_1111 = tpu.memref_slice %arg15[%dma_wait3A_1109, %dma_wait3A_1110] : memref<10240x16xf32, #tpu.memory_space<vmem_shared>> -> memref<10240x16xf32, #tpu.memory_space<vmem_shared>>
        tpu.wait_indirect_dma semaphore(%arg23 : memref<!tpu.dma_semaphore, #tpu.memory_space<semaphore_mem>>) src(%arg12 : memref<128x16xf32, #tpu.memory_space<vmem>>) dst(%dma_wait3A_1111 : memref<10240x16xf32, #tpu.memory_space<vmem_shared>>)
        %add3A_1112 = arith.constant 2 : i32
        %add3A_1113 = arith.addi %add3A_1071, %add3A_1112 : i32
        %dma_start3A_1114 = arith.constant 0 : i32
        %dma_start3A_1115 = tpu.memref_slice %arg7[%add3A_1113, %dma_start3A_1114] : memref<80x128xi32, #tpu.memory_space<vmem>> -> memref<1x128xi32, #tpu.memory_space<vmem>>
        %dma_start3A_1116 = tpu.memref_squeeze %dma_start3A_1115 : memref<1x128xi32, #tpu.memory_space<vmem>> -> memref<128xi32, #tpu.memory_space<vmem>>
        %dma_start3A_1117 = arith.constant 0 : i32
        %dma_start3A_1118 = arith.constant 0 : i32
        %dma_start3A_1119 = tpu.memref_slice %arg17[%dma_start3A_1117, %dma_start3A_1118] : memref<10240x16xf32, #tpu.memory_space<vmem_shared>> -> memref<10240x16xf32, #tpu.memory_space<vmem_shared>>
        tpu.enqueue_indirect_dma source(%dma_start3A_1119 : memref<10240x16xf32, #tpu.memory_space<vmem_shared>>) target(%arg12 : memref<128x16xf32, #tpu.memory_space<vmem>>) offsets(%dma_start3A_1116 : memref<128xi32, #tpu.memory_space<vmem>>) semaphore(%arg19 : memref<!tpu.dma_semaphore, #tpu.memory_space<semaphore_mem>>)
      } else {
      }
      %broadcast_in_dim3A_1085 = vector.broadcast %add3A_1071 : i32 to vector<16xi32>
      %parallel_loop3A_1086 = arith.constant 0 : i32
      %parallel_loop3A_1087 = arith.constant 128 : i32
      %parallel_loop3A_1088 = arith.constant 1 : i32
      scf.for %parallel_loop3A_1105 = %parallel_loop3A_1086 to %parallel_loop3A_1087 step %parallel_loop3A_1088  : i32 {
        %parallel_loop3A_1106 = vector.broadcast %parallel_loop3A_1105 : i32 to vector<16xi32>
        %parallel_loop3A_1107 = tpu.vector_load_idx %arg9[%broadcast_in_dim3A_1085, %parallel_loop3A_1106] : memref<80x128xf32, #tpu.memory_space<vmem>>[vector<16xi32>, vector<16xi32>], vector<16xf32>,
        %parallel_loop3A_1108 = tpu.vector_load_idx %arg14[%parallel_loop3A_1106, %iota3A] : memref<128x16xf32, #tpu.memory_space<vmem>>[vector<16xi32>, vector<16xi32>], vector<16xf32>,
        %parallel_loop3A_1109 = arith.mulf %parallel_loop3A_1108, %parallel_loop3A_1107 : vector<16xf32>
        tpu.vector_store_idx %arg14[%parallel_loop3A_1106, %iota3A], %parallel_loop3A_1109 : memref<128x16xf32, #tpu.memory_space<vmem>>[vector<16xi32>, vector<16xi32>], vector<16xf32>,
      } {sc.loop_unroll_factor = 8 : i64, sc.parallel_access}
      %dma_start3A_1089 = arith.constant 0 : i32
      %dma_start3A_1090 = tpu.memref_slice %arg8[%add3A_1071, %dma_start3A_1089] : memref<80x128xi32, #tpu.memory_space<vmem>> -> memref<1x128xi32, #tpu.memory_space<vmem>>
      %dma_start3A_1091 = tpu.memref_squeeze %dma_start3A_1090 : memref<1x128xi32, #tpu.memory_space<vmem>> -> memref<128xi32, #tpu.memory_space<vmem>>
      %dma_start3A_1092 = arith.constant 0 : i32
      %dma_start3A_1093 = arith.constant 0 : i32
      %dma_start3A_1094 = tpu.memref_slice %arg15[%dma_start3A_1092, %dma_start3A_1093] : memref<10240x16xf32, #tpu.memory_space<vmem_shared>> -> memref<10240x16xf32, #tpu.memory_space<vmem_shared>>
      tpu.enqueue_indirect_dma source(%arg14 : memref<128x16xf32, #tpu.memory_space<vmem>>) target(%dma_start3A_1094 : memref<10240x16xf32, #tpu.memory_space<vmem_shared>>) offsets(%dma_start3A_1091 : memref<128xi32, #tpu.memory_space<vmem>>) semaphore(%arg25 : memref<!tpu.dma_semaphore, #tpu.memory_space<semaphore_mem>>) {add = true}
      %dma_start3A_1095 = arith.constant 0 : i32
      %dma_start3A_1096 = arith.constant 0 : i32
      %dma_start3A_1097 = tpu.memref_slice %arg10[%dma_start3A_1095, %dma_start3A_1096] : memref<2x128xf32, #tpu.memory_space<vmem>> -> memref<1x128xf32, #tpu.memory_space<vmem>>
      %dma_start3A_1098 = tpu.memref_squeeze %dma_start3A_1097 : memref<1x128xf32, #tpu.memory_space<vmem>> -> memref<128xf32, #tpu.memory_space<vmem>>
      %dma_start3A_1099 = arith.constant 0 : i32
      %dma_start3A_1100 = tpu.memref_slice %arg8[%add3A_1071, %dma_start3A_1099] : memref<80x128xi32, #tpu.memory_space<vmem>> -> memref<1x128xi32, #tpu.memory_space<vmem>>
      %dma_start3A_1101 = tpu.memref_squeeze %dma_start3A_1100 : memref<1x128xi32, #tpu.memory_space<vmem>> -> memref<128xi32, #tpu.memory_space<vmem>>
      %dma_start3A_1102 = arith.constant 0 : i32
      %dma_start3A_1103 = tpu.memref_slice %arg16[%dma_start3A_1102] : memref<10240xf32, #tpu.memory_space<vmem_shared>> -> memref<10240xf32, #tpu.memory_space<vmem_shared>>
      tpu.enqueue_indirect_dma source(%dma_start3A_1098 : memref<128xf32, #tpu.memory_space<vmem>>) target(%dma_start3A_1103 : memref<10240xf32, #tpu.memory_space<vmem_shared>>) offsets(%dma_start3A_1101 : memref<128xi32, #tpu.memory_space<vmem>>) semaphore(%arg26 : memref<!tpu.dma_semaphore, #tpu.memory_space<semaphore_mem>>) {add = true}
      %scan3A_1104 = arith.constant 0 : i32
      scf.yield %scan3A_1104 : i32
    }
    %scan3A_911 = arith.constant 20 : i32
    %dma_wait3A = arith.constant 76 : i32
    %dma_wait3A_912 = arith.constant 0 : i32
    %dma_wait3A_913 = tpu.memref_slice %arg8[%dma_wait3A, %dma_wait3A_912] : memref<80x128xi32, #tpu.memory_space<vmem>> -> memref<1x128xi32, #tpu.memory_space<vmem>>
    %dma_wait3A_914 = tpu.memref_squeeze %dma_wait3A_913 : memref<1x128xi32, #tpu.memory_space<vmem>> -> memref<128xi32, #tpu.memory_space<vmem>>
    %dma_wait3A_915 = arith.constant 0 : i32
    %dma_wait3A_916 = arith.constant 0 : i32
    %dma_wait3A_917 = tpu.memref_slice %arg15[%dma_wait3A_915, %dma_wait3A_916] : memref<10240x16xf32, #tpu.memory_space<vmem_shared>> -> memref<10240x16xf32, #tpu.memory_space<vmem_shared>>
    tpu.wait_indirect_dma semaphore(%arg22 : memref<!tpu.dma_semaphore, #tpu.memory_space<semaphore_mem>>) src(%arg11 : memref<128x16xf32, #tpu.memory_space<vmem>>) dst(%dma_wait3A_917 : memref<10240x16xf32, #tpu.memory_space<vmem_shared>>)
    %dma_wait3A_918 = arith.constant 77 : i32
    %dma_wait3A_919 = arith.constant 0 : i32
    %dma_wait3A_920 = tpu.memref_slice %arg8[%dma_wait3A_918, %dma_wait3A_919] : memref<80x128xi32, #tpu.memory_space<vmem>> -> memref<1x128xi32, #tpu.memory_space<vmem>>
    %dma_wait3A_921 = tpu.memref_squeeze %dma_wait3A_920 : memref<1x128xi32, #tpu.memory_space<vmem>> -> memref<128xi32, #tpu.memory_space<vmem>>
    %dma_wait3A_922 = arith.constant 0 : i32
    %dma_wait3A_923 = arith.constant 0 : i32
    %dma_wait3A_924 = tpu.memref_slice %arg15[%dma_wait3A_922, %dma_wait3A_923] : memref<10240x16xf32, #tpu.memory_space<vmem_shared>> -> memref<10240x16xf32, #tpu.memory_space<vmem_shared>>
    tpu.wait_indirect_dma semaphore(%arg23 : memref<!tpu.dma_semaphore, #tpu.memory_space<semaphore_mem>>) src(%arg12 : memref<128x16xf32, #tpu.memory_space<vmem>>) dst(%dma_wait3A_924 : memref<10240x16xf32, #tpu.memory_space<vmem_shared>>)
    %dma_wait3A_925 = arith.constant 78 : i32
    %dma_wait3A_926 = arith.constant 0 : i32
    %dma_wait3A_927 = tpu.memref_slice %arg8[%dma_wait3A_925, %dma_wait3A_926] : memref<80x128xi32, #tpu.memory_space<vmem>> -> memref<1x128xi32, #tpu.memory_space<vmem>>
    %dma_wait3A_928 = tpu.memref_squeeze %dma_wait3A_927 : memref<1x128xi32, #tpu.memory_space<vmem>> -> memref<128xi32, #tpu.memory_space<vmem>>
    %dma_wait3A_929 = arith.constant 0 : i32
    %dma_wait3A_930 = arith.constant 0 : i32
    %dma_wait3A_931 = tpu.memref_slice %arg15[%dma_wait3A_929, %dma_wait3A_930] : memref<10240x16xf32, #tpu.memory_space<vmem_shared>> -> memref<10240x16xf32, #tpu.memory_space<vmem_shared>>
    tpu.wait_indirect_dma semaphore(%arg24 : memref<!tpu.dma_semaphore, #tpu.memory_space<semaphore_mem>>) src(%arg13 : memref<128x16xf32, #tpu.memory_space<vmem>>) dst(%dma_wait3A_931 : memref<10240x16xf32, #tpu.memory_space<vmem_shared>>)
    %dma_wait3A_932 = arith.constant 79 : i32
    %dma_wait3A_933 = arith.constant 0 : i32
    %dma_wait3A_934 = tpu.memref_slice %arg8[%dma_wait3A_932, %dma_wait3A_933] : memref<80x128xi32, #tpu.memory_space<vmem>> -> memref<1x128xi32, #tpu.memory_space<vmem>>
    %dma_wait3A_935 = tpu.memref_squeeze %dma_wait3A_934 : memref<1x128xi32, #tpu.memory_space<vmem>> -> memref<128xi32, #tpu.memory_space<vmem>>
    %dma_wait3A_936 = arith.constant 0 : i32
    %dma_wait3A_937 = arith.constant 0 : i32
    %dma_wait3A_938 = tpu.memref_slice %arg15[%dma_wait3A_936, %dma_wait3A_937] : memref<10240x16xf32, #tpu.memory_space<vmem_shared>> -> memref<10240x16xf32, #tpu.memory_space<vmem_shared>>
    tpu.wait_indirect_dma semaphore(%arg25 : memref<!tpu.dma_semaphore, #tpu.memory_space<semaphore_mem>>) src(%arg14 : memref<128x16xf32, #tpu.memory_space<vmem>>) dst(%dma_wait3A_938 : memref<10240x16xf32, #tpu.memory_space<vmem_shared>>)
    %scan3A_939 = arith.constant 0 : i32
    %scan3A_940 = arith.constant 0 : i32
    %scan3A_941 = arith.constant 80 : i32
    %scan3A_942 = arith.addi %scan3A_940, %scan3A_941 : i32
    %scan3A_943 = arith.constant 1 : i32
    %scan3A_944 = scf.for %scan3A_949 = %scan3A_940 to %scan3A_942 step %scan3A_943 iter_args(%scan3A_950 = %scan3A_939) -> (i32)  : i32 {
      %dma_wait3A_951 = arith.constant 0 : i32
      %dma_wait3A_952 = arith.constant 0 : i32
      %dma_wait3A_953 = tpu.memref_slice %arg10[%dma_wait3A_951, %dma_wait3A_952] : memref<2x128xf32, #tpu.memory_space<vmem>> -> memref<1x128xf32, #tpu.memory_space<vmem>>
      %dma_wait3A_954 = tpu.memref_squeeze %dma_wait3A_953 : memref<1x128xf32, #tpu.memory_space<vmem>> -> memref<128xf32, #tpu.memory_space<vmem>>
      %dma_wait3A_955 = arith.constant 0 : i32
      %dma_wait3A_956 = tpu.memref_slice %arg8[%scan3A_949, %dma_wait3A_955] : memref<80x128xi32, #tpu.memory_space<vmem>> -> memref<1x128xi32, #tpu.memory_space<vmem>>
      %dma_wait3A_957 = tpu.memref_squeeze %dma_wait3A_956 : memref<1x128xi32, #tpu.memory_space<vmem>> -> memref<128xi32, #tpu.memory_space<vmem>>
      %dma_wait3A_958 = arith.constant 0 : i32
      %dma_wait3A_959 = tpu.memref_slice %arg16[%dma_wait3A_958] : memref<10240xf32, #tpu.memory_space<vmem_shared>> -> memref<10240xf32, #tpu.memory_space<vmem_shared>>
      tpu.wait_indirect_dma semaphore(%arg26 : memref<!tpu.dma_semaphore, #tpu.memory_space<semaphore_mem>>) src(%dma_wait3A_954 : memref<128xf32, #tpu.memory_space<vmem>>) dst(%dma_wait3A_959 : memref<10240xf32, #tpu.memory_space<vmem_shared>>)
      %scan3A_960 = arith.constant 0 : i32
      scf.yield %scan3A_960 : i32
    }
    %scan3A_945 = arith.constant 80 : i32
    %barrier3A_946 = arith.constant 0 : index
    tpu.barrier barrier_id(%barrier3A_946)
    "tpu.region"() ({
      %run_scoped3A_949 = tpu.sem_alloc : memref<!tpu.dma_semaphore, #tpu.memory_space<semaphore_mem>>
      %dma_start3A_950 = arith.constant 0 : i32
      %dma_start3A_951 = tpu.memref_slice %arg5[%arg0, %mul3A_2, %dma_start3A_950] : memref<2x10240x16xf32, #tpu.memory_space<hbm>> -> memref<1x640x16xf32, #tpu.memory_space<hbm>>
      %dma_start3A_952 = tpu.memref_squeeze %dma_start3A_951 : memref<1x640x16xf32, #tpu.memory_space<hbm>> -> memref<640x16xf32, #tpu.memory_space<hbm>>
      %dma_start3A_953 = arith.constant 0 : i32
      %dma_start3A_954 = tpu.memref_slice %arg15[%mul3A_2, %dma_start3A_953] : memref<10240x16xf32, #tpu.memory_space<vmem_shared>> -> memref<640x16xf32, #tpu.memory_space<vmem_shared>>
      tpu.enqueue_dma source(%dma_start3A_954 : memref<640x16xf32, #tpu.memory_space<vmem_shared>>) target(%dma_start3A_952 : memref<640x16xf32, #tpu.memory_space<hbm>>) target_semaphore(%run_scoped3A_949 : memref<!tpu.dma_semaphore, #tpu.memory_space<semaphore_mem>>)
      %dma_wait3A_955 = arith.constant 0 : i32
      %dma_wait3A_956 = tpu.memref_slice %arg5[%arg0, %mul3A_2, %dma_wait3A_955] : memref<2x10240x16xf32, #tpu.memory_space<hbm>> -> memref<1x640x16xf32, #tpu.memory_space<hbm>>
      %dma_wait3A_957 = tpu.memref_squeeze %dma_wait3A_956 : memref<1x640x16xf32, #tpu.memory_space<hbm>> -> memref<640x16xf32, #tpu.memory_space<hbm>>
      %dma_wait3A_958 = arith.constant 0 : i32
      %dma_wait3A_959 = tpu.memref_slice %arg15[%mul3A_2, %dma_wait3A_958] : memref<10240x16xf32, #tpu.memory_space<vmem_shared>> -> memref<640x16xf32, #tpu.memory_space<vmem_shared>>
      tpu.wait_dma2 semaphore(%run_scoped3A_949 : memref<!tpu.dma_semaphore, #tpu.memory_space<semaphore_mem>>) src(%dma_wait3A_959 : memref<640x16xf32, #tpu.memory_space<vmem_shared>>) dst(%dma_wait3A_957 : memref<640x16xf32, #tpu.memory_space<hbm>>)
      tpu.yield
    }) : () -> ()
    %eq3A = arith.constant 0 : i32
    %eq3A_947 = arith.cmpi eq, %arg1, %eq3A : i32
    %convert_element_type3A = arith.extui %eq3A_947 : i1 to i32
    %cond3A = arith.constant 0 : i32
    %cond3A_948 = arith.cmpi ne, %convert_element_type3A, %cond3A : i32
    scf.if %cond3A_948 {
      %mul3A_949 = arith.constant 10240 : i32
      %mul3A_950 = arith.muli %arg0, %mul3A_949 : i32
      "tpu.region"() ({
        %run_scoped3A_951 = tpu.sem_alloc : memref<!tpu.dma_semaphore, #tpu.memory_space<semaphore_mem>>
        %dma_start3A_952 = tpu.memref_slice %arg6[%mul3A_950] : memref<20480xf32, #tpu.memory_space<hbm>> -> memref<10240xf32, #tpu.memory_space<hbm>>
        tpu.enqueue_dma source(%arg16 : memref<10240xf32, #tpu.memory_space<vmem_shared>>) target(%dma_start3A_952 : memref<10240xf32, #tpu.memory_space<hbm>>) target_semaphore(%run_scoped3A_951 : memref<!tpu.dma_semaphore, #tpu.memory_space<semaphore_mem>>)
        %dma_wait3A_953 = tpu.memref_slice %arg6[%mul3A_950] : memref<20480xf32, #tpu.memory_space<hbm>> -> memref<10240xf32, #tpu.memory_space<hbm>>
        tpu.wait_dma2 semaphore(%run_scoped3A_951 : memref<!tpu.dma_semaphore, #tpu.memory_space<semaphore_mem>>) src(%arg16 : memref<10240xf32, #tpu.memory_space<vmem_shared>>) dst(%dma_wait3A_953 : memref<10240xf32, #tpu.memory_space<hbm>>)
        tpu.yield
      }) : () -> ()
    } else {
    }
    return
  }
}

#map = affine_map<(d0, d1) -> (0, 0, 0)>
#map1 = affine_map<(d0, d1) -> (0)>
#map2 = affine_map<(d0, d1) -> (0, 0)>
module attributes {stable_mosaic.version = 14 : i64} {
  func.func @_sc_pass2_body(%arg0: i32, %arg1: i32, %arg2: memref<2x10240x16xf32, #tpu.memory_space<hbm>>, %arg3: memref<20480xf32, #tpu.memory_space<hbm>>, %arg4: memref<10240x16xf32, #tpu.memory_space<hbm>>, %arg5: memref<16xf32, #tpu.memory_space<hbm>>, %arg6: memref<2x2560x128xi32, #tpu.memory_space<hbm>>, %arg7: memref<2560x128xf32, #tpu.memory_space<hbm>>, %arg8: memref<2x1280x128xf32, #tpu.memory_space<hbm>>, %arg9: memref<1280x128xf32, #tpu.memory_space<hbm>>, %arg10: memref<80x128xi32, #tpu.memory_space<vmem>>, %arg11: memref<80x128xi32, #tpu.memory_space<vmem>>, %arg12: memref<80x128xf32, #tpu.memory_space<vmem>>, %arg13: memref<640x16xf32, #tpu.memory_space<vmem>>, %arg14: memref<640x16xf32, #tpu.memory_space<vmem>>, %arg15: memref<640xf32, #tpu.memory_space<vmem>>, %arg16: memref<640xf32, #tpu.memory_space<vmem>>, %arg17: memref<640x16xf32, #tpu.memory_space<vmem>>, %arg18: memref<16xf32, #tpu.memory_space<vmem>>, %arg19: memref<640x16xf32, #tpu.memory_space<vmem>>, %arg20: memref<80x128xf32, #tpu.memory_space<vmem>>, %arg21: memref<128x16xf32, #tpu.memory_space<vmem>>, %arg22: memref<128x16xf32, #tpu.memory_space<vmem>>, %arg23: memref<128x16xf32, #tpu.memory_space<vmem>>, %arg24: memref<128x16xf32, #tpu.memory_space<vmem>>, %arg25: memref<10240x16xf32, #tpu.memory_space<vmem_shared>>, %arg26: memref<10240x16xf32, #tpu.memory_space<vmem_shared>>, %arg27: memref<!tpu.dma_semaphore, #tpu.memory_space<semaphore_mem>>, %arg28: memref<!tpu.dma_semaphore, #tpu.memory_space<semaphore_mem>>, %arg29: memref<!tpu.dma_semaphore, #tpu.memory_space<semaphore_mem>>, %arg30: memref<!tpu.dma_semaphore, #tpu.memory_space<semaphore_mem>>, %arg31: memref<!tpu.dma_semaphore, #tpu.memory_space<semaphore_mem>>, %arg32: memref<!tpu.dma_semaphore, #tpu.memory_space<semaphore_mem>>, %arg33: memref<!tpu.dma_semaphore, #tpu.memory_space<semaphore_mem>>, %arg34: memref<!tpu.dma_semaphore, #tpu.memory_space<semaphore_mem>>) attributes {dimension_semantics = [#tpu.dimension_semantics<core_parallel>, #tpu.dimension_semantics<subcore_parallel>], iteration_bounds = array<i64: 2, 16>, scalar_prefetch = 0 : i64, scratch_operands = 25 : i64, tpu.core_type = #tpu.core_type<sc_vector_subcore>, window_params = [{transform_indices = #map}, {transform_indices = #map1}, {transform_indices = #map2}, {transform_indices = #map1}, {transform_indices = #map}, {transform_indices = #map2}, {transform_indices = #map}, {transform_indices = #map2}]} {
    %mul3A = arith.constant 16 : i32
    %mul3A_0 = arith.muli %arg0, %mul3A : i32
    %add3A = arith.addi %mul3A_0, %arg1 : i32
    %iota3A = tpu.iota {dimensions = array<i32: 0>} : vector<16xi32>
    %mul3A_1 = arith.constant 640 : i32
    %mul3A_2 = arith.muli %arg1, %mul3A_1 : i32
    %broadcast_in_dim3A = arith.constant 0.000000e+00 : f32
    %broadcast_in_dim3A_3 = vector.broadcast %broadcast_in_dim3A : f32 to vector<16xf32>
    %swap3A = arith.constant 0 : i32
    %swap3A_4 = arith.index_cast %swap3A : i32 to index
    %swap3A_5 = arith.constant 0 : index
    %swap3A_6 = tpu.vector_load %arg21[%swap3A_4, %swap3A_5] {strides = array<i32>} : memref<128x16xf32, #tpu.memory_space<vmem>>, vector<16xf32>,
    tpu.vector_store %arg21[%swap3A_4, %swap3A_5], %broadcast_in_dim3A_3 {strides = array<i32>} : memref<128x16xf32, #tpu.memory_space<vmem>>, vector<16xf32>,
    %broadcast_in_dim3A_7 = arith.constant 0.000000e+00 : f32
    %broadcast_in_dim3A_8 = vector.broadcast %broadcast_in_dim3A_7 : f32 to vector<16xf32>
    %swap3A_9 = arith.constant 1 : i32
    %swap3A_10 = arith.index_cast %swap3A_9 : i32 to index
    %swap3A_11 = arith.constant 0 : index
    %swap3A_12 = tpu.vector_load %arg21[%swap3A_10, %swap3A_11] {strides = array<i32>} : memref<128x16xf32, #tpu.memory_space<vmem>>, vector<16xf32>,
    tpu.vector_store %arg21[%swap3A_10, %swap3A_11], %broadcast_in_dim3A_8 {strides = array<i32>} : memref<128x16xf32, #tpu.memory_space<vmem>>, vector<16xf32>,
    %broadcast_in_dim3A_13 = arith.constant 0.000000e+00 : f32
    %broadcast_in_dim3A_14 = vector.broadcast %broadcast_in_dim3A_13 : f32 to vector<16xf32>
    %swap3A_15 = arith.constant 2 : i32
    %swap3A_16 = arith.index_cast %swap3A_15 : i32 to index
    %swap3A_17 = arith.constant 0 : index
    %swap3A_18 = tpu.vector_load %arg21[%swap3A_16, %swap3A_17] {strides = array<i32>} : memref<128x16xf32, #tpu.memory_space<vmem>>, vector<16xf32>,
    tpu.vector_store %arg21[%swap3A_16, %swap3A_17], %broadcast_in_dim3A_14 {strides = array<i32>} : memref<128x16xf32, #tpu.memory_space<vmem>>, vector<16xf32>,
    %broadcast_in_dim3A_19 = arith.constant 0.000000e+00 : f32
    %broadcast_in_dim3A_20 = vector.broadcast %broadcast_in_dim3A_19 : f32 to vector<16xf32>
    %swap3A_21 = arith.constant 3 : i32
    %swap3A_22 = arith.index_cast %swap3A_21 : i32 to index
    %swap3A_23 = arith.constant 0 : index
    %swap3A_24 = tpu.vector_load %arg21[%swap3A_22, %swap3A_23] {strides = array<i32>} : memref<128x16xf32, #tpu.memory_space<vmem>>, vector<16xf32>,
    tpu.vector_store %arg21[%swap3A_22, %swap3A_23], %broadcast_in_dim3A_20 {strides = array<i32>} : memref<128x16xf32, #tpu.memory_space<vmem>>, vector<16xf32>,
    %broadcast_in_dim3A_25 = arith.constant 0.000000e+00 : f32
    %broadcast_in_dim3A_26 = vector.broadcast %broadcast_in_dim3A_25 : f32 to vector<16xf32>
    %swap3A_27 = arith.constant 4 : i32
    %swap3A_28 = arith.index_cast %swap3A_27 : i32 to index
    %swap3A_29 = arith.constant 0 : index
    %swap3A_30 = tpu.vector_load %arg21[%swap3A_28, %swap3A_29] {strides = array<i32>} : memref<128x16xf32, #tpu.memory_space<vmem>>, vector<16xf32>,
    tpu.vector_store %arg21[%swap3A_28, %swap3A_29], %broadcast_in_dim3A_26 {strides = array<i32>} : memref<128x16xf32, #tpu.memory_space<vmem>>, vector<16xf32>,
    %broadcast_in_dim3A_31 = arith.constant 0.000000e+00 : f32
    %broadcast_in_dim3A_32 = vector.broadcast %broadcast_in_dim3A_31 : f32 to vector<16xf32>
    %swap3A_33 = arith.constant 5 : i32
    %swap3A_34 = arith.index_cast %swap3A_33 : i32 to index
    %swap3A_35 = arith.constant 0 : index
    %swap3A_36 = tpu.vector_load %arg21[%swap3A_34, %swap3A_35] {strides = array<i32>} : memref<128x16xf32, #tpu.memory_space<vmem>>, vector<16xf32>,
    tpu.vector_store %arg21[%swap3A_34, %swap3A_35], %broadcast_in_dim3A_32 {strides = array<i32>} : memref<128x16xf32, #tpu.memory_space<vmem>>, vector<16xf32>,
    %broadcast_in_dim3A_37 = arith.constant 0.000000e+00 : f32
    %broadcast_in_dim3A_38 = vector.broadcast %broadcast_in_dim3A_37 : f32 to vector<16xf32>
    %swap3A_39 = arith.constant 6 : i32
    %swap3A_40 = arith.index_cast %swap3A_39 : i32 to index
    %swap3A_41 = arith.constant 0 : index
    %swap3A_42 = tpu.vector_load %arg21[%swap3A_40, %swap3A_41] {strides = array<i32>} : memref<128x16xf32, #tpu.memory_space<vmem>>, vector<16xf32>,
    tpu.vector_store %arg21[%swap3A_40, %swap3A_41], %broadcast_in_dim3A_38 {strides = array<i32>} : memref<128x16xf32, #tpu.memory_space<vmem>>, vector<16xf32>,
    %broadcast_in_dim3A_43 = arith.constant 0.000000e+00 : f32
    %broadcast_in_dim3A_44 = vector.broadcast %broadcast_in_dim3A_43 : f32 to vector<16xf32>
    %swap3A_45 = arith.constant 7 : i32
    %swap3A_46 = arith.index_cast %swap3A_45 : i32 to index
    %swap3A_47 = arith.constant 0 : index
    %swap3A_48 = tpu.vector_load %arg21[%swap3A_46, %swap3A_47] {strides = array<i32>} : memref<128x16xf32, #tpu.memory_space<vmem>>, vector<16xf32>,
    tpu.vector_store %arg21[%swap3A_46, %swap3A_47], %broadcast_in_dim3A_44 {strides = array<i32>} : memref<128x16xf32, #tpu.memory_space<vmem>>, vector<16xf32>,
    %broadcast_in_dim3A_49 = arith.constant 0.000000e+00 : f32
    %broadcast_in_dim3A_50 = vector.broadcast %broadcast_in_dim3A_49 : f32 to vector<16xf32>
    %swap3A_51 = arith.constant 8 : i32
    %swap3A_52 = arith.index_cast %swap3A_51 : i32 to index
    %swap3A_53 = arith.constant 0 : index
    %swap3A_54 = tpu.vector_load %arg21[%swap3A_52, %swap3A_53] {strides = array<i32>} : memref<128x16xf32, #tpu.memory_space<vmem>>, vector<16xf32>,
    tpu.vector_store %arg21[%swap3A_52, %swap3A_53], %broadcast_in_dim3A_50 {strides = array<i32>} : memref<128x16xf32, #tpu.memory_space<vmem>>, vector<16xf32>,
    %broadcast_in_dim3A_55 = arith.constant 0.000000e+00 : f32
    %broadcast_in_dim3A_56 = vector.broadcast %broadcast_in_dim3A_55 : f32 to vector<16xf32>
    %swap3A_57 = arith.constant 9 : i32
    %swap3A_58 = arith.index_cast %swap3A_57 : i32 to index
    %swap3A_59 = arith.constant 0 : index
    %swap3A_60 = tpu.vector_load %arg21[%swap3A_58, %swap3A_59] {strides = array<i32>} : memref<128x16xf32, #tpu.memory_space<vmem>>, vector<16xf32>,
    tpu.vector_store %arg21[%swap3A_58, %swap3A_59], %broadcast_in_dim3A_56 {strides = array<i32>} : memref<128x16xf32, #tpu.memory_space<vmem>>, vector<16xf32>,
    %broadcast_in_dim3A_61 = arith.constant 0.000000e+00 : f32
    %broadcast_in_dim3A_62 = vector.broadcast %broadcast_in_dim3A_61 : f32 to vector<16xf32>
    %swap3A_63 = arith.constant 10 : i32
    %swap3A_64 = arith.index_cast %swap3A_63 : i32 to index
    %swap3A_65 = arith.constant 0 : index
    %swap3A_66 = tpu.vector_load %arg21[%swap3A_64, %swap3A_65] {strides = array<i32>} : memref<128x16xf32, #tpu.memory_space<vmem>>, vector<16xf32>,
    tpu.vector_store %arg21[%swap3A_64, %swap3A_65], %broadcast_in_dim3A_62 {strides = array<i32>} : memref<128x16xf32, #tpu.memory_space<vmem>>, vector<16xf32>,
    %broadcast_in_dim3A_67 = arith.constant 0.000000e+00 : f32
    %broadcast_in_dim3A_68 = vector.broadcast %broadcast_in_dim3A_67 : f32 to vector<16xf32>
    %swap3A_69 = arith.constant 11 : i32
    %swap3A_70 = arith.index_cast %swap3A_69 : i32 to index
    %swap3A_71 = arith.constant 0 : index
    %swap3A_72 = tpu.vector_load %arg21[%swap3A_70, %swap3A_71] {strides = array<i32>} : memref<128x16xf32, #tpu.memory_space<vmem>>, vector<16xf32>,
    tpu.vector_store %arg21[%swap3A_70, %swap3A_71], %broadcast_in_dim3A_68 {strides = array<i32>} : memref<128x16xf32, #tpu.memory_space<vmem>>, vector<16xf32>,
    %broadcast_in_dim3A_73 = arith.constant 0.000000e+00 : f32
    %broadcast_in_dim3A_74 = vector.broadcast %broadcast_in_dim3A_73 : f32 to vector<16xf32>
    %swap3A_75 = arith.constant 12 : i32
    %swap3A_76 = arith.index_cast %swap3A_75 : i32 to index
    %swap3A_77 = arith.constant 0 : index
    %swap3A_78 = tpu.vector_load %arg21[%swap3A_76, %swap3A_77] {strides = array<i32>} : memref<128x16xf32, #tpu.memory_space<vmem>>, vector<16xf32>,
    tpu.vector_store %arg21[%swap3A_76, %swap3A_77], %broadcast_in_dim3A_74 {strides = array<i32>} : memref<128x16xf32, #tpu.memory_space<vmem>>, vector<16xf32>,
    %broadcast_in_dim3A_79 = arith.constant 0.000000e+00 : f32
    %broadcast_in_dim3A_80 = vector.broadcast %broadcast_in_dim3A_79 : f32 to vector<16xf32>
    %swap3A_81 = arith.constant 13 : i32
    %swap3A_82 = arith.index_cast %swap3A_81 : i32 to index
    %swap3A_83 = arith.constant 0 : index
    %swap3A_84 = tpu.vector_load %arg21[%swap3A_82, %swap3A_83] {strides = array<i32>} : memref<128x16xf32, #tpu.memory_space<vmem>>, vector<16xf32>,
    tpu.vector_store %arg21[%swap3A_82, %swap3A_83], %broadcast_in_dim3A_80 {strides = array<i32>} : memref<128x16xf32, #tpu.memory_space<vmem>>, vector<16xf32>,
    %broadcast_in_dim3A_85 = arith.constant 0.000000e+00 : f32
    %broadcast_in_dim3A_86 = vector.broadcast %broadcast_in_dim3A_85 : f32 to vector<16xf32>
    %swap3A_87 = arith.constant 14 : i32
    %swap3A_88 = arith.index_cast %swap3A_87 : i32 to index
    %swap3A_89 = arith.constant 0 : index
    %swap3A_90 = tpu.vector_load %arg21[%swap3A_88, %swap3A_89] {strides = array<i32>} : memref<128x16xf32, #tpu.memory_space<vmem>>, vector<16xf32>,
    tpu.vector_store %arg21[%swap3A_88, %swap3A_89], %broadcast_in_dim3A_86 {strides = array<i32>} : memref<128x16xf32, #tpu.memory_space<vmem>>, vector<16xf32>,
    %broadcast_in_dim3A_91 = arith.constant 0.000000e+00 : f32
    %broadcast_in_dim3A_92 = vector.broadcast %broadcast_in_dim3A_91 : f32 to vector<16xf32>
    %swap3A_93 = arith.constant 15 : i32
    %swap3A_94 = arith.index_cast %swap3A_93 : i32 to index
    %swap3A_95 = arith.constant 0 : index
    %swap3A_96 = tpu.vector_load %arg21[%swap3A_94, %swap3A_95] {strides = array<i32>} : memref<128x16xf32, #tpu.memory_space<vmem>>, vector<16xf32>,
    tpu.vector_store %arg21[%swap3A_94, %swap3A_95], %broadcast_in_dim3A_92 {strides = array<i32>} : memref<128x16xf32, #tpu.memory_space<vmem>>, vector<16xf32>,
    %broadcast_in_dim3A_97 = arith.constant 0.000000e+00 : f32
    %broadcast_in_dim3A_98 = vector.broadcast %broadcast_in_dim3A_97 : f32 to vector<16xf32>
    %swap3A_99 = arith.constant 16 : i32
    %swap3A_100 = arith.index_cast %swap3A_99 : i32 to index
    %swap3A_101 = arith.constant 0 : index
    %swap3A_102 = tpu.vector_load %arg21[%swap3A_100, %swap3A_101] {strides = array<i32>} : memref<128x16xf32, #tpu.memory_space<vmem>>, vector<16xf32>,
    tpu.vector_store %arg21[%swap3A_100, %swap3A_101], %broadcast_in_dim3A_98 {strides = array<i32>} : memref<128x16xf32, #tpu.memory_space<vmem>>, vector<16xf32>,
    %broadcast_in_dim3A_103 = arith.constant 0.000000e+00 : f32
    %broadcast_in_dim3A_104 = vector.broadcast %broadcast_in_dim3A_103 : f32 to vector<16xf32>
    %swap3A_105 = arith.constant 17 : i32
    %swap3A_106 = arith.index_cast %swap3A_105 : i32 to index
    %swap3A_107 = arith.constant 0 : index
    %swap3A_108 = tpu.vector_load %arg21[%swap3A_106, %swap3A_107] {strides = array<i32>} : memref<128x16xf32, #tpu.memory_space<vmem>>, vector<16xf32>,
    tpu.vector_store %arg21[%swap3A_106, %swap3A_107], %broadcast_in_dim3A_104 {strides = array<i32>} : memref<128x16xf32, #tpu.memory_space<vmem>>, vector<16xf32>,
    %broadcast_in_dim3A_109 = arith.constant 0.000000e+00 : f32
    %broadcast_in_dim3A_110 = vector.broadcast %broadcast_in_dim3A_109 : f32 to vector<16xf32>
    %swap3A_111 = arith.constant 18 : i32
    %swap3A_112 = arith.index_cast %swap3A_111 : i32 to index
    %swap3A_113 = arith.constant 0 : index
    %swap3A_114 = tpu.vector_load %arg21[%swap3A_112, %swap3A_113] {strides = array<i32>} : memref<128x16xf32, #tpu.memory_space<vmem>>, vector<16xf32>,
    tpu.vector_store %arg21[%swap3A_112, %swap3A_113], %broadcast_in_dim3A_110 {strides = array<i32>} : memref<128x16xf32, #tpu.memory_space<vmem>>, vector<16xf32>,
    %broadcast_in_dim3A_115 = arith.constant 0.000000e+00 : f32
    %broadcast_in_dim3A_116 = vector.broadcast %broadcast_in_dim3A_115 : f32 to vector<16xf32>
    %swap3A_117 = arith.constant 19 : i32
    %swap3A_118 = arith.index_cast %swap3A_117 : i32 to index
    %swap3A_119 = arith.constant 0 : index
    %swap3A_120 = tpu.vector_load %arg21[%swap3A_118, %swap3A_119] {strides = array<i32>} : memref<128x16xf32, #tpu.memory_space<vmem>>, vector<16xf32>,
    tpu.vector_store %arg21[%swap3A_118, %swap3A_119], %broadcast_in_dim3A_116 {strides = array<i32>} : memref<128x16xf32, #tpu.memory_space<vmem>>, vector<16xf32>,
    %broadcast_in_dim3A_121 = arith.constant 0.000000e+00 : f32
    %broadcast_in_dim3A_122 = vector.broadcast %broadcast_in_dim3A_121 : f32 to vector<16xf32>
    %swap3A_123 = arith.constant 20 : i32
    %swap3A_124 = arith.index_cast %swap3A_123 : i32 to index
    %swap3A_125 = arith.constant 0 : index
    %swap3A_126 = tpu.vector_load %arg21[%swap3A_124, %swap3A_125] {strides = array<i32>} : memref<128x16xf32, #tpu.memory_space<vmem>>, vector<16xf32>,
    tpu.vector_store %arg21[%swap3A_124, %swap3A_125], %broadcast_in_dim3A_122 {strides = array<i32>} : memref<128x16xf32, #tpu.memory_space<vmem>>, vector<16xf32>,
    %broadcast_in_dim3A_127 = arith.constant 0.000000e+00 : f32
    %broadcast_in_dim3A_128 = vector.broadcast %broadcast_in_dim3A_127 : f32 to vector<16xf32>
    %swap3A_129 = arith.constant 21 : i32
    %swap3A_130 = arith.index_cast %swap3A_129 : i32 to index
    %swap3A_131 = arith.constant 0 : index
    %swap3A_132 = tpu.vector_load %arg21[%swap3A_130, %swap3A_131] {strides = array<i32>} : memref<128x16xf32, #tpu.memory_space<vmem>>, vector<16xf32>,
    tpu.vector_store %arg21[%swap3A_130, %swap3A_131], %broadcast_in_dim3A_128 {strides = array<i32>} : memref<128x16xf32, #tpu.memory_space<vmem>>, vector<16xf32>,
    %broadcast_in_dim3A_133 = arith.constant 0.000000e+00 : f32
    %broadcast_in_dim3A_134 = vector.broadcast %broadcast_in_dim3A_133 : f32 to vector<16xf32>
    %swap3A_135 = arith.constant 22 : i32
    %swap3A_136 = arith.index_cast %swap3A_135 : i32 to index
    %swap3A_137 = arith.constant 0 : index
    %swap3A_138 = tpu.vector_load %arg21[%swap3A_136, %swap3A_137] {strides = array<i32>} : memref<128x16xf32, #tpu.memory_space<vmem>>, vector<16xf32>,
    tpu.vector_store %arg21[%swap3A_136, %swap3A_137], %broadcast_in_dim3A_134 {strides = array<i32>} : memref<128x16xf32, #tpu.memory_space<vmem>>, vector<16xf32>,
    %broadcast_in_dim3A_139 = arith.constant 0.000000e+00 : f32
    %broadcast_in_dim3A_140 = vector.broadcast %broadcast_in_dim3A_139 : f32 to vector<16xf32>
    %swap3A_141 = arith.constant 23 : i32
    %swap3A_142 = arith.index_cast %swap3A_141 : i32 to index
    %swap3A_143 = arith.constant 0 : index
    %swap3A_144 = tpu.vector_load %arg21[%swap3A_142, %swap3A_143] {strides = array<i32>} : memref<128x16xf32, #tpu.memory_space<vmem>>, vector<16xf32>,
    tpu.vector_store %arg21[%swap3A_142, %swap3A_143], %broadcast_in_dim3A_140 {strides = array<i32>} : memref<128x16xf32, #tpu.memory_space<vmem>>, vector<16xf32>,
    %broadcast_in_dim3A_145 = arith.constant 0.000000e+00 : f32
    %broadcast_in_dim3A_146 = vector.broadcast %broadcast_in_dim3A_145 : f32 to vector<16xf32>
    %swap3A_147 = arith.constant 24 : i32
    %swap3A_148 = arith.index_cast %swap3A_147 : i32 to index
    %swap3A_149 = arith.constant 0 : index
    %swap3A_150 = tpu.vector_load %arg21[%swap3A_148, %swap3A_149] {strides = array<i32>} : memref<128x16xf32, #tpu.memory_space<vmem>>, vector<16xf32>,
    tpu.vector_store %arg21[%swap3A_148, %swap3A_149], %broadcast_in_dim3A_146 {strides = array<i32>} : memref<128x16xf32, #tpu.memory_space<vmem>>, vector<16xf32>,
    %broadcast_in_dim3A_151 = arith.constant 0.000000e+00 : f32
    %broadcast_in_dim3A_152 = vector.broadcast %broadcast_in_dim3A_151 : f32 to vector<16xf32>
    %swap3A_153 = arith.constant 25 : i32
    %swap3A_154 = arith.index_cast %swap3A_153 : i32 to index
    %swap3A_155 = arith.constant 0 : index
    %swap3A_156 = tpu.vector_load %arg21[%swap3A_154, %swap3A_155] {strides = array<i32>} : memref<128x16xf32, #tpu.memory_space<vmem>>, vector<16xf32>,
    tpu.vector_store %arg21[%swap3A_154, %swap3A_155], %broadcast_in_dim3A_152 {strides = array<i32>} : memref<128x16xf32, #tpu.memory_space<vmem>>, vector<16xf32>,
    %broadcast_in_dim3A_157 = arith.constant 0.000000e+00 : f32
    %broadcast_in_dim3A_158 = vector.broadcast %broadcast_in_dim3A_157 : f32 to vector<16xf32>
    %swap3A_159 = arith.constant 26 : i32
    %swap3A_160 = arith.index_cast %swap3A_159 : i32 to index
    %swap3A_161 = arith.constant 0 : index
    %swap3A_162 = tpu.vector_load %arg21[%swap3A_160, %swap3A_161] {strides = array<i32>} : memref<128x16xf32, #tpu.memory_space<vmem>>, vector<16xf32>,
    tpu.vector_store %arg21[%swap3A_160, %swap3A_161], %broadcast_in_dim3A_158 {strides = array<i32>} : memref<128x16xf32, #tpu.memory_space<vmem>>, vector<16xf32>,
    %broadcast_in_dim3A_163 = arith.constant 0.000000e+00 : f32
    %broadcast_in_dim3A_164 = vector.broadcast %broadcast_in_dim3A_163 : f32 to vector<16xf32>
    %swap3A_165 = arith.constant 27 : i32
    %swap3A_166 = arith.index_cast %swap3A_165 : i32 to index
    %swap3A_167 = arith.constant 0 : index
    %swap3A_168 = tpu.vector_load %arg21[%swap3A_166, %swap3A_167] {strides = array<i32>} : memref<128x16xf32, #tpu.memory_space<vmem>>, vector<16xf32>,
    tpu.vector_store %arg21[%swap3A_166, %swap3A_167], %broadcast_in_dim3A_164 {strides = array<i32>} : memref<128x16xf32, #tpu.memory_space<vmem>>, vector<16xf32>,
    %broadcast_in_dim3A_169 = arith.constant 0.000000e+00 : f32
    %broadcast_in_dim3A_170 = vector.broadcast %broadcast_in_dim3A_169 : f32 to vector<16xf32>
    %swap3A_171 = arith.constant 28 : i32
    %swap3A_172 = arith.index_cast %swap3A_171 : i32 to index
    %swap3A_173 = arith.constant 0 : index
    %swap3A_174 = tpu.vector_load %arg21[%swap3A_172, %swap3A_173] {strides = array<i32>} : memref<128x16xf32, #tpu.memory_space<vmem>>, vector<16xf32>,
    tpu.vector_store %arg21[%swap3A_172, %swap3A_173], %broadcast_in_dim3A_170 {strides = array<i32>} : memref<128x16xf32, #tpu.memory_space<vmem>>, vector<16xf32>,
    %broadcast_in_dim3A_175 = arith.constant 0.000000e+00 : f32
    %broadcast_in_dim3A_176 = vector.broadcast %broadcast_in_dim3A_175 : f32 to vector<16xf32>
    %swap3A_177 = arith.constant 29 : i32
    %swap3A_178 = arith.index_cast %swap3A_177 : i32 to index
    %swap3A_179 = arith.constant 0 : index
    %swap3A_180 = tpu.vector_load %arg21[%swap3A_178, %swap3A_179] {strides = array<i32>} : memref<128x16xf32, #tpu.memory_space<vmem>>, vector<16xf32>,
    tpu.vector_store %arg21[%swap3A_178, %swap3A_179], %broadcast_in_dim3A_176 {strides = array<i32>} : memref<128x16xf32, #tpu.memory_space<vmem>>, vector<16xf32>,
    %broadcast_in_dim3A_181 = arith.constant 0.000000e+00 : f32
    %broadcast_in_dim3A_182 = vector.broadcast %broadcast_in_dim3A_181 : f32 to vector<16xf32>
    %swap3A_183 = arith.constant 30 : i32
    %swap3A_184 = arith.index_cast %swap3A_183 : i32 to index
    %swap3A_185 = arith.constant 0 : index
    %swap3A_186 = tpu.vector_load %arg21[%swap3A_184, %swap3A_185] {strides = array<i32>} : memref<128x16xf32, #tpu.memory_space<vmem>>, vector<16xf32>,
    tpu.vector_store %arg21[%swap3A_184, %swap3A_185], %broadcast_in_dim3A_182 {strides = array<i32>} : memref<128x16xf32, #tpu.memory_space<vmem>>, vector<16xf32>,
    %broadcast_in_dim3A_187 = arith.constant 0.000000e+00 : f32
    %broadcast_in_dim3A_188 = vector.broadcast %broadcast_in_dim3A_187 : f32 to vector<16xf32>
    %swap3A_189 = arith.constant 31 : i32
    %swap3A_190 = arith.index_cast %swap3A_189 : i32 to index
    %swap3A_191 = arith.constant 0 : index
    %swap3A_192 = tpu.vector_load %arg21[%swap3A_190, %swap3A_191] {strides = array<i32>} : memref<128x16xf32, #tpu.memory_space<vmem>>, vector<16xf32>,
    tpu.vector_store %arg21[%swap3A_190, %swap3A_191], %broadcast_in_dim3A_188 {strides = array<i32>} : memref<128x16xf32, #tpu.memory_space<vmem>>, vector<16xf32>,
    %broadcast_in_dim3A_193 = arith.constant 0.000000e+00 : f32
    %broadcast_in_dim3A_194 = vector.broadcast %broadcast_in_dim3A_193 : f32 to vector<16xf32>
    %swap3A_195 = arith.constant 32 : i32
    %swap3A_196 = arith.index_cast %swap3A_195 : i32 to index
    %swap3A_197 = arith.constant 0 : index
    %swap3A_198 = tpu.vector_load %arg21[%swap3A_196, %swap3A_197] {strides = array<i32>} : memref<128x16xf32, #tpu.memory_space<vmem>>, vector<16xf32>,
    tpu.vector_store %arg21[%swap3A_196, %swap3A_197], %broadcast_in_dim3A_194 {strides = array<i32>} : memref<128x16xf32, #tpu.memory_space<vmem>>, vector<16xf32>,
    %broadcast_in_dim3A_199 = arith.constant 0.000000e+00 : f32
    %broadcast_in_dim3A_200 = vector.broadcast %broadcast_in_dim3A_199 : f32 to vector<16xf32>
    %swap3A_201 = arith.constant 33 : i32
    %swap3A_202 = arith.index_cast %swap3A_201 : i32 to index
    %swap3A_203 = arith.constant 0 : index
    %swap3A_204 = tpu.vector_load %arg21[%swap3A_202, %swap3A_203] {strides = array<i32>} : memref<128x16xf32, #tpu.memory_space<vmem>>, vector<16xf32>,
    tpu.vector_store %arg21[%swap3A_202, %swap3A_203], %broadcast_in_dim3A_200 {strides = array<i32>} : memref<128x16xf32, #tpu.memory_space<vmem>>, vector<16xf32>,
    %broadcast_in_dim3A_205 = arith.constant 0.000000e+00 : f32
    %broadcast_in_dim3A_206 = vector.broadcast %broadcast_in_dim3A_205 : f32 to vector<16xf32>
    %swap3A_207 = arith.constant 34 : i32
    %swap3A_208 = arith.index_cast %swap3A_207 : i32 to index
    %swap3A_209 = arith.constant 0 : index
    %swap3A_210 = tpu.vector_load %arg21[%swap3A_208, %swap3A_209] {strides = array<i32>} : memref<128x16xf32, #tpu.memory_space<vmem>>, vector<16xf32>,
    tpu.vector_store %arg21[%swap3A_208, %swap3A_209], %broadcast_in_dim3A_206 {strides = array<i32>} : memref<128x16xf32, #tpu.memory_space<vmem>>, vector<16xf32>,
    %broadcast_in_dim3A_211 = arith.constant 0.000000e+00 : f32
    %broadcast_in_dim3A_212 = vector.broadcast %broadcast_in_dim3A_211 : f32 to vector<16xf32>
    %swap3A_213 = arith.constant 35 : i32
    %swap3A_214 = arith.index_cast %swap3A_213 : i32 to index
    %swap3A_215 = arith.constant 0 : index
    %swap3A_216 = tpu.vector_load %arg21[%swap3A_214, %swap3A_215] {strides = array<i32>} : memref<128x16xf32, #tpu.memory_space<vmem>>, vector<16xf32>,
    tpu.vector_store %arg21[%swap3A_214, %swap3A_215], %broadcast_in_dim3A_212 {strides = array<i32>} : memref<128x16xf32, #tpu.memory_space<vmem>>, vector<16xf32>,
    %broadcast_in_dim3A_217 = arith.constant 0.000000e+00 : f32
    %broadcast_in_dim3A_218 = vector.broadcast %broadcast_in_dim3A_217 : f32 to vector<16xf32>
    %swap3A_219 = arith.constant 36 : i32
    %swap3A_220 = arith.index_cast %swap3A_219 : i32 to index
    %swap3A_221 = arith.constant 0 : index
    %swap3A_222 = tpu.vector_load %arg21[%swap3A_220, %swap3A_221] {strides = array<i32>} : memref<128x16xf32, #tpu.memory_space<vmem>>, vector<16xf32>,
    tpu.vector_store %arg21[%swap3A_220, %swap3A_221], %broadcast_in_dim3A_218 {strides = array<i32>} : memref<128x16xf32, #tpu.memory_space<vmem>>, vector<16xf32>,
    %broadcast_in_dim3A_223 = arith.constant 0.000000e+00 : f32
    %broadcast_in_dim3A_224 = vector.broadcast %broadcast_in_dim3A_223 : f32 to vector<16xf32>
    %swap3A_225 = arith.constant 37 : i32
    %swap3A_226 = arith.index_cast %swap3A_225 : i32 to index
    %swap3A_227 = arith.constant 0 : index
    %swap3A_228 = tpu.vector_load %arg21[%swap3A_226, %swap3A_227] {strides = array<i32>} : memref<128x16xf32, #tpu.memory_space<vmem>>, vector<16xf32>,
    tpu.vector_store %arg21[%swap3A_226, %swap3A_227], %broadcast_in_dim3A_224 {strides = array<i32>} : memref<128x16xf32, #tpu.memory_space<vmem>>, vector<16xf32>,
    %broadcast_in_dim3A_229 = arith.constant 0.000000e+00 : f32
    %broadcast_in_dim3A_230 = vector.broadcast %broadcast_in_dim3A_229 : f32 to vector<16xf32>
    %swap3A_231 = arith.constant 38 : i32
    %swap3A_232 = arith.index_cast %swap3A_231 : i32 to index
    %swap3A_233 = arith.constant 0 : index
    %swap3A_234 = tpu.vector_load %arg21[%swap3A_232, %swap3A_233] {strides = array<i32>} : memref<128x16xf32, #tpu.memory_space<vmem>>, vector<16xf32>,
    tpu.vector_store %arg21[%swap3A_232, %swap3A_233], %broadcast_in_dim3A_230 {strides = array<i32>} : memref<128x16xf32, #tpu.memory_space<vmem>>, vector<16xf32>,
    %broadcast_in_dim3A_235 = arith.constant 0.000000e+00 : f32
    %broadcast_in_dim3A_236 = vector.broadcast %broadcast_in_dim3A_235 : f32 to vector<16xf32>
    %swap3A_237 = arith.constant 39 : i32
    %swap3A_238 = arith.index_cast %swap3A_237 : i32 to index
    %swap3A_239 = arith.constant 0 : index
    %swap3A_240 = tpu.vector_load %arg21[%swap3A_238, %swap3A_239] {strides = array<i32>} : memref<128x16xf32, #tpu.memory_space<vmem>>, vector<16xf32>,
    tpu.vector_store %arg21[%swap3A_238, %swap3A_239], %broadcast_in_dim3A_236 {strides = array<i32>} : memref<128x16xf32, #tpu.memory_space<vmem>>, vector<16xf32>,
    %broadcast_in_dim3A_241 = arith.constant 0.000000e+00 : f32
    %broadcast_in_dim3A_242 = vector.broadcast %broadcast_in_dim3A_241 : f32 to vector<16xf32>
    %swap3A_243 = arith.constant 40 : i32
    %swap3A_244 = arith.index_cast %swap3A_243 : i32 to index
    %swap3A_245 = arith.constant 0 : index
    %swap3A_246 = tpu.vector_load %arg21[%swap3A_244, %swap3A_245] {strides = array<i32>} : memref<128x16xf32, #tpu.memory_space<vmem>>, vector<16xf32>,
    tpu.vector_store %arg21[%swap3A_244, %swap3A_245], %broadcast_in_dim3A_242 {strides = array<i32>} : memref<128x16xf32, #tpu.memory_space<vmem>>, vector<16xf32>,
    %broadcast_in_dim3A_247 = arith.constant 0.000000e+00 : f32
    %broadcast_in_dim3A_248 = vector.broadcast %broadcast_in_dim3A_247 : f32 to vector<16xf32>
    %swap3A_249 = arith.constant 41 : i32
    %swap3A_250 = arith.index_cast %swap3A_249 : i32 to index
    %swap3A_251 = arith.constant 0 : index
    %swap3A_252 = tpu.vector_load %arg21[%swap3A_250, %swap3A_251] {strides = array<i32>} : memref<128x16xf32, #tpu.memory_space<vmem>>, vector<16xf32>,
    tpu.vector_store %arg21[%swap3A_250, %swap3A_251], %broadcast_in_dim3A_248 {strides = array<i32>} : memref<128x16xf32, #tpu.memory_space<vmem>>, vector<16xf32>,
    %broadcast_in_dim3A_253 = arith.constant 0.000000e+00 : f32
    %broadcast_in_dim3A_254 = vector.broadcast %broadcast_in_dim3A_253 : f32 to vector<16xf32>
    %swap3A_255 = arith.constant 42 : i32
    %swap3A_256 = arith.index_cast %swap3A_255 : i32 to index
    %swap3A_257 = arith.constant 0 : index
    %swap3A_258 = tpu.vector_load %arg21[%swap3A_256, %swap3A_257] {strides = array<i32>} : memref<128x16xf32, #tpu.memory_space<vmem>>, vector<16xf32>,
    tpu.vector_store %arg21[%swap3A_256, %swap3A_257], %broadcast_in_dim3A_254 {strides = array<i32>} : memref<128x16xf32, #tpu.memory_space<vmem>>, vector<16xf32>,
    %broadcast_in_dim3A_259 = arith.constant 0.000000e+00 : f32
    %broadcast_in_dim3A_260 = vector.broadcast %broadcast_in_dim3A_259 : f32 to vector<16xf32>
    %swap3A_261 = arith.constant 43 : i32
    %swap3A_262 = arith.index_cast %swap3A_261 : i32 to index
    %swap3A_263 = arith.constant 0 : index
    %swap3A_264 = tpu.vector_load %arg21[%swap3A_262, %swap3A_263] {strides = array<i32>} : memref<128x16xf32, #tpu.memory_space<vmem>>, vector<16xf32>,
    tpu.vector_store %arg21[%swap3A_262, %swap3A_263], %broadcast_in_dim3A_260 {strides = array<i32>} : memref<128x16xf32, #tpu.memory_space<vmem>>, vector<16xf32>,
    %broadcast_in_dim3A_265 = arith.constant 0.000000e+00 : f32
    %broadcast_in_dim3A_266 = vector.broadcast %broadcast_in_dim3A_265 : f32 to vector<16xf32>
    %swap3A_267 = arith.constant 44 : i32
    %swap3A_268 = arith.index_cast %swap3A_267 : i32 to index
    %swap3A_269 = arith.constant 0 : index
    %swap3A_270 = tpu.vector_load %arg21[%swap3A_268, %swap3A_269] {strides = array<i32>} : memref<128x16xf32, #tpu.memory_space<vmem>>, vector<16xf32>,
    tpu.vector_store %arg21[%swap3A_268, %swap3A_269], %broadcast_in_dim3A_266 {strides = array<i32>} : memref<128x16xf32, #tpu.memory_space<vmem>>, vector<16xf32>,
    %broadcast_in_dim3A_271 = arith.constant 0.000000e+00 : f32
    %broadcast_in_dim3A_272 = vector.broadcast %broadcast_in_dim3A_271 : f32 to vector<16xf32>
    %swap3A_273 = arith.constant 45 : i32
    %swap3A_274 = arith.index_cast %swap3A_273 : i32 to index
    %swap3A_275 = arith.constant 0 : index
    %swap3A_276 = tpu.vector_load %arg21[%swap3A_274, %swap3A_275] {strides = array<i32>} : memref<128x16xf32, #tpu.memory_space<vmem>>, vector<16xf32>,
    tpu.vector_store %arg21[%swap3A_274, %swap3A_275], %broadcast_in_dim3A_272 {strides = array<i32>} : memref<128x16xf32, #tpu.memory_space<vmem>>, vector<16xf32>,
    %broadcast_in_dim3A_277 = arith.constant 0.000000e+00 : f32
    %broadcast_in_dim3A_278 = vector.broadcast %broadcast_in_dim3A_277 : f32 to vector<16xf32>
    %swap3A_279 = arith.constant 46 : i32
    %swap3A_280 = arith.index_cast %swap3A_279 : i32 to index
    %swap3A_281 = arith.constant 0 : index
    %swap3A_282 = tpu.vector_load %arg21[%swap3A_280, %swap3A_281] {strides = array<i32>} : memref<128x16xf32, #tpu.memory_space<vmem>>, vector<16xf32>,
    tpu.vector_store %arg21[%swap3A_280, %swap3A_281], %broadcast_in_dim3A_278 {strides = array<i32>} : memref<128x16xf32, #tpu.memory_space<vmem>>, vector<16xf32>,
    %broadcast_in_dim3A_283 = arith.constant 0.000000e+00 : f32
    %broadcast_in_dim3A_284 = vector.broadcast %broadcast_in_dim3A_283 : f32 to vector<16xf32>
    %swap3A_285 = arith.constant 47 : i32
    %swap3A_286 = arith.index_cast %swap3A_285 : i32 to index
    %swap3A_287 = arith.constant 0 : index
    %swap3A_288 = tpu.vector_load %arg21[%swap3A_286, %swap3A_287] {strides = array<i32>} : memref<128x16xf32, #tpu.memory_space<vmem>>, vector<16xf32>,
    tpu.vector_store %arg21[%swap3A_286, %swap3A_287], %broadcast_in_dim3A_284 {strides = array<i32>} : memref<128x16xf32, #tpu.memory_space<vmem>>, vector<16xf32>,
    %broadcast_in_dim3A_289 = arith.constant 0.000000e+00 : f32
    %broadcast_in_dim3A_290 = vector.broadcast %broadcast_in_dim3A_289 : f32 to vector<16xf32>
    %swap3A_291 = arith.constant 48 : i32
    %swap3A_292 = arith.index_cast %swap3A_291 : i32 to index
    %swap3A_293 = arith.constant 0 : index
    %swap3A_294 = tpu.vector_load %arg21[%swap3A_292, %swap3A_293] {strides = array<i32>} : memref<128x16xf32, #tpu.memory_space<vmem>>, vector<16xf32>,
    tpu.vector_store %arg21[%swap3A_292, %swap3A_293], %broadcast_in_dim3A_290 {strides = array<i32>} : memref<128x16xf32, #tpu.memory_space<vmem>>, vector<16xf32>,
    %broadcast_in_dim3A_295 = arith.constant 0.000000e+00 : f32
    %broadcast_in_dim3A_296 = vector.broadcast %broadcast_in_dim3A_295 : f32 to vector<16xf32>
    %swap3A_297 = arith.constant 49 : i32
    %swap3A_298 = arith.index_cast %swap3A_297 : i32 to index
    %swap3A_299 = arith.constant 0 : index
    %swap3A_300 = tpu.vector_load %arg21[%swap3A_298, %swap3A_299] {strides = array<i32>} : memref<128x16xf32, #tpu.memory_space<vmem>>, vector<16xf32>,
    tpu.vector_store %arg21[%swap3A_298, %swap3A_299], %broadcast_in_dim3A_296 {strides = array<i32>} : memref<128x16xf32, #tpu.memory_space<vmem>>, vector<16xf32>,
    %broadcast_in_dim3A_301 = arith.constant 0.000000e+00 : f32
    %broadcast_in_dim3A_302 = vector.broadcast %broadcast_in_dim3A_301 : f32 to vector<16xf32>
    %swap3A_303 = arith.constant 50 : i32
    %swap3A_304 = arith.index_cast %swap3A_303 : i32 to index
    %swap3A_305 = arith.constant 0 : index
    %swap3A_306 = tpu.vector_load %arg21[%swap3A_304, %swap3A_305] {strides = array<i32>} : memref<128x16xf32, #tpu.memory_space<vmem>>, vector<16xf32>,
    tpu.vector_store %arg21[%swap3A_304, %swap3A_305], %broadcast_in_dim3A_302 {strides = array<i32>} : memref<128x16xf32, #tpu.memory_space<vmem>>, vector<16xf32>,
    %broadcast_in_dim3A_307 = arith.constant 0.000000e+00 : f32
    %broadcast_in_dim3A_308 = vector.broadcast %broadcast_in_dim3A_307 : f32 to vector<16xf32>
    %swap3A_309 = arith.constant 51 : i32
    %swap3A_310 = arith.index_cast %swap3A_309 : i32 to index
    %swap3A_311 = arith.constant 0 : index
    %swap3A_312 = tpu.vector_load %arg21[%swap3A_310, %swap3A_311] {strides = array<i32>} : memref<128x16xf32, #tpu.memory_space<vmem>>, vector<16xf32>,
    tpu.vector_store %arg21[%swap3A_310, %swap3A_311], %broadcast_in_dim3A_308 {strides = array<i32>} : memref<128x16xf32, #tpu.memory_space<vmem>>, vector<16xf32>,
    %broadcast_in_dim3A_313 = arith.constant 0.000000e+00 : f32
    %broadcast_in_dim3A_314 = vector.broadcast %broadcast_in_dim3A_313 : f32 to vector<16xf32>
    %swap3A_315 = arith.constant 52 : i32
    %swap3A_316 = arith.index_cast %swap3A_315 : i32 to index
    %swap3A_317 = arith.constant 0 : index
    %swap3A_318 = tpu.vector_load %arg21[%swap3A_316, %swap3A_317] {strides = array<i32>} : memref<128x16xf32, #tpu.memory_space<vmem>>, vector<16xf32>,
    tpu.vector_store %arg21[%swap3A_316, %swap3A_317], %broadcast_in_dim3A_314 {strides = array<i32>} : memref<128x16xf32, #tpu.memory_space<vmem>>, vector<16xf32>,
    %broadcast_in_dim3A_319 = arith.constant 0.000000e+00 : f32
    %broadcast_in_dim3A_320 = vector.broadcast %broadcast_in_dim3A_319 : f32 to vector<16xf32>
    %swap3A_321 = arith.constant 53 : i32
    %swap3A_322 = arith.index_cast %swap3A_321 : i32 to index
    %swap3A_323 = arith.constant 0 : index
    %swap3A_324 = tpu.vector_load %arg21[%swap3A_322, %swap3A_323] {strides = array<i32>} : memref<128x16xf32, #tpu.memory_space<vmem>>, vector<16xf32>,
    tpu.vector_store %arg21[%swap3A_322, %swap3A_323], %broadcast_in_dim3A_320 {strides = array<i32>} : memref<128x16xf32, #tpu.memory_space<vmem>>, vector<16xf32>,
    %broadcast_in_dim3A_325 = arith.constant 0.000000e+00 : f32
    %broadcast_in_dim3A_326 = vector.broadcast %broadcast_in_dim3A_325 : f32 to vector<16xf32>
    %swap3A_327 = arith.constant 54 : i32
    %swap3A_328 = arith.index_cast %swap3A_327 : i32 to index
    %swap3A_329 = arith.constant 0 : index
    %swap3A_330 = tpu.vector_load %arg21[%swap3A_328, %swap3A_329] {strides = array<i32>} : memref<128x16xf32, #tpu.memory_space<vmem>>, vector<16xf32>,
    tpu.vector_store %arg21[%swap3A_328, %swap3A_329], %broadcast_in_dim3A_326 {strides = array<i32>} : memref<128x16xf32, #tpu.memory_space<vmem>>, vector<16xf32>,
    %broadcast_in_dim3A_331 = arith.constant 0.000000e+00 : f32
    %broadcast_in_dim3A_332 = vector.broadcast %broadcast_in_dim3A_331 : f32 to vector<16xf32>
    %swap3A_333 = arith.constant 55 : i32
    %swap3A_334 = arith.index_cast %swap3A_333 : i32 to index
    %swap3A_335 = arith.constant 0 : index
    %swap3A_336 = tpu.vector_load %arg21[%swap3A_334, %swap3A_335] {strides = array<i32>} : memref<128x16xf32, #tpu.memory_space<vmem>>, vector<16xf32>,
    tpu.vector_store %arg21[%swap3A_334, %swap3A_335], %broadcast_in_dim3A_332 {strides = array<i32>} : memref<128x16xf32, #tpu.memory_space<vmem>>, vector<16xf32>,
    %broadcast_in_dim3A_337 = arith.constant 0.000000e+00 : f32
    %broadcast_in_dim3A_338 = vector.broadcast %broadcast_in_dim3A_337 : f32 to vector<16xf32>
    %swap3A_339 = arith.constant 56 : i32
    %swap3A_340 = arith.index_cast %swap3A_339 : i32 to index
    %swap3A_341 = arith.constant 0 : index
    %swap3A_342 = tpu.vector_load %arg21[%swap3A_340, %swap3A_341] {strides = array<i32>} : memref<128x16xf32, #tpu.memory_space<vmem>>, vector<16xf32>,
    tpu.vector_store %arg21[%swap3A_340, %swap3A_341], %broadcast_in_dim3A_338 {strides = array<i32>} : memref<128x16xf32, #tpu.memory_space<vmem>>, vector<16xf32>,
    %broadcast_in_dim3A_343 = arith.constant 0.000000e+00 : f32
    %broadcast_in_dim3A_344 = vector.broadcast %broadcast_in_dim3A_343 : f32 to vector<16xf32>
    %swap3A_345 = arith.constant 57 : i32
    %swap3A_346 = arith.index_cast %swap3A_345 : i32 to index
    %swap3A_347 = arith.constant 0 : index
    %swap3A_348 = tpu.vector_load %arg21[%swap3A_346, %swap3A_347] {strides = array<i32>} : memref<128x16xf32, #tpu.memory_space<vmem>>, vector<16xf32>,
    tpu.vector_store %arg21[%swap3A_346, %swap3A_347], %broadcast_in_dim3A_344 {strides = array<i32>} : memref<128x16xf32, #tpu.memory_space<vmem>>, vector<16xf32>,
    %broadcast_in_dim3A_349 = arith.constant 0.000000e+00 : f32
    %broadcast_in_dim3A_350 = vector.broadcast %broadcast_in_dim3A_349 : f32 to vector<16xf32>
    %swap3A_351 = arith.constant 58 : i32
    %swap3A_352 = arith.index_cast %swap3A_351 : i32 to index
    %swap3A_353 = arith.constant 0 : index
    %swap3A_354 = tpu.vector_load %arg21[%swap3A_352, %swap3A_353] {strides = array<i32>} : memref<128x16xf32, #tpu.memory_space<vmem>>, vector<16xf32>,
    tpu.vector_store %arg21[%swap3A_352, %swap3A_353], %broadcast_in_dim3A_350 {strides = array<i32>} : memref<128x16xf32, #tpu.memory_space<vmem>>, vector<16xf32>,
    %broadcast_in_dim3A_355 = arith.constant 0.000000e+00 : f32
    %broadcast_in_dim3A_356 = vector.broadcast %broadcast_in_dim3A_355 : f32 to vector<16xf32>
    %swap3A_357 = arith.constant 59 : i32
    %swap3A_358 = arith.index_cast %swap3A_357 : i32 to index
    %swap3A_359 = arith.constant 0 : index
    %swap3A_360 = tpu.vector_load %arg21[%swap3A_358, %swap3A_359] {strides = array<i32>} : memref<128x16xf32, #tpu.memory_space<vmem>>, vector<16xf32>,
    tpu.vector_store %arg21[%swap3A_358, %swap3A_359], %broadcast_in_dim3A_356 {strides = array<i32>} : memref<128x16xf32, #tpu.memory_space<vmem>>, vector<16xf32>,
    %broadcast_in_dim3A_361 = arith.constant 0.000000e+00 : f32
    %broadcast_in_dim3A_362 = vector.broadcast %broadcast_in_dim3A_361 : f32 to vector<16xf32>
    %swap3A_363 = arith.constant 60 : i32
    %swap3A_364 = arith.index_cast %swap3A_363 : i32 to index
    %swap3A_365 = arith.constant 0 : index
    %swap3A_366 = tpu.vector_load %arg21[%swap3A_364, %swap3A_365] {strides = array<i32>} : memref<128x16xf32, #tpu.memory_space<vmem>>, vector<16xf32>,
    tpu.vector_store %arg21[%swap3A_364, %swap3A_365], %broadcast_in_dim3A_362 {strides = array<i32>} : memref<128x16xf32, #tpu.memory_space<vmem>>, vector<16xf32>,
    %broadcast_in_dim3A_367 = arith.constant 0.000000e+00 : f32
    %broadcast_in_dim3A_368 = vector.broadcast %broadcast_in_dim3A_367 : f32 to vector<16xf32>
    %swap3A_369 = arith.constant 61 : i32
    %swap3A_370 = arith.index_cast %swap3A_369 : i32 to index
    %swap3A_371 = arith.constant 0 : index
    %swap3A_372 = tpu.vector_load %arg21[%swap3A_370, %swap3A_371] {strides = array<i32>} : memref<128x16xf32, #tpu.memory_space<vmem>>, vector<16xf32>,
    tpu.vector_store %arg21[%swap3A_370, %swap3A_371], %broadcast_in_dim3A_368 {strides = array<i32>} : memref<128x16xf32, #tpu.memory_space<vmem>>, vector<16xf32>,
    %broadcast_in_dim3A_373 = arith.constant 0.000000e+00 : f32
    %broadcast_in_dim3A_374 = vector.broadcast %broadcast_in_dim3A_373 : f32 to vector<16xf32>
    %swap3A_375 = arith.constant 62 : i32
    %swap3A_376 = arith.index_cast %swap3A_375 : i32 to index
    %swap3A_377 = arith.constant 0 : index
    %swap3A_378 = tpu.vector_load %arg21[%swap3A_376, %swap3A_377] {strides = array<i32>} : memref<128x16xf32, #tpu.memory_space<vmem>>, vector<16xf32>,
    tpu.vector_store %arg21[%swap3A_376, %swap3A_377], %broadcast_in_dim3A_374 {strides = array<i32>} : memref<128x16xf32, #tpu.memory_space<vmem>>, vector<16xf32>,
    %broadcast_in_dim3A_379 = arith.constant 0.000000e+00 : f32
    %broadcast_in_dim3A_380 = vector.broadcast %broadcast_in_dim3A_379 : f32 to vector<16xf32>
    %swap3A_381 = arith.constant 63 : i32
    %swap3A_382 = arith.index_cast %swap3A_381 : i32 to index
    %swap3A_383 = arith.constant 0 : index
    %swap3A_384 = tpu.vector_load %arg21[%swap3A_382, %swap3A_383] {strides = array<i32>} : memref<128x16xf32, #tpu.memory_space<vmem>>, vector<16xf32>,
    tpu.vector_store %arg21[%swap3A_382, %swap3A_383], %broadcast_in_dim3A_380 {strides = array<i32>} : memref<128x16xf32, #tpu.memory_space<vmem>>, vector<16xf32>,
    %broadcast_in_dim3A_385 = arith.constant 0.000000e+00 : f32
    %broadcast_in_dim3A_386 = vector.broadcast %broadcast_in_dim3A_385 : f32 to vector<16xf32>
    %swap3A_387 = arith.constant 64 : i32
    %swap3A_388 = arith.index_cast %swap3A_387 : i32 to index
    %swap3A_389 = arith.constant 0 : index
    %swap3A_390 = tpu.vector_load %arg21[%swap3A_388, %swap3A_389] {strides = array<i32>} : memref<128x16xf32, #tpu.memory_space<vmem>>, vector<16xf32>,
    tpu.vector_store %arg21[%swap3A_388, %swap3A_389], %broadcast_in_dim3A_386 {strides = array<i32>} : memref<128x16xf32, #tpu.memory_space<vmem>>, vector<16xf32>,
    %broadcast_in_dim3A_391 = arith.constant 0.000000e+00 : f32
    %broadcast_in_dim3A_392 = vector.broadcast %broadcast_in_dim3A_391 : f32 to vector<16xf32>
    %swap3A_393 = arith.constant 65 : i32
    %swap3A_394 = arith.index_cast %swap3A_393 : i32 to index
    %swap3A_395 = arith.constant 0 : index
    %swap3A_396 = tpu.vector_load %arg21[%swap3A_394, %swap3A_395] {strides = array<i32>} : memref<128x16xf32, #tpu.memory_space<vmem>>, vector<16xf32>,
    tpu.vector_store %arg21[%swap3A_394, %swap3A_395], %broadcast_in_dim3A_392 {strides = array<i32>} : memref<128x16xf32, #tpu.memory_space<vmem>>, vector<16xf32>,
    %broadcast_in_dim3A_397 = arith.constant 0.000000e+00 : f32
    %broadcast_in_dim3A_398 = vector.broadcast %broadcast_in_dim3A_397 : f32 to vector<16xf32>
    %swap3A_399 = arith.constant 66 : i32
    %swap3A_400 = arith.index_cast %swap3A_399 : i32 to index
    %swap3A_401 = arith.constant 0 : index
    %swap3A_402 = tpu.vector_load %arg21[%swap3A_400, %swap3A_401] {strides = array<i32>} : memref<128x16xf32, #tpu.memory_space<vmem>>, vector<16xf32>,
    tpu.vector_store %arg21[%swap3A_400, %swap3A_401], %broadcast_in_dim3A_398 {strides = array<i32>} : memref<128x16xf32, #tpu.memory_space<vmem>>, vector<16xf32>,
    %broadcast_in_dim3A_403 = arith.constant 0.000000e+00 : f32
    %broadcast_in_dim3A_404 = vector.broadcast %broadcast_in_dim3A_403 : f32 to vector<16xf32>
    %swap3A_405 = arith.constant 67 : i32
    %swap3A_406 = arith.index_cast %swap3A_405 : i32 to index
    %swap3A_407 = arith.constant 0 : index
    %swap3A_408 = tpu.vector_load %arg21[%swap3A_406, %swap3A_407] {strides = array<i32>} : memref<128x16xf32, #tpu.memory_space<vmem>>, vector<16xf32>,
    tpu.vector_store %arg21[%swap3A_406, %swap3A_407], %broadcast_in_dim3A_404 {strides = array<i32>} : memref<128x16xf32, #tpu.memory_space<vmem>>, vector<16xf32>,
    %broadcast_in_dim3A_409 = arith.constant 0.000000e+00 : f32
    %broadcast_in_dim3A_410 = vector.broadcast %broadcast_in_dim3A_409 : f32 to vector<16xf32>
    %swap3A_411 = arith.constant 68 : i32
    %swap3A_412 = arith.index_cast %swap3A_411 : i32 to index
    %swap3A_413 = arith.constant 0 : index
    %swap3A_414 = tpu.vector_load %arg21[%swap3A_412, %swap3A_413] {strides = array<i32>} : memref<128x16xf32, #tpu.memory_space<vmem>>, vector<16xf32>,
    tpu.vector_store %arg21[%swap3A_412, %swap3A_413], %broadcast_in_dim3A_410 {strides = array<i32>} : memref<128x16xf32, #tpu.memory_space<vmem>>, vector<16xf32>,
    %broadcast_in_dim3A_415 = arith.constant 0.000000e+00 : f32
    %broadcast_in_dim3A_416 = vector.broadcast %broadcast_in_dim3A_415 : f32 to vector<16xf32>
    %swap3A_417 = arith.constant 69 : i32
    %swap3A_418 = arith.index_cast %swap3A_417 : i32 to index
    %swap3A_419 = arith.constant 0 : index
    %swap3A_420 = tpu.vector_load %arg21[%swap3A_418, %swap3A_419] {strides = array<i32>} : memref<128x16xf32, #tpu.memory_space<vmem>>, vector<16xf32>,
    tpu.vector_store %arg21[%swap3A_418, %swap3A_419], %broadcast_in_dim3A_416 {strides = array<i32>} : memref<128x16xf32, #tpu.memory_space<vmem>>, vector<16xf32>,
    %broadcast_in_dim3A_421 = arith.constant 0.000000e+00 : f32
    %broadcast_in_dim3A_422 = vector.broadcast %broadcast_in_dim3A_421 : f32 to vector<16xf32>
    %swap3A_423 = arith.constant 70 : i32
    %swap3A_424 = arith.index_cast %swap3A_423 : i32 to index
    %swap3A_425 = arith.constant 0 : index
    %swap3A_426 = tpu.vector_load %arg21[%swap3A_424, %swap3A_425] {strides = array<i32>} : memref<128x16xf32, #tpu.memory_space<vmem>>, vector<16xf32>,
    tpu.vector_store %arg21[%swap3A_424, %swap3A_425], %broadcast_in_dim3A_422 {strides = array<i32>} : memref<128x16xf32, #tpu.memory_space<vmem>>, vector<16xf32>,
    %broadcast_in_dim3A_427 = arith.constant 0.000000e+00 : f32
    %broadcast_in_dim3A_428 = vector.broadcast %broadcast_in_dim3A_427 : f32 to vector<16xf32>
    %swap3A_429 = arith.constant 71 : i32
    %swap3A_430 = arith.index_cast %swap3A_429 : i32 to index
    %swap3A_431 = arith.constant 0 : index
    %swap3A_432 = tpu.vector_load %arg21[%swap3A_430, %swap3A_431] {strides = array<i32>} : memref<128x16xf32, #tpu.memory_space<vmem>>, vector<16xf32>,
    tpu.vector_store %arg21[%swap3A_430, %swap3A_431], %broadcast_in_dim3A_428 {strides = array<i32>} : memref<128x16xf32, #tpu.memory_space<vmem>>, vector<16xf32>,
    %broadcast_in_dim3A_433 = arith.constant 0.000000e+00 : f32
    %broadcast_in_dim3A_434 = vector.broadcast %broadcast_in_dim3A_433 : f32 to vector<16xf32>
    %swap3A_435 = arith.constant 72 : i32
    %swap3A_436 = arith.index_cast %swap3A_435 : i32 to index
    %swap3A_437 = arith.constant 0 : index
    %swap3A_438 = tpu.vector_load %arg21[%swap3A_436, %swap3A_437] {strides = array<i32>} : memref<128x16xf32, #tpu.memory_space<vmem>>, vector<16xf32>,
    tpu.vector_store %arg21[%swap3A_436, %swap3A_437], %broadcast_in_dim3A_434 {strides = array<i32>} : memref<128x16xf32, #tpu.memory_space<vmem>>, vector<16xf32>,
    %broadcast_in_dim3A_439 = arith.constant 0.000000e+00 : f32
    %broadcast_in_dim3A_440 = vector.broadcast %broadcast_in_dim3A_439 : f32 to vector<16xf32>
    %swap3A_441 = arith.constant 73 : i32
    %swap3A_442 = arith.index_cast %swap3A_441 : i32 to index
    %swap3A_443 = arith.constant 0 : index
    %swap3A_444 = tpu.vector_load %arg21[%swap3A_442, %swap3A_443] {strides = array<i32>} : memref<128x16xf32, #tpu.memory_space<vmem>>, vector<16xf32>,
    tpu.vector_store %arg21[%swap3A_442, %swap3A_443], %broadcast_in_dim3A_440 {strides = array<i32>} : memref<128x16xf32, #tpu.memory_space<vmem>>, vector<16xf32>,
    %broadcast_in_dim3A_445 = arith.constant 0.000000e+00 : f32
    %broadcast_in_dim3A_446 = vector.broadcast %broadcast_in_dim3A_445 : f32 to vector<16xf32>
    %swap3A_447 = arith.constant 74 : i32
    %swap3A_448 = arith.index_cast %swap3A_447 : i32 to index
    %swap3A_449 = arith.constant 0 : index
    %swap3A_450 = tpu.vector_load %arg21[%swap3A_448, %swap3A_449] {strides = array<i32>} : memref<128x16xf32, #tpu.memory_space<vmem>>, vector<16xf32>,
    tpu.vector_store %arg21[%swap3A_448, %swap3A_449], %broadcast_in_dim3A_446 {strides = array<i32>} : memref<128x16xf32, #tpu.memory_space<vmem>>, vector<16xf32>,
    %broadcast_in_dim3A_451 = arith.constant 0.000000e+00 : f32
    %broadcast_in_dim3A_452 = vector.broadcast %broadcast_in_dim3A_451 : f32 to vector<16xf32>
    %swap3A_453 = arith.constant 75 : i32
    %swap3A_454 = arith.index_cast %swap3A_453 : i32 to index
    %swap3A_455 = arith.constant 0 : index
    %swap3A_456 = tpu.vector_load %arg21[%swap3A_454, %swap3A_455] {strides = array<i32>} : memref<128x16xf32, #tpu.memory_space<vmem>>, vector<16xf32>,
    tpu.vector_store %arg21[%swap3A_454, %swap3A_455], %broadcast_in_dim3A_452 {strides = array<i32>} : memref<128x16xf32, #tpu.memory_space<vmem>>, vector<16xf32>,
    %broadcast_in_dim3A_457 = arith.constant 0.000000e+00 : f32
    %broadcast_in_dim3A_458 = vector.broadcast %broadcast_in_dim3A_457 : f32 to vector<16xf32>
    %swap3A_459 = arith.constant 76 : i32
    %swap3A_460 = arith.index_cast %swap3A_459 : i32 to index
    %swap3A_461 = arith.constant 0 : index
    %swap3A_462 = tpu.vector_load %arg21[%swap3A_460, %swap3A_461] {strides = array<i32>} : memref<128x16xf32, #tpu.memory_space<vmem>>, vector<16xf32>,
    tpu.vector_store %arg21[%swap3A_460, %swap3A_461], %broadcast_in_dim3A_458 {strides = array<i32>} : memref<128x16xf32, #tpu.memory_space<vmem>>, vector<16xf32>,
    %broadcast_in_dim3A_463 = arith.constant 0.000000e+00 : f32
    %broadcast_in_dim3A_464 = vector.broadcast %broadcast_in_dim3A_463 : f32 to vector<16xf32>
    %swap3A_465 = arith.constant 77 : i32
    %swap3A_466 = arith.index_cast %swap3A_465 : i32 to index
    %swap3A_467 = arith.constant 0 : index
    %swap3A_468 = tpu.vector_load %arg21[%swap3A_466, %swap3A_467] {strides = array<i32>} : memref<128x16xf32, #tpu.memory_space<vmem>>, vector<16xf32>,
    tpu.vector_store %arg21[%swap3A_466, %swap3A_467], %broadcast_in_dim3A_464 {strides = array<i32>} : memref<128x16xf32, #tpu.memory_space<vmem>>, vector<16xf32>,
    %broadcast_in_dim3A_469 = arith.constant 0.000000e+00 : f32
    %broadcast_in_dim3A_470 = vector.broadcast %broadcast_in_dim3A_469 : f32 to vector<16xf32>
    %swap3A_471 = arith.constant 78 : i32
    %swap3A_472 = arith.index_cast %swap3A_471 : i32 to index
    %swap3A_473 = arith.constant 0 : index
    %swap3A_474 = tpu.vector_load %arg21[%swap3A_472, %swap3A_473] {strides = array<i32>} : memref<128x16xf32, #tpu.memory_space<vmem>>, vector<16xf32>,
    tpu.vector_store %arg21[%swap3A_472, %swap3A_473], %broadcast_in_dim3A_470 {strides = array<i32>} : memref<128x16xf32, #tpu.memory_space<vmem>>, vector<16xf32>,
    %broadcast_in_dim3A_475 = arith.constant 0.000000e+00 : f32
    %broadcast_in_dim3A_476 = vector.broadcast %broadcast_in_dim3A_475 : f32 to vector<16xf32>
    %swap3A_477 = arith.constant 79 : i32
    %swap3A_478 = arith.index_cast %swap3A_477 : i32 to index
    %swap3A_479 = arith.constant 0 : index
    %swap3A_480 = tpu.vector_load %arg21[%swap3A_478, %swap3A_479] {strides = array<i32>} : memref<128x16xf32, #tpu.memory_space<vmem>>, vector<16xf32>,
    tpu.vector_store %arg21[%swap3A_478, %swap3A_479], %broadcast_in_dim3A_476 {strides = array<i32>} : memref<128x16xf32, #tpu.memory_space<vmem>>, vector<16xf32>,
    %broadcast_in_dim3A_481 = arith.constant 0.000000e+00 : f32
    %broadcast_in_dim3A_482 = vector.broadcast %broadcast_in_dim3A_481 : f32 to vector<16xf32>
    %swap3A_483 = arith.constant 80 : i32
    %swap3A_484 = arith.index_cast %swap3A_483 : i32 to index
    %swap3A_485 = arith.constant 0 : index
    %swap3A_486 = tpu.vector_load %arg21[%swap3A_484, %swap3A_485] {strides = array<i32>} : memref<128x16xf32, #tpu.memory_space<vmem>>, vector<16xf32>,
    tpu.vector_store %arg21[%swap3A_484, %swap3A_485], %broadcast_in_dim3A_482 {strides = array<i32>} : memref<128x16xf32, #tpu.memory_space<vmem>>, vector<16xf32>,
    %broadcast_in_dim3A_487 = arith.constant 0.000000e+00 : f32
    %broadcast_in_dim3A_488 = vector.broadcast %broadcast_in_dim3A_487 : f32 to vector<16xf32>
    %swap3A_489 = arith.constant 81 : i32
    %swap3A_490 = arith.index_cast %swap3A_489 : i32 to index
    %swap3A_491 = arith.constant 0 : index
    %swap3A_492 = tpu.vector_load %arg21[%swap3A_490, %swap3A_491] {strides = array<i32>} : memref<128x16xf32, #tpu.memory_space<vmem>>, vector<16xf32>,
    tpu.vector_store %arg21[%swap3A_490, %swap3A_491], %broadcast_in_dim3A_488 {strides = array<i32>} : memref<128x16xf32, #tpu.memory_space<vmem>>, vector<16xf32>,
    %broadcast_in_dim3A_493 = arith.constant 0.000000e+00 : f32
    %broadcast_in_dim3A_494 = vector.broadcast %broadcast_in_dim3A_493 : f32 to vector<16xf32>
    %swap3A_495 = arith.constant 82 : i32
    %swap3A_496 = arith.index_cast %swap3A_495 : i32 to index
    %swap3A_497 = arith.constant 0 : index
    %swap3A_498 = tpu.vector_load %arg21[%swap3A_496, %swap3A_497] {strides = array<i32>} : memref<128x16xf32, #tpu.memory_space<vmem>>, vector<16xf32>,
    tpu.vector_store %arg21[%swap3A_496, %swap3A_497], %broadcast_in_dim3A_494 {strides = array<i32>} : memref<128x16xf32, #tpu.memory_space<vmem>>, vector<16xf32>,
    %broadcast_in_dim3A_499 = arith.constant 0.000000e+00 : f32
    %broadcast_in_dim3A_500 = vector.broadcast %broadcast_in_dim3A_499 : f32 to vector<16xf32>
    %swap3A_501 = arith.constant 83 : i32
    %swap3A_502 = arith.index_cast %swap3A_501 : i32 to index
    %swap3A_503 = arith.constant 0 : index
    %swap3A_504 = tpu.vector_load %arg21[%swap3A_502, %swap3A_503] {strides = array<i32>} : memref<128x16xf32, #tpu.memory_space<vmem>>, vector<16xf32>,
    tpu.vector_store %arg21[%swap3A_502, %swap3A_503], %broadcast_in_dim3A_500 {strides = array<i32>} : memref<128x16xf32, #tpu.memory_space<vmem>>, vector<16xf32>,
    %broadcast_in_dim3A_505 = arith.constant 0.000000e+00 : f32
    %broadcast_in_dim3A_506 = vector.broadcast %broadcast_in_dim3A_505 : f32 to vector<16xf32>
    %swap3A_507 = arith.constant 84 : i32
    %swap3A_508 = arith.index_cast %swap3A_507 : i32 to index
    %swap3A_509 = arith.constant 0 : index
    %swap3A_510 = tpu.vector_load %arg21[%swap3A_508, %swap3A_509] {strides = array<i32>} : memref<128x16xf32, #tpu.memory_space<vmem>>, vector<16xf32>,
    tpu.vector_store %arg21[%swap3A_508, %swap3A_509], %broadcast_in_dim3A_506 {strides = array<i32>} : memref<128x16xf32, #tpu.memory_space<vmem>>, vector<16xf32>,
    %broadcast_in_dim3A_511 = arith.constant 0.000000e+00 : f32
    %broadcast_in_dim3A_512 = vector.broadcast %broadcast_in_dim3A_511 : f32 to vector<16xf32>
    %swap3A_513 = arith.constant 85 : i32
    %swap3A_514 = arith.index_cast %swap3A_513 : i32 to index
    %swap3A_515 = arith.constant 0 : index
    %swap3A_516 = tpu.vector_load %arg21[%swap3A_514, %swap3A_515] {strides = array<i32>} : memref<128x16xf32, #tpu.memory_space<vmem>>, vector<16xf32>,
    tpu.vector_store %arg21[%swap3A_514, %swap3A_515], %broadcast_in_dim3A_512 {strides = array<i32>} : memref<128x16xf32, #tpu.memory_space<vmem>>, vector<16xf32>,
    %broadcast_in_dim3A_517 = arith.constant 0.000000e+00 : f32
    %broadcast_in_dim3A_518 = vector.broadcast %broadcast_in_dim3A_517 : f32 to vector<16xf32>
    %swap3A_519 = arith.constant 86 : i32
    %swap3A_520 = arith.index_cast %swap3A_519 : i32 to index
    %swap3A_521 = arith.constant 0 : index
    %swap3A_522 = tpu.vector_load %arg21[%swap3A_520, %swap3A_521] {strides = array<i32>} : memref<128x16xf32, #tpu.memory_space<vmem>>, vector<16xf32>,
    tpu.vector_store %arg21[%swap3A_520, %swap3A_521], %broadcast_in_dim3A_518 {strides = array<i32>} : memref<128x16xf32, #tpu.memory_space<vmem>>, vector<16xf32>,
    %broadcast_in_dim3A_523 = arith.constant 0.000000e+00 : f32
    %broadcast_in_dim3A_524 = vector.broadcast %broadcast_in_dim3A_523 : f32 to vector<16xf32>
    %swap3A_525 = arith.constant 87 : i32
    %swap3A_526 = arith.index_cast %swap3A_525 : i32 to index
    %swap3A_527 = arith.constant 0 : index
    %swap3A_528 = tpu.vector_load %arg21[%swap3A_526, %swap3A_527] {strides = array<i32>} : memref<128x16xf32, #tpu.memory_space<vmem>>, vector<16xf32>,
    tpu.vector_store %arg21[%swap3A_526, %swap3A_527], %broadcast_in_dim3A_524 {strides = array<i32>} : memref<128x16xf32, #tpu.memory_space<vmem>>, vector<16xf32>,
    %broadcast_in_dim3A_529 = arith.constant 0.000000e+00 : f32
    %broadcast_in_dim3A_530 = vector.broadcast %broadcast_in_dim3A_529 : f32 to vector<16xf32>
    %swap3A_531 = arith.constant 88 : i32
    %swap3A_532 = arith.index_cast %swap3A_531 : i32 to index
    %swap3A_533 = arith.constant 0 : index
    %swap3A_534 = tpu.vector_load %arg21[%swap3A_532, %swap3A_533] {strides = array<i32>} : memref<128x16xf32, #tpu.memory_space<vmem>>, vector<16xf32>,
    tpu.vector_store %arg21[%swap3A_532, %swap3A_533], %broadcast_in_dim3A_530 {strides = array<i32>} : memref<128x16xf32, #tpu.memory_space<vmem>>, vector<16xf32>,
    %broadcast_in_dim3A_535 = arith.constant 0.000000e+00 : f32
    %broadcast_in_dim3A_536 = vector.broadcast %broadcast_in_dim3A_535 : f32 to vector<16xf32>
    %swap3A_537 = arith.constant 89 : i32
    %swap3A_538 = arith.index_cast %swap3A_537 : i32 to index
    %swap3A_539 = arith.constant 0 : index
    %swap3A_540 = tpu.vector_load %arg21[%swap3A_538, %swap3A_539] {strides = array<i32>} : memref<128x16xf32, #tpu.memory_space<vmem>>, vector<16xf32>,
    tpu.vector_store %arg21[%swap3A_538, %swap3A_539], %broadcast_in_dim3A_536 {strides = array<i32>} : memref<128x16xf32, #tpu.memory_space<vmem>>, vector<16xf32>,
    %broadcast_in_dim3A_541 = arith.constant 0.000000e+00 : f32
    %broadcast_in_dim3A_542 = vector.broadcast %broadcast_in_dim3A_541 : f32 to vector<16xf32>
    %swap3A_543 = arith.constant 90 : i32
    %swap3A_544 = arith.index_cast %swap3A_543 : i32 to index
    %swap3A_545 = arith.constant 0 : index
    %swap3A_546 = tpu.vector_load %arg21[%swap3A_544, %swap3A_545] {strides = array<i32>} : memref<128x16xf32, #tpu.memory_space<vmem>>, vector<16xf32>,
    tpu.vector_store %arg21[%swap3A_544, %swap3A_545], %broadcast_in_dim3A_542 {strides = array<i32>} : memref<128x16xf32, #tpu.memory_space<vmem>>, vector<16xf32>,
    %broadcast_in_dim3A_547 = arith.constant 0.000000e+00 : f32
    %broadcast_in_dim3A_548 = vector.broadcast %broadcast_in_dim3A_547 : f32 to vector<16xf32>
    %swap3A_549 = arith.constant 91 : i32
    %swap3A_550 = arith.index_cast %swap3A_549 : i32 to index
    %swap3A_551 = arith.constant 0 : index
    %swap3A_552 = tpu.vector_load %arg21[%swap3A_550, %swap3A_551] {strides = array<i32>} : memref<128x16xf32, #tpu.memory_space<vmem>>, vector<16xf32>,
    tpu.vector_store %arg21[%swap3A_550, %swap3A_551], %broadcast_in_dim3A_548 {strides = array<i32>} : memref<128x16xf32, #tpu.memory_space<vmem>>, vector<16xf32>,
    %broadcast_in_dim3A_553 = arith.constant 0.000000e+00 : f32
    %broadcast_in_dim3A_554 = vector.broadcast %broadcast_in_dim3A_553 : f32 to vector<16xf32>
    %swap3A_555 = arith.constant 92 : i32
    %swap3A_556 = arith.index_cast %swap3A_555 : i32 to index
    %swap3A_557 = arith.constant 0 : index
    %swap3A_558 = tpu.vector_load %arg21[%swap3A_556, %swap3A_557] {strides = array<i32>} : memref<128x16xf32, #tpu.memory_space<vmem>>, vector<16xf32>,
    tpu.vector_store %arg21[%swap3A_556, %swap3A_557], %broadcast_in_dim3A_554 {strides = array<i32>} : memref<128x16xf32, #tpu.memory_space<vmem>>, vector<16xf32>,
    %broadcast_in_dim3A_559 = arith.constant 0.000000e+00 : f32
    %broadcast_in_dim3A_560 = vector.broadcast %broadcast_in_dim3A_559 : f32 to vector<16xf32>
    %swap3A_561 = arith.constant 93 : i32
    %swap3A_562 = arith.index_cast %swap3A_561 : i32 to index
    %swap3A_563 = arith.constant 0 : index
    %swap3A_564 = tpu.vector_load %arg21[%swap3A_562, %swap3A_563] {strides = array<i32>} : memref<128x16xf32, #tpu.memory_space<vmem>>, vector<16xf32>,
    tpu.vector_store %arg21[%swap3A_562, %swap3A_563], %broadcast_in_dim3A_560 {strides = array<i32>} : memref<128x16xf32, #tpu.memory_space<vmem>>, vector<16xf32>,
    %broadcast_in_dim3A_565 = arith.constant 0.000000e+00 : f32
    %broadcast_in_dim3A_566 = vector.broadcast %broadcast_in_dim3A_565 : f32 to vector<16xf32>
    %swap3A_567 = arith.constant 94 : i32
    %swap3A_568 = arith.index_cast %swap3A_567 : i32 to index
    %swap3A_569 = arith.constant 0 : index
    %swap3A_570 = tpu.vector_load %arg21[%swap3A_568, %swap3A_569] {strides = array<i32>} : memref<128x16xf32, #tpu.memory_space<vmem>>, vector<16xf32>,
    tpu.vector_store %arg21[%swap3A_568, %swap3A_569], %broadcast_in_dim3A_566 {strides = array<i32>} : memref<128x16xf32, #tpu.memory_space<vmem>>, vector<16xf32>,
    %broadcast_in_dim3A_571 = arith.constant 0.000000e+00 : f32
    %broadcast_in_dim3A_572 = vector.broadcast %broadcast_in_dim3A_571 : f32 to vector<16xf32>
    %swap3A_573 = arith.constant 95 : i32
    %swap3A_574 = arith.index_cast %swap3A_573 : i32 to index
    %swap3A_575 = arith.constant 0 : index
    %swap3A_576 = tpu.vector_load %arg21[%swap3A_574, %swap3A_575] {strides = array<i32>} : memref<128x16xf32, #tpu.memory_space<vmem>>, vector<16xf32>,
    tpu.vector_store %arg21[%swap3A_574, %swap3A_575], %broadcast_in_dim3A_572 {strides = array<i32>} : memref<128x16xf32, #tpu.memory_space<vmem>>, vector<16xf32>,
    %broadcast_in_dim3A_577 = arith.constant 0.000000e+00 : f32
    %broadcast_in_dim3A_578 = vector.broadcast %broadcast_in_dim3A_577 : f32 to vector<16xf32>
    %swap3A_579 = arith.constant 96 : i32
    %swap3A_580 = arith.index_cast %swap3A_579 : i32 to index
    %swap3A_581 = arith.constant 0 : index
    %swap3A_582 = tpu.vector_load %arg21[%swap3A_580, %swap3A_581] {strides = array<i32>} : memref<128x16xf32, #tpu.memory_space<vmem>>, vector<16xf32>,
    tpu.vector_store %arg21[%swap3A_580, %swap3A_581], %broadcast_in_dim3A_578 {strides = array<i32>} : memref<128x16xf32, #tpu.memory_space<vmem>>, vector<16xf32>,
    %broadcast_in_dim3A_583 = arith.constant 0.000000e+00 : f32
    %broadcast_in_dim3A_584 = vector.broadcast %broadcast_in_dim3A_583 : f32 to vector<16xf32>
    %swap3A_585 = arith.constant 97 : i32
    %swap3A_586 = arith.index_cast %swap3A_585 : i32 to index
    %swap3A_587 = arith.constant 0 : index
    %swap3A_588 = tpu.vector_load %arg21[%swap3A_586, %swap3A_587] {strides = array<i32>} : memref<128x16xf32, #tpu.memory_space<vmem>>, vector<16xf32>,
    tpu.vector_store %arg21[%swap3A_586, %swap3A_587], %broadcast_in_dim3A_584 {strides = array<i32>} : memref<128x16xf32, #tpu.memory_space<vmem>>, vector<16xf32>,
    %broadcast_in_dim3A_589 = arith.constant 0.000000e+00 : f32
    %broadcast_in_dim3A_590 = vector.broadcast %broadcast_in_dim3A_589 : f32 to vector<16xf32>
    %swap3A_591 = arith.constant 98 : i32
    %swap3A_592 = arith.index_cast %swap3A_591 : i32 to index
    %swap3A_593 = arith.constant 0 : index
    %swap3A_594 = tpu.vector_load %arg21[%swap3A_592, %swap3A_593] {strides = array<i32>} : memref<128x16xf32, #tpu.memory_space<vmem>>, vector<16xf32>,
    tpu.vector_store %arg21[%swap3A_592, %swap3A_593], %broadcast_in_dim3A_590 {strides = array<i32>} : memref<128x16xf32, #tpu.memory_space<vmem>>, vector<16xf32>,
    %broadcast_in_dim3A_595 = arith.constant 0.000000e+00 : f32
    %broadcast_in_dim3A_596 = vector.broadcast %broadcast_in_dim3A_595 : f32 to vector<16xf32>
    %swap3A_597 = arith.constant 99 : i32
    %swap3A_598 = arith.index_cast %swap3A_597 : i32 to index
    %swap3A_599 = arith.constant 0 : index
    %swap3A_600 = tpu.vector_load %arg21[%swap3A_598, %swap3A_599] {strides = array<i32>} : memref<128x16xf32, #tpu.memory_space<vmem>>, vector<16xf32>,
    tpu.vector_store %arg21[%swap3A_598, %swap3A_599], %broadcast_in_dim3A_596 {strides = array<i32>} : memref<128x16xf32, #tpu.memory_space<vmem>>, vector<16xf32>,
    %broadcast_in_dim3A_601 = arith.constant 0.000000e+00 : f32
    %broadcast_in_dim3A_602 = vector.broadcast %broadcast_in_dim3A_601 : f32 to vector<16xf32>
    %swap3A_603 = arith.constant 100 : i32
    %swap3A_604 = arith.index_cast %swap3A_603 : i32 to index
    %swap3A_605 = arith.constant 0 : index
    %swap3A_606 = tpu.vector_load %arg21[%swap3A_604, %swap3A_605] {strides = array<i32>} : memref<128x16xf32, #tpu.memory_space<vmem>>, vector<16xf32>,
    tpu.vector_store %arg21[%swap3A_604, %swap3A_605], %broadcast_in_dim3A_602 {strides = array<i32>} : memref<128x16xf32, #tpu.memory_space<vmem>>, vector<16xf32>,
    %broadcast_in_dim3A_607 = arith.constant 0.000000e+00 : f32
    %broadcast_in_dim3A_608 = vector.broadcast %broadcast_in_dim3A_607 : f32 to vector<16xf32>
    %swap3A_609 = arith.constant 101 : i32
    %swap3A_610 = arith.index_cast %swap3A_609 : i32 to index
    %swap3A_611 = arith.constant 0 : index
    %swap3A_612 = tpu.vector_load %arg21[%swap3A_610, %swap3A_611] {strides = array<i32>} : memref<128x16xf32, #tpu.memory_space<vmem>>, vector<16xf32>,
    tpu.vector_store %arg21[%swap3A_610, %swap3A_611], %broadcast_in_dim3A_608 {strides = array<i32>} : memref<128x16xf32, #tpu.memory_space<vmem>>, vector<16xf32>,
    %broadcast_in_dim3A_613 = arith.constant 0.000000e+00 : f32
    %broadcast_in_dim3A_614 = vector.broadcast %broadcast_in_dim3A_613 : f32 to vector<16xf32>
    %swap3A_615 = arith.constant 102 : i32
    %swap3A_616 = arith.index_cast %swap3A_615 : i32 to index
    %swap3A_617 = arith.constant 0 : index
    %swap3A_618 = tpu.vector_load %arg21[%swap3A_616, %swap3A_617] {strides = array<i32>} : memref<128x16xf32, #tpu.memory_space<vmem>>, vector<16xf32>,
    tpu.vector_store %arg21[%swap3A_616, %swap3A_617], %broadcast_in_dim3A_614 {strides = array<i32>} : memref<128x16xf32, #tpu.memory_space<vmem>>, vector<16xf32>,
    %broadcast_in_dim3A_619 = arith.constant 0.000000e+00 : f32
    %broadcast_in_dim3A_620 = vector.broadcast %broadcast_in_dim3A_619 : f32 to vector<16xf32>
    %swap3A_621 = arith.constant 103 : i32
    %swap3A_622 = arith.index_cast %swap3A_621 : i32 to index
    %swap3A_623 = arith.constant 0 : index
    %swap3A_624 = tpu.vector_load %arg21[%swap3A_622, %swap3A_623] {strides = array<i32>} : memref<128x16xf32, #tpu.memory_space<vmem>>, vector<16xf32>,
    tpu.vector_store %arg21[%swap3A_622, %swap3A_623], %broadcast_in_dim3A_620 {strides = array<i32>} : memref<128x16xf32, #tpu.memory_space<vmem>>, vector<16xf32>,
    %broadcast_in_dim3A_625 = arith.constant 0.000000e+00 : f32
    %broadcast_in_dim3A_626 = vector.broadcast %broadcast_in_dim3A_625 : f32 to vector<16xf32>
    %swap3A_627 = arith.constant 104 : i32
    %swap3A_628 = arith.index_cast %swap3A_627 : i32 to index
    %swap3A_629 = arith.constant 0 : index
    %swap3A_630 = tpu.vector_load %arg21[%swap3A_628, %swap3A_629] {strides = array<i32>} : memref<128x16xf32, #tpu.memory_space<vmem>>, vector<16xf32>,
    tpu.vector_store %arg21[%swap3A_628, %swap3A_629], %broadcast_in_dim3A_626 {strides = array<i32>} : memref<128x16xf32, #tpu.memory_space<vmem>>, vector<16xf32>,
    %broadcast_in_dim3A_631 = arith.constant 0.000000e+00 : f32
    %broadcast_in_dim3A_632 = vector.broadcast %broadcast_in_dim3A_631 : f32 to vector<16xf32>
    %swap3A_633 = arith.constant 105 : i32
    %swap3A_634 = arith.index_cast %swap3A_633 : i32 to index
    %swap3A_635 = arith.constant 0 : index
    %swap3A_636 = tpu.vector_load %arg21[%swap3A_634, %swap3A_635] {strides = array<i32>} : memref<128x16xf32, #tpu.memory_space<vmem>>, vector<16xf32>,
    tpu.vector_store %arg21[%swap3A_634, %swap3A_635], %broadcast_in_dim3A_632 {strides = array<i32>} : memref<128x16xf32, #tpu.memory_space<vmem>>, vector<16xf32>,
    %broadcast_in_dim3A_637 = arith.constant 0.000000e+00 : f32
    %broadcast_in_dim3A_638 = vector.broadcast %broadcast_in_dim3A_637 : f32 to vector<16xf32>
    %swap3A_639 = arith.constant 106 : i32
    %swap3A_640 = arith.index_cast %swap3A_639 : i32 to index
    %swap3A_641 = arith.constant 0 : index
    %swap3A_642 = tpu.vector_load %arg21[%swap3A_640, %swap3A_641] {strides = array<i32>} : memref<128x16xf32, #tpu.memory_space<vmem>>, vector<16xf32>,
    tpu.vector_store %arg21[%swap3A_640, %swap3A_641], %broadcast_in_dim3A_638 {strides = array<i32>} : memref<128x16xf32, #tpu.memory_space<vmem>>, vector<16xf32>,
    %broadcast_in_dim3A_643 = arith.constant 0.000000e+00 : f32
    %broadcast_in_dim3A_644 = vector.broadcast %broadcast_in_dim3A_643 : f32 to vector<16xf32>
    %swap3A_645 = arith.constant 107 : i32
    %swap3A_646 = arith.index_cast %swap3A_645 : i32 to index
    %swap3A_647 = arith.constant 0 : index
    %swap3A_648 = tpu.vector_load %arg21[%swap3A_646, %swap3A_647] {strides = array<i32>} : memref<128x16xf32, #tpu.memory_space<vmem>>, vector<16xf32>,
    tpu.vector_store %arg21[%swap3A_646, %swap3A_647], %broadcast_in_dim3A_644 {strides = array<i32>} : memref<128x16xf32, #tpu.memory_space<vmem>>, vector<16xf32>,
    %broadcast_in_dim3A_649 = arith.constant 0.000000e+00 : f32
    %broadcast_in_dim3A_650 = vector.broadcast %broadcast_in_dim3A_649 : f32 to vector<16xf32>
    %swap3A_651 = arith.constant 108 : i32
    %swap3A_652 = arith.index_cast %swap3A_651 : i32 to index
    %swap3A_653 = arith.constant 0 : index
    %swap3A_654 = tpu.vector_load %arg21[%swap3A_652, %swap3A_653] {strides = array<i32>} : memref<128x16xf32, #tpu.memory_space<vmem>>, vector<16xf32>,
    tpu.vector_store %arg21[%swap3A_652, %swap3A_653], %broadcast_in_dim3A_650 {strides = array<i32>} : memref<128x16xf32, #tpu.memory_space<vmem>>, vector<16xf32>,
    %broadcast_in_dim3A_655 = arith.constant 0.000000e+00 : f32
    %broadcast_in_dim3A_656 = vector.broadcast %broadcast_in_dim3A_655 : f32 to vector<16xf32>
    %swap3A_657 = arith.constant 109 : i32
    %swap3A_658 = arith.index_cast %swap3A_657 : i32 to index
    %swap3A_659 = arith.constant 0 : index
    %swap3A_660 = tpu.vector_load %arg21[%swap3A_658, %swap3A_659] {strides = array<i32>} : memref<128x16xf32, #tpu.memory_space<vmem>>, vector<16xf32>,
    tpu.vector_store %arg21[%swap3A_658, %swap3A_659], %broadcast_in_dim3A_656 {strides = array<i32>} : memref<128x16xf32, #tpu.memory_space<vmem>>, vector<16xf32>,
    %broadcast_in_dim3A_661 = arith.constant 0.000000e+00 : f32
    %broadcast_in_dim3A_662 = vector.broadcast %broadcast_in_dim3A_661 : f32 to vector<16xf32>
    %swap3A_663 = arith.constant 110 : i32
    %swap3A_664 = arith.index_cast %swap3A_663 : i32 to index
    %swap3A_665 = arith.constant 0 : index
    %swap3A_666 = tpu.vector_load %arg21[%swap3A_664, %swap3A_665] {strides = array<i32>} : memref<128x16xf32, #tpu.memory_space<vmem>>, vector<16xf32>,
    tpu.vector_store %arg21[%swap3A_664, %swap3A_665], %broadcast_in_dim3A_662 {strides = array<i32>} : memref<128x16xf32, #tpu.memory_space<vmem>>, vector<16xf32>,
    %broadcast_in_dim3A_667 = arith.constant 0.000000e+00 : f32
    %broadcast_in_dim3A_668 = vector.broadcast %broadcast_in_dim3A_667 : f32 to vector<16xf32>
    %swap3A_669 = arith.constant 111 : i32
    %swap3A_670 = arith.index_cast %swap3A_669 : i32 to index
    %swap3A_671 = arith.constant 0 : index
    %swap3A_672 = tpu.vector_load %arg21[%swap3A_670, %swap3A_671] {strides = array<i32>} : memref<128x16xf32, #tpu.memory_space<vmem>>, vector<16xf32>,
    tpu.vector_store %arg21[%swap3A_670, %swap3A_671], %broadcast_in_dim3A_668 {strides = array<i32>} : memref<128x16xf32, #tpu.memory_space<vmem>>, vector<16xf32>,
    %broadcast_in_dim3A_673 = arith.constant 0.000000e+00 : f32
    %broadcast_in_dim3A_674 = vector.broadcast %broadcast_in_dim3A_673 : f32 to vector<16xf32>
    %swap3A_675 = arith.constant 112 : i32
    %swap3A_676 = arith.index_cast %swap3A_675 : i32 to index
    %swap3A_677 = arith.constant 0 : index
    %swap3A_678 = tpu.vector_load %arg21[%swap3A_676, %swap3A_677] {strides = array<i32>} : memref<128x16xf32, #tpu.memory_space<vmem>>, vector<16xf32>,
    tpu.vector_store %arg21[%swap3A_676, %swap3A_677], %broadcast_in_dim3A_674 {strides = array<i32>} : memref<128x16xf32, #tpu.memory_space<vmem>>, vector<16xf32>,
    %broadcast_in_dim3A_679 = arith.constant 0.000000e+00 : f32
    %broadcast_in_dim3A_680 = vector.broadcast %broadcast_in_dim3A_679 : f32 to vector<16xf32>
    %swap3A_681 = arith.constant 113 : i32
    %swap3A_682 = arith.index_cast %swap3A_681 : i32 to index
    %swap3A_683 = arith.constant 0 : index
    %swap3A_684 = tpu.vector_load %arg21[%swap3A_682, %swap3A_683] {strides = array<i32>} : memref<128x16xf32, #tpu.memory_space<vmem>>, vector<16xf32>,
    tpu.vector_store %arg21[%swap3A_682, %swap3A_683], %broadcast_in_dim3A_680 {strides = array<i32>} : memref<128x16xf32, #tpu.memory_space<vmem>>, vector<16xf32>,
    %broadcast_in_dim3A_685 = arith.constant 0.000000e+00 : f32
    %broadcast_in_dim3A_686 = vector.broadcast %broadcast_in_dim3A_685 : f32 to vector<16xf32>
    %swap3A_687 = arith.constant 114 : i32
    %swap3A_688 = arith.index_cast %swap3A_687 : i32 to index
    %swap3A_689 = arith.constant 0 : index
    %swap3A_690 = tpu.vector_load %arg21[%swap3A_688, %swap3A_689] {strides = array<i32>} : memref<128x16xf32, #tpu.memory_space<vmem>>, vector<16xf32>,
    tpu.vector_store %arg21[%swap3A_688, %swap3A_689], %broadcast_in_dim3A_686 {strides = array<i32>} : memref<128x16xf32, #tpu.memory_space<vmem>>, vector<16xf32>,
    %broadcast_in_dim3A_691 = arith.constant 0.000000e+00 : f32
    %broadcast_in_dim3A_692 = vector.broadcast %broadcast_in_dim3A_691 : f32 to vector<16xf32>
    %swap3A_693 = arith.constant 115 : i32
    %swap3A_694 = arith.index_cast %swap3A_693 : i32 to index
    %swap3A_695 = arith.constant 0 : index
    %swap3A_696 = tpu.vector_load %arg21[%swap3A_694, %swap3A_695] {strides = array<i32>} : memref<128x16xf32, #tpu.memory_space<vmem>>, vector<16xf32>,
    tpu.vector_store %arg21[%swap3A_694, %swap3A_695], %broadcast_in_dim3A_692 {strides = array<i32>} : memref<128x16xf32, #tpu.memory_space<vmem>>, vector<16xf32>,
    %broadcast_in_dim3A_697 = arith.constant 0.000000e+00 : f32
    %broadcast_in_dim3A_698 = vector.broadcast %broadcast_in_dim3A_697 : f32 to vector<16xf32>
    %swap3A_699 = arith.constant 116 : i32
    %swap3A_700 = arith.index_cast %swap3A_699 : i32 to index
    %swap3A_701 = arith.constant 0 : index
    %swap3A_702 = tpu.vector_load %arg21[%swap3A_700, %swap3A_701] {strides = array<i32>} : memref<128x16xf32, #tpu.memory_space<vmem>>, vector<16xf32>,
    tpu.vector_store %arg21[%swap3A_700, %swap3A_701], %broadcast_in_dim3A_698 {strides = array<i32>} : memref<128x16xf32, #tpu.memory_space<vmem>>, vector<16xf32>,
    %broadcast_in_dim3A_703 = arith.constant 0.000000e+00 : f32
    %broadcast_in_dim3A_704 = vector.broadcast %broadcast_in_dim3A_703 : f32 to vector<16xf32>
    %swap3A_705 = arith.constant 117 : i32
    %swap3A_706 = arith.index_cast %swap3A_705 : i32 to index
    %swap3A_707 = arith.constant 0 : index
    %swap3A_708 = tpu.vector_load %arg21[%swap3A_706, %swap3A_707] {strides = array<i32>} : memref<128x16xf32, #tpu.memory_space<vmem>>, vector<16xf32>,
    tpu.vector_store %arg21[%swap3A_706, %swap3A_707], %broadcast_in_dim3A_704 {strides = array<i32>} : memref<128x16xf32, #tpu.memory_space<vmem>>, vector<16xf32>,
    %broadcast_in_dim3A_709 = arith.constant 0.000000e+00 : f32
    %broadcast_in_dim3A_710 = vector.broadcast %broadcast_in_dim3A_709 : f32 to vector<16xf32>
    %swap3A_711 = arith.constant 118 : i32
    %swap3A_712 = arith.index_cast %swap3A_711 : i32 to index
    %swap3A_713 = arith.constant 0 : index
    %swap3A_714 = tpu.vector_load %arg21[%swap3A_712, %swap3A_713] {strides = array<i32>} : memref<128x16xf32, #tpu.memory_space<vmem>>, vector<16xf32>,
    tpu.vector_store %arg21[%swap3A_712, %swap3A_713], %broadcast_in_dim3A_710 {strides = array<i32>} : memref<128x16xf32, #tpu.memory_space<vmem>>, vector<16xf32>,
    %broadcast_in_dim3A_715 = arith.constant 0.000000e+00 : f32
    %broadcast_in_dim3A_716 = vector.broadcast %broadcast_in_dim3A_715 : f32 to vector<16xf32>
    %swap3A_717 = arith.constant 119 : i32
    %swap3A_718 = arith.index_cast %swap3A_717 : i32 to index
    %swap3A_719 = arith.constant 0 : index
    %swap3A_720 = tpu.vector_load %arg21[%swap3A_718, %swap3A_719] {strides = array<i32>} : memref<128x16xf32, #tpu.memory_space<vmem>>, vector<16xf32>,
    tpu.vector_store %arg21[%swap3A_718, %swap3A_719], %broadcast_in_dim3A_716 {strides = array<i32>} : memref<128x16xf32, #tpu.memory_space<vmem>>, vector<16xf32>,
    %broadcast_in_dim3A_721 = arith.constant 0.000000e+00 : f32
    %broadcast_in_dim3A_722 = vector.broadcast %broadcast_in_dim3A_721 : f32 to vector<16xf32>
    %swap3A_723 = arith.constant 120 : i32
    %swap3A_724 = arith.index_cast %swap3A_723 : i32 to index
    %swap3A_725 = arith.constant 0 : index
    %swap3A_726 = tpu.vector_load %arg21[%swap3A_724, %swap3A_725] {strides = array<i32>} : memref<128x16xf32, #tpu.memory_space<vmem>>, vector<16xf32>,
    tpu.vector_store %arg21[%swap3A_724, %swap3A_725], %broadcast_in_dim3A_722 {strides = array<i32>} : memref<128x16xf32, #tpu.memory_space<vmem>>, vector<16xf32>,
    %broadcast_in_dim3A_727 = arith.constant 0.000000e+00 : f32
    %broadcast_in_dim3A_728 = vector.broadcast %broadcast_in_dim3A_727 : f32 to vector<16xf32>
    %swap3A_729 = arith.constant 121 : i32
    %swap3A_730 = arith.index_cast %swap3A_729 : i32 to index
    %swap3A_731 = arith.constant 0 : index
    %swap3A_732 = tpu.vector_load %arg21[%swap3A_730, %swap3A_731] {strides = array<i32>} : memref<128x16xf32, #tpu.memory_space<vmem>>, vector<16xf32>,
    tpu.vector_store %arg21[%swap3A_730, %swap3A_731], %broadcast_in_dim3A_728 {strides = array<i32>} : memref<128x16xf32, #tpu.memory_space<vmem>>, vector<16xf32>,
    %broadcast_in_dim3A_733 = arith.constant 0.000000e+00 : f32
    %broadcast_in_dim3A_734 = vector.broadcast %broadcast_in_dim3A_733 : f32 to vector<16xf32>
    %swap3A_735 = arith.constant 122 : i32
    %swap3A_736 = arith.index_cast %swap3A_735 : i32 to index
    %swap3A_737 = arith.constant 0 : index
    %swap3A_738 = tpu.vector_load %arg21[%swap3A_736, %swap3A_737] {strides = array<i32>} : memref<128x16xf32, #tpu.memory_space<vmem>>, vector<16xf32>,
    tpu.vector_store %arg21[%swap3A_736, %swap3A_737], %broadcast_in_dim3A_734 {strides = array<i32>} : memref<128x16xf32, #tpu.memory_space<vmem>>, vector<16xf32>,
    %broadcast_in_dim3A_739 = arith.constant 0.000000e+00 : f32
    %broadcast_in_dim3A_740 = vector.broadcast %broadcast_in_dim3A_739 : f32 to vector<16xf32>
    %swap3A_741 = arith.constant 123 : i32
    %swap3A_742 = arith.index_cast %swap3A_741 : i32 to index
    %swap3A_743 = arith.constant 0 : index
    %swap3A_744 = tpu.vector_load %arg21[%swap3A_742, %swap3A_743] {strides = array<i32>} : memref<128x16xf32, #tpu.memory_space<vmem>>, vector<16xf32>,
    tpu.vector_store %arg21[%swap3A_742, %swap3A_743], %broadcast_in_dim3A_740 {strides = array<i32>} : memref<128x16xf32, #tpu.memory_space<vmem>>, vector<16xf32>,
    %broadcast_in_dim3A_745 = arith.constant 0.000000e+00 : f32
    %broadcast_in_dim3A_746 = vector.broadcast %broadcast_in_dim3A_745 : f32 to vector<16xf32>
    %swap3A_747 = arith.constant 124 : i32
    %swap3A_748 = arith.index_cast %swap3A_747 : i32 to index
    %swap3A_749 = arith.constant 0 : index
    %swap3A_750 = tpu.vector_load %arg21[%swap3A_748, %swap3A_749] {strides = array<i32>} : memref<128x16xf32, #tpu.memory_space<vmem>>, vector<16xf32>,
    tpu.vector_store %arg21[%swap3A_748, %swap3A_749], %broadcast_in_dim3A_746 {strides = array<i32>} : memref<128x16xf32, #tpu.memory_space<vmem>>, vector<16xf32>,
    %broadcast_in_dim3A_751 = arith.constant 0.000000e+00 : f32
    %broadcast_in_dim3A_752 = vector.broadcast %broadcast_in_dim3A_751 : f32 to vector<16xf32>
    %swap3A_753 = arith.constant 125 : i32
    %swap3A_754 = arith.index_cast %swap3A_753 : i32 to index
    %swap3A_755 = arith.constant 0 : index
    %swap3A_756 = tpu.vector_load %arg21[%swap3A_754, %swap3A_755] {strides = array<i32>} : memref<128x16xf32, #tpu.memory_space<vmem>>, vector<16xf32>,
    tpu.vector_store %arg21[%swap3A_754, %swap3A_755], %broadcast_in_dim3A_752 {strides = array<i32>} : memref<128x16xf32, #tpu.memory_space<vmem>>, vector<16xf32>,
    %broadcast_in_dim3A_757 = arith.constant 0.000000e+00 : f32
    %broadcast_in_dim3A_758 = vector.broadcast %broadcast_in_dim3A_757 : f32 to vector<16xf32>
    %swap3A_759 = arith.constant 126 : i32
    %swap3A_760 = arith.index_cast %swap3A_759 : i32 to index
    %swap3A_761 = arith.constant 0 : index
    %swap3A_762 = tpu.vector_load %arg21[%swap3A_760, %swap3A_761] {strides = array<i32>} : memref<128x16xf32, #tpu.memory_space<vmem>>, vector<16xf32>,
    tpu.vector_store %arg21[%swap3A_760, %swap3A_761], %broadcast_in_dim3A_758 {strides = array<i32>} : memref<128x16xf32, #tpu.memory_space<vmem>>, vector<16xf32>,
    %broadcast_in_dim3A_763 = arith.constant 0.000000e+00 : f32
    %broadcast_in_dim3A_764 = vector.broadcast %broadcast_in_dim3A_763 : f32 to vector<16xf32>
    %swap3A_765 = arith.constant 127 : i32
    %swap3A_766 = arith.index_cast %swap3A_765 : i32 to index
    %swap3A_767 = arith.constant 0 : index
    %swap3A_768 = tpu.vector_load %arg21[%swap3A_766, %swap3A_767] {strides = array<i32>} : memref<128x16xf32, #tpu.memory_space<vmem>>, vector<16xf32>,
    tpu.vector_store %arg21[%swap3A_766, %swap3A_767], %broadcast_in_dim3A_764 {strides = array<i32>} : memref<128x16xf32, #tpu.memory_space<vmem>>, vector<16xf32>,
    %add3A_769 = arith.constant 0 : i32
    %add3A_770 = arith.addi %mul3A_2, %add3A_769 : i32
    "tpu.region"() ({
      %run_scoped3A_843 = tpu.sem_alloc : memref<!tpu.dma_semaphore, #tpu.memory_space<semaphore_mem>>
      %dma_start3A_844 = arith.constant 0 : i32
      %dma_start3A_845 = tpu.memref_slice %arg25[%add3A_770, %dma_start3A_844] : memref<10240x16xf32, #tpu.memory_space<vmem_shared>> -> memref<128x16xf32, #tpu.memory_space<vmem_shared>>
      %dma_start3A_846 = arith.constant 0 : i32
      %dma_start3A_847 = tpu.memref_slice %arg25[%add3A_770, %dma_start3A_846] : memref<10240x16xf32, #tpu.memory_space<vmem_shared>> -> memref<128x16xf32, #tpu.memory_space<vmem_shared>>
      tpu.enqueue_dma source(%arg21 : memref<128x16xf32, #tpu.memory_space<vmem>>) target(%dma_start3A_847 : memref<128x16xf32, #tpu.memory_space<vmem_shared>>) target_semaphore(%run_scoped3A_843 : memref<!tpu.dma_semaphore, #tpu.memory_space<semaphore_mem>>)
      %dma_wait3A_848 = arith.constant 0 : i32
      %dma_wait3A_849 = tpu.memref_slice %arg25[%add3A_770, %dma_wait3A_848] : memref<10240x16xf32, #tpu.memory_space<vmem_shared>> -> memref<128x16xf32, #tpu.memory_space<vmem_shared>>
      %dma_wait3A_850 = arith.constant 0 : i32
      %dma_wait3A_851 = tpu.memref_slice %arg25[%add3A_770, %dma_wait3A_850] : memref<10240x16xf32, #tpu.memory_space<vmem_shared>> -> memref<128x16xf32, #tpu.memory_space<vmem_shared>>
      tpu.wait_dma2 semaphore(%run_scoped3A_843 : memref<!tpu.dma_semaphore, #tpu.memory_space<semaphore_mem>>) src(%arg21 : memref<128x16xf32, #tpu.memory_space<vmem>>) dst(%dma_wait3A_851 : memref<128x16xf32, #tpu.memory_space<vmem_shared>>)
      tpu.yield
    }) : () -> ()
    %add3A_771 = arith.constant 128 : i32
    %add3A_772 = arith.addi %mul3A_2, %add3A_771 : i32
    "tpu.region"() ({
      %run_scoped3A_843 = tpu.sem_alloc : memref<!tpu.dma_semaphore, #tpu.memory_space<semaphore_mem>>
      %dma_start3A_844 = arith.constant 0 : i32
      %dma_start3A_845 = tpu.memref_slice %arg25[%add3A_772, %dma_start3A_844] : memref<10240x16xf32, #tpu.memory_space<vmem_shared>> -> memref<128x16xf32, #tpu.memory_space<vmem_shared>>
      %dma_start3A_846 = arith.constant 0 : i32
      %dma_start3A_847 = tpu.memref_slice %arg25[%add3A_772, %dma_start3A_846] : memref<10240x16xf32, #tpu.memory_space<vmem_shared>> -> memref<128x16xf32, #tpu.memory_space<vmem_shared>>
      tpu.enqueue_dma source(%arg21 : memref<128x16xf32, #tpu.memory_space<vmem>>) target(%dma_start3A_847 : memref<128x16xf32, #tpu.memory_space<vmem_shared>>) target_semaphore(%run_scoped3A_843 : memref<!tpu.dma_semaphore, #tpu.memory_space<semaphore_mem>>)
      %dma_wait3A_848 = arith.constant 0 : i32
      %dma_wait3A_849 = tpu.memref_slice %arg25[%add3A_772, %dma_wait3A_848] : memref<10240x16xf32, #tpu.memory_space<vmem_shared>> -> memref<128x16xf32, #tpu.memory_space<vmem_shared>>
      %dma_wait3A_850 = arith.constant 0 : i32
      %dma_wait3A_851 = tpu.memref_slice %arg25[%add3A_772, %dma_wait3A_850] : memref<10240x16xf32, #tpu.memory_space<vmem_shared>> -> memref<128x16xf32, #tpu.memory_space<vmem_shared>>
      tpu.wait_dma2 semaphore(%run_scoped3A_843 : memref<!tpu.dma_semaphore, #tpu.memory_space<semaphore_mem>>) src(%arg21 : memref<128x16xf32, #tpu.memory_space<vmem>>) dst(%dma_wait3A_851 : memref<128x16xf32, #tpu.memory_space<vmem_shared>>)
      tpu.yield
    }) : () -> ()
    %add3A_773 = arith.constant 256 : i32
    %add3A_774 = arith.addi %mul3A_2, %add3A_773 : i32
    "tpu.region"() ({
      %run_scoped3A_843 = tpu.sem_alloc : memref<!tpu.dma_semaphore, #tpu.memory_space<semaphore_mem>>
      %dma_start3A_844 = arith.constant 0 : i32
      %dma_start3A_845 = tpu.memref_slice %arg25[%add3A_774, %dma_start3A_844] : memref<10240x16xf32, #tpu.memory_space<vmem_shared>> -> memref<128x16xf32, #tpu.memory_space<vmem_shared>>
      %dma_start3A_846 = arith.constant 0 : i32
      %dma_start3A_847 = tpu.memref_slice %arg25[%add3A_774, %dma_start3A_846] : memref<10240x16xf32, #tpu.memory_space<vmem_shared>> -> memref<128x16xf32, #tpu.memory_space<vmem_shared>>
      tpu.enqueue_dma source(%arg21 : memref<128x16xf32, #tpu.memory_space<vmem>>) target(%dma_start3A_847 : memref<128x16xf32, #tpu.memory_space<vmem_shared>>) target_semaphore(%run_scoped3A_843 : memref<!tpu.dma_semaphore, #tpu.memory_space<semaphore_mem>>)
      %dma_wait3A_848 = arith.constant 0 : i32
      %dma_wait3A_849 = tpu.memref_slice %arg25[%add3A_774, %dma_wait3A_848] : memref<10240x16xf32, #tpu.memory_space<vmem_shared>> -> memref<128x16xf32, #tpu.memory_space<vmem_shared>>
      %dma_wait3A_850 = arith.constant 0 : i32
      %dma_wait3A_851 = tpu.memref_slice %arg25[%add3A_774, %dma_wait3A_850] : memref<10240x16xf32, #tpu.memory_space<vmem_shared>> -> memref<128x16xf32, #tpu.memory_space<vmem_shared>>
      tpu.wait_dma2 semaphore(%run_scoped3A_843 : memref<!tpu.dma_semaphore, #tpu.memory_space<semaphore_mem>>) src(%arg21 : memref<128x16xf32, #tpu.memory_space<vmem>>) dst(%dma_wait3A_851 : memref<128x16xf32, #tpu.memory_space<vmem_shared>>)
      tpu.yield
    }) : () -> ()
    %add3A_775 = arith.constant 384 : i32
    %add3A_776 = arith.addi %mul3A_2, %add3A_775 : i32
    "tpu.region"() ({
      %run_scoped3A_843 = tpu.sem_alloc : memref<!tpu.dma_semaphore, #tpu.memory_space<semaphore_mem>>
      %dma_start3A_844 = arith.constant 0 : i32
      %dma_start3A_845 = tpu.memref_slice %arg25[%add3A_776, %dma_start3A_844] : memref<10240x16xf32, #tpu.memory_space<vmem_shared>> -> memref<128x16xf32, #tpu.memory_space<vmem_shared>>
      %dma_start3A_846 = arith.constant 0 : i32
      %dma_start3A_847 = tpu.memref_slice %arg25[%add3A_776, %dma_start3A_846] : memref<10240x16xf32, #tpu.memory_space<vmem_shared>> -> memref<128x16xf32, #tpu.memory_space<vmem_shared>>
      tpu.enqueue_dma source(%arg21 : memref<128x16xf32, #tpu.memory_space<vmem>>) target(%dma_start3A_847 : memref<128x16xf32, #tpu.memory_space<vmem_shared>>) target_semaphore(%run_scoped3A_843 : memref<!tpu.dma_semaphore, #tpu.memory_space<semaphore_mem>>)
      %dma_wait3A_848 = arith.constant 0 : i32
      %dma_wait3A_849 = tpu.memref_slice %arg25[%add3A_776, %dma_wait3A_848] : memref<10240x16xf32, #tpu.memory_space<vmem_shared>> -> memref<128x16xf32, #tpu.memory_space<vmem_shared>>
      %dma_wait3A_850 = arith.constant 0 : i32
      %dma_wait3A_851 = tpu.memref_slice %arg25[%add3A_776, %dma_wait3A_850] : memref<10240x16xf32, #tpu.memory_space<vmem_shared>> -> memref<128x16xf32, #tpu.memory_space<vmem_shared>>
      tpu.wait_dma2 semaphore(%run_scoped3A_843 : memref<!tpu.dma_semaphore, #tpu.memory_space<semaphore_mem>>) src(%arg21 : memref<128x16xf32, #tpu.memory_space<vmem>>) dst(%dma_wait3A_851 : memref<128x16xf32, #tpu.memory_space<vmem_shared>>)
      tpu.yield
    }) : () -> ()
    %add3A_777 = arith.constant 512 : i32
    %add3A_778 = arith.addi %mul3A_2, %add3A_777 : i32
    "tpu.region"() ({
      %run_scoped3A_843 = tpu.sem_alloc : memref<!tpu.dma_semaphore, #tpu.memory_space<semaphore_mem>>
      %dma_start3A_844 = arith.constant 0 : i32
      %dma_start3A_845 = tpu.memref_slice %arg25[%add3A_778, %dma_start3A_844] : memref<10240x16xf32, #tpu.memory_space<vmem_shared>> -> memref<128x16xf32, #tpu.memory_space<vmem_shared>>
      %dma_start3A_846 = arith.constant 0 : i32
      %dma_start3A_847 = tpu.memref_slice %arg25[%add3A_778, %dma_start3A_846] : memref<10240x16xf32, #tpu.memory_space<vmem_shared>> -> memref<128x16xf32, #tpu.memory_space<vmem_shared>>
      tpu.enqueue_dma source(%arg21 : memref<128x16xf32, #tpu.memory_space<vmem>>) target(%dma_start3A_847 : memref<128x16xf32, #tpu.memory_space<vmem_shared>>) target_semaphore(%run_scoped3A_843 : memref<!tpu.dma_semaphore, #tpu.memory_space<semaphore_mem>>)
      %dma_wait3A_848 = arith.constant 0 : i32
      %dma_wait3A_849 = tpu.memref_slice %arg25[%add3A_778, %dma_wait3A_848] : memref<10240x16xf32, #tpu.memory_space<vmem_shared>> -> memref<128x16xf32, #tpu.memory_space<vmem_shared>>
      %dma_wait3A_850 = arith.constant 0 : i32
      %dma_wait3A_851 = tpu.memref_slice %arg25[%add3A_778, %dma_wait3A_850] : memref<10240x16xf32, #tpu.memory_space<vmem_shared>> -> memref<128x16xf32, #tpu.memory_space<vmem_shared>>
      tpu.wait_dma2 semaphore(%run_scoped3A_843 : memref<!tpu.dma_semaphore, #tpu.memory_space<semaphore_mem>>) src(%arg21 : memref<128x16xf32, #tpu.memory_space<vmem>>) dst(%dma_wait3A_851 : memref<128x16xf32, #tpu.memory_space<vmem_shared>>)
      tpu.yield
    }) : () -> ()
    %run_scoped3A = arith.constant 0 : i32
    "tpu.region"() ({
      %run_scoped3A_843 = tpu.sem_alloc : memref<!tpu.dma_semaphore, #tpu.memory_space<semaphore_mem>>
      %dma_start3A_844 = arith.constant 0 : i32
      %dma_start3A_845 = tpu.memref_slice %arg2[%run_scoped3A, %mul3A_2, %dma_start3A_844] : memref<2x10240x16xf32, #tpu.memory_space<hbm>> -> memref<1x640x16xf32, #tpu.memory_space<hbm>>
      %dma_start3A_846 = tpu.memref_squeeze %dma_start3A_845 : memref<1x640x16xf32, #tpu.memory_space<hbm>> -> memref<640x16xf32, #tpu.memory_space<hbm>>
      %dma_start3A_847 = arith.constant 0 : i32
      %dma_start3A_848 = tpu.memref_slice %arg2[%run_scoped3A, %mul3A_2, %dma_start3A_847] : memref<2x10240x16xf32, #tpu.memory_space<hbm>> -> memref<1x640x16xf32, #tpu.memory_space<hbm>>
      %dma_start3A_849 = tpu.memref_squeeze %dma_start3A_848 : memref<1x640x16xf32, #tpu.memory_space<hbm>> -> memref<640x16xf32, #tpu.memory_space<hbm>>
      tpu.enqueue_dma source(%dma_start3A_849 : memref<640x16xf32, #tpu.memory_space<hbm>>) target(%arg13 : memref<640x16xf32, #tpu.memory_space<vmem>>) target_semaphore(%run_scoped3A_843 : memref<!tpu.dma_semaphore, #tpu.memory_space<semaphore_mem>>)
      %dma_wait3A_850 = arith.constant 0 : i32
      %dma_wait3A_851 = tpu.memref_slice %arg2[%run_scoped3A, %mul3A_2, %dma_wait3A_850] : memref<2x10240x16xf32, #tpu.memory_space<hbm>> -> memref<1x640x16xf32, #tpu.memory_space<hbm>>
      %dma_wait3A_852 = tpu.memref_squeeze %dma_wait3A_851 : memref<1x640x16xf32, #tpu.memory_space<hbm>> -> memref<640x16xf32, #tpu.memory_space<hbm>>
      %dma_wait3A_853 = arith.constant 0 : i32
      %dma_wait3A_854 = tpu.memref_slice %arg2[%run_scoped3A, %mul3A_2, %dma_wait3A_853] : memref<2x10240x16xf32, #tpu.memory_space<hbm>> -> memref<1x640x16xf32, #tpu.memory_space<hbm>>
      %dma_wait3A_855 = tpu.memref_squeeze %dma_wait3A_854 : memref<1x640x16xf32, #tpu.memory_space<hbm>> -> memref<640x16xf32, #tpu.memory_space<hbm>>
      tpu.wait_dma2 semaphore(%run_scoped3A_843 : memref<!tpu.dma_semaphore, #tpu.memory_space<semaphore_mem>>) src(%dma_wait3A_855 : memref<640x16xf32, #tpu.memory_space<hbm>>) dst(%arg13 : memref<640x16xf32, #tpu.memory_space<vmem>>)
      tpu.yield
    }) : () -> ()
    %run_scoped3A_779 = arith.constant 1 : i32
    "tpu.region"() ({
      %run_scoped3A_843 = tpu.sem_alloc : memref<!tpu.dma_semaphore, #tpu.memory_space<semaphore_mem>>
      %dma_start3A_844 = arith.constant 0 : i32
      %dma_start3A_845 = tpu.memref_slice %arg2[%run_scoped3A_779, %mul3A_2, %dma_start3A_844] : memref<2x10240x16xf32, #tpu.memory_space<hbm>> -> memref<1x640x16xf32, #tpu.memory_space<hbm>>
      %dma_start3A_846 = tpu.memref_squeeze %dma_start3A_845 : memref<1x640x16xf32, #tpu.memory_space<hbm>> -> memref<640x16xf32, #tpu.memory_space<hbm>>
      %dma_start3A_847 = arith.constant 0 : i32
      %dma_start3A_848 = tpu.memref_slice %arg2[%run_scoped3A_779, %mul3A_2, %dma_start3A_847] : memref<2x10240x16xf32, #tpu.memory_space<hbm>> -> memref<1x640x16xf32, #tpu.memory_space<hbm>>
      %dma_start3A_849 = tpu.memref_squeeze %dma_start3A_848 : memref<1x640x16xf32, #tpu.memory_space<hbm>> -> memref<640x16xf32, #tpu.memory_space<hbm>>
      tpu.enqueue_dma source(%dma_start3A_849 : memref<640x16xf32, #tpu.memory_space<hbm>>) target(%arg14 : memref<640x16xf32, #tpu.memory_space<vmem>>) target_semaphore(%run_scoped3A_843 : memref<!tpu.dma_semaphore, #tpu.memory_space<semaphore_mem>>)
      %dma_wait3A_850 = arith.constant 0 : i32
      %dma_wait3A_851 = tpu.memref_slice %arg2[%run_scoped3A_779, %mul3A_2, %dma_wait3A_850] : memref<2x10240x16xf32, #tpu.memory_space<hbm>> -> memref<1x640x16xf32, #tpu.memory_space<hbm>>
      %dma_wait3A_852 = tpu.memref_squeeze %dma_wait3A_851 : memref<1x640x16xf32, #tpu.memory_space<hbm>> -> memref<640x16xf32, #tpu.memory_space<hbm>>
      %dma_wait3A_853 = arith.constant 0 : i32
      %dma_wait3A_854 = tpu.memref_slice %arg2[%run_scoped3A_779, %mul3A_2, %dma_wait3A_853] : memref<2x10240x16xf32, #tpu.memory_space<hbm>> -> memref<1x640x16xf32, #tpu.memory_space<hbm>>
      %dma_wait3A_855 = tpu.memref_squeeze %dma_wait3A_854 : memref<1x640x16xf32, #tpu.memory_space<hbm>> -> memref<640x16xf32, #tpu.memory_space<hbm>>
      tpu.wait_dma2 semaphore(%run_scoped3A_843 : memref<!tpu.dma_semaphore, #tpu.memory_space<semaphore_mem>>) src(%dma_wait3A_855 : memref<640x16xf32, #tpu.memory_space<hbm>>) dst(%arg14 : memref<640x16xf32, #tpu.memory_space<vmem>>)
      tpu.yield
    }) : () -> ()
    "tpu.region"() ({
      %run_scoped3A_843 = tpu.sem_alloc : memref<!tpu.dma_semaphore, #tpu.memory_space<semaphore_mem>>
      %dma_start3A_844 = tpu.memref_slice %arg3[%mul3A_2] : memref<20480xf32, #tpu.memory_space<hbm>> -> memref<640xf32, #tpu.memory_space<hbm>>
      %dma_start3A_845 = tpu.memref_slice %arg3[%mul3A_2] : memref<20480xf32, #tpu.memory_space<hbm>> -> memref<640xf32, #tpu.memory_space<hbm>>
      tpu.enqueue_dma source(%dma_start3A_845 : memref<640xf32, #tpu.memory_space<hbm>>) target(%arg15 : memref<640xf32, #tpu.memory_space<vmem>>) target_semaphore(%run_scoped3A_843 : memref<!tpu.dma_semaphore, #tpu.memory_space<semaphore_mem>>)
      %dma_wait3A_846 = tpu.memref_slice %arg3[%mul3A_2] : memref<20480xf32, #tpu.memory_space<hbm>> -> memref<640xf32, #tpu.memory_space<hbm>>
      %dma_wait3A_847 = tpu.memref_slice %arg3[%mul3A_2] : memref<20480xf32, #tpu.memory_space<hbm>> -> memref<640xf32, #tpu.memory_space<hbm>>
      tpu.wait_dma2 semaphore(%run_scoped3A_843 : memref<!tpu.dma_semaphore, #tpu.memory_space<semaphore_mem>>) src(%dma_wait3A_847 : memref<640xf32, #tpu.memory_space<hbm>>) dst(%arg15 : memref<640xf32, #tpu.memory_space<vmem>>)
      tpu.yield
    }) : () -> ()
    %add3A_780 = arith.constant 10240 : i32
    %add3A_781 = arith.addi %add3A_780, %mul3A_2 : i32
    "tpu.region"() ({
      %run_scoped3A_843 = tpu.sem_alloc : memref<!tpu.dma_semaphore, #tpu.memory_space<semaphore_mem>>
      %dma_start3A_844 = tpu.memref_slice %arg3[%add3A_781] : memref<20480xf32, #tpu.memory_space<hbm>> -> memref<640xf32, #tpu.memory_space<hbm>>
      %dma_start3A_845 = tpu.memref_slice %arg3[%add3A_781] : memref<20480xf32, #tpu.memory_space<hbm>> -> memref<640xf32, #tpu.memory_space<hbm>>
      tpu.enqueue_dma source(%dma_start3A_845 : memref<640xf32, #tpu.memory_space<hbm>>) target(%arg16 : memref<640xf32, #tpu.memory_space<vmem>>) target_semaphore(%run_scoped3A_843 : memref<!tpu.dma_semaphore, #tpu.memory_space<semaphore_mem>>)
      %dma_wait3A_846 = tpu.memref_slice %arg3[%add3A_781] : memref<20480xf32, #tpu.memory_space<hbm>> -> memref<640xf32, #tpu.memory_space<hbm>>
      %dma_wait3A_847 = tpu.memref_slice %arg3[%add3A_781] : memref<20480xf32, #tpu.memory_space<hbm>> -> memref<640xf32, #tpu.memory_space<hbm>>
      tpu.wait_dma2 semaphore(%run_scoped3A_843 : memref<!tpu.dma_semaphore, #tpu.memory_space<semaphore_mem>>) src(%dma_wait3A_847 : memref<640xf32, #tpu.memory_space<hbm>>) dst(%arg16 : memref<640xf32, #tpu.memory_space<vmem>>)
      tpu.yield
    }) : () -> ()
    "tpu.region"() ({
      %run_scoped3A_843 = tpu.sem_alloc : memref<!tpu.dma_semaphore, #tpu.memory_space<semaphore_mem>>
      %dma_start3A_844 = arith.constant 0 : i32
      %dma_start3A_845 = tpu.memref_slice %arg4[%mul3A_2, %dma_start3A_844] : memref<10240x16xf32, #tpu.memory_space<hbm>> -> memref<640x16xf32, #tpu.memory_space<hbm>>
      %dma_start3A_846 = arith.constant 0 : i32
      %dma_start3A_847 = tpu.memref_slice %arg4[%mul3A_2, %dma_start3A_846] : memref<10240x16xf32, #tpu.memory_space<hbm>> -> memref<640x16xf32, #tpu.memory_space<hbm>>
      tpu.enqueue_dma source(%dma_start3A_847 : memref<640x16xf32, #tpu.memory_space<hbm>>) target(%arg17 : memref<640x16xf32, #tpu.memory_space<vmem>>) target_semaphore(%run_scoped3A_843 : memref<!tpu.dma_semaphore, #tpu.memory_space<semaphore_mem>>)
      %dma_wait3A_848 = arith.constant 0 : i32
      %dma_wait3A_849 = tpu.memref_slice %arg4[%mul3A_2, %dma_wait3A_848] : memref<10240x16xf32, #tpu.memory_space<hbm>> -> memref<640x16xf32, #tpu.memory_space<hbm>>
      %dma_wait3A_850 = arith.constant 0 : i32
      %dma_wait3A_851 = tpu.memref_slice %arg4[%mul3A_2, %dma_wait3A_850] : memref<10240x16xf32, #tpu.memory_space<hbm>> -> memref<640x16xf32, #tpu.memory_space<hbm>>
      tpu.wait_dma2 semaphore(%run_scoped3A_843 : memref<!tpu.dma_semaphore, #tpu.memory_space<semaphore_mem>>) src(%dma_wait3A_851 : memref<640x16xf32, #tpu.memory_space<hbm>>) dst(%arg17 : memref<640x16xf32, #tpu.memory_space<vmem>>)
      tpu.yield
    }) : () -> ()
    "tpu.region"() ({
      %run_scoped3A_843 = tpu.sem_alloc : memref<!tpu.dma_semaphore, #tpu.memory_space<semaphore_mem>>
      tpu.enqueue_dma source(%arg5 : memref<16xf32, #tpu.memory_space<hbm>>) target(%arg18 : memref<16xf32, #tpu.memory_space<vmem>>) target_semaphore(%run_scoped3A_843 : memref<!tpu.dma_semaphore, #tpu.memory_space<semaphore_mem>>)
      tpu.wait_dma2 semaphore(%run_scoped3A_843 : memref<!tpu.dma_semaphore, #tpu.memory_space<semaphore_mem>>) src(%arg5 : memref<16xf32, #tpu.memory_space<hbm>>) dst(%arg18 : memref<16xf32, #tpu.memory_space<vmem>>)
      tpu.yield
    }) : () -> ()
    %get3A = arith.constant 0 : index
    %get3A_782 = tpu.vector_load %arg18[%get3A] {strides = array<i32>} : memref<16xf32, #tpu.memory_space<vmem>>, vector<16xf32>,
    %parallel_loop3A = arith.constant 0 : i32
    %parallel_loop3A_783 = arith.constant 640 : i32
    %parallel_loop3A_784 = arith.constant 1 : i32
    scf.for %parallel_loop3A_843 = %parallel_loop3A to %parallel_loop3A_783 step %parallel_loop3A_784  : i32 {
      %parallel_loop3A_844 = vector.broadcast %parallel_loop3A_843 : i32 to vector<16xi32>
      %parallel_loop3A_845 = tpu.vector_load_idx %arg13[%parallel_loop3A_844, %iota3A] : memref<640x16xf32, #tpu.memory_space<vmem>>[vector<16xi32>, vector<16xi32>], vector<16xf32>,
      %parallel_loop3A_846 = tpu.vector_load_idx %arg14[%parallel_loop3A_844, %iota3A] : memref<640x16xf32, #tpu.memory_space<vmem>>[vector<16xi32>, vector<16xi32>], vector<16xf32>,
      %parallel_loop3A_847 = arith.addf %parallel_loop3A_845, %parallel_loop3A_846 : vector<16xf32>
      %parallel_loop3A_848 = tpu.vector_load_idx %arg15[%parallel_loop3A_844] : memref<640xf32, #tpu.memory_space<vmem>>[vector<16xi32>], vector<16xf32>,
      %parallel_loop3A_849 = tpu.vector_load_idx %arg16[%parallel_loop3A_844] : memref<640xf32, #tpu.memory_space<vmem>>[vector<16xi32>], vector<16xf32>,
      %parallel_loop3A_850 = arith.addf %parallel_loop3A_848, %parallel_loop3A_849 : vector<16xf32>
      %parallel_loop3A_851 = arith.constant 1.000000e+00 : f32
      %parallel_loop3A_852 = vector.broadcast %parallel_loop3A_851 : f32 to vector<16xf32>
      %parallel_loop3A_853 = arith.maximumf %parallel_loop3A_850, %parallel_loop3A_852 : vector<16xf32>
      %parallel_loop3A_854 = arith.divf %parallel_loop3A_847, %parallel_loop3A_853 : vector<16xf32>
      %parallel_loop3A_855 = tpu.vector_load_idx %arg17[%parallel_loop3A_844, %iota3A] : memref<640x16xf32, #tpu.memory_space<vmem>>[vector<16xi32>, vector<16xi32>], vector<16xf32>,
      %parallel_loop3A_856 = arith.addf %parallel_loop3A_854, %parallel_loop3A_855 : vector<16xf32>
      %parallel_loop3A_857 = arith.addf %parallel_loop3A_856, %get3A_782 : vector<16xf32>
      %parallel_loop3A_858 = arith.constant 0.000000e+00 : f32
      %parallel_loop3A_859 = vector.broadcast %parallel_loop3A_858 : f32 to vector<16xf32>
      %parallel_loop3A_860 = arith.maximumf %parallel_loop3A_857, %parallel_loop3A_859 : vector<16xf32>
      tpu.vector_store_idx %arg19[%parallel_loop3A_844, %iota3A], %parallel_loop3A_860 : memref<640x16xf32, #tpu.memory_space<vmem>>[vector<16xi32>, vector<16xi32>], vector<16xf32>,
      %parallel_loop3A_861 = arith.constant 8 : i32
      %parallel_loop3A_862 = vector.broadcast %parallel_loop3A_861 : i32 to vector<16xi32>
      %parallel_loop3A_863 = arith.divsi %parallel_loop3A_844, %parallel_loop3A_862 : vector<16xi32>
      %parallel_loop3A_864 = arith.constant 0 : i32
      %parallel_loop3A_865 = vector.broadcast %parallel_loop3A_864 : i32 to vector<16xi32>
      %parallel_loop3A_866 = arith.cmpi sgt, %parallel_loop3A_844, %parallel_loop3A_865 : vector<16xi32>
      %parallel_loop3A_867 = arith.extui %parallel_loop3A_866 : vector<16xi1> to vector<16xi32>
      %parallel_loop3A_868 = arith.constant 0 : i32
      %parallel_loop3A_869 = vector.broadcast %parallel_loop3A_868 : i32 to vector<16xi32>
      %parallel_loop3A_870 = arith.cmpi slt, %parallel_loop3A_844, %parallel_loop3A_869 : vector<16xi32>
      %parallel_loop3A_871 = arith.extui %parallel_loop3A_870 : vector<16xi1> to vector<16xi32>
      %parallel_loop3A_872 = arith.subi %parallel_loop3A_867, %parallel_loop3A_871 : vector<16xi32>
      %parallel_loop3A_873 = arith.constant 0 : i32
      %parallel_loop3A_874 = arith.cmpi sgt, %parallel_loop3A_861, %parallel_loop3A_873 : i32
      %parallel_loop3A_875 = arith.extui %parallel_loop3A_874 : i1 to i32
      %parallel_loop3A_876 = arith.constant 0 : i32
      %parallel_loop3A_877 = arith.cmpi slt, %parallel_loop3A_861, %parallel_loop3A_876 : i32
      %parallel_loop3A_878 = arith.extui %parallel_loop3A_877 : i1 to i32
      %parallel_loop3A_879 = arith.subi %parallel_loop3A_875, %parallel_loop3A_878 : i32
      %parallel_loop3A_880 = vector.broadcast %parallel_loop3A_879 : i32 to vector<16xi32>
      %parallel_loop3A_881 = arith.cmpi ne, %parallel_loop3A_872, %parallel_loop3A_880 : vector<16xi32>
      %parallel_loop3A_882 = vector.broadcast %parallel_loop3A_861 : i32 to vector<16xi32>
      %parallel_loop3A_883 = arith.remsi %parallel_loop3A_844, %parallel_loop3A_882 : vector<16xi32>
      %parallel_loop3A_884 = arith.constant 0 : i32
      %parallel_loop3A_885 = vector.broadcast %parallel_loop3A_884 : i32 to vector<16xi32>
      %parallel_loop3A_886 = arith.cmpi ne, %parallel_loop3A_883, %parallel_loop3A_885 : vector<16xi32>
      %parallel_loop3A_887 = arith.andi %parallel_loop3A_881, %parallel_loop3A_886 : vector<16xi1>
      %parallel_loop3A_888 = arith.constant 1 : i32
      %parallel_loop3A_889 = vector.broadcast %parallel_loop3A_888 : i32 to vector<16xi32>
      %parallel_loop3A_890 = arith.subi %parallel_loop3A_863, %parallel_loop3A_889 : vector<16xi32>
      %parallel_loop3A_891 = arith.select %parallel_loop3A_887, %parallel_loop3A_890, %parallel_loop3A_863 : vector<16xi1>, vector<16xi32>
      %parallel_loop3A_892 = arith.constant 8 : i32
      %parallel_loop3A_893 = arith.constant 0 : i32
      %parallel_loop3A_894 = arith.cmpi eq, %parallel_loop3A_892, %parallel_loop3A_893 : i32
      %parallel_loop3A_895 = arith.constant 1 : i32
      %parallel_loop3A_896 = arith.select %parallel_loop3A_894, %parallel_loop3A_895, %parallel_loop3A_892 : i32
      %parallel_loop3A_897 = vector.broadcast %parallel_loop3A_896 : i32 to vector<16xi32>
      %parallel_loop3A_898 = arith.remsi %parallel_loop3A_844, %parallel_loop3A_897 : vector<16xi32>
      %parallel_loop3A_899 = arith.constant 0 : i32
      %parallel_loop3A_900 = vector.broadcast %parallel_loop3A_899 : i32 to vector<16xi32>
      %parallel_loop3A_901 = arith.cmpi ne, %parallel_loop3A_898, %parallel_loop3A_900 : vector<16xi32>
      %parallel_loop3A_902 = arith.constant 0 : i32
      %parallel_loop3A_903 = vector.broadcast %parallel_loop3A_902 : i32 to vector<16xi32>
      %parallel_loop3A_904 = arith.cmpi slt, %parallel_loop3A_898, %parallel_loop3A_903 : vector<16xi32>
      %parallel_loop3A_905 = arith.constant 0 : i32
      %parallel_loop3A_906 = arith.cmpi slt, %parallel_loop3A_896, %parallel_loop3A_905 : i32
      %parallel_loop3A_907 = vector.broadcast %parallel_loop3A_906 : i1 to vector<16xi1>
      %parallel_loop3A_908 = vector.broadcast %parallel_loop3A_907 : vector<16xi1> to vector<16xi1>
      %parallel_loop3A_909 = arith.xori %parallel_loop3A_904, %parallel_loop3A_908 : vector<16xi1>
      %parallel_loop3A_910 = arith.andi %parallel_loop3A_909, %parallel_loop3A_901 : vector<16xi1>
      %parallel_loop3A_911 = vector.broadcast %parallel_loop3A_896 : i32 to vector<16xi32>
      %parallel_loop3A_912 = arith.addi %parallel_loop3A_898, %parallel_loop3A_911 : vector<16xi32>
      %parallel_loop3A_913 = arith.select %parallel_loop3A_910, %parallel_loop3A_912, %parallel_loop3A_898 : vector<16xi1>, vector<16xi32>
      %parallel_loop3A_914 = arith.constant 16 : i32
      %parallel_loop3A_915 = vector.broadcast %parallel_loop3A_914 : i32 to vector<16xi32>
      %parallel_loop3A_916 = arith.muli %parallel_loop3A_913, %parallel_loop3A_915 : vector<16xi32>
      %parallel_loop3A_917 = arith.addi %parallel_loop3A_916, %iota3A : vector<16xi32>
      tpu.vector_store_idx %arg20[%parallel_loop3A_891, %parallel_loop3A_917], %parallel_loop3A_860 : memref<80x128xf32, #tpu.memory_space<vmem>>[vector<16xi32>, vector<16xi32>], vector<16xf32>,
    } {sc.loop_unroll_factor = 4 : i64, sc.parallel_access}
    "tpu.region"() ({
      %run_scoped3A_843 = tpu.sem_alloc : memref<!tpu.dma_semaphore, #tpu.memory_space<semaphore_mem>>
      %dma_start3A_844 = arith.constant 0 : i32
      %dma_start3A_845 = tpu.memref_slice %arg26[%mul3A_2, %dma_start3A_844] : memref<10240x16xf32, #tpu.memory_space<vmem_shared>> -> memref<640x16xf32, #tpu.memory_space<vmem_shared>>
      %dma_start3A_846 = arith.constant 0 : i32
      %dma_start3A_847 = tpu.memref_slice %arg26[%mul3A_2, %dma_start3A_846] : memref<10240x16xf32, #tpu.memory_space<vmem_shared>> -> memref<640x16xf32, #tpu.memory_space<vmem_shared>>
      tpu.enqueue_dma source(%arg19 : memref<640x16xf32, #tpu.memory_space<vmem>>) target(%dma_start3A_847 : memref<640x16xf32, #tpu.memory_space<vmem_shared>>) target_semaphore(%run_scoped3A_843 : memref<!tpu.dma_semaphore, #tpu.memory_space<semaphore_mem>>)
      %dma_wait3A_848 = arith.constant 0 : i32
      %dma_wait3A_849 = tpu.memref_slice %arg26[%mul3A_2, %dma_wait3A_848] : memref<10240x16xf32, #tpu.memory_space<vmem_shared>> -> memref<640x16xf32, #tpu.memory_space<vmem_shared>>
      %dma_wait3A_850 = arith.constant 0 : i32
      %dma_wait3A_851 = tpu.memref_slice %arg26[%mul3A_2, %dma_wait3A_850] : memref<10240x16xf32, #tpu.memory_space<vmem_shared>> -> memref<640x16xf32, #tpu.memory_space<vmem_shared>>
      tpu.wait_dma2 semaphore(%run_scoped3A_843 : memref<!tpu.dma_semaphore, #tpu.memory_space<semaphore_mem>>) src(%arg19 : memref<640x16xf32, #tpu.memory_space<vmem>>) dst(%dma_wait3A_851 : memref<640x16xf32, #tpu.memory_space<vmem_shared>>)
      tpu.yield
    }) : () -> ()
    %eq3A = arith.constant 0 : i32
    %eq3A_785 = arith.cmpi eq, %arg0, %eq3A : i32
    %convert_element_type3A = arith.extui %eq3A_785 : i1 to i32
    %cond3A = arith.constant 0 : i32
    %cond3A_786 = arith.cmpi ne, %convert_element_type3A, %cond3A : i32
    scf.if %cond3A_786 {
      %mul3A_843 = arith.constant 80 : i32
      %mul3A_844 = arith.muli %arg1, %mul3A_843 : i32
      "tpu.region"() ({
        %run_scoped3A_845 = tpu.sem_alloc : memref<!tpu.dma_semaphore, #tpu.memory_space<semaphore_mem>>
        %dma_start3A_846 = arith.constant 0 : i32
        %dma_start3A_847 = tpu.memref_slice %arg9[%mul3A_844, %dma_start3A_846] : memref<1280x128xf32, #tpu.memory_space<hbm>> -> memref<80x128xf32, #tpu.memory_space<hbm>>
        %dma_start3A_848 = arith.constant 0 : i32
        %dma_start3A_849 = tpu.memref_slice %arg9[%mul3A_844, %dma_start3A_848] : memref<1280x128xf32, #tpu.memory_space<hbm>> -> memref<80x128xf32, #tpu.memory_space<hbm>>
        tpu.enqueue_dma source(%arg20 : memref<80x128xf32, #tpu.memory_space<vmem>>) target(%dma_start3A_849 : memref<80x128xf32, #tpu.memory_space<hbm>>) target_semaphore(%run_scoped3A_845 : memref<!tpu.dma_semaphore, #tpu.memory_space<semaphore_mem>>)
        %dma_wait3A_850 = arith.constant 0 : i32
        %dma_wait3A_851 = tpu.memref_slice %arg9[%mul3A_844, %dma_wait3A_850] : memref<1280x128xf32, #tpu.memory_space<hbm>> -> memref<80x128xf32, #tpu.memory_space<hbm>>
        %dma_wait3A_852 = arith.constant 0 : i32
        %dma_wait3A_853 = tpu.memref_slice %arg9[%mul3A_844, %dma_wait3A_852] : memref<1280x128xf32, #tpu.memory_space<hbm>> -> memref<80x128xf32, #tpu.memory_space<hbm>>
        tpu.wait_dma2 semaphore(%run_scoped3A_845 : memref<!tpu.dma_semaphore, #tpu.memory_space<semaphore_mem>>) src(%arg20 : memref<80x128xf32, #tpu.memory_space<vmem>>) dst(%dma_wait3A_853 : memref<80x128xf32, #tpu.memory_space<hbm>>)
        tpu.yield
      }) : () -> ()
    } else {
    }
    %mul3A_787 = arith.constant 80 : i32
    %mul3A_788 = arith.muli %add3A, %mul3A_787 : i32
    %run_scoped3A_789 = arith.constant 0 : i32
    "tpu.region"() ({
      %run_scoped3A_843 = tpu.sem_alloc : memref<!tpu.dma_semaphore, #tpu.memory_space<semaphore_mem>>
      %dma_start3A_844 = arith.constant 0 : i32
      %dma_start3A_845 = tpu.memref_slice %arg6[%run_scoped3A_789, %mul3A_788, %dma_start3A_844] : memref<2x2560x128xi32, #tpu.memory_space<hbm>> -> memref<1x80x128xi32, #tpu.memory_space<hbm>>
      %dma_start3A_846 = tpu.memref_squeeze %dma_start3A_845 : memref<1x80x128xi32, #tpu.memory_space<hbm>> -> memref<80x128xi32, #tpu.memory_space<hbm>>
      %dma_start3A_847 = arith.constant 0 : i32
      %dma_start3A_848 = tpu.memref_slice %arg6[%run_scoped3A_789, %mul3A_788, %dma_start3A_847] : memref<2x2560x128xi32, #tpu.memory_space<hbm>> -> memref<1x80x128xi32, #tpu.memory_space<hbm>>
      %dma_start3A_849 = tpu.memref_squeeze %dma_start3A_848 : memref<1x80x128xi32, #tpu.memory_space<hbm>> -> memref<80x128xi32, #tpu.memory_space<hbm>>
      tpu.enqueue_dma source(%dma_start3A_849 : memref<80x128xi32, #tpu.memory_space<hbm>>) target(%arg10 : memref<80x128xi32, #tpu.memory_space<vmem>>) target_semaphore(%run_scoped3A_843 : memref<!tpu.dma_semaphore, #tpu.memory_space<semaphore_mem>>)
      %dma_wait3A_850 = arith.constant 0 : i32
      %dma_wait3A_851 = tpu.memref_slice %arg6[%run_scoped3A_789, %mul3A_788, %dma_wait3A_850] : memref<2x2560x128xi32, #tpu.memory_space<hbm>> -> memref<1x80x128xi32, #tpu.memory_space<hbm>>
      %dma_wait3A_852 = tpu.memref_squeeze %dma_wait3A_851 : memref<1x80x128xi32, #tpu.memory_space<hbm>> -> memref<80x128xi32, #tpu.memory_space<hbm>>
      %dma_wait3A_853 = arith.constant 0 : i32
      %dma_wait3A_854 = tpu.memref_slice %arg6[%run_scoped3A_789, %mul3A_788, %dma_wait3A_853] : memref<2x2560x128xi32, #tpu.memory_space<hbm>> -> memref<1x80x128xi32, #tpu.memory_space<hbm>>
      %dma_wait3A_855 = tpu.memref_squeeze %dma_wait3A_854 : memref<1x80x128xi32, #tpu.memory_space<hbm>> -> memref<80x128xi32, #tpu.memory_space<hbm>>
      tpu.wait_dma2 semaphore(%run_scoped3A_843 : memref<!tpu.dma_semaphore, #tpu.memory_space<semaphore_mem>>) src(%dma_wait3A_855 : memref<80x128xi32, #tpu.memory_space<hbm>>) dst(%arg10 : memref<80x128xi32, #tpu.memory_space<vmem>>)
      tpu.yield
    }) : () -> ()
    %run_scoped3A_790 = arith.constant 1 : i32
    "tpu.region"() ({
      %run_scoped3A_843 = tpu.sem_alloc : memref<!tpu.dma_semaphore, #tpu.memory_space<semaphore_mem>>
      %dma_start3A_844 = arith.constant 0 : i32
      %dma_start3A_845 = tpu.memref_slice %arg6[%run_scoped3A_790, %mul3A_788, %dma_start3A_844] : memref<2x2560x128xi32, #tpu.memory_space<hbm>> -> memref<1x80x128xi32, #tpu.memory_space<hbm>>
      %dma_start3A_846 = tpu.memref_squeeze %dma_start3A_845 : memref<1x80x128xi32, #tpu.memory_space<hbm>> -> memref<80x128xi32, #tpu.memory_space<hbm>>
      %dma_start3A_847 = arith.constant 0 : i32
      %dma_start3A_848 = tpu.memref_slice %arg6[%run_scoped3A_790, %mul3A_788, %dma_start3A_847] : memref<2x2560x128xi32, #tpu.memory_space<hbm>> -> memref<1x80x128xi32, #tpu.memory_space<hbm>>
      %dma_start3A_849 = tpu.memref_squeeze %dma_start3A_848 : memref<1x80x128xi32, #tpu.memory_space<hbm>> -> memref<80x128xi32, #tpu.memory_space<hbm>>
      tpu.enqueue_dma source(%dma_start3A_849 : memref<80x128xi32, #tpu.memory_space<hbm>>) target(%arg11 : memref<80x128xi32, #tpu.memory_space<vmem>>) target_semaphore(%run_scoped3A_843 : memref<!tpu.dma_semaphore, #tpu.memory_space<semaphore_mem>>)
      %dma_wait3A_850 = arith.constant 0 : i32
      %dma_wait3A_851 = tpu.memref_slice %arg6[%run_scoped3A_790, %mul3A_788, %dma_wait3A_850] : memref<2x2560x128xi32, #tpu.memory_space<hbm>> -> memref<1x80x128xi32, #tpu.memory_space<hbm>>
      %dma_wait3A_852 = tpu.memref_squeeze %dma_wait3A_851 : memref<1x80x128xi32, #tpu.memory_space<hbm>> -> memref<80x128xi32, #tpu.memory_space<hbm>>
      %dma_wait3A_853 = arith.constant 0 : i32
      %dma_wait3A_854 = tpu.memref_slice %arg6[%run_scoped3A_790, %mul3A_788, %dma_wait3A_853] : memref<2x2560x128xi32, #tpu.memory_space<hbm>> -> memref<1x80x128xi32, #tpu.memory_space<hbm>>
      %dma_wait3A_855 = tpu.memref_squeeze %dma_wait3A_854 : memref<1x80x128xi32, #tpu.memory_space<hbm>> -> memref<80x128xi32, #tpu.memory_space<hbm>>
      tpu.wait_dma2 semaphore(%run_scoped3A_843 : memref<!tpu.dma_semaphore, #tpu.memory_space<semaphore_mem>>) src(%dma_wait3A_855 : memref<80x128xi32, #tpu.memory_space<hbm>>) dst(%arg11 : memref<80x128xi32, #tpu.memory_space<vmem>>)
      tpu.yield
    }) : () -> ()
    "tpu.region"() ({
      %run_scoped3A_843 = tpu.sem_alloc : memref<!tpu.dma_semaphore, #tpu.memory_space<semaphore_mem>>
      %dma_start3A_844 = arith.constant 0 : i32
      %dma_start3A_845 = tpu.memref_slice %arg7[%mul3A_788, %dma_start3A_844] : memref<2560x128xf32, #tpu.memory_space<hbm>> -> memref<80x128xf32, #tpu.memory_space<hbm>>
      %dma_start3A_846 = arith.constant 0 : i32
      %dma_start3A_847 = tpu.memref_slice %arg7[%mul3A_788, %dma_start3A_846] : memref<2560x128xf32, #tpu.memory_space<hbm>> -> memref<80x128xf32, #tpu.memory_space<hbm>>
      tpu.enqueue_dma source(%dma_start3A_847 : memref<80x128xf32, #tpu.memory_space<hbm>>) target(%arg12 : memref<80x128xf32, #tpu.memory_space<vmem>>) target_semaphore(%run_scoped3A_843 : memref<!tpu.dma_semaphore, #tpu.memory_space<semaphore_mem>>)
      %dma_wait3A_848 = arith.constant 0 : i32
      %dma_wait3A_849 = tpu.memref_slice %arg7[%mul3A_788, %dma_wait3A_848] : memref<2560x128xf32, #tpu.memory_space<hbm>> -> memref<80x128xf32, #tpu.memory_space<hbm>>
      %dma_wait3A_850 = arith.constant 0 : i32
      %dma_wait3A_851 = tpu.memref_slice %arg7[%mul3A_788, %dma_wait3A_850] : memref<2560x128xf32, #tpu.memory_space<hbm>> -> memref<80x128xf32, #tpu.memory_space<hbm>>
      tpu.wait_dma2 semaphore(%run_scoped3A_843 : memref<!tpu.dma_semaphore, #tpu.memory_space<semaphore_mem>>) src(%dma_wait3A_851 : memref<80x128xf32, #tpu.memory_space<hbm>>) dst(%arg12 : memref<80x128xf32, #tpu.memory_space<vmem>>)
      tpu.yield
    }) : () -> ()
    %barrier3A = arith.constant 0 : index
    tpu.barrier barrier_id(%barrier3A)
    %dma_start3A = arith.constant 0 : i32
    %dma_start3A_791 = arith.constant 0 : i32
    %dma_start3A_792 = tpu.memref_slice %arg10[%dma_start3A, %dma_start3A_791] : memref<80x128xi32, #tpu.memory_space<vmem>> -> memref<1x128xi32, #tpu.memory_space<vmem>>
    %dma_start3A_793 = tpu.memref_squeeze %dma_start3A_792 : memref<1x128xi32, #tpu.memory_space<vmem>> -> memref<128xi32, #tpu.memory_space<vmem>>
    %dma_start3A_794 = arith.constant 0 : i32
    %dma_start3A_795 = arith.constant 0 : i32
    %dma_start3A_796 = tpu.memref_slice %arg26[%dma_start3A_794, %dma_start3A_795] : memref<10240x16xf32, #tpu.memory_space<vmem_shared>> -> memref<10240x16xf32, #tpu.memory_space<vmem_shared>>
    tpu.enqueue_indirect_dma source(%dma_start3A_796 : memref<10240x16xf32, #tpu.memory_space<vmem_shared>>) target(%arg21 : memref<128x16xf32, #tpu.memory_space<vmem>>) offsets(%dma_start3A_793 : memref<128xi32, #tpu.memory_space<vmem>>) semaphore(%arg27 : memref<!tpu.dma_semaphore, #tpu.memory_space<semaphore_mem>>)
    %dma_start3A_797 = arith.constant 1 : i32
    %dma_start3A_798 = arith.constant 0 : i32
    %dma_start3A_799 = tpu.memref_slice %arg10[%dma_start3A_797, %dma_start3A_798] : memref<80x128xi32, #tpu.memory_space<vmem>> -> memref<1x128xi32, #tpu.memory_space<vmem>>
    %dma_start3A_800 = tpu.memref_squeeze %dma_start3A_799 : memref<1x128xi32, #tpu.memory_space<vmem>> -> memref<128xi32, #tpu.memory_space<vmem>>
    %dma_start3A_801 = arith.constant 0 : i32
    %dma_start3A_802 = arith.constant 0 : i32
    %dma_start3A_803 = tpu.memref_slice %arg26[%dma_start3A_801, %dma_start3A_802] : memref<10240x16xf32, #tpu.memory_space<vmem_shared>> -> memref<10240x16xf32, #tpu.memory_space<vmem_shared>>
    tpu.enqueue_indirect_dma source(%dma_start3A_803 : memref<10240x16xf32, #tpu.memory_space<vmem_shared>>) target(%arg22 : memref<128x16xf32, #tpu.memory_space<vmem>>) offsets(%dma_start3A_800 : memref<128xi32, #tpu.memory_space<vmem>>) semaphore(%arg28 : memref<!tpu.dma_semaphore, #tpu.memory_space<semaphore_mem>>)
    %scan3A = arith.constant 0 : i32
    %scan3A_804 = arith.constant 0 : i32
    %scan3A_805 = arith.constant 20 : i32
    %scan3A_806 = arith.addi %scan3A_804, %scan3A_805 : i32
    %scan3A_807 = arith.constant 1 : i32
    %scan3A_808 = scf.for %scan3A_843 = %scan3A_804 to %scan3A_806 step %scan3A_807 iter_args(%scan3A_844 = %scan3A) -> (i32)  : i32 {
      %mul3A_845 = arith.constant 4 : i32
      %mul3A_846 = arith.muli %mul3A_845, %scan3A_843 : i32
      %add3A_847 = arith.constant 0 : i32
      %add3A_848 = arith.addi %mul3A_846, %add3A_847 : i32
      %dma_wait3A_849 = arith.constant 0 : i32
      %dma_wait3A_850 = tpu.memref_slice %arg10[%add3A_848, %dma_wait3A_849] : memref<80x128xi32, #tpu.memory_space<vmem>> -> memref<1x128xi32, #tpu.memory_space<vmem>>
      %dma_wait3A_851 = tpu.memref_squeeze %dma_wait3A_850 : memref<1x128xi32, #tpu.memory_space<vmem>> -> memref<128xi32, #tpu.memory_space<vmem>>
      %dma_wait3A_852 = arith.constant 0 : i32
      %dma_wait3A_853 = arith.constant 0 : i32
      %dma_wait3A_854 = tpu.memref_slice %arg26[%dma_wait3A_852, %dma_wait3A_853] : memref<10240x16xf32, #tpu.memory_space<vmem_shared>> -> memref<10240x16xf32, #tpu.memory_space<vmem_shared>>
      tpu.wait_indirect_dma semaphore(%arg27 : memref<!tpu.dma_semaphore, #tpu.memory_space<semaphore_mem>>) src(%dma_wait3A_854 : memref<10240x16xf32, #tpu.memory_space<vmem_shared>>) dst(%arg21 : memref<128x16xf32, #tpu.memory_space<vmem>>)
      %gt3A = arith.constant 0 : i32
      %gt3A_855 = arith.cmpi sgt, %scan3A_843, %gt3A : i32
      %convert_element_type3A_856 = arith.extui %gt3A_855 : i1 to i32
      %cond3A_857 = arith.constant 0 : i32
      %cond3A_858 = arith.cmpi ne, %convert_element_type3A_856, %cond3A_857 : i32
      scf.if %cond3A_858 {
        %sub3A = arith.constant 2 : i32
        %sub3A_964 = arith.subi %add3A_848, %sub3A : i32
        %dma_wait3A_965 = arith.constant 0 : i32
        %dma_wait3A_966 = tpu.memref_slice %arg11[%sub3A_964, %dma_wait3A_965] : memref<80x128xi32, #tpu.memory_space<vmem>> -> memref<1x128xi32, #tpu.memory_space<vmem>>
        %dma_wait3A_967 = tpu.memref_squeeze %dma_wait3A_966 : memref<1x128xi32, #tpu.memory_space<vmem>> -> memref<128xi32, #tpu.memory_space<vmem>>
        %dma_wait3A_968 = arith.constant 0 : i32
        %dma_wait3A_969 = arith.constant 0 : i32
        %dma_wait3A_970 = tpu.memref_slice %arg25[%dma_wait3A_968, %dma_wait3A_969] : memref<10240x16xf32, #tpu.memory_space<vmem_shared>> -> memref<10240x16xf32, #tpu.memory_space<vmem_shared>>
        tpu.wait_indirect_dma semaphore(%arg33 : memref<!tpu.dma_semaphore, #tpu.memory_space<semaphore_mem>>) src(%arg23 : memref<128x16xf32, #tpu.memory_space<vmem>>) dst(%dma_wait3A_970 : memref<10240x16xf32, #tpu.memory_space<vmem_shared>>)
      } else {
      }
      %add3A_859 = arith.constant 2 : i32
      %add3A_860 = arith.addi %add3A_848, %add3A_859 : i32
      %dma_start3A_861 = arith.constant 0 : i32
      %dma_start3A_862 = tpu.memref_slice %arg10[%add3A_860, %dma_start3A_861] : memref<80x128xi32, #tpu.memory_space<vmem>> -> memref<1x128xi32, #tpu.memory_space<vmem>>
      %dma_start3A_863 = tpu.memref_squeeze %dma_start3A_862 : memref<1x128xi32, #tpu.memory_space<vmem>> -> memref<128xi32, #tpu.memory_space<vmem>>
      %dma_start3A_864 = arith.constant 0 : i32
      %dma_start3A_865 = arith.constant 0 : i32
      %dma_start3A_866 = tpu.memref_slice %arg26[%dma_start3A_864, %dma_start3A_865] : memref<10240x16xf32, #tpu.memory_space<vmem_shared>> -> memref<10240x16xf32, #tpu.memory_space<vmem_shared>>
      tpu.enqueue_indirect_dma source(%dma_start3A_866 : memref<10240x16xf32, #tpu.memory_space<vmem_shared>>) target(%arg23 : memref<128x16xf32, #tpu.memory_space<vmem>>) offsets(%dma_start3A_863 : memref<128xi32, #tpu.memory_space<vmem>>) semaphore(%arg29 : memref<!tpu.dma_semaphore, #tpu.memory_space<semaphore_mem>>)
      %broadcast_in_dim3A_867 = vector.broadcast %add3A_848 : i32 to vector<16xi32>
      %parallel_loop3A_868 = arith.constant 0 : i32
      %parallel_loop3A_869 = arith.constant 128 : i32
      %parallel_loop3A_870 = arith.constant 1 : i32
      scf.for %parallel_loop3A_964 = %parallel_loop3A_868 to %parallel_loop3A_869 step %parallel_loop3A_870  : i32 {
        %parallel_loop3A_965 = vector.broadcast %parallel_loop3A_964 : i32 to vector<16xi32>
        %parallel_loop3A_966 = tpu.vector_load_idx %arg12[%broadcast_in_dim3A_867, %parallel_loop3A_965] : memref<80x128xf32, #tpu.memory_space<vmem>>[vector<16xi32>, vector<16xi32>], vector<16xf32>,
        %parallel_loop3A_967 = tpu.vector_load_idx %arg21[%parallel_loop3A_965, %iota3A] : memref<128x16xf32, #tpu.memory_space<vmem>>[vector<16xi32>, vector<16xi32>], vector<16xf32>,
        %parallel_loop3A_968 = arith.mulf %parallel_loop3A_967, %parallel_loop3A_966 : vector<16xf32>
        tpu.vector_store_idx %arg21[%parallel_loop3A_965, %iota3A], %parallel_loop3A_968 : memref<128x16xf32, #tpu.memory_space<vmem>>[vector<16xi32>, vector<16xi32>], vector<16xf32>,
      } {sc.loop_unroll_factor = 8 : i64, sc.parallel_access}
      %dma_start3A_871 = arith.constant 0 : i32
      %dma_start3A_872 = tpu.memref_slice %arg11[%add3A_848, %dma_start3A_871] : memref<80x128xi32, #tpu.memory_space<vmem>> -> memref<1x128xi32, #tpu.memory_space<vmem>>
      %dma_start3A_873 = tpu.memref_squeeze %dma_start3A_872 : memref<1x128xi32, #tpu.memory_space<vmem>> -> memref<128xi32, #tpu.memory_space<vmem>>
      %dma_start3A_874 = arith.constant 0 : i32
      %dma_start3A_875 = arith.constant 0 : i32
      %dma_start3A_876 = tpu.memref_slice %arg25[%dma_start3A_874, %dma_start3A_875] : memref<10240x16xf32, #tpu.memory_space<vmem_shared>> -> memref<10240x16xf32, #tpu.memory_space<vmem_shared>>
      tpu.enqueue_indirect_dma source(%arg21 : memref<128x16xf32, #tpu.memory_space<vmem>>) target(%dma_start3A_876 : memref<10240x16xf32, #tpu.memory_space<vmem_shared>>) offsets(%dma_start3A_873 : memref<128xi32, #tpu.memory_space<vmem>>) semaphore(%arg31 : memref<!tpu.dma_semaphore, #tpu.memory_space<semaphore_mem>>) {add = true}
      %mul3A_877 = arith.constant 4 : i32
      %mul3A_878 = arith.muli %mul3A_877, %scan3A_843 : i32
      %add3A_879 = arith.constant 1 : i32
      %add3A_880 = arith.addi %mul3A_878, %add3A_879 : i32
      %dma_wait3A_881 = arith.constant 0 : i32
      %dma_wait3A_882 = tpu.memref_slice %arg10[%add3A_880, %dma_wait3A_881] : memref<80x128xi32, #tpu.memory_space<vmem>> -> memref<1x128xi32, #tpu.memory_space<vmem>>
      %dma_wait3A_883 = tpu.memref_squeeze %dma_wait3A_882 : memref<1x128xi32, #tpu.memory_space<vmem>> -> memref<128xi32, #tpu.memory_space<vmem>>
      %dma_wait3A_884 = arith.constant 0 : i32
      %dma_wait3A_885 = arith.constant 0 : i32
      %dma_wait3A_886 = tpu.memref_slice %arg26[%dma_wait3A_884, %dma_wait3A_885] : memref<10240x16xf32, #tpu.memory_space<vmem_shared>> -> memref<10240x16xf32, #tpu.memory_space<vmem_shared>>
      tpu.wait_indirect_dma semaphore(%arg28 : memref<!tpu.dma_semaphore, #tpu.memory_space<semaphore_mem>>) src(%dma_wait3A_886 : memref<10240x16xf32, #tpu.memory_space<vmem_shared>>) dst(%arg22 : memref<128x16xf32, #tpu.memory_space<vmem>>)
      %gt3A_887 = arith.constant 0 : i32
      %gt3A_888 = arith.cmpi sgt, %scan3A_843, %gt3A_887 : i32
      %convert_element_type3A_889 = arith.extui %gt3A_888 : i1 to i32
      %cond3A_890 = arith.constant 0 : i32
      %cond3A_891 = arith.cmpi ne, %convert_element_type3A_889, %cond3A_890 : i32
      scf.if %cond3A_891 {
        %sub3A = arith.constant 2 : i32
        %sub3A_964 = arith.subi %add3A_880, %sub3A : i32
        %dma_wait3A_965 = arith.constant 0 : i32
        %dma_wait3A_966 = tpu.memref_slice %arg11[%sub3A_964, %dma_wait3A_965] : memref<80x128xi32, #tpu.memory_space<vmem>> -> memref<1x128xi32, #tpu.memory_space<vmem>>
        %dma_wait3A_967 = tpu.memref_squeeze %dma_wait3A_966 : memref<1x128xi32, #tpu.memory_space<vmem>> -> memref<128xi32, #tpu.memory_space<vmem>>
        %dma_wait3A_968 = arith.constant 0 : i32
        %dma_wait3A_969 = arith.constant 0 : i32
        %dma_wait3A_970 = tpu.memref_slice %arg25[%dma_wait3A_968, %dma_wait3A_969] : memref<10240x16xf32, #tpu.memory_space<vmem_shared>> -> memref<10240x16xf32, #tpu.memory_space<vmem_shared>>
        tpu.wait_indirect_dma semaphore(%arg34 : memref<!tpu.dma_semaphore, #tpu.memory_space<semaphore_mem>>) src(%arg24 : memref<128x16xf32, #tpu.memory_space<vmem>>) dst(%dma_wait3A_970 : memref<10240x16xf32, #tpu.memory_space<vmem_shared>>)
      } else {
      }
      %add3A_892 = arith.constant 2 : i32
      %add3A_893 = arith.addi %add3A_880, %add3A_892 : i32
      %dma_start3A_894 = arith.constant 0 : i32
      %dma_start3A_895 = tpu.memref_slice %arg10[%add3A_893, %dma_start3A_894] : memref<80x128xi32, #tpu.memory_space<vmem>> -> memref<1x128xi32, #tpu.memory_space<vmem>>
      %dma_start3A_896 = tpu.memref_squeeze %dma_start3A_895 : memref<1x128xi32, #tpu.memory_space<vmem>> -> memref<128xi32, #tpu.memory_space<vmem>>
      %dma_start3A_897 = arith.constant 0 : i32
      %dma_start3A_898 = arith.constant 0 : i32
      %dma_start3A_899 = tpu.memref_slice %arg26[%dma_start3A_897, %dma_start3A_898] : memref<10240x16xf32, #tpu.memory_space<vmem_shared>> -> memref<10240x16xf32, #tpu.memory_space<vmem_shared>>
      tpu.enqueue_indirect_dma source(%dma_start3A_899 : memref<10240x16xf32, #tpu.memory_space<vmem_shared>>) target(%arg24 : memref<128x16xf32, #tpu.memory_space<vmem>>) offsets(%dma_start3A_896 : memref<128xi32, #tpu.memory_space<vmem>>) semaphore(%arg30 : memref<!tpu.dma_semaphore, #tpu.memory_space<semaphore_mem>>)
      %broadcast_in_dim3A_900 = vector.broadcast %add3A_880 : i32 to vector<16xi32>
      %parallel_loop3A_901 = arith.constant 0 : i32
      %parallel_loop3A_902 = arith.constant 128 : i32
      %parallel_loop3A_903 = arith.constant 1 : i32
      scf.for %parallel_loop3A_964 = %parallel_loop3A_901 to %parallel_loop3A_902 step %parallel_loop3A_903  : i32 {
        %parallel_loop3A_965 = vector.broadcast %parallel_loop3A_964 : i32 to vector<16xi32>
        %parallel_loop3A_966 = tpu.vector_load_idx %arg12[%broadcast_in_dim3A_900, %parallel_loop3A_965] : memref<80x128xf32, #tpu.memory_space<vmem>>[vector<16xi32>, vector<16xi32>], vector<16xf32>,
        %parallel_loop3A_967 = tpu.vector_load_idx %arg22[%parallel_loop3A_965, %iota3A] : memref<128x16xf32, #tpu.memory_space<vmem>>[vector<16xi32>, vector<16xi32>], vector<16xf32>,
        %parallel_loop3A_968 = arith.mulf %parallel_loop3A_967, %parallel_loop3A_966 : vector<16xf32>
        tpu.vector_store_idx %arg22[%parallel_loop3A_965, %iota3A], %parallel_loop3A_968 : memref<128x16xf32, #tpu.memory_space<vmem>>[vector<16xi32>, vector<16xi32>], vector<16xf32>,
      } {sc.loop_unroll_factor = 8 : i64, sc.parallel_access}
      %dma_start3A_904 = arith.constant 0 : i32
      %dma_start3A_905 = tpu.memref_slice %arg11[%add3A_880, %dma_start3A_904] : memref<80x128xi32, #tpu.memory_space<vmem>> -> memref<1x128xi32, #tpu.memory_space<vmem>>
      %dma_start3A_906 = tpu.memref_squeeze %dma_start3A_905 : memref<1x128xi32, #tpu.memory_space<vmem>> -> memref<128xi32, #tpu.memory_space<vmem>>
      %dma_start3A_907 = arith.constant 0 : i32
      %dma_start3A_908 = arith.constant 0 : i32
      %dma_start3A_909 = tpu.memref_slice %arg25[%dma_start3A_907, %dma_start3A_908] : memref<10240x16xf32, #tpu.memory_space<vmem_shared>> -> memref<10240x16xf32, #tpu.memory_space<vmem_shared>>
      tpu.enqueue_indirect_dma source(%arg22 : memref<128x16xf32, #tpu.memory_space<vmem>>) target(%dma_start3A_909 : memref<10240x16xf32, #tpu.memory_space<vmem_shared>>) offsets(%dma_start3A_906 : memref<128xi32, #tpu.memory_space<vmem>>) semaphore(%arg32 : memref<!tpu.dma_semaphore, #tpu.memory_space<semaphore_mem>>) {add = true}
      %mul3A_910 = arith.constant 4 : i32
      %mul3A_911 = arith.muli %mul3A_910, %scan3A_843 : i32
      %add3A_912 = arith.constant 2 : i32
      %add3A_913 = arith.addi %mul3A_911, %add3A_912 : i32
      %dma_wait3A_914 = arith.constant 0 : i32
      %dma_wait3A_915 = tpu.memref_slice %arg10[%add3A_913, %dma_wait3A_914] : memref<80x128xi32, #tpu.memory_space<vmem>> -> memref<1x128xi32, #tpu.memory_space<vmem>>
      %dma_wait3A_916 = tpu.memref_squeeze %dma_wait3A_915 : memref<1x128xi32, #tpu.memory_space<vmem>> -> memref<128xi32, #tpu.memory_space<vmem>>
      %dma_wait3A_917 = arith.constant 0 : i32
      %dma_wait3A_918 = arith.constant 0 : i32
      %dma_wait3A_919 = tpu.memref_slice %arg26[%dma_wait3A_917, %dma_wait3A_918] : memref<10240x16xf32, #tpu.memory_space<vmem_shared>> -> memref<10240x16xf32, #tpu.memory_space<vmem_shared>>
      tpu.wait_indirect_dma semaphore(%arg29 : memref<!tpu.dma_semaphore, #tpu.memory_space<semaphore_mem>>) src(%dma_wait3A_919 : memref<10240x16xf32, #tpu.memory_space<vmem_shared>>) dst(%arg23 : memref<128x16xf32, #tpu.memory_space<vmem>>)
      %add3A_920 = arith.constant 2 : i32
      %add3A_921 = arith.addi %add3A_913, %add3A_920 : i32
      %lt3A = arith.constant 80 : i32
      %lt3A_922 = arith.cmpi slt, %add3A_921, %lt3A : i32
      %convert_element_type3A_923 = arith.extui %lt3A_922 : i1 to i32
      %cond3A_924 = arith.constant 0 : i32
      %cond3A_925 = arith.cmpi ne, %convert_element_type3A_923, %cond3A_924 : i32
      scf.if %cond3A_925 {
        %sub3A = arith.constant 2 : i32
        %sub3A_964 = arith.subi %add3A_913, %sub3A : i32
        %dma_wait3A_965 = arith.constant 0 : i32
        %dma_wait3A_966 = tpu.memref_slice %arg11[%sub3A_964, %dma_wait3A_965] : memref<80x128xi32, #tpu.memory_space<vmem>> -> memref<1x128xi32, #tpu.memory_space<vmem>>
        %dma_wait3A_967 = tpu.memref_squeeze %dma_wait3A_966 : memref<1x128xi32, #tpu.memory_space<vmem>> -> memref<128xi32, #tpu.memory_space<vmem>>
        %dma_wait3A_968 = arith.constant 0 : i32
        %dma_wait3A_969 = arith.constant 0 : i32
        %dma_wait3A_970 = tpu.memref_slice %arg25[%dma_wait3A_968, %dma_wait3A_969] : memref<10240x16xf32, #tpu.memory_space<vmem_shared>> -> memref<10240x16xf32, #tpu.memory_space<vmem_shared>>
        tpu.wait_indirect_dma semaphore(%arg31 : memref<!tpu.dma_semaphore, #tpu.memory_space<semaphore_mem>>) src(%arg21 : memref<128x16xf32, #tpu.memory_space<vmem>>) dst(%dma_wait3A_970 : memref<10240x16xf32, #tpu.memory_space<vmem_shared>>)
        %add3A_971 = arith.constant 2 : i32
        %add3A_972 = arith.addi %add3A_913, %add3A_971 : i32
        %dma_start3A_973 = arith.constant 0 : i32
        %dma_start3A_974 = tpu.memref_slice %arg10[%add3A_972, %dma_start3A_973] : memref<80x128xi32, #tpu.memory_space<vmem>> -> memref<1x128xi32, #tpu.memory_space<vmem>>
        %dma_start3A_975 = tpu.memref_squeeze %dma_start3A_974 : memref<1x128xi32, #tpu.memory_space<vmem>> -> memref<128xi32, #tpu.memory_space<vmem>>
        %dma_start3A_976 = arith.constant 0 : i32
        %dma_start3A_977 = arith.constant 0 : i32
        %dma_start3A_978 = tpu.memref_slice %arg26[%dma_start3A_976, %dma_start3A_977] : memref<10240x16xf32, #tpu.memory_space<vmem_shared>> -> memref<10240x16xf32, #tpu.memory_space<vmem_shared>>
        tpu.enqueue_indirect_dma source(%dma_start3A_978 : memref<10240x16xf32, #tpu.memory_space<vmem_shared>>) target(%arg21 : memref<128x16xf32, #tpu.memory_space<vmem>>) offsets(%dma_start3A_975 : memref<128xi32, #tpu.memory_space<vmem>>) semaphore(%arg27 : memref<!tpu.dma_semaphore, #tpu.memory_space<semaphore_mem>>)
      } else {
      }
      %broadcast_in_dim3A_926 = vector.broadcast %add3A_913 : i32 to vector<16xi32>
      %parallel_loop3A_927 = arith.constant 0 : i32
      %parallel_loop3A_928 = arith.constant 128 : i32
      %parallel_loop3A_929 = arith.constant 1 : i32
      scf.for %parallel_loop3A_964 = %parallel_loop3A_927 to %parallel_loop3A_928 step %parallel_loop3A_929  : i32 {
        %parallel_loop3A_965 = vector.broadcast %parallel_loop3A_964 : i32 to vector<16xi32>
        %parallel_loop3A_966 = tpu.vector_load_idx %arg12[%broadcast_in_dim3A_926, %parallel_loop3A_965] : memref<80x128xf32, #tpu.memory_space<vmem>>[vector<16xi32>, vector<16xi32>], vector<16xf32>,
        %parallel_loop3A_967 = tpu.vector_load_idx %arg23[%parallel_loop3A_965, %iota3A] : memref<128x16xf32, #tpu.memory_space<vmem>>[vector<16xi32>, vector<16xi32>], vector<16xf32>,
        %parallel_loop3A_968 = arith.mulf %parallel_loop3A_967, %parallel_loop3A_966 : vector<16xf32>
        tpu.vector_store_idx %arg23[%parallel_loop3A_965, %iota3A], %parallel_loop3A_968 : memref<128x16xf32, #tpu.memory_space<vmem>>[vector<16xi32>, vector<16xi32>], vector<16xf32>,
      } {sc.loop_unroll_factor = 8 : i64, sc.parallel_access}
      %dma_start3A_930 = arith.constant 0 : i32
      %dma_start3A_931 = tpu.memref_slice %arg11[%add3A_913, %dma_start3A_930] : memref<80x128xi32, #tpu.memory_space<vmem>> -> memref<1x128xi32, #tpu.memory_space<vmem>>
      %dma_start3A_932 = tpu.memref_squeeze %dma_start3A_931 : memref<1x128xi32, #tpu.memory_space<vmem>> -> memref<128xi32, #tpu.memory_space<vmem>>
      %dma_start3A_933 = arith.constant 0 : i32
      %dma_start3A_934 = arith.constant 0 : i32
      %dma_start3A_935 = tpu.memref_slice %arg25[%dma_start3A_933, %dma_start3A_934] : memref<10240x16xf32, #tpu.memory_space<vmem_shared>> -> memref<10240x16xf32, #tpu.memory_space<vmem_shared>>
      tpu.enqueue_indirect_dma source(%arg23 : memref<128x16xf32, #tpu.memory_space<vmem>>) target(%dma_start3A_935 : memref<10240x16xf32, #tpu.memory_space<vmem_shared>>) offsets(%dma_start3A_932 : memref<128xi32, #tpu.memory_space<vmem>>) semaphore(%arg33 : memref<!tpu.dma_semaphore, #tpu.memory_space<semaphore_mem>>) {add = true}
      %mul3A_936 = arith.constant 4 : i32
      %mul3A_937 = arith.muli %mul3A_936, %scan3A_843 : i32
      %add3A_938 = arith.constant 3 : i32
      %add3A_939 = arith.addi %mul3A_937, %add3A_938 : i32
      %dma_wait3A_940 = arith.constant 0 : i32
      %dma_wait3A_941 = tpu.memref_slice %arg10[%add3A_939, %dma_wait3A_940] : memref<80x128xi32, #tpu.memory_space<vmem>> -> memref<1x128xi32, #tpu.memory_space<vmem>>
      %dma_wait3A_942 = tpu.memref_squeeze %dma_wait3A_941 : memref<1x128xi32, #tpu.memory_space<vmem>> -> memref<128xi32, #tpu.memory_space<vmem>>
      %dma_wait3A_943 = arith.constant 0 : i32
      %dma_wait3A_944 = arith.constant 0 : i32
      %dma_wait3A_945 = tpu.memref_slice %arg26[%dma_wait3A_943, %dma_wait3A_944] : memref<10240x16xf32, #tpu.memory_space<vmem_shared>> -> memref<10240x16xf32, #tpu.memory_space<vmem_shared>>
      tpu.wait_indirect_dma semaphore(%arg30 : memref<!tpu.dma_semaphore, #tpu.memory_space<semaphore_mem>>) src(%dma_wait3A_945 : memref<10240x16xf32, #tpu.memory_space<vmem_shared>>) dst(%arg24 : memref<128x16xf32, #tpu.memory_space<vmem>>)
      %add3A_946 = arith.constant 2 : i32
      %add3A_947 = arith.addi %add3A_939, %add3A_946 : i32
      %lt3A_948 = arith.constant 80 : i32
      %lt3A_949 = arith.cmpi slt, %add3A_947, %lt3A_948 : i32
      %convert_element_type3A_950 = arith.extui %lt3A_949 : i1 to i32
      %cond3A_951 = arith.constant 0 : i32
      %cond3A_952 = arith.cmpi ne, %convert_element_type3A_950, %cond3A_951 : i32
      scf.if %cond3A_952 {
        %sub3A = arith.constant 2 : i32
        %sub3A_964 = arith.subi %add3A_939, %sub3A : i32
        %dma_wait3A_965 = arith.constant 0 : i32
        %dma_wait3A_966 = tpu.memref_slice %arg11[%sub3A_964, %dma_wait3A_965] : memref<80x128xi32, #tpu.memory_space<vmem>> -> memref<1x128xi32, #tpu.memory_space<vmem>>
        %dma_wait3A_967 = tpu.memref_squeeze %dma_wait3A_966 : memref<1x128xi32, #tpu.memory_space<vmem>> -> memref<128xi32, #tpu.memory_space<vmem>>
        %dma_wait3A_968 = arith.constant 0 : i32
        %dma_wait3A_969 = arith.constant 0 : i32
        %dma_wait3A_970 = tpu.memref_slice %arg25[%dma_wait3A_968, %dma_wait3A_969] : memref<10240x16xf32, #tpu.memory_space<vmem_shared>> -> memref<10240x16xf32, #tpu.memory_space<vmem_shared>>
        tpu.wait_indirect_dma semaphore(%arg32 : memref<!tpu.dma_semaphore, #tpu.memory_space<semaphore_mem>>) src(%arg22 : memref<128x16xf32, #tpu.memory_space<vmem>>) dst(%dma_wait3A_970 : memref<10240x16xf32, #tpu.memory_space<vmem_shared>>)
        %add3A_971 = arith.constant 2 : i32
        %add3A_972 = arith.addi %add3A_939, %add3A_971 : i32
        %dma_start3A_973 = arith.constant 0 : i32
        %dma_start3A_974 = tpu.memref_slice %arg10[%add3A_972, %dma_start3A_973] : memref<80x128xi32, #tpu.memory_space<vmem>> -> memref<1x128xi32, #tpu.memory_space<vmem>>
        %dma_start3A_975 = tpu.memref_squeeze %dma_start3A_974 : memref<1x128xi32, #tpu.memory_space<vmem>> -> memref<128xi32, #tpu.memory_space<vmem>>
        %dma_start3A_976 = arith.constant 0 : i32
        %dma_start3A_977 = arith.constant 0 : i32
        %dma_start3A_978 = tpu.memref_slice %arg26[%dma_start3A_976, %dma_start3A_977] : memref<10240x16xf32, #tpu.memory_space<vmem_shared>> -> memref<10240x16xf32, #tpu.memory_space<vmem_shared>>
        tpu.enqueue_indirect_dma source(%dma_start3A_978 : memref<10240x16xf32, #tpu.memory_space<vmem_shared>>) target(%arg22 : memref<128x16xf32, #tpu.memory_space<vmem>>) offsets(%dma_start3A_975 : memref<128xi32, #tpu.memory_space<vmem>>) semaphore(%arg28 : memref<!tpu.dma_semaphore, #tpu.memory_space<semaphore_mem>>)
      } else {
      }
      %broadcast_in_dim3A_953 = vector.broadcast %add3A_939 : i32 to vector<16xi32>
      %parallel_loop3A_954 = arith.constant 0 : i32
      %parallel_loop3A_955 = arith.constant 128 : i32
      %parallel_loop3A_956 = arith.constant 1 : i32
      scf.for %parallel_loop3A_964 = %parallel_loop3A_954 to %parallel_loop3A_955 step %parallel_loop3A_956  : i32 {
        %parallel_loop3A_965 = vector.broadcast %parallel_loop3A_964 : i32 to vector<16xi32>
        %parallel_loop3A_966 = tpu.vector_load_idx %arg12[%broadcast_in_dim3A_953, %parallel_loop3A_965] : memref<80x128xf32, #tpu.memory_space<vmem>>[vector<16xi32>, vector<16xi32>], vector<16xf32>,
        %parallel_loop3A_967 = tpu.vector_load_idx %arg24[%parallel_loop3A_965, %iota3A] : memref<128x16xf32, #tpu.memory_space<vmem>>[vector<16xi32>, vector<16xi32>], vector<16xf32>,
        %parallel_loop3A_968 = arith.mulf %parallel_loop3A_967, %parallel_loop3A_966 : vector<16xf32>
        tpu.vector_store_idx %arg24[%parallel_loop3A_965, %iota3A], %parallel_loop3A_968 : memref<128x16xf32, #tpu.memory_space<vmem>>[vector<16xi32>, vector<16xi32>], vector<16xf32>,
      } {sc.loop_unroll_factor = 8 : i64, sc.parallel_access}
      %dma_start3A_957 = arith.constant 0 : i32
      %dma_start3A_958 = tpu.memref_slice %arg11[%add3A_939, %dma_start3A_957] : memref<80x128xi32, #tpu.memory_space<vmem>> -> memref<1x128xi32, #tpu.memory_space<vmem>>
      %dma_start3A_959 = tpu.memref_squeeze %dma_start3A_958 : memref<1x128xi32, #tpu.memory_space<vmem>> -> memref<128xi32, #tpu.memory_space<vmem>>
      %dma_start3A_960 = arith.constant 0 : i32
      %dma_start3A_961 = arith.constant 0 : i32
      %dma_start3A_962 = tpu.memref_slice %arg25[%dma_start3A_960, %dma_start3A_961] : memref<10240x16xf32, #tpu.memory_space<vmem_shared>> -> memref<10240x16xf32, #tpu.memory_space<vmem_shared>>
      tpu.enqueue_indirect_dma source(%arg24 : memref<128x16xf32, #tpu.memory_space<vmem>>) target(%dma_start3A_962 : memref<10240x16xf32, #tpu.memory_space<vmem_shared>>) offsets(%dma_start3A_959 : memref<128xi32, #tpu.memory_space<vmem>>) semaphore(%arg34 : memref<!tpu.dma_semaphore, #tpu.memory_space<semaphore_mem>>) {add = true}
      %scan3A_963 = arith.constant 0 : i32
      scf.yield %scan3A_963 : i32
    }
    %scan3A_809 = arith.constant 20 : i32
    %dma_wait3A = arith.constant 76 : i32
    %dma_wait3A_810 = arith.constant 0 : i32
    %dma_wait3A_811 = tpu.memref_slice %arg11[%dma_wait3A, %dma_wait3A_810] : memref<80x128xi32, #tpu.memory_space<vmem>> -> memref<1x128xi32, #tpu.memory_space<vmem>>
    %dma_wait3A_812 = tpu.memref_squeeze %dma_wait3A_811 : memref<1x128xi32, #tpu.memory_space<vmem>> -> memref<128xi32, #tpu.memory_space<vmem>>
    %dma_wait3A_813 = arith.constant 0 : i32
    %dma_wait3A_814 = arith.constant 0 : i32
    %dma_wait3A_815 = tpu.memref_slice %arg25[%dma_wait3A_813, %dma_wait3A_814] : memref<10240x16xf32, #tpu.memory_space<vmem_shared>> -> memref<10240x16xf32, #tpu.memory_space<vmem_shared>>
    tpu.wait_indirect_dma semaphore(%arg31 : memref<!tpu.dma_semaphore, #tpu.memory_space<semaphore_mem>>) src(%arg21 : memref<128x16xf32, #tpu.memory_space<vmem>>) dst(%dma_wait3A_815 : memref<10240x16xf32, #tpu.memory_space<vmem_shared>>)
    %dma_wait3A_816 = arith.constant 77 : i32
    %dma_wait3A_817 = arith.constant 0 : i32
    %dma_wait3A_818 = tpu.memref_slice %arg11[%dma_wait3A_816, %dma_wait3A_817] : memref<80x128xi32, #tpu.memory_space<vmem>> -> memref<1x128xi32, #tpu.memory_space<vmem>>
    %dma_wait3A_819 = tpu.memref_squeeze %dma_wait3A_818 : memref<1x128xi32, #tpu.memory_space<vmem>> -> memref<128xi32, #tpu.memory_space<vmem>>
    %dma_wait3A_820 = arith.constant 0 : i32
    %dma_wait3A_821 = arith.constant 0 : i32
    %dma_wait3A_822 = tpu.memref_slice %arg25[%dma_wait3A_820, %dma_wait3A_821] : memref<10240x16xf32, #tpu.memory_space<vmem_shared>> -> memref<10240x16xf32, #tpu.memory_space<vmem_shared>>
    tpu.wait_indirect_dma semaphore(%arg32 : memref<!tpu.dma_semaphore, #tpu.memory_space<semaphore_mem>>) src(%arg22 : memref<128x16xf32, #tpu.memory_space<vmem>>) dst(%dma_wait3A_822 : memref<10240x16xf32, #tpu.memory_space<vmem_shared>>)
    %dma_wait3A_823 = arith.constant 78 : i32
    %dma_wait3A_824 = arith.constant 0 : i32
    %dma_wait3A_825 = tpu.memref_slice %arg11[%dma_wait3A_823, %dma_wait3A_824] : memref<80x128xi32, #tpu.memory_space<vmem>> -> memref<1x128xi32, #tpu.memory_space<vmem>>
    %dma_wait3A_826 = tpu.memref_squeeze %dma_wait3A_825 : memref<1x128xi32, #tpu.memory_space<vmem>> -> memref<128xi32, #tpu.memory_space<vmem>>
    %dma_wait3A_827 = arith.constant 0 : i32
    %dma_wait3A_828 = arith.constant 0 : i32
    %dma_wait3A_829 = tpu.memref_slice %arg25[%dma_wait3A_827, %dma_wait3A_828] : memref<10240x16xf32, #tpu.memory_space<vmem_shared>> -> memref<10240x16xf32, #tpu.memory_space<vmem_shared>>
    tpu.wait_indirect_dma semaphore(%arg33 : memref<!tpu.dma_semaphore, #tpu.memory_space<semaphore_mem>>) src(%arg23 : memref<128x16xf32, #tpu.memory_space<vmem>>) dst(%dma_wait3A_829 : memref<10240x16xf32, #tpu.memory_space<vmem_shared>>)
    %dma_wait3A_830 = arith.constant 79 : i32
    %dma_wait3A_831 = arith.constant 0 : i32
    %dma_wait3A_832 = tpu.memref_slice %arg11[%dma_wait3A_830, %dma_wait3A_831] : memref<80x128xi32, #tpu.memory_space<vmem>> -> memref<1x128xi32, #tpu.memory_space<vmem>>
    %dma_wait3A_833 = tpu.memref_squeeze %dma_wait3A_832 : memref<1x128xi32, #tpu.memory_space<vmem>> -> memref<128xi32, #tpu.memory_space<vmem>>
    %dma_wait3A_834 = arith.constant 0 : i32
    %dma_wait3A_835 = arith.constant 0 : i32
    %dma_wait3A_836 = tpu.memref_slice %arg25[%dma_wait3A_834, %dma_wait3A_835] : memref<10240x16xf32, #tpu.memory_space<vmem_shared>> -> memref<10240x16xf32, #tpu.memory_space<vmem_shared>>
    tpu.wait_indirect_dma semaphore(%arg34 : memref<!tpu.dma_semaphore, #tpu.memory_space<semaphore_mem>>) src(%arg24 : memref<128x16xf32, #tpu.memory_space<vmem>>) dst(%dma_wait3A_836 : memref<10240x16xf32, #tpu.memory_space<vmem_shared>>)
    %barrier3A_837 = arith.constant 0 : index
    tpu.barrier barrier_id(%barrier3A_837)
    "tpu.region"() ({
      %run_scoped3A_843 = tpu.sem_alloc : memref<!tpu.dma_semaphore, #tpu.memory_space<semaphore_mem>>
      %dma_start3A_844 = arith.constant 0 : i32
      %dma_start3A_845 = tpu.memref_slice %arg25[%mul3A_2, %dma_start3A_844] : memref<10240x16xf32, #tpu.memory_space<vmem_shared>> -> memref<640x16xf32, #tpu.memory_space<vmem_shared>>
      %dma_start3A_846 = arith.constant 0 : i32
      %dma_start3A_847 = tpu.memref_slice %arg25[%mul3A_2, %dma_start3A_846] : memref<10240x16xf32, #tpu.memory_space<vmem_shared>> -> memref<640x16xf32, #tpu.memory_space<vmem_shared>>
      tpu.enqueue_dma source(%dma_start3A_847 : memref<640x16xf32, #tpu.memory_space<vmem_shared>>) target(%arg13 : memref<640x16xf32, #tpu.memory_space<vmem>>) target_semaphore(%run_scoped3A_843 : memref<!tpu.dma_semaphore, #tpu.memory_space<semaphore_mem>>)
      %dma_wait3A_848 = arith.constant 0 : i32
      %dma_wait3A_849 = tpu.memref_slice %arg25[%mul3A_2, %dma_wait3A_848] : memref<10240x16xf32, #tpu.memory_space<vmem_shared>> -> memref<640x16xf32, #tpu.memory_space<vmem_shared>>
      %dma_wait3A_850 = arith.constant 0 : i32
      %dma_wait3A_851 = tpu.memref_slice %arg25[%mul3A_2, %dma_wait3A_850] : memref<10240x16xf32, #tpu.memory_space<vmem_shared>> -> memref<640x16xf32, #tpu.memory_space<vmem_shared>>
      tpu.wait_dma2 semaphore(%run_scoped3A_843 : memref<!tpu.dma_semaphore, #tpu.memory_space<semaphore_mem>>) src(%dma_wait3A_851 : memref<640x16xf32, #tpu.memory_space<vmem_shared>>) dst(%arg13 : memref<640x16xf32, #tpu.memory_space<vmem>>)
      tpu.yield
    }) : () -> ()
    %parallel_loop3A_838 = arith.constant 0 : i32
    %parallel_loop3A_839 = arith.constant 640 : i32
    %parallel_loop3A_840 = arith.constant 1 : i32
    scf.for %parallel_loop3A_843 = %parallel_loop3A_838 to %parallel_loop3A_839 step %parallel_loop3A_840  : i32 {
      %parallel_loop3A_844 = vector.broadcast %parallel_loop3A_843 : i32 to vector<16xi32>
      %parallel_loop3A_845 = tpu.vector_load_idx %arg15[%parallel_loop3A_844] : memref<640xf32, #tpu.memory_space<vmem>>[vector<16xi32>], vector<16xf32>,
      %parallel_loop3A_846 = tpu.vector_load_idx %arg16[%parallel_loop3A_844] : memref<640xf32, #tpu.memory_space<vmem>>[vector<16xi32>], vector<16xf32>,
      %parallel_loop3A_847 = arith.addf %parallel_loop3A_845, %parallel_loop3A_846 : vector<16xf32>
      %parallel_loop3A_848 = tpu.vector_load_idx %arg13[%parallel_loop3A_844, %iota3A] : memref<640x16xf32, #tpu.memory_space<vmem>>[vector<16xi32>, vector<16xi32>], vector<16xf32>,
      %parallel_loop3A_849 = arith.constant 1.000000e+00 : f32
      %parallel_loop3A_850 = vector.broadcast %parallel_loop3A_849 : f32 to vector<16xf32>
      %parallel_loop3A_851 = arith.maximumf %parallel_loop3A_847, %parallel_loop3A_850 : vector<16xf32>
      %parallel_loop3A_852 = arith.divf %parallel_loop3A_848, %parallel_loop3A_851 : vector<16xf32>
      %parallel_loop3A_853 = arith.constant 8 : i32
      %parallel_loop3A_854 = vector.broadcast %parallel_loop3A_853 : i32 to vector<16xi32>
      %parallel_loop3A_855 = arith.divsi %parallel_loop3A_844, %parallel_loop3A_854 : vector<16xi32>
      %parallel_loop3A_856 = arith.constant 0 : i32
      %parallel_loop3A_857 = vector.broadcast %parallel_loop3A_856 : i32 to vector<16xi32>
      %parallel_loop3A_858 = arith.cmpi sgt, %parallel_loop3A_844, %parallel_loop3A_857 : vector<16xi32>
      %parallel_loop3A_859 = arith.extui %parallel_loop3A_858 : vector<16xi1> to vector<16xi32>
      %parallel_loop3A_860 = arith.constant 0 : i32
      %parallel_loop3A_861 = vector.broadcast %parallel_loop3A_860 : i32 to vector<16xi32>
      %parallel_loop3A_862 = arith.cmpi slt, %parallel_loop3A_844, %parallel_loop3A_861 : vector<16xi32>
      %parallel_loop3A_863 = arith.extui %parallel_loop3A_862 : vector<16xi1> to vector<16xi32>
      %parallel_loop3A_864 = arith.subi %parallel_loop3A_859, %parallel_loop3A_863 : vector<16xi32>
      %parallel_loop3A_865 = arith.constant 0 : i32
      %parallel_loop3A_866 = arith.cmpi sgt, %parallel_loop3A_853, %parallel_loop3A_865 : i32
      %parallel_loop3A_867 = arith.extui %parallel_loop3A_866 : i1 to i32
      %parallel_loop3A_868 = arith.constant 0 : i32
      %parallel_loop3A_869 = arith.cmpi slt, %parallel_loop3A_853, %parallel_loop3A_868 : i32
      %parallel_loop3A_870 = arith.extui %parallel_loop3A_869 : i1 to i32
      %parallel_loop3A_871 = arith.subi %parallel_loop3A_867, %parallel_loop3A_870 : i32
      %parallel_loop3A_872 = vector.broadcast %parallel_loop3A_871 : i32 to vector<16xi32>
      %parallel_loop3A_873 = arith.cmpi ne, %parallel_loop3A_864, %parallel_loop3A_872 : vector<16xi32>
      %parallel_loop3A_874 = vector.broadcast %parallel_loop3A_853 : i32 to vector<16xi32>
      %parallel_loop3A_875 = arith.remsi %parallel_loop3A_844, %parallel_loop3A_874 : vector<16xi32>
      %parallel_loop3A_876 = arith.constant 0 : i32
      %parallel_loop3A_877 = vector.broadcast %parallel_loop3A_876 : i32 to vector<16xi32>
      %parallel_loop3A_878 = arith.cmpi ne, %parallel_loop3A_875, %parallel_loop3A_877 : vector<16xi32>
      %parallel_loop3A_879 = arith.andi %parallel_loop3A_873, %parallel_loop3A_878 : vector<16xi1>
      %parallel_loop3A_880 = arith.constant 1 : i32
      %parallel_loop3A_881 = vector.broadcast %parallel_loop3A_880 : i32 to vector<16xi32>
      %parallel_loop3A_882 = arith.subi %parallel_loop3A_855, %parallel_loop3A_881 : vector<16xi32>
      %parallel_loop3A_883 = arith.select %parallel_loop3A_879, %parallel_loop3A_882, %parallel_loop3A_855 : vector<16xi1>, vector<16xi32>
      %parallel_loop3A_884 = arith.constant 8 : i32
      %parallel_loop3A_885 = arith.constant 0 : i32
      %parallel_loop3A_886 = arith.cmpi eq, %parallel_loop3A_884, %parallel_loop3A_885 : i32
      %parallel_loop3A_887 = arith.constant 1 : i32
      %parallel_loop3A_888 = arith.select %parallel_loop3A_886, %parallel_loop3A_887, %parallel_loop3A_884 : i32
      %parallel_loop3A_889 = vector.broadcast %parallel_loop3A_888 : i32 to vector<16xi32>
      %parallel_loop3A_890 = arith.remsi %parallel_loop3A_844, %parallel_loop3A_889 : vector<16xi32>
      %parallel_loop3A_891 = arith.constant 0 : i32
      %parallel_loop3A_892 = vector.broadcast %parallel_loop3A_891 : i32 to vector<16xi32>
      %parallel_loop3A_893 = arith.cmpi ne, %parallel_loop3A_890, %parallel_loop3A_892 : vector<16xi32>
      %parallel_loop3A_894 = arith.constant 0 : i32
      %parallel_loop3A_895 = vector.broadcast %parallel_loop3A_894 : i32 to vector<16xi32>
      %parallel_loop3A_896 = arith.cmpi slt, %parallel_loop3A_890, %parallel_loop3A_895 : vector<16xi32>
      %parallel_loop3A_897 = arith.constant 0 : i32
      %parallel_loop3A_898 = arith.cmpi slt, %parallel_loop3A_888, %parallel_loop3A_897 : i32
      %parallel_loop3A_899 = vector.broadcast %parallel_loop3A_898 : i1 to vector<16xi1>
      %parallel_loop3A_900 = vector.broadcast %parallel_loop3A_899 : vector<16xi1> to vector<16xi1>
      %parallel_loop3A_901 = arith.xori %parallel_loop3A_896, %parallel_loop3A_900 : vector<16xi1>
      %parallel_loop3A_902 = arith.andi %parallel_loop3A_901, %parallel_loop3A_893 : vector<16xi1>
      %parallel_loop3A_903 = vector.broadcast %parallel_loop3A_888 : i32 to vector<16xi32>
      %parallel_loop3A_904 = arith.addi %parallel_loop3A_890, %parallel_loop3A_903 : vector<16xi32>
      %parallel_loop3A_905 = arith.select %parallel_loop3A_902, %parallel_loop3A_904, %parallel_loop3A_890 : vector<16xi1>, vector<16xi32>
      %parallel_loop3A_906 = arith.constant 16 : i32
      %parallel_loop3A_907 = vector.broadcast %parallel_loop3A_906 : i32 to vector<16xi32>
      %parallel_loop3A_908 = arith.muli %parallel_loop3A_905, %parallel_loop3A_907 : vector<16xi32>
      %parallel_loop3A_909 = arith.addi %parallel_loop3A_908, %iota3A : vector<16xi32>
      tpu.vector_store_idx %arg20[%parallel_loop3A_883, %parallel_loop3A_909], %parallel_loop3A_852 : memref<80x128xf32, #tpu.memory_space<vmem>>[vector<16xi32>, vector<16xi32>], vector<16xf32>,
    } {sc.loop_unroll_factor = 4 : i64, sc.parallel_access}
    %mul3A_841 = arith.constant 80 : i32
    %mul3A_842 = arith.muli %arg1, %mul3A_841 : i32
    "tpu.region"() ({
      %run_scoped3A_843 = tpu.sem_alloc : memref<!tpu.dma_semaphore, #tpu.memory_space<semaphore_mem>>
      %dma_start3A_844 = arith.constant 0 : i32
      %dma_start3A_845 = tpu.memref_slice %arg8[%arg0, %mul3A_842, %dma_start3A_844] : memref<2x1280x128xf32, #tpu.memory_space<hbm>> -> memref<1x80x128xf32, #tpu.memory_space<hbm>>
      %dma_start3A_846 = tpu.memref_squeeze %dma_start3A_845 : memref<1x80x128xf32, #tpu.memory_space<hbm>> -> memref<80x128xf32, #tpu.memory_space<hbm>>
      %dma_start3A_847 = arith.constant 0 : i32
      %dma_start3A_848 = tpu.memref_slice %arg8[%arg0, %mul3A_842, %dma_start3A_847] : memref<2x1280x128xf32, #tpu.memory_space<hbm>> -> memref<1x80x128xf32, #tpu.memory_space<hbm>>
      %dma_start3A_849 = tpu.memref_squeeze %dma_start3A_848 : memref<1x80x128xf32, #tpu.memory_space<hbm>> -> memref<80x128xf32, #tpu.memory_space<hbm>>
      tpu.enqueue_dma source(%arg20 : memref<80x128xf32, #tpu.memory_space<vmem>>) target(%dma_start3A_849 : memref<80x128xf32, #tpu.memory_space<hbm>>) target_semaphore(%run_scoped3A_843 : memref<!tpu.dma_semaphore, #tpu.memory_space<semaphore_mem>>)
      %dma_wait3A_850 = arith.constant 0 : i32
      %dma_wait3A_851 = tpu.memref_slice %arg8[%arg0, %mul3A_842, %dma_wait3A_850] : memref<2x1280x128xf32, #tpu.memory_space<hbm>> -> memref<1x80x128xf32, #tpu.memory_space<hbm>>
      %dma_wait3A_852 = tpu.memref_squeeze %dma_wait3A_851 : memref<1x80x128xf32, #tpu.memory_space<hbm>> -> memref<80x128xf32, #tpu.memory_space<hbm>>
      %dma_wait3A_853 = arith.constant 0 : i32
      %dma_wait3A_854 = tpu.memref_slice %arg8[%arg0, %mul3A_842, %dma_wait3A_853] : memref<2x1280x128xf32, #tpu.memory_space<hbm>> -> memref<1x80x128xf32, #tpu.memory_space<hbm>>
      %dma_wait3A_855 = tpu.memref_squeeze %dma_wait3A_854 : memref<1x80x128xf32, #tpu.memory_space<hbm>> -> memref<80x128xf32, #tpu.memory_space<hbm>>
      tpu.wait_dma2 semaphore(%run_scoped3A_843 : memref<!tpu.dma_semaphore, #tpu.memory_space<semaphore_mem>>) src(%arg20 : memref<80x128xf32, #tpu.memory_space<vmem>>) dst(%dma_wait3A_855 : memref<80x128xf32, #tpu.memory_space<hbm>>)
      tpu.yield
    }) : () -> ()
    return
  }
}

module attributes {stable_mosaic.version = 14 : i64} {
  func.func @_mm_body(%arg0: i32, %arg1: memref<2048x128xf32, #tpu.memory_space<vmem>>, %arg2: memref<128x16xf32, #tpu.memory_space<vmem>>, %arg3: memref<128x16xf32, #tpu.memory_space<vmem>>, %arg4: memref<2048x16xf32, #tpu.memory_space<vmem>>, %arg5: memref<2048x16xf32, #tpu.memory_space<vmem>>) attributes {dimension_semantics = [#tpu.dimension_semantics<arbitrary>], iteration_bounds = array<i64: 5>, scalar_prefetch = 0 : i64, scratch_operands = 0 : i64, tpu.core_type = #tpu.core_type<tc>, window_params = [{transform_indices = @transform_0, window_bounds = array<i64: 2048, 128>}, {pipeline_mode = #tpu.pipeline_mode<synchronous>, transform_indices = @transform_1, window_bounds = array<i64: 128, 16>}, {pipeline_mode = #tpu.pipeline_mode<synchronous>, transform_indices = @transform_2, window_bounds = array<i64: 128, 16>}, {transform_indices = @transform_3, window_bounds = array<i64: 2048, 16>}, {transform_indices = @transform_4, window_bounds = array<i64: 2048, 16>}]} {
    %get3A = arith.constant 0 : index
    %get3A_0 = arith.constant 0 : index
    %get3A_1 = vector.load %arg1[%get3A, %get3A_0] : memref<2048x128xf32, #tpu.memory_space<vmem>>, vector<2048x128xf32>
    %get3A_2 = arith.constant 0 : index
    %get3A_3 = arith.constant 0 : index
    %get3A_4 = vector.load %arg2[%get3A_2, %get3A_3] : memref<128x16xf32, #tpu.memory_space<vmem>>, vector<128x16xf32>
    %dot_general3A = arith.constant dense<0.000000e+00> : vector<2048x16xf32>
    %dot_general3A_5 = tpu.matmul %get3A_1, %get3A_4, %dot_general3A {dimension_numbers = #tpu.dot_dimension_numbers<[1], [0], [0], [1], [0, 0, 1, 1], [], []>, transpose_lhs_hint = false} : vector<2048x128xf32>, vector<128x16xf32>, vector<2048x16xf32> -> vector<2048x16xf32>
    %swap3A = arith.constant 0 : index
    %swap3A_6 = arith.constant 0 : index
    %swap3A_7 = vector.load %arg4[%swap3A, %swap3A_6] : memref<2048x16xf32, #tpu.memory_space<vmem>>, vector<2048x16xf32>
    tpu.vector_store %arg4[%swap3A, %swap3A_6], %dot_general3A_5 {strides = array<i32>} : memref<2048x16xf32, #tpu.memory_space<vmem>>, vector<2048x16xf32>,
    %get3A_8 = arith.constant 0 : index
    %get3A_9 = arith.constant 0 : index
    %get3A_10 = vector.load %arg3[%get3A_8, %get3A_9] : memref<128x16xf32, #tpu.memory_space<vmem>>, vector<128x16xf32>
    %dot_general3A_11 = arith.constant dense<0.000000e+00> : vector<2048x16xf32>
    %dot_general3A_12 = tpu.matmul %get3A_1, %get3A_10, %dot_general3A_11 {dimension_numbers = #tpu.dot_dimension_numbers<[1], [0], [0], [1], [0, 0, 1, 1], [], []>, transpose_lhs_hint = false} : vector<2048x128xf32>, vector<128x16xf32>, vector<2048x16xf32> -> vector<2048x16xf32>
    %swap3A_13 = arith.constant 0 : index
    %swap3A_14 = arith.constant 0 : index
    %swap3A_15 = vector.load %arg5[%swap3A_13, %swap3A_14] : memref<2048x16xf32, #tpu.memory_space<vmem>>, vector<2048x16xf32>
    tpu.vector_store %arg5[%swap3A_13, %swap3A_14], %dot_general3A_12 {strides = array<i32>} : memref<2048x16xf32, #tpu.memory_space<vmem>>, vector<2048x16xf32>,
    return
  }
  func.func @transform_0(%arg0: i32) -> (i32, i32) {
    %c0_i32 = arith.constant 0 : i32
    %c0_i32_0 = arith.constant 0 : i32
    return %arg0, %c0_i32 : i32, i32
  }
  func.func @transform_1(%arg0: i32) -> (i32, i32) {
    %c0_i32 = arith.constant 0 : i32
    %c0_i32_0 = arith.constant 0 : i32
    %c0_i32_1 = arith.constant 0 : i32
    return %c0_i32, %c0_i32_0 : i32, i32
  }
  func.func @transform_2(%arg0: i32) -> (i32, i32) {
    %c0_i32 = arith.constant 0 : i32
    %c0_i32_0 = arith.constant 0 : i32
    %c0_i32_1 = arith.constant 0 : i32
    return %c0_i32, %c0_i32_0 : i32, i32
  }
  func.func @transform_3(%arg0: i32) -> (i32, i32) {
    %c0_i32 = arith.constant 0 : i32
    %c0_i32_0 = arith.constant 0 : i32
    return %arg0, %c0_i32 : i32, i32
  }
  func.func @transform_4(%arg0: i32) -> (i32, i32) {
    %c0_i32 = arith.constant 0 : i32
    %c0_i32_0 = arith.constant 0 : i32
    return %arg0, %c0_i32 : i32, i32
  }
}

module attributes {stable_mosaic.version = 14 : i64} {
  func.func @_out_body(%arg0: i32, %arg1: memref<1x256x128xf32, #tpu.memory_space<vmem>>, %arg2: memref<1x256x128xf32, #tpu.memory_space<vmem>>, %arg3: memref<256x128xf32, #tpu.memory_space<vmem>>, %arg4: memref<128x1024xf32, #tpu.memory_space<vmem>>, %arg5: memref<128x1024xf32, #tpu.memory_space<vmem>>, %arg6: memref<1x128xf32, #tpu.memory_space<vmem>>, %arg7: memref<2048x128xf32, #tpu.memory_space<vmem>>) attributes {dimension_semantics = [#tpu.dimension_semantics<arbitrary>], iteration_bounds = array<i64: 5>, scalar_prefetch = 0 : i64, scratch_operands = 0 : i64, tpu.core_type = #tpu.core_type<tc>, window_params = [{transform_indices = @transform_0, window_bounds = array<i64: 1, 256, 128>}, {transform_indices = @transform_1, window_bounds = array<i64: 1, 256, 128>}, {transform_indices = @transform_2, window_bounds = array<i64: 256, 128>}, {pipeline_mode = #tpu.pipeline_mode<synchronous>, transform_indices = @transform_3, window_bounds = array<i64: 128, 1024>}, {pipeline_mode = #tpu.pipeline_mode<synchronous>, transform_indices = @transform_4, window_bounds = array<i64: 128, 1024>}, {pipeline_mode = #tpu.pipeline_mode<synchronous>, transform_indices = @transform_5, window_bounds = array<i64: 1, 128>}, {transform_indices = @transform_6, window_bounds = array<i64: 2048, 128>}]} {
    %get3A = arith.constant 0 : index
    %get3A_0 = arith.constant 0 : index
    %get3A_1 = arith.constant 0 : index
    %get3A_2 = vector.load %arg1[%get3A, %get3A_0, %get3A_1] : memref<1x256x128xf32, #tpu.memory_space<vmem>>, vector<1x256x128xf32>
    %get3A_3 = vector.shape_cast %get3A_2 : vector<1x256x128xf32> to vector<256x128xf32>
    %get3A_4 = arith.constant 0 : index
    %get3A_5 = arith.constant 0 : index
    %get3A_6 = arith.constant 0 : index
    %get3A_7 = vector.load %arg2[%get3A_4, %get3A_5, %get3A_6] : memref<1x256x128xf32, #tpu.memory_space<vmem>>, vector<1x256x128xf32>
    %get3A_8 = vector.shape_cast %get3A_7 : vector<1x256x128xf32> to vector<256x128xf32>
    %add3A = arith.addf %get3A_3, %get3A_8 : vector<256x128xf32>
    %get3A_9 = arith.constant 0 : index
    %get3A_10 = arith.constant 0 : index
    %get3A_11 = vector.load %arg4[%get3A_9, %get3A_10] : memref<128x1024xf32, #tpu.memory_space<vmem>>, vector<128x1024xf32>
    %dot_general3A = arith.constant dense<0.000000e+00> : vector<256x1024xf32>
    %dot_general3A_12 = tpu.matmul %add3A, %get3A_11, %dot_general3A {dimension_numbers = #tpu.dot_dimension_numbers<[1], [0], [0], [1], [0, 0, 1, 1], [], []>, transpose_lhs_hint = false} : vector<256x128xf32>, vector<128x1024xf32>, vector<256x1024xf32> -> vector<256x1024xf32>
    %get3A_13 = arith.constant 0 : index
    %get3A_14 = arith.constant 0 : index
    %get3A_15 = vector.load %arg3[%get3A_13, %get3A_14] : memref<256x128xf32, #tpu.memory_space<vmem>>, vector<256x128xf32>
    %get3A_16 = arith.constant 0 : index
    %get3A_17 = arith.constant 0 : index
    %get3A_18 = vector.load %arg5[%get3A_16, %get3A_17] : memref<128x1024xf32, #tpu.memory_space<vmem>>, vector<128x1024xf32>
    %dot_general3A_19 = arith.constant dense<0.000000e+00> : vector<256x1024xf32>
    %dot_general3A_20 = tpu.matmul %get3A_15, %get3A_18, %dot_general3A_19 {dimension_numbers = #tpu.dot_dimension_numbers<[1], [0], [0], [1], [0, 0, 1, 1], [], []>, transpose_lhs_hint = false} : vector<256x128xf32>, vector<128x1024xf32>, vector<256x1024xf32> -> vector<256x1024xf32>
    %add3A_21 = arith.addf %dot_general3A_12, %dot_general3A_20 : vector<256x1024xf32>
    %reshape3A = vector.shape_cast %add3A_21 : vector<256x1024xf32> to vector<2048x128xf32>
    %get3A_22 = arith.constant 0 : index
    %get3A_23 = arith.constant 0 : index
    %get3A_24 = vector.load %arg6[%get3A_22, %get3A_23] : memref<1x128xf32, #tpu.memory_space<vmem>>, vector<1x128xf32>
    %add3A_25 = vector.broadcast %get3A_24 : vector<1x128xf32> to vector<2048x128xf32>
    %add3A_26 = arith.addf %reshape3A, %add3A_25 : vector<2048x128xf32>
    %swap3A = arith.constant 0 : index
    %swap3A_27 = arith.constant 0 : index
    %swap3A_28 = vector.load %arg7[%swap3A, %swap3A_27] : memref<2048x128xf32, #tpu.memory_space<vmem>>, vector<2048x128xf32>
    tpu.vector_store %arg7[%swap3A, %swap3A_27], %add3A_26 {strides = array<i32>} : memref<2048x128xf32, #tpu.memory_space<vmem>>, vector<2048x128xf32>,
    return
  }
  func.func @transform_0(%arg0: i32) -> (i32, i32, i32) {
    %c0_i32 = arith.constant 0 : i32
    %c0_i32_0 = arith.constant 0 : i32
    %c0_i32_1 = arith.constant 0 : i32
    return %c0_i32, %arg0, %c0_i32_0 : i32, i32, i32
  }
  func.func @transform_1(%arg0: i32) -> (i32, i32, i32) {
    %c1_i32 = arith.constant 1 : i32
    %c0_i32 = arith.constant 0 : i32
    %c0_i32_0 = arith.constant 0 : i32
    return %c1_i32, %arg0, %c0_i32 : i32, i32, i32
  }
  func.func @transform_2(%arg0: i32) -> (i32, i32) {
    %c0_i32 = arith.constant 0 : i32
    %c0_i32_0 = arith.constant 0 : i32
    return %arg0, %c0_i32 : i32, i32
  }
  func.func @transform_3(%arg0: i32) -> (i32, i32) {
    %c0_i32 = arith.constant 0 : i32
    %c0_i32_0 = arith.constant 0 : i32
    %c0_i32_1 = arith.constant 0 : i32
    return %c0_i32, %c0_i32_0 : i32, i32
  }
  func.func @transform_4(%arg0: i32) -> (i32, i32) {
    %c0_i32 = arith.constant 0 : i32
    %c0_i32_0 = arith.constant 0 : i32
    %c0_i32_1 = arith.constant 0 : i32
    return %c0_i32, %c0_i32_0 : i32, i32
  }
  func.func @transform_5(%arg0: i32) -> (i32, i32) {
    %c0_i32 = arith.constant 0 : i32
    %c0_i32_0 = arith.constant 0 : i32
    %c0_i32_1 = arith.constant 0 : i32
    return %c0_i32, %c0_i32_0 : i32, i32
  }
  func.func @transform_6(%arg0: i32) -> (i32, i32) {
    %c0_i32 = arith.constant 0 : i32
    %c0_i32_0 = arith.constant 0 : i32
    return %arg0, %c0_i32 : i32, i32
  }
}

</mosaic_0001>

<sc_bundles>
// kernel: kernel.6.cloned.1.call-start
scs
__scs_entry_jumppad:
0x0: {  	(pc) =	sbr.rel $0x88, $3  }
0x1: {  	(tag) =	ssettag $0x0;
	lr =	simm.s32 $0x1  }
0x2: {  	[smem:$0x3F96] =	sst lr;
	_ =	strace $0xD0000000  }
0x3: {  	_ = 	snop  }
0x4: {  	_ = 	snop  }
0x5: {  	_ = 	snop  }
0x6: {  	_ = 	snop  }
0x7: {  	_ = 	snop  }
__scs_overlays_trampoline_lowered:
0x8: {  	[smem:$0x3FA5] =	sst s0  }
0x9: {  	[smem:$0x3FA6] =	sst s1  }
0xa: {  	[smem:$0x3FA7] =	sst s2  }
0xb: {  	[smem:$0x3FA8] =	sst s3  }
0xc: {  	[smem:$0x3FA9] =	sst s4  }
0xd: {  	[smem:$0x3FAA] =	sst s5  }
0xe: {  	[smem:$0x3FAB] =	sst s6  }
0xf: {  	[smem:$0x3FAC] =	sst s7  }
0x10: {  	[smem:$0x3FAD] =	sst s8  }
0x11: {  	[smem:$0x3FAE] =	sst s9;
	s0 =	simm.s32 @!p0 $0x0  }
0x12: {  	s1 =	sld [smem:$0x3F94];
	s0 =	simm.s32 @p0 $0x1  }
0x13: {  	[smem:$0x3FAF] =	sst s0;
	s0 =	simm.s32 @!p1 $0x0  }
0x14: {  	s2 =	sld [smem:$0x3F93];
	s0 =	simm.s32 @p1 $0x1  }
0x15: {  	[smem:$0x3FB0] =	sst s0;
	s0 =	simm.s32 @!p2 $0x0  }
0x16: {  	s3 =	sld [smem:$0x3FDB];
	s0 =	simm.s32 @p2 $0x1  }
0x17: {  	s4 =	simm.s32 $0x1BF5;
	[smem:$0x3FB2] =	sst s0  }
0x18: {  	s0 =	sld [smem:$0x3F95];
	_ =	swait.ge [sflag:s4], $0x0  }
0x19: {  	s7 =	sld [smem:$0x3F96]  }
0x1a: {  	s8 =	sadd.s32 $0xFFFFE003, lr  }
0x1b: {  	s9 =	sadd.s32 $0xFFFFFEF7, lr;
	s5 =	simm.s32 $0xFFFFFFFF;
	p2 =	slt.u32 s8, $0xFFFFF086  }
0x1c: {  	p1 =	slt.u32 s9, $0xF7A;
	s5 =	simm.s32 @!p2 $0x0  }
0x1d: {  	s5 =	simm.s32 @p1 $0x1;
	p0 =	seq.s32 s7, s2  }
0x1e: {  	s7 =	smul.u32 @!p0 $0xF7A, s2;
	p2 =	seq.s32 @!p0 s5, $0x0  }
0x1f: {  	s9 =	smul.u32 $0xF7A, s1;
	s8 =	simm.s32 @!p0 $0x1BF5;
	p2 =	por !p2, p0  }
0x20: {  	[sflag:s8] =	ssyncset.s32 @!p0 $0xFFFFF086;
	s6 =	sadd.s32 @!p0 s3, s7;
	s7 =	simm.s32 @!p0 $0x108  }
0x21: {  	s3 =	sadd.s32 s3, s9;
	s6 =	sadd.s32 @!p0 $0x88, s6;
	s7 =	simm.s32 @p2 $0x1082  }
0x22: {  	[simem:s7], [sflag:s8] =	dma.local @!p0 [hbm:s6], $0xF7A  }
0x23: {  	s9 =	sor.u32 $0xD0000000, s2;
	s6 =	simm.s32 $0x108;
	_ =	swait.ge @!p0 [sflag:s8], $0x0  }
0x24: {  	s3 =	sadd.s32 $0x88, s3;
	s6 =	simm.s32 @!p1 $0x1082;
	[sflag:s4] =	ssyncset.s32 $0xFFFFF086  }
0x25: {  	[simem:s6], [sflag:s4] =	dma.local [hbm:s3], $0xF7A  }
0x26: {  	[smem:$0x3F96] =	sst s1;
	(tag) =	ssettag s2;
	_ =	strace s9  }
0x27: {  	s1 =	sld [smem:$0x3FA6]  }
0x28: {  	s2 =	sld [smem:$0x3FA7]  }
0x29: {  	s4 =	sld [smem:$0x3FA9]  }
0x2a: {  	p0 =	seq.s32 s5, $0x0;
	s5 =	sld [smem:$0x3FAA]  }
0x2b: {  	s6 =	sld [smem:$0x3FAB]  }
0x2c: {  	s7 =	sld [smem:$0x3FAC]  }
0x2d: {  	s3 =	simm.s32 $0x108;
	s8 =	sld [smem:$0x3FAD]  }
0x2e: {  	s3 =	simm.s32 @!p0 $0x1082;
	s9 =	sld [smem:$0x3FAE]  }
0x2f: {  	lr =	sadd.s32 s0, s3;
	s0 =	sld [smem:$0x3FA5]  }
0x30: {  	s3 =	sld [smem:$0x3FA8]  }
0x31: {  	[smem:$0x3FB1] =	sst s10  }
0x32: {  	s10 =	sld [smem:$0x3FAF];
	_ =	sdelay $0x3  }
0x33: {  	p0 =	seq.s32 s10, $0x1;
	s10 =	sld [smem:$0x3FB1];
	_ =	sdelay $0x3  }
0x34: {  	[smem:$0x3FB1] =	sst s10  }
0x35: {  	s10 =	sld [smem:$0x3FB0];
	_ =	sdelay $0x3  }
0x36: {  	p1 =	seq.s32 s10, $0x1;
	s10 =	sld [smem:$0x3FB1];
	_ =	sdelay $0x3  }
0x37: {  	[smem:$0x3FB1] =	sst s10  }
0x38: {  	s10 =	sld [smem:$0x3FB2]  }
0x39: {  	_ = 	snop;
	(pc) =	sbr.ind lr, $3  }
0x3a: {  	_ = 	snop  }
0x3b: {  	_ = 	snop  }
0x3c: {  	p2 =	seq.s32 s10, $0x1;
	s10 =	sld [smem:$0x3FB1]  }
0x3d: {  	_ =	shalt  }
0x3e: {  	_ =	shalt  }
0x3f: {  	_ =	shalt  }
0x40: {  	_ =	shalt  }
0x41: {  	_ =	shalt  }
0x42: {  	_ =	shalt  }
0x43: {  	_ =	shalt  }
0x44: {  	_ =	shalt  }
0x45: {  	_ =	shalt  }
0x46: {  	_ =	shalt  }
0x47: {  	_ =	shalt  }
0x48: {  	_ =	shalt  }
0x49: {  	_ =	shalt  }
0x4a: {  	_ =	shalt  }
0x4b: {  	_ =	shalt  }
0x4c: {  	_ =	shalt  }
0x4d: {  	_ =	shalt  }
0x4e: {  	_ =	shalt  }
0x4f: {  	_ =	shalt  }
0x50: {  	_ =	shalt  }
0x51: {  	_ =	shalt  }
0x52: {  	_ =	shalt  }
0x53: {  	_ =	shalt  }
0x54: {  	_ =	shalt  }
0x55: {  	_ =	shalt  }
0x56: {  	_ =	shalt  }
0x57: {  	_ =	shalt  }
0x58: {  	_ =	shalt  }
0x59: {  	_ =	shalt  }
0x5a: {  	_ =	shalt  }
0x5b: {  	_ =	shalt  }
0x5c: {  	_ =	shalt  }
0x5d: {  	_ =	shalt  }
0x5e: {  	_ =	shalt  }
0x5f: {  	_ =	shalt  }
0x60: {  	_ =	shalt  }
0x61: {  	_ =	shalt  }
0x62: {  	_ =	shalt  }
0x63: {  	_ =	shalt  }
0x64: {  	_ =	shalt  }
0x65: {  	_ =	shalt  }
0x66: {  	_ =	shalt  }
0x67: {  	_ =	shalt  }
0x68: {  	_ =	shalt  }
0x69: {  	_ =	shalt  }
0x6a: {  	_ =	shalt  }
0x6b: {  	_ =	shalt  }
0x6c: {  	_ =	shalt  }
0x6d: {  	_ =	shalt  }
0x6e: {  	_ =	shalt  }
0x6f: {  	_ =	shalt  }
0x70: {  	_ =	shalt  }
0x71: {  	_ =	shalt  }
0x72: {  	_ =	shalt  }
0x73: {  	_ =	shalt  }
0x74: {  	_ =	shalt  }
0x75: {  	_ =	shalt  }
0x76: {  	_ =	shalt  }
0x77: {  	_ =	shalt  }
0x78: {  	_ =	shalt  }
0x79: {  	_ =	shalt  }
0x7a: {  	_ =	shalt  }
0x7b: {  	_ =	shalt  }
0x7c: {  	_ =	shalt  }
0x7d: {  	_ =	shalt  }
0x7e: {  	_ =	shalt  }
0x7f: {  	_ =	shalt  }
0x80: {  	_ =	shalt  }
0x81: {  	_ =	shalt  }
0x82: {  	_ =	shalt  }
0x83: {  	_ =	shalt  }
0x84: {  	_ =	shalt  }
0x85: {  	_ =	shalt  }
0x86: {  	_ =	shalt  }
0x87: {  	_ =	shalt  }
.Lfunc_end0:
.L_simem_size_0:
called_computation_lowered:
.L_overlay_start_0:
0x88: {  	s2 =	sld [smem:$0x3FD9]  }
0x89: {  	s3 =	sld [smem:$0x3FFE];
	_ =	sdelay $0x1  }
0x8a: {  	s1 =	srdreg.scid  }
0x8b: {  	s0 =	sand.u32 $0x1, s1  }
0x8c: {  	s17 =	sshll.u32 s0, $0xA;
	s2 =	sadd.s32 s3, s2  }
0x8d: {  	s2 =	sadd.s32 s2, s17  }
0x8e: {  	[smem:$0x3FBD] =	sst s2  }
0x8f: {  	_ = 	snop  }
0x90: {  	s2 =	sld [smem:$0x3FD0];
	(tm) =	ssettm $0x1  }
0x91: {  	s18 =	sld [smem:$0x3FFB];
	_ =	sdelay $0x3  }
0x92: {  	_ =	strace s18  }
0x93: {  	s3 =	sld [smem:$0x3FFC];
	_ =	sdelay $0x3  }
0x94: {  	_ =	strace s3  }
0x95: {  	s3 =	sld [smem:$0x3FFD];
	_ =	sdelay $0x3  }
0x96: {  	_ =	strace s3  }
0x97: {  	_ =	strace $0x8FFFFFFF  }
0x98: {  	s19 =	sld [smem:$0x3FDB];
	_ =	sdelay $0x1  }
0x99: {  	s4 =	simm.s32 $_scs_section_size  }
0x9a: {  	s5 =	simm.s32 $_size__tile_overlayer_lowered;
	s6 =	simm.s32 $_tile_overlayer_lowered  }
0x9b: {  	s22 =	simm.s32 $0x1BFF;
	s21 =	sshll.u32 s6, $0x1;
	s3 =	sadd.s32 s4, s19  }
0x9c: {  	s7 =	simm.s32 $0x0;
	s20 =	sshll.u32 s5, $0x1;
	s5 =	sadd.s32 s21, s3  }
0x9d: {  	[timem:s7], [sflag:s22] =	dma.local [hbm:s5], s20  }
0x9e: {  	_ =	swait.ge [sflag:s22], s20  }
0x9f: {  	s4 =	ssub.s32 $0x0, s20;
	[sflag:s22] =	ssyncset.done $0x0  }
0xa0: {  	[sflag:s22] =	ssyncadd.s32 s4;
	_ =	sdelay $0x1  }
0xa1: {  	s23 =	simm.s32 $0x1B8B  }
0xa2: {  	_ =	swait.ge [sflag:s23], $0x1  }
0xa3: {  	[sflag:s23] =	ssyncset.done $0x0  }
0xa4: {  	s25 =	simm.s32 $0x1B8E;
	s24 =	sld [smem:$0x3FFE];
	[sflag:s23] =	ssyncadd.s32 $0xFFFFFFFF  }
0xa5: {  	s26 =	simm.s32 $execute0_lowered;
	[smem:$0x3FD2] =	sst s25  }
0xa6: {  	s5 =	sshll.u32 s26, $0x1;
	_ =	strace $0x80000046;
	[dreg:$0x1] =	wrdreg $0xFFFFFFFF  }
0xa7: {  	s28 =	simm.s32 $_size_execute0_lowered;
	s3 =	sadd.s32 s3, s5;
	[dreg:$0x0] =	wrdreg $0x0  }
0xa8: {  	s5 =	sshll.u32 s28, $0x1;
	[dreg:$0x2] =	wrdreg s3  }
0xa9: {  	[dreg:$0x3] =	wrdreg s5  }
0xaa: {  	[dreg:$0x4] =	wrdreg $0xC0  }
0xab: {  	_ =	task [dreg:s7], $0x5FFFF  }
0xac: {  	[dreg:$0x1] =	wrdreg $0xFFFFFFFF  }
0xad: {  	[dreg:$0x0] =	wrdreg $0x60  }
0xae: {  	[dreg:$0x2] =	wrdreg s24  }
0xaf: {  	[dreg:$0x3] =	wrdreg s2  }
0xb0: {  	[dreg:$0x4] =	wrdreg $0x99000  }
0xb1: {  	[dreg:$0x5] =	wrdreg $0xC3800  }
0xb2: {  	[dreg:$0x6] =	wrdreg $0xC1000  }
0xb3: {  	[dreg:$0x7] =	wrdreg $0x9  }
0xb4: {  	_ =	task.clear_ibuf [dreg:s7], $0x8FFFF;
	_ =	strace $0x90000046  }
0xb5: {  	s29 =	simm.s32 $0x9;
	_ =	strace $0x80000048  }
0xb6: {  	_ =	swait.ge [sflag:s29], $0x1  }
0xb7: {  	[sflag:s29] =	ssyncadd.s32 $0xFFFFFFFF  }
0xb8: {  	_ =	strace $0x90000048  }
0xb9: {  	_ =	sfence  }
0xba: {  	s30 =	sld [smem:$0x0];
	_ =	sdelay $0x2  }
0xbb: {  	s31 =	sshll.u32 s1, $0xD;
	s1 =	sshrl.u32 s1, $0x2  }
0xbc: {  	s3 =	sand.u32 $0x4000, s31;
	s1 =	sadd.s32 s1, s30  }
0xbd: {  	s0 =	sor.u32 s3, s0;
	s1 =	sshll.u32 s1, $0x11  }
0xbe: {  	s0 =	sor.u32 s1, s0  }
0xbf: {  	s0 =	sadd.s32 $0x8F2B, s0  }
0xc0: {  	[sflag:s0] =	ssyncadd.remote.s32 $0x1  }
0xc1: {  	_ =	sfence.sel $0xFFFF  }
0xc2: {  	[dreg:$0x0] =	wrdreg $0xFFFFFFFF;
	(pc) =	sbr.abs _section_cstart, $3  }
0xc3: {  	[dreg:$0x1] =	wrdreg $0xFFFFFFFF  }
0xc4: {  	_ =	task.clear_ibuf [dreg:s7], $0x2FFFF;
	_ =	strace $0x9FFFFFFF  }
0xc5: {  	(tm) =	ssettm $0x7FFFFFFF  }
tec
execute0_lowered:
.L_overlay_start_1:
0x0: {  	(tag) =	ssettag $0x1  }
0x1: {  	s0 =	rddreg [dreg:$0x0]  }
0x2: {  	s4 =	rddreg [dreg:$0x1]  }
0x3: {  	s1 =	rddreg [dreg:$0x2]  }
0x4: {  	s2 =	rddreg [dreg:$0x3]  }
0x5: {  	s3 =	rddreg [dreg:$0x4]  }
0x6: {  	s5 =	srdreg.scid;
	s20 =	stileid.u32  }
0x7: {  	s29 =	simm.s32 $0x5000;
	s30 =	simm.s32 $0x80;
	s31 =	simm.s32 $0x8100  }
0x8: {  	s28 =	simm.s32 $0x8900;
	s6 =	sand.u32 $0x1, s5;
	s7 =	smul.u32 $0x2800, s20  }
0x9: {  	s5 =	simm.s32 $0x0;
	s12 =	smul.u32 $0x280, s20;
	p0 =	sne.s32 s20, $0x0  }
0xa: {  	s8 =	sshll.u32 s6, $0x4;
	[smem:$0x7FF] =	sst s5;
	s9 =	smul.u32 $0x28000, s6  }
0xb: {  	s11 =	smul.u32 $0x500, s6;
	s6 =	ssub.s32 $0x2, s6;
	s8 =	sor.u32 s20, s8  }
0xc: {  	_ =	strace $0x80000047;
	s10 =	sshrl.u32 s7, $0x3;
	s23 =	sshrl.u32 s6, $0x1  }
0xd: {  	s14 =	sadd.s32 $0x80, s12;
	s24 =	sadd.s32 $0x100, s12;
	s16 =	sadd.s32 $0x180, s12  }
0xe: {  	s19 =	sadd.s32 $0x200, s12;
	s12 =	sadd.s32 s12, s3;
	s8 =	smul.u32 $0x2800, s8  }
0xf: {  	s10 =	sadd.s32 s10, s0;
	s9 =	sadd.s32 s7, s9;
	s15 =	sshll.u32 s14, $0x4  }
0x10: {  	s17 =	sshll.u32 s24, $0x4;
	[dreg:$0xb] =	wrdreg s12;
	s21 =	sadd.s32 s16, s3  }
0x11: {  	s18 =	sshll.u32 s16, $0x4;
	s22 =	sadd.s32 s19, s3;
	[dreg:$0xe] =	wrdreg s21  }
0x12: {  	s26 =	sshll.u32 s19, $0x4;
	s15 =	sadd.s32 s15, s1;
	[dreg:$0xf] =	wrdreg s22  }
0x13: {  	s16 =	simm.s32 $0x0;
	s17 =	sadd.s32 s17, s1;
	[dreg:$0x6] =	wrdreg s15  }
0x14: {  	s9 =	sshrl.u32 s9, $0x3;
	s25 =	sadd.s32 s18, s1;
	[dreg:$0x7] =	wrdreg s17  }
0x15: {  	s10 =	sadd.s32 $0x2E00, s10;
	s18 =	sadd.s32 s24, s3;
	[dreg:$0x8] =	wrdreg s25  }
0x16: {  	s8 =	sshrl.u32 s8, $0x3;
	s9 =	sadd.s32 s9, s0;
	[dreg:$0xa] =	wrdreg s10  }
0x17: {  	s17 =	sadd.s32 s26, s1;
	[dreg:$0xd] =	wrdreg s18;
	s10 =	simm.s32 $0x4  }
0x18: {  	s15 =	simm.s32 $0x9;
	s13 =	sadd.s32 s8, s0;
	s0 =	sadd.s32 s11, s0  }
0x19: {  	s11 =	ssub.s32 s6, s23;
	[dreg:$0x9] =	wrdreg s17;
	s17 =	sadd.s32 s14, s3  }
0x1a: {  	s6 =	sadd.s32 s7, s1;
	s4 =	sadd.s32 s4, s8;
	[dreg:$0xc] =	wrdreg s17  }
0x1b: {  	s7 =	sadd.s32 s7, s2;
	s24 =	sadd.s32 $0x11E00, s9;
	[dreg:$0x10] =	wrdreg s4  }
0x1c: {  	s8 =	simm.s32 $0x9100;
	s4 =	sadd.s32 $0xA000, s4;
	[dreg:$0x13] =	wrdreg s24  }
0x1d: {  	s9 =	simm.s32 $0x3;
	s23 =	sadd.s32 $0x7E00, s13;
	[dreg:$0x11] =	wrdreg s4  }
0x1e: {  	s14 =	simm.s32 $0x8;
	s0 =	sadd.s32 $0x1BE00, s0;
	[dreg:$0x12] =	wrdreg s23  }
0x1f: {  	s25 =	smax.u32 s11, $0x1;
	s24 =	simm.s32 $0xA;
	[dreg:$0x14] =	wrdreg s0  }
0x20: {  	s26 =	sshrl.u32 s7, $0x3;
	s7 =	simm.s32 $0x2;
	[dreg:$0x15] =	wrdreg s25  }
0x21: {  	s13 =	simm.s32 $0x7;
	s23 =	simm.s32 $0x7900;
	[dreg:$0x16] =	wrdreg s26  }
0x22: {  	v0 =	vimm.f32 $0.0e+00;
	v1 =	vimm.f32 $1.000000000e+00;
	v2 =	vlaneseq.u32;
	s26 =	simm.s32 $0x7880;
	s0 =	simm.s32 $0x1;
	s4 =	simm.s32 $0x7800  }
.LBB2_1:
0x23: {  	[tilespmem:$0x7900] =	vst v0  }
0x24: {  	[tilespmem:$0x7910] =	vst v0  }
0x25: {  	[tilespmem:$0x7920] =	vst v0  }
0x26: {  	[tilespmem:$0x7930] =	vst v0  }
0x27: {  	[tilespmem:$0x7940] =	vst v0  }
0x28: {  	[tilespmem:$0x7950] =	vst v0  }
0x29: {  	[tilespmem:$0x7960] =	vst v0  }
0x2a: {  	[tilespmem:$0x7970] =	vst v0  }
0x2b: {  	[tilespmem:$0x7980] =	vst v0  }
0x2c: {  	[tilespmem:$0x7990] =	vst v0  }
0x2d: {  	[tilespmem:$0x79A0] =	vst v0  }
0x2e: {  	[tilespmem:$0x79B0] =	vst v0  }
0x2f: {  	[tilespmem:$0x79C0] =	vst v0  }
0x30: {  	[tilespmem:$0x79D0] =	vst v0  }
0x31: {  	[tilespmem:$0x79E0] =	vst v0  }
0x32: {  	[tilespmem:$0x79F0] =	vst v0  }
0x33: {  	[tilespmem:$0x7A00] =	vst v0  }
0x34: {  	[tilespmem:$0x7A10] =	vst v0  }
0x35: {  	[tilespmem:$0x7A20] =	vst v0  }
0x36: {  	[tilespmem:$0x7A30] =	vst v0  }
0x37: {  	[tilespmem:$0x7A40] =	vst v0  }
0x38: {  	[tilespmem:$0x7A50] =	vst v0  }
0x39: {  	[tilespmem:$0x7A60] =	vst v0  }
0x3a: {  	[tilespmem:$0x7A70] =	vst v0  }
0x3b: {  	[tilespmem:$0x7A80] =	vst v0  }
0x3c: {  	[tilespmem:$0x7A90] =	vst v0  }
0x3d: {  	[tilespmem:$0x7AA0] =	vst v0  }
0x3e: {  	[tilespmem:$0x7AB0] =	vst v0  }
0x3f: {  	[tilespmem:$0x7AC0] =	vst v0  }
0x40: {  	[tilespmem:$0x7AD0] =	vst v0  }
0x41: {  	[tilespmem:$0x7AE0] =	vst v0  }
0x42: {  	[tilespmem:$0x7AF0] =	vst v0  }
0x43: {  	[tilespmem:$0x7B00] =	vst v0  }
0x44: {  	[tilespmem:$0x7B10] =	vst v0  }
0x45: {  	[tilespmem:$0x7B20] =	vst v0  }
0x46: {  	[tilespmem:$0x7B30] =	vst v0  }
0x47: {  	[tilespmem:$0x7B40] =	vst v0  }
0x48: {  	[tilespmem:$0x7B50] =	vst v0  }
0x49: {  	[tilespmem:$0x7B60] =	vst v0  }
0x4a: {  	[tilespmem:$0x7B70] =	vst v0  }
0x4b: {  	[tilespmem:$0x7B80] =	vst v0  }
0x4c: {  	[tilespmem:$0x7B90] =	vst v0  }
0x4d: {  	[tilespmem:$0x7BA0] =	vst v0  }
0x4e: {  	[tilespmem:$0x7BB0] =	vst v0  }
0x4f: {  	[tilespmem:$0x7BC0] =	vst v0  }
0x50: {  	[tilespmem:$0x7BD0] =	vst v0  }
0x51: {  	[tilespmem:$0x7BE0] =	vst v0  }
0x52: {  	[tilespmem:$0x7BF0] =	vst v0  }
0x53: {  	[tilespmem:$0x7C00] =	vst v0  }
0x54: {  	[tilespmem:$0x7C10] =	vst v0  }
0x55: {  	[tilespmem:$0x7C20] =	vst v0  }
0x56: {  	[tilespmem:$0x7C30] =	vst v0  }
0x57: {  	[tilespmem:$0x7C40] =	vst v0  }
0x58: {  	[tilespmem:$0x7C50] =	vst v0  }
0x59: {  	[tilespmem:$0x7C60] =	vst v0  }
0x5a: {  	[tilespmem:$0x7C70] =	vst v0  }
0x5b: {  	[tilespmem:$0x7C80] =	vst v0  }
0x5c: {  	[tilespmem:$0x7C90] =	vst v0  }
0x5d: {  	[tilespmem:$0x7CA0] =	vst v0  }
0x5e: {  	[tilespmem:$0x7CB0] =	vst v0  }
0x5f: {  	[tilespmem:$0x7CC0] =	vst v0  }
0x60: {  	[tilespmem:$0x7CD0] =	vst v0  }
0x61: {  	[tilespmem:$0x7CE0] =	vst v0  }
0x62: {  	[tilespmem:$0x7CF0] =	vst v0  }
0x63: {  	[tilespmem:$0x7D00] =	vst v0  }
0x64: {  	[tilespmem:$0x7D10] =	vst v0  }
0x65: {  	[tilespmem:$0x7D20] =	vst v0  }
0x66: {  	[tilespmem:$0x7D30] =	vst v0  }
0x67: {  	[tilespmem:$0x7D40] =	vst v0  }
0x68: {  	[tilespmem:$0x7D50] =	vst v0  }
0x69: {  	[tilespmem:$0x7D60] =	vst v0  }
0x6a: {  	[tilespmem:$0x7D70] =	vst v0  }
0x6b: {  	[tilespmem:$0x7D80] =	vst v0  }
0x6c: {  	[tilespmem:$0x7D90] =	vst v0  }
0x6d: {  	[tilespmem:$0x7DA0] =	vst v0  }
0x6e: {  	[tilespmem:$0x7DB0] =	vst v0  }
0x6f: {  	[tilespmem:$0x7DC0] =	vst v0  }
0x70: {  	[tilespmem:$0x7DD0] =	vst v0  }
0x71: {  	[tilespmem:$0x7DE0] =	vst v0  }
0x72: {  	[tilespmem:$0x7DF0] =	vst v0  }
0x73: {  	[tilespmem:$0x7E00] =	vst v0  }
0x74: {  	[tilespmem:$0x7E10] =	vst v0  }
0x75: {  	[tilespmem:$0x7E20] =	vst v0  }
0x76: {  	[tilespmem:$0x7E30] =	vst v0  }
0x77: {  	[tilespmem:$0x7E40] =	vst v0  }
0x78: {  	[tilespmem:$0x7E50] =	vst v0  }
0x79: {  	[tilespmem:$0x7E60] =	vst v0  }
0x7a: {  	[tilespmem:$0x7E70] =	vst v0  }
0x7b: {  	[tilespmem:$0x7E80] =	vst v0  }
0x7c: {  	[tilespmem:$0x7E90] =	vst v0  }
0x7d: {  	[tilespmem:$0x7EA0] =	vst v0  }
0x7e: {  	[tilespmem:$0x7EB0] =	vst v0  }
0x7f: {  	[tilespmem:$0x7EC0] =	vst v0  }
0x80: {  	[tilespmem:$0x7ED0] =	vst v0  }
0x81: {  	[tilespmem:$0x7EE0] =	vst v0  }
0x82: {  	[tilespmem:$0x7EF0] =	vst v0  }
0x83: {  	[tilespmem:$0x7F00] =	vst v0  }
0x84: {  	[tilespmem:$0x7F10] =	vst v0  }
0x85: {  	[tilespmem:$0x7F20] =	vst v0  }
0x86: {  	[tilespmem:$0x7F30] =	vst v0  }
0x87: {  	[tilespmem:$0x7F40] =	vst v0  }
0x88: {  	[tilespmem:$0x7F50] =	vst v0  }
0x89: {  	[tilespmem:$0x7F60] =	vst v0  }
0x8a: {  	[tilespmem:$0x7F70] =	vst v0  }
0x8b: {  	[tilespmem:$0x7F80] =	vst v0  }
0x8c: {  	[tilespmem:$0x7F90] =	vst v0  }
0x8d: {  	[tilespmem:$0x7FA0] =	vst v0  }
0x8e: {  	[tilespmem:$0x7FB0] =	vst v0  }
0x8f: {  	[tilespmem:$0x7FC0] =	vst v0  }
0x90: {  	[tilespmem:$0x7FD0] =	vst v0  }
0x91: {  	[tilespmem:$0x7FE0] =	vst v0  }
0x92: {  	[tilespmem:$0x7FF0] =	vst v0  }
0x93: {  	[tilespmem:$0x8000] =	vst v0  }
0x94: {  	[tilespmem:$0x8010] =	vst v0  }
0x95: {  	[tilespmem:$0x8020] =	vst v0  }
0x96: {  	[tilespmem:$0x8030] =	vst v0  }
0x97: {  	[tilespmem:$0x8040] =	vst v0  }
0x98: {  	[tilespmem:$0x8050] =	vst v0  }
0x99: {  	[tilespmem:$0x8060] =	vst v0  }
0x9a: {  	[tilespmem:$0x8070] =	vst v0  }
0x9b: {  	[tilespmem:$0x8080] =	vst v0  }
0x9c: {  	[tilespmem:$0x8090] =	vst v0  }
0x9d: {  	[tilespmem:$0x80A0] =	vst v0  }
0x9e: {  	[tilespmem:$0x80B0] =	vst v0  }
0x9f: {  	[tilespmem:$0x80C0] =	vst v0  }
0xa0: {  	[tilespmem:$0x80D0] =	vst v0  }
0xa1: {  	[tilespmem:$0x80E0] =	vst v0  }
0xa2: {  	[tilespmem:$0x80F0] =	vst v0  }
0xa3: {  	[spmem:s6] =	stream.linear.scatter [tilespmem:s23], [sflag:$0xA], $0x800, $0x38;
	[tilespmem:$0xEB80] =	vst v63  }
0xa4: {  	_ =	swait.ge [sflag:s24], $0x800  }
0xa5: {  	[sflag:s24] =	ssyncset.done $0x0  }
0xa6: {  	s11 =	rddreg [dreg:$0x6];
	[sflag:s24] =	ssyncadd.s32 $0xFFFFF800  }
0xa7: {  	[spmem:s11] =	stream.linear.scatter [tilespmem:s23], [sflag:$0xA], $0x800, $0x38;
	[tilespmem:$0xEB80] =	vst v63  }
0xa8: {  	_ =	swait.ge [sflag:s24], $0x800  }
0xa9: {  	[sflag:s24] =	ssyncset.done $0x0  }
0xaa: {  	s17 =	rddreg [dreg:$0x7];
	[sflag:s24] =	ssyncadd.s32 $0xFFFFF800  }
0xab: {  	[spmem:s17] =	stream.linear.scatter [tilespmem:s23], [sflag:$0xA], $0x800, $0x38;
	[tilespmem:$0xEB80] =	vst v63  }
0xac: {  	_ =	swait.ge [sflag:s24], $0x800  }
0xad: {  	[sflag:s24] =	ssyncset.done $0x0  }
0xae: {  	s18 =	rddreg [dreg:$0x8];
	[sflag:s24] =	ssyncadd.s32 $0xFFFFF800  }
0xaf: {  	[spmem:s18] =	stream.linear.scatter [tilespmem:s23], [sflag:$0xA], $0x800, $0x38;
	[tilespmem:$0xEB80] =	vst v63  }
0xb0: {  	_ =	swait.ge [sflag:s24], $0x800  }
0xb1: {  	[sflag:s24] =	ssyncset.done $0x0  }
0xb2: {  	s19 =	rddreg [dreg:$0x9];
	[sflag:s24] =	ssyncadd.s32 $0xFFFFF800  }
0xb3: {  	[spmem:s19] =	stream.linear.scatter [tilespmem:s23], [sflag:$0xA], $0x800, $0x38;
	[tilespmem:$0xEB80] =	vst v63  }
0xb4: {  	s20 =	stileid.u32;
	_ =	swait.ge [sflag:s24], $0x800  }
0xb5: {  	s11 =	sshll.u32 s20, $0x6;
	[sflag:s24] =	ssyncset.done $0x0;
	s21 =	rddreg [dreg:$0xa]  }
0xb6: {  	s18 =	sor.u32 $0x1C0A, s11;
	s12 =	rddreg [dreg:$0x16];
	[sflag:s24] =	ssyncadd.s32 $0xFFFFF800  }
0xb7: {  	[spmem:s12], [sflag:s18] =	dma.local [hbm:s21], $0x500  }
0xb8: {  	_ =	swait.ge [sflag:s24], $0x500  }
0xb9: {  	[sflag:s24] =	ssyncset.done $0x0  }
0xba: {  	[sflag:s24] =	ssyncadd.s32 $0xFFFFFB00  }
0xbb: {  	[tilespmem:$0x7800] =	vst v1  }
0xbc: {  	[tilespmem:$0x7880] =	vst v0  }
0xbd: {  	[tilespmem:$0x7810] =	vst v1  }
0xbe: {  	[tilespmem:$0x7890] =	vst v0  }
0xbf: {  	[tilespmem:$0x7820] =	vst v1  }
0xc0: {  	[tilespmem:$0x78A0] =	vst v0  }
0xc1: {  	[tilespmem:$0x7830] =	vst v1  }
0xc2: {  	[tilespmem:$0x78B0] =	vst v0  }
0xc3: {  	[tilespmem:$0x7840] =	vst v1  }
0xc4: {  	[tilespmem:$0x78C0] =	vst v0  }
0xc5: {  	[tilespmem:$0x7850] =	vst v1  }
0xc6: {  	[tilespmem:$0x78D0] =	vst v0  }
0xc7: {  	[tilespmem:$0x7860] =	vst v1  }
0xc8: {  	[tilespmem:$0x78E0] =	vst v0  }
0xc9: {  	[tilespmem:$0x7870] =	vst v1  }
0xca: {  	s22 =	rddreg [dreg:$0xb];
	[tilespmem:$0x78F0] =	vst v0  }
0xcb: {  	[spmem:s22] =	stream.linear.scatter [tilespmem:s26], [sflag:$0xA], $0x80, $0x38;
	[tilespmem:$0xEB80] =	vst v63  }
0xcc: {  	_ =	swait.ge [sflag:s24], $0x80  }
0xcd: {  	[sflag:s24] =	ssyncset.done $0x0  }
0xce: {  	s25 =	rddreg [dreg:$0xc];
	[sflag:s24] =	ssyncadd.s32 $0xFFFFFF80  }
0xcf: {  	[spmem:s25] =	stream.linear.scatter [tilespmem:s26], [sflag:$0xA], $0x80, $0x38;
	[tilespmem:$0xEB80] =	vst v63  }
0xd0: {  	_ =	swait.ge [sflag:s24], $0x80  }
0xd1: {  	[sflag:s24] =	ssyncset.done $0x0  }
0xd2: {  	s12 =	rddreg [dreg:$0xd];
	[sflag:s24] =	ssyncadd.s32 $0xFFFFFF80  }
0xd3: {  	[spmem:s12] =	stream.linear.scatter [tilespmem:s26], [sflag:$0xA], $0x80, $0x38;
	[tilespmem:$0xEB80] =	vst v63  }
0xd4: {  	_ =	swait.ge [sflag:s24], $0x80  }
0xd5: {  	[sflag:s24] =	ssyncset.done $0x0  }
0xd6: {  	s17 =	rddreg [dreg:$0xe];
	[sflag:s24] =	ssyncadd.s32 $0xFFFFFF80  }
0xd7: {  	[spmem:s17] =	stream.linear.scatter [tilespmem:s26], [sflag:$0xA], $0x80, $0x38;
	[tilespmem:$0xEB80] =	vst v63  }
0xd8: {  	_ =	swait.ge [sflag:s24], $0x80  }
0xd9: {  	[sflag:s24] =	ssyncset.done $0x0  }
0xda: {  	s19 =	rddreg [dreg:$0xf];
	[sflag:s24] =	ssyncadd.s32 $0xFFFFFF80  }
0xdb: {  	[spmem:s19] =	stream.linear.scatter [tilespmem:s26], [sflag:$0xA], $0x80, $0x38;
	[tilespmem:$0xEB80] =	vst v63  }
0xdc: {  	_ =	swait.ge [sflag:s24], $0x80  }
0xdd: {  	[sflag:s24] =	ssyncset.done $0x0  }
0xde: {  	s20 =	rddreg [dreg:$0x10];
	[sflag:s24] =	ssyncadd.s32 $0xFFFFFF80  }
0xdf: {  	[tilespmem:s5], [sflag:$0xA] =	stream.linear.gather [hbm4b:s20+s5], $0x2800, $0x38;
	[tilespmem:$0xEB80] =	vst v63  }
0xe0: {  	_ =	swait.ge [sflag:s24], $0x2800  }
0xe1: {  	[sflag:s24] =	ssyncset.done $0x0  }
0xe2: {  	s22 =	simm.s32 $0x2800;
	s21 =	rddreg [dreg:$0x11];
	[sflag:s24] =	ssyncadd.s32 $0xFFFFD800  }
0xe3: {  	[tilespmem:s22], [sflag:$0xA] =	stream.linear.gather [hbm4b:s21+s5], $0x2800, $0x38;
	[tilespmem:$0xEB80] =	vst v63  }
0xe4: {  	_ =	swait.ge [sflag:s24], $0x2800  }
0xe5: {  	[sflag:s24] =	ssyncset.done $0x0  }
0xe6: {  	s25 =	rddreg [dreg:$0x12];
	[sflag:s24] =	ssyncadd.s32 $0xFFFFD800  }
0xe7: {  	[tilespmem:s29], [sflag:$0xA] =	stream.linear.gather [hbm4b:s25+s5], $0x2800, $0x38;
	[tilespmem:$0xEB80] =	vst v63  }
0xe8: {  	_ =	swait.ge [sflag:s24], $0x2800  }
0xe9: {  	[sflag:s24] =	ssyncset.done $0x0  }
0xea: {  	[sflag:s24] =	ssyncadd.s32 $0xFFFFD800  }
0xeb: {  	[bflag:$0x0] =	sbarrier.arrive $0xFFFF  }
0xec: {  	[tilespmem:s23], [sflag:$0x1] =	stream.indirect.gather [spmem:s2], $0x10, s5, s30, $0xb8;
	[tilespmem:$0xEB80] =	vst v63  }
0xed: {  	s19 =	simm.s32 $0x0  }
0xee: {  	[tilespmem:s31], [sflag:$0x2] =	stream.indirect.gather [spmem:s2], $0x10, s30, s30, $0xb8;
	[tilespmem:$0xEB80] =	vst v63  }
.LBB2_2:
0xef: {  	s21 =	sshll.u32 s19, $0x2  }
0xf0: {  	_ =	swait.ge [sflag:s0], $0x800;
	s17 =	simm.s32 $0x0;
	s11 =	sshll.u32 s21, $0x7  }
0xf1: {  	p1 =	seq.s32 s19, $0x0;
	[sflag:s0] =	ssyncset.done $0x0;
	v4 =	vmov s17;
	v3 =	vmov s11  }
0xf2: {  	s25 =	simm.s32 $0x6;
	s20 =	simm.s32 @!p1 $0x7;
	[sflag:s0] =	ssyncadd.s32 $0xFFFFF800;
	v4 =	vshll.u32 v4, $0x4;
	v5 =	vor.u32 s17, v3  }
0xf3: {  	s12 =	simm.s32 $0x7;
	v7 =	vmov s25;
	_ =	swait.ge @!p1 [sflag:s20], $0x800;
	v9 =	vor.u32 v2, v4  }
0xf4: {  	s22 =	sor.u32 $0x2, s21;
	v7 =	vshll.u32 v7, $0x4;
	v4 =	vmov s12;
	v6 =	vor.u32 s12, v3;
	[sflag:s20] =	ssyncset.done @!p1 $0x0  }
0xf5: {  	s12 =	simm.s32 $0x5;
	v12 =	vor.u32 v2, v7;
	v4 =	vshll.u32 v4, $0x4;
	[sflag:s20] =	ssyncadd.s32 @!p1 $0xFFFFF800;
	s20 =	sshll.u32 s22, $0x7  }
0xf6: {  	v8 =	vor.u32 v2, v4;
	v4 =	vor.u32 s25, v3;
	[tilespmem:s28], [sflag:$0x3] =	stream.indirect.gather [spmem:s2], $0x10, s20, s30, $0xb8;
	[tilespmem:$0xEB80] =	vst v63  }
0xf7: {  	v10 =	vmov s12;
	v16 =	vor.u32 s12, v3;
	v5 =	vld.idx.msk [tilespmem:v5+s29+$0x0], $0xffff  }
0xf8: {  	s17 =	simm.s32 $0x4;
	v10 =	vshll.u32 v10, $0x4;
	v7 =	vld.idx.msk [tilespmem:v9+s23+$0x0], $0xffff  }
0xf9: {  	v11 =	vor.u32 v2, v10;
	v10 =	vld.idx.msk [tilespmem:v6+s29+$0x0], $0xffff;
	v6 =	vmov s17  }
0xfa: {  	v18 =	vor.u32 s17, v3;
	s22 =	simm.s32 $0x3;
	v15 =	vld.idx.msk [tilespmem:v12+s23+$0x0], $0xffff;
	v6 =	vshll.u32 v6, $0x4  }
0xfb: {  	v17 =	vmov s22;
	v13 =	vld.idx.msk [tilespmem:v4+s29+$0x0], $0xffff;
	v4 =	vor.u32 v2, v6  }
0xfc: {  	s25 =	simm.s32 $0x2;
	v19 =	vor.u32 s22, v3;
	v16 =	vld.idx.msk [tilespmem:v16+s29+$0x0], $0xffff;
	v6 =	vshll.u32 v17, $0x4  }
0xfd: {  	v14 =	vld.idx.msk [tilespmem:v8+s23+$0x0], $0xffff;
	v17 =	vmov s25;
	v6 =	vor.u32 v2, v6  }
0xfe: {  	v20 =	vor.u32 s25, v3;
	s22 =	simm.s32 $0x8;
	s17 =	simm.s32 $0x1;
	v21 =	vshll.u32 v17, $0x4;
	v17 =	vld.idx.msk [tilespmem:v11+s23+$0x0], $0xffff  }
.LBB2_3:
0xff: {  	p2 =	slt.u32 s22, $0x78;
	v22 =	vmov s17;
	v21 =	vor.u32 v2, v21;
	v18 =	vld.idx.msk [tilespmem:v18+s29+$0x0], $0xffff  }
0x100: {  	v23 =	vor.u32 s17, v3;
	v22 =	vshll.u32 v22, $0x4;
	v24 =	vld.idx.msk [tilespmem:v4+s23+$0x0], $0xffff  }
0x101: {  	v25 =	vmov s22;
	v22 =	vor.u32 v2, v22;
	v19 =	vld.idx.msk [tilespmem:v19+s29+$0x0], $0xffff  }
0x102: {  	v26 =	vor.u32 s22, v3;
	s11 =	sadd.s32 $0x7, s22;
	v25 =	vshll.u32 v25, $0x4;
	v27 =	vld.idx.msk [tilespmem:v6+s23+$0x0], $0xffff  }
0x103: {  	v28 =	vmov s11;
	v25 =	vor.u32 v2, v25;
	v20 =	vld.idx.msk [tilespmem:v20+s29+$0x0], $0xffff  }
0x104: {  	s17 =	sadd.s32 $0x6, s22;
	v29 =	vor.u32 s11, v3;
	v28 =	vshll.u32 v28, $0x4;
	v30 =	vld.idx.msk [tilespmem:v21+s23+$0x0], $0xffff  }
0x105: {  	v7 =	vmul.f32 v7, v5;
	v31 =	vmov s17;
	v28 =	vor.u32 v2, v28;
	v23 =	vld.idx.msk [tilespmem:v23+s29+$0x0], $0xffff  }
0x106: {  	v10 =	vmul.f32 v14, v10;
	s11 =	sadd.s32 $0x5, s22;
	v32 =	vor.u32 s17, v3;
	v31 =	vshll.u32 v31, $0x4;
	v33 =	vld.idx.msk [tilespmem:v22+s23+$0x0], $0xffff  }
0x107: {  	v14 =	vmov s11;
	v5 =	vld.idx.msk [tilespmem:v26+s29+$0x0], $0xffff;
	v26 =	vor.u32 v2, v31;
	[tilespmem:v9+s23+$0x0] =	vst.idx.msk $0xffff, v7;
	v9 =	vmul.f32 v15, v13  }
0x108: {  	s17 =	sadd.s32 $0x4, s22;
	v31 =	vor.u32 s11, v3;
	v13 =	vshll.u32 v14, $0x4;
	v15 =	vmul.f32 v17, v16;
	v7 =	vld.idx.msk [tilespmem:v25+s23+$0x0], $0xffff;
	[tilespmem:v8+s23+$0x0] =	vst.idx.msk $0xffff, v10  }
0x109: {  	v16 =	vmul.f32 v24, v18;
	v8 =	vmov s17;
	v34 =	vor.u32 v2, v13;
	v10 =	vld.idx.msk [tilespmem:v29+s29+$0x0], $0xffff;
	[tilespmem:v12+s23+$0x0] =	vst.idx.msk $0xffff, v9  }
.Ltmp0:
0x10a: {  	s11 =	sadd.s32 $0x3, s22;
	v18 =	vor.u32 s17, v3;
	v24 =	vmul.f32 v27, v19;
	v8 =	vshll.u32 v8, $0x4;
	v14 =	vld.idx.msk [tilespmem:v28+s23+$0x0], $0xffff;
	[tilespmem:v11+s23+$0x0] =	vst.idx.msk $0xffff, v15;
	(pc) =	sbr.rel @p2 .LBB2_3-.Ltmp0, $4  }
0x10b: {  	v27 =	vmul.f32 v30, v20;
	v11 =	vmov s11;
	v13 =	vld.idx.msk [tilespmem:v32+s29+$0x0], $0xffff;
	[tilespmem:v4+s23+$0x0] =	vst.idx.msk $0xffff, v16;
	v4 =	vor.u32 v2, v8  }
0x10c: {  	s25 =	sadd.s32 $0x2, s22;
	v19 =	vor.u32 s11, v3;
	v20 =	vshll.u32 v11, $0x4;
	v23 =	vmul.f32 v33, v23;
	v15 =	vld.idx.msk [tilespmem:v26+s23+$0x0], $0xffff;
	[tilespmem:v6+s23+$0x0] =	vst.idx.msk $0xffff, v24  }
0x10d: {  	v17 =	vmov s25;
	v9 =	vmovc v25;
	v6 =	vor.u32 v2, v20;
	v8 =	vmov v28;
	v16 =	vld.idx.msk [tilespmem:v31+s29+$0x0], $0xffff;
	[tilespmem:v21+s23+$0x0] =	vst.idx.msk $0xffff, v27  }
0x10e: {  	s17 =	sadd.s32 $0x1, s22;
	s22 =	sadd.s32 $0x8, s22;
	v12 =	vmovc v26;
	v20 =	vor.u32 s25, v3;
	v21 =	vshll.u32 v17, $0x4;
	v11 =	vmov v34;
	v17 =	vld.idx.msk [tilespmem:v34+s23+$0x0], $0xffff;
	[tilespmem:v22+s23+$0x0] =	vst.idx.msk $0xffff, v23  }
0x10f: {  	_ =	sdelay $0x3  }
0x110: {  	v22 =	vmov s17;
	v21 =	vor.u32 v2, v21;
	v18 =	vld.idx.msk [tilespmem:v18+s29+$0x0], $0xffff  }
0x111: {  	v3 =	vor.u32 s17, v3;
	v23 =	vld.idx.msk [tilespmem:v4+s23+$0x0], $0xffff;
	v22 =	vshll.u32 v22, $0x4  }
0x112: {  	v19 =	vld.idx.msk [tilespmem:v19+s29+$0x0], $0xffff;
	v22 =	vor.u32 v2, v22  }
0x113: {  	v24 =	vld.idx.msk [tilespmem:v6+s23+$0x0], $0xffff  }
0x114: {  	v20 =	vld.idx.msk [tilespmem:v20+s29+$0x0], $0xffff  }
0x115: {  	v5 =	vmul.f32 v7, v5;
	v25 =	vld.idx.msk [tilespmem:v21+s23+$0x0], $0xffff  }
0x116: {  	v7 =	vmul.f32 v14, v10;
	v3 =	vld.idx.msk [tilespmem:v3+s29+$0x0], $0xffff  }
0x117: {  	[tilespmem:v9+s23+$0x0] =	vst.idx.msk $0xffff, v5;
	v5 =	vmul.f32 v15, v13;
	v10 =	vld.idx.msk [tilespmem:v22+s23+$0x0], $0xffff  }
0x118: {  	[tilespmem:v8+s23+$0x0] =	vst.idx.msk $0xffff, v7;
	v9 =	vmul.f32 v17, v16  }
0x119: {  	[tilespmem:v12+s23+$0x0] =	vst.idx.msk $0xffff, v5;
	v7 =	vmul.f32 v23, v18  }
0x11a: {  	v5 =	vmul.f32 v24, v19;
	[tilespmem:v11+s23+$0x0] =	vst.idx.msk $0xffff, v9  }
0x11b: {  	[tilespmem:v4+s23+$0x0] =	vst.idx.msk $0xffff, v7;
	v8 =	vmul.f32 v25, v20  }
0x11c: {  	s22 =	sshll.u32 s19, $0xB;
	[tilespmem:v6+s23+$0x0] =	vst.idx.msk $0xffff, v5;
	v3 =	vmul.f32 v10, v3  }
0x11d: {  	s11 =	sshrl.u32 s22, $0x2;
	[tilespmem:v21+s23+$0x0] =	vst.idx.msk $0xffff, v8  }
0x11e: {  	s11 =	sadd.s32 $0x2800, s11;
	[tilespmem:v22+s23+$0x0] =	vst.idx.msk $0xffff, v3  }
0x11f: {  	[spmem:s1] =	stream.indirect.scatter.add.f32 [tilespmem:s23], [sflag:$0x5], $0x10, s11, s30, $0xb8;
	[tilespmem:$0xEB80] =	vst v63  }
0x120: {  	s25 =	sor.u32 $0x1, s21;
	s12 =	simm.s32 $0x0  }
0x121: {  	[spmem:s3] =	stream.indirect.scatter.add.f32 [tilespmem:s4], [sflag:$0x9], $0x1, s11, s30, $0xb8;
	[tilespmem:$0xEB80] =	vst v63  }
0x122: {  	s25 =	sshll.u32 s25, $0x7;
	v4 =	vmov s12;
	_ =	swait.ge [sflag:s7], $0x800  }
0x123: {  	v4 =	vshll.u32 v4, $0x4;
	v3 =	vmov s25;
	s11 =	simm.s32 $0x7;
	[sflag:s7] =	ssyncset.done $0x0  }
0x124: {  	s17 =	simm.s32 @!p1 $0x8;
	v9 =	vor.u32 v2, v4;
	v5 =	vor.u32 s12, v3;
	v4 =	vmov s11;
	[sflag:s7] =	ssyncadd.s32 $0xFFFFF800  }
0x125: {  	s12 =	sor.u32 $0x3, s21;
	v6 =	vor.u32 s11, v3;
	v4 =	vshll.u32 v4, $0x4;
	_ =	swait.ge @!p1 [sflag:s17], $0x800  }
0x126: {  	s21 =	sshll.u32 s12, $0x7;
	s12 =	simm.s32 $0x5;
	v8 =	vor.u32 v2, v4;
	[sflag:s17] =	ssyncset.done @!p1 $0x0  }
0x127: {  	v16 =	vor.u32 s12, v3;
	[sflag:s17] =	ssyncadd.s32 @!p1 $0xFFFFF800;
	s17 =	simm.s32 $0x6  }
0x128: {  	v10 =	vmov s12;
	[tilespmem:s8], [sflag:$0x4] =	stream.indirect.gather [spmem:s2], $0x10, s21, s30, $0xb8;
	v4 =	vor.u32 s17, v3;
	[tilespmem:$0xEB80] =	vst v63  }
0x129: {  	v10 =	vshll.u32 v10, $0x4;
	v7 =	vmov s17;
	v5 =	vld.idx.msk [tilespmem:v5+s29+$0x0], $0xffff  }
0x12a: {  	s12 =	simm.s32 $0x4;
	v11 =	vor.u32 v2, v10;
	v7 =	vshll.u32 v7, $0x4;
	v10 =	vld.idx.msk [tilespmem:v6+s29+$0x0], $0xffff  }
0x12b: {  	v6 =	vmov s12;
	v14 =	vld.idx.msk [tilespmem:v8+s31+$0x0], $0xffff;
	v12 =	vor.u32 v2, v7  }
0x12c: {  	v18 =	vor.u32 s12, v3;
	s17 =	simm.s32 $0x3;
	v16 =	vld.idx.msk [tilespmem:v16+s29+$0x0], $0xffff;
	v6 =	vshll.u32 v6, $0x4  }
0x12d: {  	v17 =	vmov s17;
	s12 =	simm.s32 $0x2;
	v13 =	vld.idx.msk [tilespmem:v4+s29+$0x0], $0xffff;
	v4 =	vor.u32 v2, v6  }
0x12e: {  	v19 =	vor.u32 s17, v3;
	v7 =	vld.idx.msk [tilespmem:v9+s31+$0x0], $0xffff;
	v6 =	vshll.u32 v17, $0x4;
	v17 =	vmov s12  }
0x12f: {  	v6 =	vor.u32 v2, v6;
	v21 =	vshll.u32 v17, $0x4;
	v17 =	vld.idx.msk [tilespmem:v11+s31+$0x0], $0xffff  }
0x130: {  	s11 =	simm.s32 $0x1;
	s17 =	simm.s32 $0x8;
	v20 =	vor.u32 s12, v3;
	v15 =	vld.idx.msk [tilespmem:v12+s31+$0x0], $0xffff  }
.LBB2_5:
0x131: {  	p1 =	slt.u32 s17, $0x78;
	v22 =	vmov s11;
	v21 =	vor.u32 v2, v21;
	v18 =	vld.idx.msk [tilespmem:v18+s29+$0x0], $0xffff  }
0x132: {  	v23 =	vor.u32 s11, v3;
	v22 =	vshll.u32 v22, $0x4;
	v24 =	vld.idx.msk [tilespmem:v4+s31+$0x0], $0xffff  }
0x133: {  	v25 =	vmov s17;
	v22 =	vor.u32 v2, v22;
	v19 =	vld.idx.msk [tilespmem:v19+s29+$0x0], $0xffff  }
0x134: {  	v26 =	vor.u32 s17, v3;
	s11 =	sadd.s32 $0x7, s17;
	v25 =	vshll.u32 v25, $0x4;
	v27 =	vld.idx.msk [tilespmem:v6+s31+$0x0], $0xffff  }
0x135: {  	v28 =	vmov s11;
	v25 =	vor.u32 v2, v25;
	v20 =	vld.idx.msk [tilespmem:v20+s29+$0x0], $0xffff  }
0x136: {  	s12 =	sadd.s32 $0x6, s17;
	v29 =	vor.u32 s11, v3;
	v28 =	vshll.u32 v28, $0x4;
	v30 =	vld.idx.msk [tilespmem:v21+s31+$0x0], $0xffff  }
0x137: {  	v7 =	vmul.f32 v7, v5;
	v31 =	vmov s12;
	v28 =	vor.u32 v2, v28;
	v23 =	vld.idx.msk [tilespmem:v23+s29+$0x0], $0xffff  }
0x138: {  	v10 =	vmul.f32 v14, v10;
	s11 =	sadd.s32 $0x5, s17;
	v32 =	vor.u32 s12, v3;
	v31 =	vshll.u32 v31, $0x4;
	v33 =	vld.idx.msk [tilespmem:v22+s31+$0x0], $0xffff  }
0x139: {  	v14 =	vmov s11;
	v5 =	vld.idx.msk [tilespmem:v26+s29+$0x0], $0xffff;
	v26 =	vor.u32 v2, v31;
	[tilespmem:v9+s31+$0x0] =	vst.idx.msk $0xffff, v7;
	v9 =	vmul.f32 v15, v13  }
0x13a: {  	s12 =	sadd.s32 $0x4, s17;
	v31 =	vor.u32 s11, v3;
	v13 =	vshll.u32 v14, $0x4;
	v15 =	vmul.f32 v17, v16;
	v7 =	vld.idx.msk [tilespmem:v25+s31+$0x0], $0xffff;
	[tilespmem:v8+s31+$0x0] =	vst.idx.msk $0xffff, v10  }
0x13b: {  	v16 =	vmul.f32 v24, v18;
	v8 =	vmov s12;
	v34 =	vor.u32 v2, v13;
	v10 =	vld.idx.msk [tilespmem:v29+s29+$0x0], $0xffff;
	[tilespmem:v12+s31+$0x0] =	vst.idx.msk $0xffff, v9  }
.Ltmp1:
0x13c: {  	s11 =	sadd.s32 $0x3, s17;
	v18 =	vor.u32 s12, v3;
	v24 =	vmul.f32 v27, v19;
	v8 =	vshll.u32 v8, $0x4;
	v14 =	vld.idx.msk [tilespmem:v28+s31+$0x0], $0xffff;
	[tilespmem:v11+s31+$0x0] =	vst.idx.msk $0xffff, v15;
	(pc) =	sbr.rel @p1 .LBB2_5-.Ltmp1, $4  }
0x13d: {  	v27 =	vmul.f32 v30, v20;
	v11 =	vmov s11;
	v13 =	vld.idx.msk [tilespmem:v32+s29+$0x0], $0xffff;
	[tilespmem:v4+s31+$0x0] =	vst.idx.msk $0xffff, v16;
	v4 =	vor.u32 v2, v8  }
0x13e: {  	s12 =	sadd.s32 $0x2, s17;
	v19 =	vor.u32 s11, v3;
	v20 =	vshll.u32 v11, $0x4;
	v23 =	vmul.f32 v33, v23;
	v15 =	vld.idx.msk [tilespmem:v26+s31+$0x0], $0xffff;
	[tilespmem:v6+s31+$0x0] =	vst.idx.msk $0xffff, v24  }
0x13f: {  	v17 =	vmov s12;
	v9 =	vmovc v25;
	v6 =	vor.u32 v2, v20;
	v8 =	vmov v28;
	v16 =	vld.idx.msk [tilespmem:v31+s29+$0x0], $0xffff;
	[tilespmem:v21+s31+$0x0] =	vst.idx.msk $0xffff, v27  }
0x140: {  	v12 =	vmovc v26;
	s11 =	sadd.s32 $0x1, s17;
	s17 =	sadd.s32 $0x8, s17;
	v20 =	vor.u32 s12, v3;
	v21 =	vshll.u32 v17, $0x4;
	v11 =	vmov v34;
	v17 =	vld.idx.msk [tilespmem:v34+s31+$0x0], $0xffff;
	[tilespmem:v22+s31+$0x0] =	vst.idx.msk $0xffff, v23  }
0x141: {  	_ =	sdelay $0x3  }
0x142: {  	v22 =	vmov s11;
	v21 =	vor.u32 v2, v21;
	v18 =	vld.idx.msk [tilespmem:v18+s29+$0x0], $0xffff  }
0x143: {  	v3 =	vor.u32 s11, v3;
	v23 =	vld.idx.msk [tilespmem:v4+s31+$0x0], $0xffff;
	v22 =	vshll.u32 v22, $0x4  }
0x144: {  	v19 =	vld.idx.msk [tilespmem:v19+s29+$0x0], $0xffff;
	v22 =	vor.u32 v2, v22  }
0x145: {  	v24 =	vld.idx.msk [tilespmem:v6+s31+$0x0], $0xffff  }
0x146: {  	v20 =	vld.idx.msk [tilespmem:v20+s29+$0x0], $0xffff  }
0x147: {  	v5 =	vmul.f32 v7, v5;
	v25 =	vld.idx.msk [tilespmem:v21+s31+$0x0], $0xffff  }
0x148: {  	v7 =	vmul.f32 v14, v10;
	v3 =	vld.idx.msk [tilespmem:v3+s29+$0x0], $0xffff  }
0x149: {  	[tilespmem:v9+s31+$0x0] =	vst.idx.msk $0xffff, v5;
	v5 =	vmul.f32 v15, v13;
	v10 =	vld.idx.msk [tilespmem:v22+s31+$0x0], $0xffff  }
0x14a: {  	[tilespmem:v8+s31+$0x0] =	vst.idx.msk $0xffff, v7;
	v9 =	vmul.f32 v17, v16  }
0x14b: {  	[tilespmem:v12+s31+$0x0] =	vst.idx.msk $0xffff, v5;
	v7 =	vmul.f32 v23, v18  }
0x14c: {  	v5 =	vmul.f32 v24, v19;
	[tilespmem:v11+s31+$0x0] =	vst.idx.msk $0xffff, v9  }
0x14d: {  	[tilespmem:v4+s31+$0x0] =	vst.idx.msk $0xffff, v7;
	v8 =	vmul.f32 v25, v20  }
0x14e: {  	[tilespmem:v6+s31+$0x0] =	vst.idx.msk $0xffff, v5;
	v3 =	vmul.f32 v10, v3  }
0x14f: {  	s17 =	sand.u32 $0x3FFFFF80, s25;
	[tilespmem:v21+s31+$0x0] =	vst.idx.msk $0xffff, v8  }
0x150: {  	s11 =	sadd.s32 $0x2800, s17;
	[tilespmem:v22+s31+$0x0] =	vst.idx.msk $0xffff, v3  }
0x151: {  	[spmem:s1] =	stream.indirect.scatter.add.f32 [tilespmem:s31], [sflag:$0x6], $0x10, s11, s30, $0xb8;
	[tilespmem:$0xEB80] =	vst v63  }
0x152: {  	_ = 	snop  }
0x153: {  	[spmem:s3] =	stream.indirect.scatter.add.f32 [tilespmem:s4], [sflag:$0x9], $0x1, s11, s30, $0xb8;
	[tilespmem:$0xEB80] =	vst v63  }
0x154: {  	_ =	swait.ge [sflag:s9], $0x800  }
0x155: {  	p1 =	seq.s32 s19, $0x13;
	s12 =	simm.s32 $0x0;
	[sflag:s9] =	ssyncset.done $0x0  }
0x156: {  	v4 =	vmov s12;
	v3 =	vmov s20;
	s11 =	simm.s32 @!p1 $0x5;
	[sflag:s9] =	ssyncadd.s32 $0xFFFFF800  }
0x157: {  	s22 =	sshrl.u32 @!p1 s22, $0x2;
	v4 =	vshll.u32 v4, $0x4;
	v5 =	vor.u32 s12, v3;
	s12 =	simm.s32 $0x7;
	_ =	swait.ge @!p1 [sflag:s11], $0x800  }
0x158: {  	s17 =	simm.s32 @!p1 $0x80;
	s25 =	simm.s32 @!p1 $0x7900;
	v9 =	vor.u32 v2, v4;
	v4 =	vmov s12;
	[sflag:s11] =	ssyncset.done @!p1 $0x0  }
0x159: {  	v6 =	vor.u32 s12, v3;
	s12 =	simm.s32 $0x6;
	v4 =	vshll.u32 v4, $0x4;
	[sflag:s11] =	ssyncadd.s32 @!p1 $0xFFFFF800;
	s11 =	sadd.s32 @!p1 $0x200, s22  }
0x15a: {  	v7 =	vmov s12;
	v8 =	vor.u32 v2, v4;
	[tilespmem:s25], [sflag:$0x1] =	stream.indirect.gather @!p1 [spmem:s2], $0x10, s11, s17, $0xb8;
	[tilespmem:$0xEB80] =	vst v63  }
0x15b: {  	v4 =	vor.u32 s12, v3;
	v7 =	vshll.u32 v7, $0x4;
	s25 =	simm.s32 $0x5  }
0x15c: {  	v12 =	vor.u32 v2, v7;
	v5 =	vld.idx.msk [tilespmem:v5+s29+$0x0], $0xffff;
	v10 =	vmov s25  }
0x15d: {  	s12 =	simm.s32 $0x4;
	v7 =	vld.idx.msk [tilespmem:v9+s28+$0x0], $0xffff;
	v16 =	vor.u32 s25, v3;
	v10 =	vshll.u32 v10, $0x4  }
0x15e: {  	v11 =	vor.u32 v2, v10;
	v10 =	vld.idx.msk [tilespmem:v6+s29+$0x0], $0xffff;
	v6 =	vmov s12  }
0x15f: {  	v18 =	vor.u32 s12, v3;
	s17 =	simm.s32 $0x3;
	v14 =	vld.idx.msk [tilespmem:v8+s28+$0x0], $0xffff;
	v6 =	vshll.u32 v6, $0x4  }
0x160: {  	v13 =	vld.idx.msk [tilespmem:v4+s29+$0x0], $0xffff;
	v17 =	vmov s17;
	v4 =	vor.u32 v2, v6  }
0x161: {  	s25 =	simm.s32 $0x2;
	v15 =	vld.idx.msk [tilespmem:v12+s28+$0x0], $0xffff;
	v19 =	vor.u32 s17, v3;
	v6 =	vshll.u32 v17, $0x4  }
0x162: {  	v17 =	vmov s25;
	v16 =	vld.idx.msk [tilespmem:v16+s29+$0x0], $0xffff;
	v6 =	vor.u32 v2, v6  }
0x163: {  	s11 =	simm.s32 $0x1;
	s17 =	simm.s32 $0x8;
	v20 =	vor.u32 s25, v3;
	v21 =	vshll.u32 v17, $0x4;
	v17 =	vld.idx.msk [tilespmem:v11+s28+$0x0], $0xffff  }
.LBB2_7:
0x164: {  	p2 =	slt.u32 s17, $0x78;
	v22 =	vmov s11;
	v21 =	vor.u32 v2, v21;
	v18 =	vld.idx.msk [tilespmem:v18+s29+$0x0], $0xffff  }
0x165: {  	v23 =	vor.u32 s11, v3;
	v22 =	vshll.u32 v22, $0x4;
	v24 =	vld.idx.msk [tilespmem:v4+s28+$0x0], $0xffff  }
0x166: {  	v25 =	vmov s17;
	v22 =	vor.u32 v2, v22;
	v19 =	vld.idx.msk [tilespmem:v19+s29+$0x0], $0xffff  }
0x167: {  	v26 =	vor.u32 s17, v3;
	s11 =	sadd.s32 $0x7, s17;
	v25 =	vshll.u32 v25, $0x4;
	v27 =	vld.idx.msk [tilespmem:v6+s28+$0x0], $0xffff  }
0x168: {  	v28 =	vmov s11;
	v25 =	vor.u32 v2, v25;
	v20 =	vld.idx.msk [tilespmem:v20+s29+$0x0], $0xffff  }
0x169: {  	s12 =	sadd.s32 $0x6, s17;
	v29 =	vor.u32 s11, v3;
	v28 =	vshll.u32 v28, $0x4;
	v30 =	vld.idx.msk [tilespmem:v21+s28+$0x0], $0xffff  }
0x16a: {  	v7 =	vmul.f32 v7, v5;
	v31 =	vmov s12;
	v28 =	vor.u32 v2, v28;
	v23 =	vld.idx.msk [tilespmem:v23+s29+$0x0], $0xffff  }
0x16b: {  	v10 =	vmul.f32 v14, v10;
	s11 =	sadd.s32 $0x5, s17;
	v32 =	vor.u32 s12, v3;
	v31 =	vshll.u32 v31, $0x4;
	v33 =	vld.idx.msk [tilespmem:v22+s28+$0x0], $0xffff  }
0x16c: {  	v14 =	vmov s11;
	v5 =	vld.idx.msk [tilespmem:v26+s29+$0x0], $0xffff;
	v26 =	vor.u32 v2, v31;
	[tilespmem:v9+s28+$0x0] =	vst.idx.msk $0xffff, v7;
	v9 =	vmul.f32 v15, v13  }
0x16d: {  	s12 =	sadd.s32 $0x4, s17;
	v31 =	vor.u32 s11, v3;
	v13 =	vshll.u32 v14, $0x4;
	v15 =	vmul.f32 v17, v16;
	v7 =	vld.idx.msk [tilespmem:v25+s28+$0x0], $0xffff;
	[tilespmem:v8+s28+$0x0] =	vst.idx.msk $0xffff, v10  }
0x16e: {  	v16 =	vmul.f32 v24, v18;
	v8 =	vmov s12;
	v34 =	vor.u32 v2, v13;
	v10 =	vld.idx.msk [tilespmem:v29+s29+$0x0], $0xffff;
	[tilespmem:v12+s28+$0x0] =	vst.idx.msk $0xffff, v9  }
.Ltmp2:
0x16f: {  	s11 =	sadd.s32 $0x3, s17;
	v18 =	vor.u32 s12, v3;
	v24 =	vmul.f32 v27, v19;
	v8 =	vshll.u32 v8, $0x4;
	v14 =	vld.idx.msk [tilespmem:v28+s28+$0x0], $0xffff;
	[tilespmem:v11+s28+$0x0] =	vst.idx.msk $0xffff, v15;
	(pc) =	sbr.rel @p2 .LBB2_7-.Ltmp2, $4  }
0x170: {  	v27 =	vmul.f32 v30, v20;
	v11 =	vmov s11;
	v13 =	vld.idx.msk [tilespmem:v32+s29+$0x0], $0xffff;
	[tilespmem:v4+s28+$0x0] =	vst.idx.msk $0xffff, v16;
	v4 =	vor.u32 v2, v8  }
0x171: {  	s12 =	sadd.s32 $0x2, s17;
	v19 =	vor.u32 s11, v3;
	v20 =	vshll.u32 v11, $0x4;
	v23 =	vmul.f32 v33, v23;
	v15 =	vld.idx.msk [tilespmem:v26+s28+$0x0], $0xffff;
	[tilespmem:v6+s28+$0x0] =	vst.idx.msk $0xffff, v24  }
0x172: {  	v17 =	vmov s12;
	v9 =	vmovc v25;
	v6 =	vor.u32 v2, v20;
	v8 =	vmov v28;
	v16 =	vld.idx.msk [tilespmem:v31+s29+$0x0], $0xffff;
	[tilespmem:v21+s28+$0x0] =	vst.idx.msk $0xffff, v27  }
0x173: {  	v12 =	vmovc v26;
	s11 =	sadd.s32 $0x1, s17;
	s17 =	sadd.s32 $0x8, s17;
	v20 =	vor.u32 s12, v3;
	v21 =	vshll.u32 v17, $0x4;
	v11 =	vmov v34;
	v17 =	vld.idx.msk [tilespmem:v34+s28+$0x0], $0xffff;
	[tilespmem:v22+s28+$0x0] =	vst.idx.msk $0xffff, v23  }
0x174: {  	_ =	sdelay $0x3  }
0x175: {  	v22 =	vmov s11;
	v21 =	vor.u32 v2, v21;
	v18 =	vld.idx.msk [tilespmem:v18+s29+$0x0], $0xffff  }
0x176: {  	v3 =	vor.u32 s11, v3;
	v23 =	vld.idx.msk [tilespmem:v4+s28+$0x0], $0xffff;
	v22 =	vshll.u32 v22, $0x4  }
0x177: {  	v19 =	vld.idx.msk [tilespmem:v19+s29+$0x0], $0xffff;
	v22 =	vor.u32 v2, v22  }
0x178: {  	v24 =	vld.idx.msk [tilespmem:v6+s28+$0x0], $0xffff  }
0x179: {  	v20 =	vld.idx.msk [tilespmem:v20+s29+$0x0], $0xffff  }
0x17a: {  	v5 =	vmul.f32 v7, v5;
	v25 =	vld.idx.msk [tilespmem:v21+s28+$0x0], $0xffff  }
0x17b: {  	v7 =	vmul.f32 v14, v10;
	v3 =	vld.idx.msk [tilespmem:v3+s29+$0x0], $0xffff  }
0x17c: {  	[tilespmem:v9+s28+$0x0] =	vst.idx.msk $0xffff, v5;
	v5 =	vmul.f32 v15, v13;
	v10 =	vld.idx.msk [tilespmem:v22+s28+$0x0], $0xffff  }
0x17d: {  	[tilespmem:v8+s28+$0x0] =	vst.idx.msk $0xffff, v7;
	v9 =	vmul.f32 v17, v16  }
0x17e: {  	[tilespmem:v12+s28+$0x0] =	vst.idx.msk $0xffff, v5;
	v7 =	vmul.f32 v23, v18  }
0x17f: {  	v5 =	vmul.f32 v24, v19;
	[tilespmem:v11+s28+$0x0] =	vst.idx.msk $0xffff, v9  }
0x180: {  	[tilespmem:v4+s28+$0x0] =	vst.idx.msk $0xffff, v7;
	v8 =	vmul.f32 v25, v20  }
0x181: {  	[tilespmem:v6+s28+$0x0] =	vst.idx.msk $0xffff, v5;
	v3 =	vmul.f32 v10, v3  }
0x182: {  	[tilespmem:v21+s28+$0x0] =	vst.idx.msk $0xffff, v8  }
0x183: {  	s20 =	sadd.s32 $0x2800, s20;
	[tilespmem:v22+s28+$0x0] =	vst.idx.msk $0xffff, v3  }
0x184: {  	[spmem:s1] =	stream.indirect.scatter.add.f32 [tilespmem:s28], [sflag:$0x7], $0x10, s20, s30, $0xb8;
	[tilespmem:$0xEB80] =	vst v63  }
0x185: {  	_ = 	snop  }
0x186: {  	[spmem:s3] =	stream.indirect.scatter.add.f32 [tilespmem:s4], [sflag:$0x9], $0x1, s20, s30, $0xb8;
	[tilespmem:$0xEB80] =	vst v63  }
0x187: {  	_ =	swait.ge [sflag:s10], $0x800  }
0x188: {  	s12 =	simm.s32 $0x0;
	[sflag:s10] =	ssyncset.done $0x0  }
0x189: {  	s11 =	simm.s32 @!p1 $0x6;
	v4 =	vmov s12;
	v3 =	vmov s21;
	[sflag:s10] =	ssyncadd.s32 $0xFFFFF800  }
0x18a: {  	s25 =	simm.s32 $0x7;
	v4 =	vshll.u32 v4, $0x4;
	v5 =	vor.u32 s12, v3;
	_ =	swait.ge @!p1 [sflag:s11], $0x800  }
0x18b: {  	s17 =	simm.s32 @!p1 $0x80;
	v9 =	vor.u32 v2, v4;
	v4 =	vmov s25;
	v6 =	vor.u32 s25, v3;
	s25 =	simm.s32 $0x6;
	[sflag:s11] =	ssyncset.done @!p1 $0x0  }
0x18c: {  	v4 =	vshll.u32 v4, $0x4;
	s20 =	simm.s32 @!p1 $0x8100;
	[sflag:s11] =	ssyncadd.s32 @!p1 $0xFFFFF800;
	s11 =	sadd.s32 @!p1 $0x280, s22  }
0x18d: {  	v8 =	vor.u32 v2, v4;
	v7 =	vmov s25;
	[tilespmem:s20], [sflag:$0x2] =	stream.indirect.gather @!p1 [spmem:s2], $0x10, s11, s17, $0xb8;
	[tilespmem:$0xEB80] =	vst v63  }
0x18e: {  	v4 =	vor.u32 s25, v3;
	v7 =	vshll.u32 v7, $0x4;
	s17 =	simm.s32 $0x5  }
0x18f: {  	v12 =	vor.u32 v2, v7;
	v5 =	vld.idx.msk [tilespmem:v5+s29+$0x0], $0xffff;
	v10 =	vmov s17  }
0x190: {  	s20 =	simm.s32 $0x4;
	v7 =	vld.idx.msk [tilespmem:v9+s8+$0x0], $0xffff;
	v16 =	vor.u32 s17, v3;
	v10 =	vshll.u32 v10, $0x4  }
0x191: {  	v11 =	vor.u32 v2, v10;
	v10 =	vld.idx.msk [tilespmem:v6+s29+$0x0], $0xffff;
	v6 =	vmov s20  }
0x192: {  	s22 =	simm.s32 $0x3;
	v14 =	vld.idx.msk [tilespmem:v8+s8+$0x0], $0xffff;
	v18 =	vor.u32 s20, v3;
	v6 =	vshll.u32 v6, $0x4  }
0x193: {  	v17 =	vmov s22;
	v13 =	vld.idx.msk [tilespmem:v4+s29+$0x0], $0xffff;
	v4 =	vor.u32 v2, v6  }
0x194: {  	s25 =	simm.s32 $0x2;
	v19 =	vor.u32 s22, v3;
	v15 =	vld.idx.msk [tilespmem:v12+s8+$0x0], $0xffff;
	v6 =	vshll.u32 v17, $0x4  }
0x195: {  	v17 =	vmov s25;
	v16 =	vld.idx.msk [tilespmem:v16+s29+$0x0], $0xffff;
	v6 =	vor.u32 v2, v6  }
0x196: {  	v20 =	vor.u32 s25, v3;
	s11 =	simm.s32 $0x1;
	s17 =	simm.s32 $0x8;
	v21 =	vshll.u32 v17, $0x4;
	v17 =	vld.idx.msk [tilespmem:v11+s8+$0x0], $0xffff  }
.LBB2_9:
0x197: {  	p1 =	slt.u32 s17, $0x78;
	v22 =	vmov s11;
	v21 =	vor.u32 v2, v21;
	v18 =	vld.idx.msk [tilespmem:v18+s29+$0x0], $0xffff  }
0x198: {  	v23 =	vor.u32 s11, v3;
	v22 =	vshll.u32 v22, $0x4;
	v24 =	vld.idx.msk [tilespmem:v4+s8+$0x0], $0xffff  }
0x199: {  	v25 =	vmov s17;
	v22 =	vor.u32 v2, v22;
	v19 =	vld.idx.msk [tilespmem:v19+s29+$0x0], $0xffff  }
0x19a: {  	v26 =	vor.u32 s17, v3;
	s11 =	sadd.s32 $0x7, s17;
	v25 =	vshll.u32 v25, $0x4;
	v27 =	vld.idx.msk [tilespmem:v6+s8+$0x0], $0xffff  }
0x19b: {  	v28 =	vmov s11;
	v25 =	vor.u32 v2, v25;
	v20 =	vld.idx.msk [tilespmem:v20+s29+$0x0], $0xffff  }
0x19c: {  	s12 =	sadd.s32 $0x6, s17;
	v29 =	vor.u32 s11, v3;
	v28 =	vshll.u32 v28, $0x4;
	v30 =	vld.idx.msk [tilespmem:v21+s8+$0x0], $0xffff  }
0x19d: {  	v7 =	vmul.f32 v7, v5;
	v31 =	vmov s12;
	v28 =	vor.u32 v2, v28;
	v23 =	vld.idx.msk [tilespmem:v23+s29+$0x0], $0xffff  }
0x19e: {  	v10 =	vmul.f32 v14, v10;
	s11 =	sadd.s32 $0x5, s17;
	v32 =	vor.u32 s12, v3;
	v31 =	vshll.u32 v31, $0x4;
	v33 =	vld.idx.msk [tilespmem:v22+s8+$0x0], $0xffff  }
0x19f: {  	v14 =	vmov s11;
	v5 =	vld.idx.msk [tilespmem:v26+s29+$0x0], $0xffff;
	v26 =	vor.u32 v2, v31;
	[tilespmem:v9+s8+$0x0] =	vst.idx.msk $0xffff, v7;
	v9 =	vmul.f32 v15, v13  }
0x1a0: {  	s12 =	sadd.s32 $0x4, s17;
	v31 =	vor.u32 s11, v3;
	v13 =	vshll.u32 v14, $0x4;
	v15 =	vmul.f32 v17, v16;
	v7 =	vld.idx.msk [tilespmem:v25+s8+$0x0], $0xffff;
	[tilespmem:v8+s8+$0x0] =	vst.idx.msk $0xffff, v10  }
0x1a1: {  	v16 =	vmul.f32 v24, v18;
	v8 =	vmov s12;
	v34 =	vor.u32 v2, v13;
	v10 =	vld.idx.msk [tilespmem:v29+s29+$0x0], $0xffff;
	[tilespmem:v12+s8+$0x0] =	vst.idx.msk $0xffff, v9  }
.Ltmp3:
0x1a2: {  	s11 =	sadd.s32 $0x3, s17;
	v18 =	vor.u32 s12, v3;
	v24 =	vmul.f32 v27, v19;
	v8 =	vshll.u32 v8, $0x4;
	v14 =	vld.idx.msk [tilespmem:v28+s8+$0x0], $0xffff;
	[tilespmem:v11+s8+$0x0] =	vst.idx.msk $0xffff, v15;
	(pc) =	sbr.rel @p1 .LBB2_9-.Ltmp3, $4  }
0x1a3: {  	v27 =	vmul.f32 v30, v20;
	v11 =	vmov s11;
	v13 =	vld.idx.msk [tilespmem:v32+s29+$0x0], $0xffff;
	[tilespmem:v4+s8+$0x0] =	vst.idx.msk $0xffff, v16;
	v4 =	vor.u32 v2, v8  }
0x1a4: {  	s12 =	sadd.s32 $0x2, s17;
	v19 =	vor.u32 s11, v3;
	v20 =	vshll.u32 v11, $0x4;
	v23 =	vmul.f32 v33, v23;
	v15 =	vld.idx.msk [tilespmem:v26+s8+$0x0], $0xffff;
	[tilespmem:v6+s8+$0x0] =	vst.idx.msk $0xffff, v24  }
0x1a5: {  	v17 =	vmov s12;
	v9 =	vmovc v25;
	v6 =	vor.u32 v2, v20;
	v8 =	vmov v28;
	v16 =	vld.idx.msk [tilespmem:v31+s29+$0x0], $0xffff;
	[tilespmem:v21+s8+$0x0] =	vst.idx.msk $0xffff, v27  }
0x1a6: {  	v12 =	vmovc v26;
	s11 =	sadd.s32 $0x1, s17;
	s17 =	sadd.s32 $0x8, s17;
	v20 =	vor.u32 s12, v3;
	v21 =	vshll.u32 v17, $0x4;
	v11 =	vmov v34;
	v17 =	vld.idx.msk [tilespmem:v34+s8+$0x0], $0xffff;
	[tilespmem:v22+s8+$0x0] =	vst.idx.msk $0xffff, v23  }
0x1a7: {  	_ =	sdelay $0x3  }
0x1a8: {  	v22 =	vmov s11;
	v21 =	vor.u32 v2, v21;
	v18 =	vld.idx.msk [tilespmem:v18+s29+$0x0], $0xffff  }
0x1a9: {  	v3 =	vor.u32 s11, v3;
	v23 =	vld.idx.msk [tilespmem:v4+s8+$0x0], $0xffff;
	v22 =	vshll.u32 v22, $0x4  }
0x1aa: {  	v19 =	vld.idx.msk [tilespmem:v19+s29+$0x0], $0xffff;
	v22 =	vor.u32 v2, v22  }
0x1ab: {  	v24 =	vld.idx.msk [tilespmem:v6+s8+$0x0], $0xffff  }
0x1ac: {  	v20 =	vld.idx.msk [tilespmem:v20+s29+$0x0], $0xffff  }
0x1ad: {  	v5 =	vmul.f32 v7, v5;
	v25 =	vld.idx.msk [tilespmem:v21+s8+$0x0], $0xffff  }
0x1ae: {  	v57 =	vmul.f32 v14, v10;
	v3 =	vld.idx.msk [tilespmem:v3+s29+$0x0], $0xffff  }
0x1af: {  	[tilespmem:v9+s8+$0x0] =	vst.idx.msk $0xffff, v5;
	v59 =	vmul.f32 v15, v13;
	v58 =	vld.idx.msk [tilespmem:v22+s8+$0x0], $0xffff  }
0x1b0: {  	[tilespmem:v8+s8+$0x0] =	vst.idx.msk $0xffff, v57;
	v60 =	vmul.f32 v17, v16  }
0x1b1: {  	[tilespmem:v12+s8+$0x0] =	vst.idx.msk $0xffff, v59;
	v61 =	vmul.f32 v23, v18  }
0x1b2: {  	v62 =	vmul.f32 v24, v19;
	[tilespmem:v11+s8+$0x0] =	vst.idx.msk $0xffff, v60  }
0x1b3: {  	s19 =	sadd.s32 $0x1, s19;
	[tilespmem:v4+s8+$0x0] =	vst.idx.msk $0xffff, v61;
	v63 =	vmul.f32 v25, v20  }
0x1b4: {  	p1 =	sne.s32 s19, $0x14;
	[tilespmem:v6+s8+$0x0] =	vst.idx.msk $0xffff, v62;
	v3 =	vmul.f32 v58, v3  }
.Ltmp4:
0x1b5: {  	[tilespmem:v21+s8+$0x0] =	vst.idx.msk $0xffff, v63;
	(pc) =	sbr.rel @p1 .LBB2_2-.Ltmp4, $4  }
0x1b6: {  	s25 =	sadd.s32 $0x2800, s21;
	[tilespmem:v22+s8+$0x0] =	vst.idx.msk $0xffff, v3  }
0x1b7: {  	[spmem:s1] =	stream.indirect.scatter.add.f32 [tilespmem:s8], [sflag:$0x8], $0x10, s25, s30, $0xb8;
	[tilespmem:$0xEB80] =	vst v63  }
0x1b8: {  	_ = 	snop  }
0x1b9: {  	[spmem:s3] =	stream.indirect.scatter.add.f32 [tilespmem:s4], [sflag:$0x9], $0x1, s25, s30, $0xb8;
	[tilespmem:$0xEB80] =	vst v63  }
0x1ba: {  	s11 =	simm.s32 $0x5  }
0x1bb: {  	_ =	swait.ge [sflag:s11], $0x800  }
0x1bc: {  	[sflag:s11] =	ssyncset.done $0x0  }
0x1bd: {  	s25 =	simm.s32 $0x6;
	[sflag:s11] =	ssyncadd.s32 $0xFFFFF800  }
0x1be: {  	_ =	swait.ge [sflag:s25], $0x800  }
0x1bf: {  	[sflag:s25] =	ssyncset.done $0x0  }
0x1c0: {  	[sflag:s25] =	ssyncadd.s32 $0xFFFFF800  }
0x1c1: {  	_ =	swait.ge [sflag:s13], $0x800  }
0x1c2: {  	[sflag:s13] =	ssyncset.done $0x0  }
0x1c3: {  	[sflag:s13] =	ssyncadd.s32 $0xFFFFF800  }
0x1c4: {  	_ =	swait.ge [sflag:s14], $0x800  }
0x1c5: {  	[sflag:s14] =	ssyncset.done $0x0  }
0x1c6: {  	[sflag:s14] =	ssyncadd.s32 $0xFFFFF800  }
0x1c7: {  	_ =	swait.ge [sflag:s15], $0x80  }
0x1c8: {  	s11 =	simm.s32 $0x4F;
	[sflag:s15] =	ssyncset.done $0x0  }
.LBB2_12:
0x1c9: {  	p1 =	sne.s32 s11, $0x1;
	s11 =	sadd.s32 $0xFFFFFFFF, s11;
	[sflag:s15] =	ssyncadd.s32 $0xFFFFFF80  }
.Ltmp5:
0x1ca: {  	(pc) =	sbr.rel @p1 .LBB2_12-.Ltmp5, $3  }
0x1cb: {  	_ =	sdelay $0x1  }
0x1cc: {  	_ =	swait.ge [sflag:s15], $0x80  }
0x1cd: {  	[sflag:s15] =	ssyncset.done $0x0  }
0x1ce: {  	[sflag:s15] =	ssyncadd.s32 $0xFFFFFF80  }
0x1cf: {  	[bflag:$0x0] =	sbarrier.arrive $0xFFFF  }
0x1d0: {  	s11 =	sshrl.u32 s6, $0x3;
	s12 =	rddreg [dreg:$0x13]  }
0x1d1: {  	[hbm:s12], [sflag:s18] =	dma.local [spmem:s11], $0x500  }
0x1d2: {  	_ =	swait.ge [sflag:s24], $0x500  }
0x1d3: {  	[sflag:s24] =	ssyncset.done $0x0  }
0x1d4: {  	s11 =	sshrl.u32 @!p0 s3, $0x3;
	s12 =	rddreg [dreg:$0x14];
	[sflag:s24] =	ssyncadd.s32 $0xFFFFFB00  }
0x1d5: {  	[hbm:s12], [sflag:s18] =	dma.local @!p0 [spmem:s11], $0x500  }
0x1d6: {  	s11 =	simm.s32 @!p0 $0xA  }
0x1d7: {  	_ =	swait.ge @!p0 [sflag:s11], $0x500  }
0x1d8: {  	s16 =	sadd.s32 $0x1, s16;
	s25 =	rddreg [dreg:$0x15]  }
0x1d9: {  	p1 =	sne.s32 s16, s25  }
.Ltmp6:
0x1da: {  	_ = 	snop;
	(pc) =	sbr.rel @p1 .LBB2_1-.Ltmp6, $3  }
0x1db: {  	_ =	sdelay $0x1  }
0x1dc: {  	[sflag:s11] =	ssyncset.done @!p0 $0x0  }
0x1dd: {  	[sflag:s11] =	ssyncadd.s32 @!p0 $0xFFFFFB00  }
0x1de: {  	_ =	sfence.sel $0x180000  }
0x1df: {  	[bflag:$0x0] =	sbarrier.arrive $0xFFFF  }
0x1e0: {  	_ =	strace $0x90000047  }
0x1e1: {  	[bflag:$0x2] =	sbarrier.arrive $0xFFFF  }
0x1e2: {  	s0 =	rddreg [dreg:$0x5]  }
0x1e3: {  	s0 =	sadd.s32 @!p0 $0x100000, s0  }
0x1e4: {  	[sflag:s0] =	ssyncadd.tile.s32 @!p0 $0x1;
	_ =	shalt  }
.Lfunc_end2:
_tile_overlayer_lowered:
.L_overlay_start_2:
0x1e5: {  	(tag) =	ssettag $0x2  }
0x1e6: {  	s0 =	rddreg [dreg:$0x0];
	s2 =	stileid.u32  }
0x1e7: {  	s1 =	rddreg [dreg:$0x1];
	p0 =	sne.s32 s2, $0x0  }
0x1e8: {  	s3 =	rddreg [dreg:$0x2];
	[bflag:$0x3] =	sbarrier.arrive $0xFFFF;
	s2 =	simm.s32 @!p0 $0x1C0A  }
0x1e9: {  	[timem:s3], [sflag:s2] =	dma.local @!p0 [hbm:s0], s1  }
0x1ea: {  	s0 =	simm.s32 @!p0 $0xA  }
0x1eb: {  	_ =	swait.ge @!p0 [sflag:s0], s1  }
0x1ec: {  	s1 =	ssub.s32 @!p0 $0x0, s1;
	[sflag:s0] =	ssyncset.done @!p0 $0x0  }
0x1ed: {  	[sflag:s0] =	ssyncadd.s32 @!p0 s1  }
0x1ee: {  	[bflag:$0x3] =	sbarrier.arrive $0xFFFF  }
0x1ef: {  	_ =	shalt  }

// kernel: kernel.9.cloned.1.call-start
scs
__scs_entry_jumppad:
0x0: {  	(pc) =	sbr.rel $0x88, $3  }
0x1: {  	(tag) =	ssettag $0x0;
	lr =	simm.s32 $0x1  }
0x2: {  	[smem:$0x3F96] =	sst lr;
	_ =	strace $0xD0000000  }
0x3: {  	_ = 	snop  }
0x4: {  	_ = 	snop  }
0x5: {  	_ = 	snop  }
0x6: {  	_ = 	snop  }
0x7: {  	_ = 	snop  }
__scs_overlays_trampoline_lowered:
0x8: {  	[smem:$0x3FA5] =	sst s0  }
0x9: {  	[smem:$0x3FA6] =	sst s1  }
0xa: {  	[smem:$0x3FA7] =	sst s2  }
0xb: {  	[smem:$0x3FA8] =	sst s3  }
0xc: {  	[smem:$0x3FA9] =	sst s4  }
0xd: {  	[smem:$0x3FAA] =	sst s5  }
0xe: {  	[smem:$0x3FAB] =	sst s6  }
0xf: {  	[smem:$0x3FAC] =	sst s7  }
0x10: {  	[smem:$0x3FAD] =	sst s8  }
0x11: {  	[smem:$0x3FAE] =	sst s9;
	s0 =	simm.s32 @!p0 $0x0  }
0x12: {  	s1 =	sld [smem:$0x3F94];
	s0 =	simm.s32 @p0 $0x1  }
0x13: {  	[smem:$0x3FAF] =	sst s0;
	s0 =	simm.s32 @!p1 $0x0  }
0x14: {  	s2 =	sld [smem:$0x3F93];
	s0 =	simm.s32 @p1 $0x1  }
0x15: {  	[smem:$0x3FB0] =	sst s0;
	s0 =	simm.s32 @!p2 $0x0  }
0x16: {  	s3 =	sld [smem:$0x3FDB];
	s0 =	simm.s32 @p2 $0x1  }
0x17: {  	s4 =	simm.s32 $0x1BF5;
	[smem:$0x3FB2] =	sst s0  }
0x18: {  	s0 =	sld [smem:$0x3F95];
	_ =	swait.ge [sflag:s4], $0x0  }
0x19: {  	s7 =	sld [smem:$0x3F96]  }
0x1a: {  	s8 =	sadd.s32 $0xFFFFE003, lr  }
0x1b: {  	s9 =	sadd.s32 $0xFFFFFEF7, lr;
	s5 =	simm.s32 $0xFFFFFFFF;
	p2 =	slt.u32 s8, $0xFFFFF086  }
0x1c: {  	p1 =	slt.u32 s9, $0xF7A;
	s5 =	simm.s32 @!p2 $0x0  }
0x1d: {  	s5 =	simm.s32 @p1 $0x1;
	p0 =	seq.s32 s7, s2  }
0x1e: {  	s7 =	smul.u32 @!p0 $0xF7A, s2;
	p2 =	seq.s32 @!p0 s5, $0x0  }
0x1f: {  	s9 =	smul.u32 $0xF7A, s1;
	s8 =	simm.s32 @!p0 $0x1BF5;
	p2 =	por !p2, p0  }
0x20: {  	[sflag:s8] =	ssyncset.s32 @!p0 $0xFFFFF086;
	s6 =	sadd.s32 @!p0 s3, s7;
	s7 =	simm.s32 @!p0 $0x108  }
0x21: {  	s3 =	sadd.s32 s3, s9;
	s6 =	sadd.s32 @!p0 $0x88, s6;
	s7 =	simm.s32 @p2 $0x1082  }
0x22: {  	[simem:s7], [sflag:s8] =	dma.local @!p0 [hbm:s6], $0xF7A  }
0x23: {  	s9 =	sor.u32 $0xD0000000, s2;
	s6 =	simm.s32 $0x108;
	_ =	swait.ge @!p0 [sflag:s8], $0x0  }
0x24: {  	s3 =	sadd.s32 $0x88, s3;
	s6 =	simm.s32 @!p1 $0x1082;
	[sflag:s4] =	ssyncset.s32 $0xFFFFF086  }
0x25: {  	[simem:s6], [sflag:s4] =	dma.local [hbm:s3], $0xF7A  }
0x26: {  	[smem:$0x3F96] =	sst s1;
	(tag) =	ssettag s2;
	_ =	strace s9  }
0x27: {  	s1 =	sld [smem:$0x3FA6]  }
0x28: {  	s2 =	sld [smem:$0x3FA7]  }
0x29: {  	s4 =	sld [smem:$0x3FA9]  }
0x2a: {  	p0 =	seq.s32 s5, $0x0;
	s5 =	sld [smem:$0x3FAA]  }
0x2b: {  	s6 =	sld [smem:$0x3FAB]  }
0x2c: {  	s7 =	sld [smem:$0x3FAC]  }
0x2d: {  	s3 =	simm.s32 $0x108;
	s8 =	sld [smem:$0x3FAD]  }
0x2e: {  	s3 =	simm.s32 @!p0 $0x1082;
	s9 =	sld [smem:$0x3FAE]  }
0x2f: {  	lr =	sadd.s32 s0, s3;
	s0 =	sld [smem:$0x3FA5]  }
0x30: {  	s3 =	sld [smem:$0x3FA8]  }
0x31: {  	[smem:$0x3FB1] =	sst s10  }
0x32: {  	s10 =	sld [smem:$0x3FAF];
	_ =	sdelay $0x3  }
0x33: {  	p0 =	seq.s32 s10, $0x1;
	s10 =	sld [smem:$0x3FB1];
	_ =	sdelay $0x3  }
0x34: {  	[smem:$0x3FB1] =	sst s10  }
0x35: {  	s10 =	sld [smem:$0x3FB0];
	_ =	sdelay $0x3  }
0x36: {  	p1 =	seq.s32 s10, $0x1;
	s10 =	sld [smem:$0x3FB1];
	_ =	sdelay $0x3  }
0x37: {  	[smem:$0x3FB1] =	sst s10  }
0x38: {  	s10 =	sld [smem:$0x3FB2]  }
0x39: {  	_ = 	snop;
	(pc) =	sbr.ind lr, $3  }
0x3a: {  	_ = 	snop  }
0x3b: {  	_ = 	snop  }
0x3c: {  	p2 =	seq.s32 s10, $0x1;
	s10 =	sld [smem:$0x3FB1]  }
0x3d: {  	_ =	shalt  }
0x3e: {  	_ =	shalt  }
0x3f: {  	_ =	shalt  }
0x40: {  	_ =	shalt  }
0x41: {  	_ =	shalt  }
0x42: {  	_ =	shalt  }
0x43: {  	_ =	shalt  }
0x44: {  	_ =	shalt  }
0x45: {  	_ =	shalt  }
0x46: {  	_ =	shalt  }
0x47: {  	_ =	shalt  }
0x48: {  	_ =	shalt  }
0x49: {  	_ =	shalt  }
0x4a: {  	_ =	shalt  }
0x4b: {  	_ =	shalt  }
0x4c: {  	_ =	shalt  }
0x4d: {  	_ =	shalt  }
0x4e: {  	_ =	shalt  }
0x4f: {  	_ =	shalt  }
0x50: {  	_ =	shalt  }
0x51: {  	_ =	shalt  }
0x52: {  	_ =	shalt  }
0x53: {  	_ =	shalt  }
0x54: {  	_ =	shalt  }
0x55: {  	_ =	shalt  }
0x56: {  	_ =	shalt  }
0x57: {  	_ =	shalt  }
0x58: {  	_ =	shalt  }
0x59: {  	_ =	shalt  }
0x5a: {  	_ =	shalt  }
0x5b: {  	_ =	shalt  }
0x5c: {  	_ =	shalt  }
0x5d: {  	_ =	shalt  }
0x5e: {  	_ =	shalt  }
0x5f: {  	_ =	shalt  }
0x60: {  	_ =	shalt  }
0x61: {  	_ =	shalt  }
0x62: {  	_ =	shalt  }
0x63: {  	_ =	shalt  }
0x64: {  	_ =	shalt  }
0x65: {  	_ =	shalt  }
0x66: {  	_ =	shalt  }
0x67: {  	_ =	shalt  }
0x68: {  	_ =	shalt  }
0x69: {  	_ =	shalt  }
0x6a: {  	_ =	shalt  }
0x6b: {  	_ =	shalt  }
0x6c: {  	_ =	shalt  }
0x6d: {  	_ =	shalt  }
0x6e: {  	_ =	shalt  }
0x6f: {  	_ =	shalt  }
0x70: {  	_ =	shalt  }
0x71: {  	_ =	shalt  }
0x72: {  	_ =	shalt  }
0x73: {  	_ =	shalt  }
0x74: {  	_ =	shalt  }
0x75: {  	_ =	shalt  }
0x76: {  	_ =	shalt  }
0x77: {  	_ =	shalt  }
0x78: {  	_ =	shalt  }
0x79: {  	_ =	shalt  }
0x7a: {  	_ =	shalt  }
0x7b: {  	_ =	shalt  }
0x7c: {  	_ =	shalt  }
0x7d: {  	_ =	shalt  }
0x7e: {  	_ =	shalt  }
0x7f: {  	_ =	shalt  }
0x80: {  	_ =	shalt  }
0x81: {  	_ =	shalt  }
0x82: {  	_ =	shalt  }
0x83: {  	_ =	shalt  }
0x84: {  	_ =	shalt  }
0x85: {  	_ =	shalt  }
0x86: {  	_ =	shalt  }
0x87: {  	_ =	shalt  }
.Lfunc_end0:
.L_simem_size_0:
called_computation.1_lowered:
.L_overlay_start_0:
0x88: {  	s2 =	sld [smem:$0x3FD9]  }
0x89: {  	s3 =	sld [smem:$0x3FFE];
	_ =	sdelay $0x1  }
0x8a: {  	s1 =	srdreg.scid  }
0x8b: {  	s0 =	sand.u32 $0x1, s1  }
0x8c: {  	s17 =	sshll.u32 s0, $0xA;
	s2 =	sadd.s32 s3, s2  }
0x8d: {  	s2 =	sadd.s32 s2, s17  }
0x8e: {  	[smem:$0x3FBD] =	sst s2  }
0x8f: {  	_ = 	snop  }
0x90: {  	s2 =	sld [smem:$0x3FD0];
	(tm) =	ssettm $0x1  }
0x91: {  	s18 =	sld [smem:$0x3FFB];
	_ =	sdelay $0x3  }
0x92: {  	_ =	strace s18  }
0x93: {  	s3 =	sld [smem:$0x3FFC];
	_ =	sdelay $0x3  }
0x94: {  	_ =	strace s3  }
0x95: {  	s3 =	sld [smem:$0x3FFD];
	_ =	sdelay $0x3  }
0x96: {  	_ =	strace s3  }
0x97: {  	_ =	strace $0x8FFFFFFF  }
0x98: {  	s19 =	sld [smem:$0x3FDB];
	_ =	sdelay $0x1  }
0x99: {  	s4 =	simm.s32 $_scs_section_size  }
0x9a: {  	s5 =	simm.s32 $_size__tile_overlayer_lowered;
	s6 =	simm.s32 $_tile_overlayer_lowered  }
0x9b: {  	s22 =	simm.s32 $0x1BFF;
	s21 =	sshll.u32 s6, $0x1;
	s3 =	sadd.s32 s4, s19  }
0x9c: {  	s7 =	simm.s32 $0x0;
	s20 =	sshll.u32 s5, $0x1;
	s5 =	sadd.s32 s21, s3  }
0x9d: {  	[timem:s7], [sflag:s22] =	dma.local [hbm:s5], s20  }
0x9e: {  	_ =	swait.ge [sflag:s22], s20  }
0x9f: {  	s4 =	ssub.s32 $0x0, s20;
	[sflag:s22] =	ssyncset.done $0x0  }
0xa0: {  	[sflag:s22] =	ssyncadd.s32 s4;
	_ =	sdelay $0x1  }
0xa1: {  	s23 =	simm.s32 $0x1B8B  }
0xa2: {  	_ =	swait.ge [sflag:s23], $0x1  }
0xa3: {  	[sflag:s23] =	ssyncset.done $0x0  }
0xa4: {  	s25 =	simm.s32 $0x1B8E;
	s24 =	sld [smem:$0x3FFE];
	[sflag:s23] =	ssyncadd.s32 $0xFFFFFFFF  }
0xa5: {  	s26 =	simm.s32 $execute0_lowered;
	[smem:$0x3FD2] =	sst s25  }
0xa6: {  	s5 =	sshll.u32 s26, $0x1;
	_ =	strace $0x80000049;
	[dreg:$0x1] =	wrdreg $0xFFFFFFFF  }
0xa7: {  	s28 =	simm.s32 $_size_execute0_lowered;
	s3 =	sadd.s32 s3, s5;
	[dreg:$0x0] =	wrdreg $0x0  }
0xa8: {  	s5 =	sshll.u32 s28, $0x1;
	[dreg:$0x2] =	wrdreg s3  }
0xa9: {  	[dreg:$0x3] =	wrdreg s5  }
0xaa: {  	[dreg:$0x4] =	wrdreg $0xC0  }
0xab: {  	_ =	task [dreg:s7], $0x5FFFF  }
0xac: {  	[dreg:$0x1] =	wrdreg $0xFFFFFFFF  }
0xad: {  	[dreg:$0x0] =	wrdreg $0x60  }
0xae: {  	[dreg:$0x2] =	wrdreg s24  }
0xaf: {  	[dreg:$0x3] =	wrdreg s2  }
0xb0: {  	[dreg:$0x4] =	wrdreg $0x165100  }
0xb1: {  	[dreg:$0x5] =	wrdreg $0x18D100  }
0xb2: {  	[dreg:$0x6] =	wrdreg $0x9  }
0xb3: {  	_ =	task.clear_ibuf [dreg:s7], $0x7FFFF;
	_ =	strace $0x90000049  }
0xb4: {  	s29 =	simm.s32 $0x9;
	_ =	strace $0x8000004B  }
0xb5: {  	_ =	swait.ge [sflag:s29], $0x1  }
0xb6: {  	[sflag:s29] =	ssyncadd.s32 $0xFFFFFFFF  }
0xb7: {  	_ =	strace $0x9000004B  }
0xb8: {  	_ =	sfence  }
0xb9: {  	s30 =	sld [smem:$0x0];
	_ =	sdelay $0x2  }
0xba: {  	s31 =	sshll.u32 s1, $0xD;
	s1 =	sshrl.u32 s1, $0x2  }
0xbb: {  	s3 =	sand.u32 $0x4000, s31;
	s1 =	sadd.s32 s1, s30  }
0xbc: {  	s0 =	sor.u32 s3, s0;
	s1 =	sshll.u32 s1, $0x11  }
0xbd: {  	s0 =	sor.u32 s1, s0  }
0xbe: {  	s0 =	sadd.s32 $0x8F2B, s0  }
0xbf: {  	[sflag:s0] =	ssyncadd.remote.s32 $0x1  }
0xc0: {  	_ =	sfence.sel $0xFFFF  }
0xc1: {  	[dreg:$0x0] =	wrdreg $0xFFFFFFFF;
	(pc) =	sbr.abs _section_cstart, $3  }
0xc2: {  	[dreg:$0x1] =	wrdreg $0xFFFFFFFF  }
0xc3: {  	_ =	task.clear_ibuf [dreg:s7], $0x2FFFF;
	_ =	strace $0x9FFFFFFF  }
0xc4: {  	(tm) =	ssettm $0x7FFFFFFF  }
0xc5: {  	_ =	shalt  }
tec
execute0_lowered:
.L_overlay_start_1:
0x0: {  	(tag) =	ssettag $0x1  }
0x1: {  	s0 =	rddreg [dreg:$0x0]  }
0x2: {  	s1 =	rddreg [dreg:$0x1]  }
0x3: {  	s2 =	rddreg [dreg:$0x2]  }
0x4: {  	s3 =	rddreg [dreg:$0x3];
	s13 =	stileid.u32;
	s4 =	simm.s32 $0x0  }
0x5: {  	s6 =	srdreg.scid;
	s28 =	simm.s32 $0xC800;
	s5 =	smul.u32 $0x280, s13  }
0x6: {  	s29 =	simm.s32 $0xCA80;
	s30 =	simm.s32 $0xCD00;
	s7 =	smul.u32 $0x2800, s13  }
0x7: {  	s31 =	simm.s32 $0x5000;
	[smem:$0x7FF] =	sst s4;
	s20 =	smul.u32 $0x500, s13  }
0x8: {  	s8 =	sand.u32 $0x1, s6;
	s11 =	sadd.s32 $0x21800, s0;
	s22 =	smul.u32 $0xA000, s13  }
0x9: {  	_ =	strace $0x8000004A;
	s6 =	sshll.u32 s8, $0x4;
	s10 =	smul.u32 $0x28000, s8  }
0xa: {  	[dreg:$0x5] =	wrdreg s11;
	s23 =	ssub.s32 $0x2, s8;
	p0 =	sne.s32 s8, $0x0  }
0xb: {  	s8 =	simm.s32 $0x1;
	s5 =	sshrl.u32 s5, $0x3;
	s9 =	sshrl.u32 s7, $0x3  }
0xc: {  	s6 =	sor.u32 s13, s6;
	s24 =	sshrl.u32 s23, $0x1;
	s15 =	sadd.s32 s7, s2  }
0xd: {  	s5 =	sadd.s32 s5, s0;
	s9 =	sadd.s32 s9, s0;
	s6 =	smul.u32 $0x2800, s6  }
0xe: {  	s10 =	sadd.s32 s7, s10;
	s11 =	ssub.s32 s23, s24;
	[dreg:$0x6] =	wrdreg s15  }
0xf: {  	s21 =	sshrl.u32 s10, $0x3;
	s10 =	sshrl.u32 s22, $0x2;
	s18 =	sadd.s32 $0x11E00, s9  }
0x10: {  	s19 =	sadd.s32 $0x16E00, s9;
	s22 =	sadd.s32 s7, s3;
	[dreg:$0xb] =	wrdreg s18  }
0x11: {  	s7 =	simm.s32 $0x14D10;
	s14 =	sadd.s32 s21, s0;
	[dreg:$0xc] =	wrdreg s19  }
0x12: {  	s10 =	sadd.s32 s10, s2;
	s21 =	sadd.s32 $0x1C800, s9;
	[dreg:$0x10] =	wrdreg s22  }
0x13: {  	s12 =	sshrl.u32 s6, $0x3;
	s25 =	sadd.s32 $0x800, s10;
	[dreg:$0xf] =	wrdreg s21  }
0x14: {  	s9 =	simm.s32 $0x15510;
	s26 =	sadd.s32 $0x1000, s10;
	[dreg:$0x7] =	wrdreg s25  }
0x15: {  	s19 =	simm.s32 $0x0;
	s16 =	sadd.s32 $0x1800, s10;
	[dreg:$0x8] =	wrdreg s26  }
0x16: {  	s13 =	sadd.s32 s12, s0;
	s17 =	sadd.s32 $0x2000, s10;
	[dreg:$0x9] =	wrdreg s16  }
0x17: {  	s0 =	sadd.s32 s20, s0;
	s20 =	sadd.s32 $0x1BE00, s5;
	[dreg:$0xa] =	wrdreg s17  }
0x18: {  	s5 =	sadd.s32 $0x1C300, s5;
	s23 =	sadd.s32 s1, s12;
	[dreg:$0xd] =	wrdreg s20  }
0x19: {  	s1 =	simm.s32 $0x11D10;
	s10 =	simm.s32 $0x2;
	[dreg:$0xe] =	wrdreg s5  }
0x1a: {  	s12 =	simm.s32 $0x3;
	s0 =	sadd.s32 $0x2E00, s0;
	[dreg:$0x12] =	wrdreg s23  }
0x1b: {  	s24 =	sadd.s32 $0x7E00, s13;
	s25 =	sadd.s32 $0x21A00, s14;
	[dreg:$0x11] =	wrdreg s0  }
0x1c: {  	s26 =	smax.u32 s11, $0x1;
	s5 =	simm.s32 $0x80;
	[dreg:$0x14] =	wrdreg s24  }
0x1d: {  	s11 =	simm.s32 $0x15D10;
	s13 =	simm.s32 $0x4;
	[dreg:$0x15] =	wrdreg s25  }
0x1e: {  	v0 =	vlaneseq.u32;
	s20 =	simm.s32 $0x0;
	s0 =	sadd.s32 $0xA000, s23;
	[dreg:$0x16] =	wrdreg s26  }
0x1f: {  	v2 =	vshrl.u32 v0, $0x3;
	s23 =	simm.s32 $0x14510;
	s24 =	simm.s32 $0x9;
	s25 =	simm.s32 $0x7800  }
0x20: {  	v1 =	vimm.f32 $0.0e+00;
	v3 =	vand.u32 $0x7, v0;
	v2 =	vmul.u32 $0x8, v2;
	s26 =	simm.s32 $0xA000;
	[dreg:$0x13] =	wrdreg s0;
	s0 =	simm.s32 $0xF510  }
.LBB2_1:
0x21: {  	[tilespmem:$0x14510] =	vst v1  }
0x22: {  	[tilespmem:$0x14520] =	vst v1  }
0x23: {  	[tilespmem:$0x14530] =	vst v1  }
0x24: {  	[tilespmem:$0x14540] =	vst v1  }
0x25: {  	[tilespmem:$0x14550] =	vst v1  }
0x26: {  	[tilespmem:$0x14560] =	vst v1  }
0x27: {  	[tilespmem:$0x14570] =	vst v1  }
0x28: {  	[tilespmem:$0x14580] =	vst v1  }
0x29: {  	[tilespmem:$0x14590] =	vst v1  }
0x2a: {  	[tilespmem:$0x145A0] =	vst v1  }
0x2b: {  	[tilespmem:$0x145B0] =	vst v1  }
0x2c: {  	[tilespmem:$0x145C0] =	vst v1  }
0x2d: {  	[tilespmem:$0x145D0] =	vst v1  }
0x2e: {  	[tilespmem:$0x145E0] =	vst v1  }
0x2f: {  	[tilespmem:$0x145F0] =	vst v1  }
0x30: {  	[tilespmem:$0x14600] =	vst v1  }
0x31: {  	[tilespmem:$0x14610] =	vst v1  }
0x32: {  	[tilespmem:$0x14620] =	vst v1  }
0x33: {  	[tilespmem:$0x14630] =	vst v1  }
0x34: {  	[tilespmem:$0x14640] =	vst v1  }
0x35: {  	[tilespmem:$0x14650] =	vst v1  }
0x36: {  	[tilespmem:$0x14660] =	vst v1  }
0x37: {  	[tilespmem:$0x14670] =	vst v1  }
0x38: {  	[tilespmem:$0x14680] =	vst v1  }
0x39: {  	[tilespmem:$0x14690] =	vst v1  }
0x3a: {  	[tilespmem:$0x146A0] =	vst v1  }
0x3b: {  	[tilespmem:$0x146B0] =	vst v1  }
0x3c: {  	[tilespmem:$0x146C0] =	vst v1  }
0x3d: {  	[tilespmem:$0x146D0] =	vst v1  }
0x3e: {  	[tilespmem:$0x146E0] =	vst v1  }
0x3f: {  	[tilespmem:$0x146F0] =	vst v1  }
0x40: {  	[tilespmem:$0x14700] =	vst v1  }
0x41: {  	[tilespmem:$0x14710] =	vst v1  }
0x42: {  	[tilespmem:$0x14720] =	vst v1  }
0x43: {  	[tilespmem:$0x14730] =	vst v1  }
0x44: {  	[tilespmem:$0x14740] =	vst v1  }
0x45: {  	[tilespmem:$0x14750] =	vst v1  }
0x46: {  	[tilespmem:$0x14760] =	vst v1  }
0x47: {  	[tilespmem:$0x14770] =	vst v1  }
0x48: {  	[tilespmem:$0x14780] =	vst v1  }
0x49: {  	[tilespmem:$0x14790] =	vst v1  }
0x4a: {  	[tilespmem:$0x147A0] =	vst v1  }
0x4b: {  	[tilespmem:$0x147B0] =	vst v1  }
0x4c: {  	[tilespmem:$0x147C0] =	vst v1  }
0x4d: {  	[tilespmem:$0x147D0] =	vst v1  }
0x4e: {  	[tilespmem:$0x147E0] =	vst v1  }
0x4f: {  	[tilespmem:$0x147F0] =	vst v1  }
0x50: {  	[tilespmem:$0x14800] =	vst v1  }
0x51: {  	[tilespmem:$0x14810] =	vst v1  }
0x52: {  	[tilespmem:$0x14820] =	vst v1  }
0x53: {  	[tilespmem:$0x14830] =	vst v1  }
0x54: {  	[tilespmem:$0x14840] =	vst v1  }
0x55: {  	[tilespmem:$0x14850] =	vst v1  }
0x56: {  	[tilespmem:$0x14860] =	vst v1  }
0x57: {  	[tilespmem:$0x14870] =	vst v1  }
0x58: {  	[tilespmem:$0x14880] =	vst v1  }
0x59: {  	[tilespmem:$0x14890] =	vst v1  }
0x5a: {  	[tilespmem:$0x148A0] =	vst v1  }
0x5b: {  	[tilespmem:$0x148B0] =	vst v1  }
0x5c: {  	[tilespmem:$0x148C0] =	vst v1  }
0x5d: {  	[tilespmem:$0x148D0] =	vst v1  }
0x5e: {  	[tilespmem:$0x148E0] =	vst v1  }
0x5f: {  	[tilespmem:$0x148F0] =	vst v1  }
0x60: {  	[tilespmem:$0x14900] =	vst v1  }
0x61: {  	[tilespmem:$0x14910] =	vst v1  }
0x62: {  	[tilespmem:$0x14920] =	vst v1  }
0x63: {  	[tilespmem:$0x14930] =	vst v1  }
0x64: {  	[tilespmem:$0x14940] =	vst v1  }
0x65: {  	[tilespmem:$0x14950] =	vst v1  }
0x66: {  	[tilespmem:$0x14960] =	vst v1  }
0x67: {  	[tilespmem:$0x14970] =	vst v1  }
0x68: {  	[tilespmem:$0x14980] =	vst v1  }
0x69: {  	[tilespmem:$0x14990] =	vst v1  }
0x6a: {  	[tilespmem:$0x149A0] =	vst v1  }
0x6b: {  	[tilespmem:$0x149B0] =	vst v1  }
0x6c: {  	[tilespmem:$0x149C0] =	vst v1  }
0x6d: {  	[tilespmem:$0x149D0] =	vst v1  }
0x6e: {  	[tilespmem:$0x149E0] =	vst v1  }
0x6f: {  	[tilespmem:$0x149F0] =	vst v1  }
0x70: {  	[tilespmem:$0x14A00] =	vst v1  }
0x71: {  	[tilespmem:$0x14A10] =	vst v1  }
0x72: {  	[tilespmem:$0x14A20] =	vst v1  }
0x73: {  	[tilespmem:$0x14A30] =	vst v1  }
0x74: {  	[tilespmem:$0x14A40] =	vst v1  }
0x75: {  	[tilespmem:$0x14A50] =	vst v1  }
0x76: {  	[tilespmem:$0x14A60] =	vst v1  }
0x77: {  	[tilespmem:$0x14A70] =	vst v1  }
0x78: {  	[tilespmem:$0x14A80] =	vst v1  }
0x79: {  	[tilespmem:$0x14A90] =	vst v1  }
0x7a: {  	[tilespmem:$0x14AA0] =	vst v1  }
0x7b: {  	[tilespmem:$0x14AB0] =	vst v1  }
0x7c: {  	[tilespmem:$0x14AC0] =	vst v1  }
0x7d: {  	[tilespmem:$0x14AD0] =	vst v1  }
0x7e: {  	[tilespmem:$0x14AE0] =	vst v1  }
0x7f: {  	[tilespmem:$0x14AF0] =	vst v1  }
0x80: {  	[tilespmem:$0x14B00] =	vst v1  }
0x81: {  	[tilespmem:$0x14B10] =	vst v1  }
0x82: {  	[tilespmem:$0x14B20] =	vst v1  }
0x83: {  	[tilespmem:$0x14B30] =	vst v1  }
0x84: {  	[tilespmem:$0x14B40] =	vst v1  }
0x85: {  	[tilespmem:$0x14B50] =	vst v1  }
0x86: {  	[tilespmem:$0x14B60] =	vst v1  }
0x87: {  	[tilespmem:$0x14B70] =	vst v1  }
0x88: {  	[tilespmem:$0x14B80] =	vst v1  }
0x89: {  	[tilespmem:$0x14B90] =	vst v1  }
0x8a: {  	[tilespmem:$0x14BA0] =	vst v1  }
0x8b: {  	[tilespmem:$0x14BB0] =	vst v1  }
0x8c: {  	[tilespmem:$0x14BC0] =	vst v1  }
0x8d: {  	[tilespmem:$0x14BD0] =	vst v1  }
0x8e: {  	[tilespmem:$0x14BE0] =	vst v1  }
0x8f: {  	[tilespmem:$0x14BF0] =	vst v1  }
0x90: {  	[tilespmem:$0x14C00] =	vst v1  }
0x91: {  	[tilespmem:$0x14C10] =	vst v1  }
0x92: {  	[tilespmem:$0x14C20] =	vst v1  }
0x93: {  	[tilespmem:$0x14C30] =	vst v1  }
0x94: {  	[tilespmem:$0x14C40] =	vst v1  }
0x95: {  	[tilespmem:$0x14C50] =	vst v1  }
0x96: {  	[tilespmem:$0x14C60] =	vst v1  }
0x97: {  	[tilespmem:$0x14C70] =	vst v1  }
0x98: {  	[tilespmem:$0x14C80] =	vst v1  }
0x99: {  	[tilespmem:$0x14C90] =	vst v1  }
0x9a: {  	[tilespmem:$0x14CA0] =	vst v1  }
0x9b: {  	[tilespmem:$0x14CB0] =	vst v1  }
0x9c: {  	[tilespmem:$0x14CC0] =	vst v1  }
0x9d: {  	[tilespmem:$0x14CD0] =	vst v1  }
0x9e: {  	[tilespmem:$0x14CE0] =	vst v1  }
0x9f: {  	[tilespmem:$0x14CF0] =	vst v1  }
0xa0: {  	[tilespmem:$0x14D00] =	vst v1  }
0xa1: {  	[spmem:s15] =	stream.linear.scatter [tilespmem:s23], [sflag:$0x9], $0x800, $0x38;
	[tilespmem:$0x1B510] =	vst v63  }
0xa2: {  	_ =	swait.ge [sflag:s24], $0x800  }
0xa3: {  	[sflag:s24] =	ssyncset.done $0x0  }
0xa4: {  	s6 =	rddreg [dreg:$0x7];
	[sflag:s24] =	ssyncadd.s32 $0xFFFFF800  }
0xa5: {  	[spmem:s6] =	stream.linear.scatter [tilespmem:s23], [sflag:$0x9], $0x800, $0x38;
	[tilespmem:$0x1B510] =	vst v63  }
0xa6: {  	_ =	swait.ge [sflag:s24], $0x800  }
0xa7: {  	[sflag:s24] =	ssyncset.done $0x0  }
0xa8: {  	s18 =	rddreg [dreg:$0x8];
	[sflag:s24] =	ssyncadd.s32 $0xFFFFF800  }
0xa9: {  	[spmem:s18] =	stream.linear.scatter [tilespmem:s23], [sflag:$0x9], $0x800, $0x38;
	[tilespmem:$0x1B510] =	vst v63  }
0xaa: {  	_ =	swait.ge [sflag:s24], $0x800  }
0xab: {  	[sflag:s24] =	ssyncset.done $0x0  }
0xac: {  	s21 =	rddreg [dreg:$0x9];
	[sflag:s24] =	ssyncadd.s32 $0xFFFFF800  }
0xad: {  	[spmem:s21] =	stream.linear.scatter [tilespmem:s23], [sflag:$0x9], $0x800, $0x38;
	[tilespmem:$0x1B510] =	vst v63  }
0xae: {  	_ =	swait.ge [sflag:s24], $0x800  }
0xaf: {  	[sflag:s24] =	ssyncset.done $0x0  }
0xb0: {  	s22 =	rddreg [dreg:$0xa];
	[sflag:s24] =	ssyncadd.s32 $0xFFFFF800  }
0xb1: {  	[spmem:s22] =	stream.linear.scatter [tilespmem:s23], [sflag:$0x9], $0x800, $0x38;
	[tilespmem:$0x1B510] =	vst v63  }
0xb2: {  	_ =	swait.ge [sflag:s24], $0x800  }
0xb3: {  	[sflag:s24] =	ssyncset.done $0x0  }
0xb4: {  	s14 =	rddreg [dreg:$0xb];
	[sflag:s24] =	ssyncadd.s32 $0xFFFFF800  }
0xb5: {  	[tilespmem:s25], [sflag:$0x9] =	stream.linear.gather [hbm4b:s14+s4], $0x2800, $0x38;
	[tilespmem:$0x1B510] =	vst v63  }
0xb6: {  	_ =	swait.ge [sflag:s24], $0x2800  }
0xb7: {  	[sflag:s24] =	ssyncset.done $0x0  }
0xb8: {  	s15 =	rddreg [dreg:$0xc];
	[sflag:s24] =	ssyncadd.s32 $0xFFFFD800  }
0xb9: {  	[tilespmem:s26], [sflag:$0x9] =	stream.linear.gather [hbm4b:s15+s4], $0x2800, $0x38;
	[tilespmem:$0x1B510] =	vst v63  }
0xba: {  	_ =	swait.ge [sflag:s24], $0x2800  }
0xbb: {  	[sflag:s24] =	ssyncset.done $0x0  }
0xbc: {  	s16 =	rddreg [dreg:$0xd];
	[sflag:s24] =	ssyncadd.s32 $0xFFFFD800  }
0xbd: {  	[tilespmem:s28], [sflag:$0x9] =	stream.linear.gather [hbm4b:s16+s4], $0x280, $0x38;
	[tilespmem:$0x1B510] =	vst v63  }
0xbe: {  	_ =	swait.ge [sflag:s24], $0x280  }
0xbf: {  	[sflag:s24] =	ssyncset.done $0x0  }
0xc0: {  	s17 =	rddreg [dreg:$0xe];
	[sflag:s24] =	ssyncadd.s32 $0xFFFFFD80  }
0xc1: {  	[tilespmem:s29], [sflag:$0x9] =	stream.linear.gather [hbm4b:s17+s4], $0x280, $0x38;
	[tilespmem:$0x1B510] =	vst v63  }
0xc2: {  	_ =	swait.ge [sflag:s24], $0x280  }
0xc3: {  	[sflag:s24] =	ssyncset.done $0x0  }
0xc4: {  	s18 =	rddreg [dreg:$0xf];
	[sflag:s24] =	ssyncadd.s32 $0xFFFFFD80  }
0xc5: {  	[tilespmem:s30], [sflag:$0x9] =	stream.linear.gather [hbm4b:s18+s4], $0x2800, $0x38;
	[tilespmem:$0x1B510] =	vst v63  }
0xc6: {  	_ =	swait.ge [sflag:s24], $0x2800  }
0xc7: {  	s21 =	simm.s32 $0x3;
	s14 =	simm.s32 $0x1;
	[sflag:s24] =	ssyncset.done $0x0  }
0xc8: {  	s16 =	simm.s32 $0xF500;
	s22 =	rddreg [dreg:$0x5];
	[sflag:s24] =	ssyncadd.s32 $0xFFFFD800  }
0xc9: {  	v7 =	vmov s21;
	v5 =	vmov s14;
	[tilespmem:s16], [sflag:$0x9] =	stream.linear.gather [hbm4b:s22+s4], $0x10, $0x38;
	[tilespmem:$0x1B510] =	vst v63  }
0xca: {  	v12 =	vshll.u32 v5, $0x4;
	_ =	swait.ge [sflag:s24], $0x10  }
0xcb: {  	v6 =	vor.u32 v0, v12;
	[sflag:s24] =	ssyncset.done $0x0  }
0xcc: {  	[sflag:s24] =	ssyncadd.s32 $0xFFFFFFF0  }
0xcd: {  	v10 =	vmov s4;
	v4 =	vld [tilespmem:$0xF500]  }
0xce: {  	s16 =	simm.s32 $0x2;
	v13 =	vld.idx.msk [tilespmem:v7+s28+$0x0], $0xffff  }
0xcf: {  	v8 =	vmov s16;
	v11 =	vld.idx.msk [tilespmem:v5+s29+$0x0], $0xffff  }
0xd0: {  	v19 =	vld.idx.msk [tilespmem:v6+s25+$0x0], $0xffff  }
0xd1: {  	v14 =	vld.idx.msk [tilespmem:v5+s28+$0x0], $0xffff  }
0xd2: {  	v17 =	vld.idx.msk [tilespmem:v10+s28+$0x0], $0xffff  }
0xd3: {  	v16 =	vshll.u32 v8, $0x4;
	v18 =	vld.idx.msk [tilespmem:v10+s29+$0x0], $0xffff  }
0xd4: {  	v9 =	vor.u32 v0, v16;
	v15 =	vld.idx.msk [tilespmem:v8+s29+$0x0], $0xffff  }
0xd5: {  	v8 =	vld.idx.msk [tilespmem:v8+s28+$0x0], $0xffff  }
0xd6: {  	v22 =	vshll.u32 v7, $0x4;
	v21 =	vld.idx.msk [tilespmem:v7+s29+$0x0], $0xffff  }
0xd7: {  	v20 =	vshll.u32 v10, $0x4;
	v23 =	vld.idx.msk [tilespmem:v6+s26+$0x0], $0xffff;
	v5 =	vor.u32 v0, v22  }
0xd8: {  	v7 =	vor.u32 v0, v20;
	v27 =	vld.idx.msk [tilespmem:v6+s30+$0x0], $0xffff  }
0xd9: {  	v25 =	vld.idx.msk [tilespmem:v9+s25+$0x0], $0xffff  }
0xda: {  	v26 =	vld.idx.msk [tilespmem:v9+s26+$0x0], $0xffff;
	v8 =	vadd.f32 v15, v8  }
0xdb: {  	v30 =	vld.idx.msk [tilespmem:v9+s30+$0x0], $0xffff;
	v10 =	vadd.f32 v18, v17  }
0xdc: {  	s17 =	simm.s32 $0x5;
	v11 =	vadd.f32 v11, v14;
	v17 =	vld.idx.msk [tilespmem:v5+s26+$0x0], $0xffff;
	v18 =	vmax.f32 v8, $1.000000000e+00  }
0xdd: {  	v24 =	vmov s17;
	v33 =	vld.idx.msk [tilespmem:v7+s26+$0x0], $0xffff;
	v14 =	vmax.f32 v10, $1.000000000e+00;
	(erf) = vrcp.f32 v18  }
0xde: {  	s18 =	simm.s32 $0x7;
	v19 =	vadd.f32 v23, v19;
	v23 =	vld.idx.msk [tilespmem:v7+s25+$0x0], $0xffff;
	v11 =	vmax.f32 v11, $1.000000000e+00;
	(erf) = vrcp.f32 v14  }
0xdf: {  	v12 =	vand.u32 $0x3FD8, v12;
	v29 =	vmov s18;
	v28 =	vld.idx.msk [tilespmem:v5+s25+$0x0], $0xffff;
	(erf) = vrcp.f32 v11  }
0xe0: {  	s21 =	simm.s32 $0x6;
	v12 =	vor.u32 v2, v12;
	v31 =	vshll.u32 v24, $0x4;
	v13 =	vadd.f32 v21, v13;
	v15 =	vld.idx.msk [tilespmem:v7+s30+$0x0], $0xffff  }
0xe1: {  	v39 =	vshll.u32 v29, $0x4;
	v10 =	vld.idx.msk [tilespmem:v5+s30+$0x0], $0xffff;
	v14 =	vand.u32 $0x3FC8, v20;
	v20 =	vmov s21  }
0xe2: {  	v32 =	vand.u32 $0x3FF8, v39;
	v16 =	vand.u32 $0x3FE8, v16;
	v13 =	vmax.f32 v13, $1.000000000e+00;
	v18 =	vld.idx.msk [tilespmem:v24+s29+$0x0], $0xffff  }
0xe3: {  	s22 =	simm.s32 $0x4;
	v21 =	vand.u32 $0x3FF8, v22;
	v8 =	vor.u32 v0, v31;
	v24 =	vld.idx.msk [tilespmem:v24+s28+$0x0], $0xffff;
	(erf) = vrcp.f32 v13  }
0xe4: {  	v35 =	vmov s22;
	v34 =	vor.u32 v2, v16;
	v37 =	vor.u32 v2, v21;
	v11 =	vld.idx.msk [tilespmem:v29+s28+$0x0], $0xffff  }
0xe5: {  	v25 =	vadd.f32 v26, v25;
	v26 =	vshll.u32 v35, $0x4;
	v31 =	vand.u32 $0x3FD8, v31;
	v29 =	vld.idx.msk [tilespmem:v29+s29+$0x0], $0xffff  }
0xe6: {  	v21 =	vand.u32 $0x3FC8, v26;
	v63 =	vadd.f32 v33, v23;
	v13 =	vshll.u32 v20, $0x4;
	v38 =	vld.idx.msk [tilespmem:v20+s29+$0x0], $0xffff;
	v36 =	vpop (erf)  }
0xe7: {  	v23 =	vor.u32 v0, v26;
	v22 =	vand.u32 $0x3FE8, v13;
	v13 =	vor.u32 v0, v13;
	v40 =	vld.idx.msk [tilespmem:v20+s28+$0x0], $0xffff;
	v41 =	vpop (erf)  }
0xe8: {  	v26 =	vor.u32 v0, v39;
	v21 =	vor.u32 v2, v21;
	v16 =	vld.idx.msk [tilespmem:v8+s25+$0x0], $0xffff;
	v20 =	vor.u32 v2, v32;
	v42 =	vpop (erf)  }
0xe9: {  	v32 =	vld.idx.msk [tilespmem:v35+s28+$0x0], $0xffff;
	v36 =	vmul.f32 v36, v25;
	v25 =	vor.u32 v2, v31;
	v31 =	vmul.f32 v42, v19  }
0xea: {  	v14 =	vor.u32 v2, v14;
	v22 =	vor.u32 v2, v22;
	v35 =	vld.idx.msk [tilespmem:v35+s29+$0x0], $0xffff;
	v19 =	vor.u32 v3, v12  }
0xeb: {  	v33 =	vld.idx.msk [tilespmem:v8+s26+$0x0], $0xffff;
	v36 =	vadd.f32 v36, v30;
	v12 =	vor.u32 v3, v37;
	v37 =	vadd.f32 v31, v27  }
0xec: {  	s14 =	simm.s32 $0x8;
	v38 =	vadd.f32 v38, v40;
	v30 =	vpop (erf);
	v27 =	vor.u32 v3, v34;
	v31 =	vld.idx.msk [tilespmem:v13+s25+$0x0], $0xffff;
	v34 =	vmul.f32 v41, v63  }
.LBB2_2:
0xed: {  	s15 =	sadd.s32 $0x1, s14;
	s16 =	sadd.s32 $0x2, s14;
	s17 =	sadd.s32 $0x3, s14;
	v39 =	vld.idx.msk [tilespmem:v13+s26+$0x0], $0xffff;
	v40 =	vor.u32 v3, v14;
	v37 =	vadd.f32 v37, v4;
	v36 =	vadd.f32 v36, v4  }
0xee: {  	p1 =	slt.u32 s14, $0x27C;
	v44 =	vmovc v10;
	v14 =	vmovc v21;
	v41 =	vmov s15;
	v42 =	vmov s16;
	v43 =	vld.idx.msk [tilespmem:v8+s30+$0x0], $0xffff;
	v38 =	vmax.f32 v38, $1.000000000e+00;
	s15 =	smov.u32 s14;
	s14 =	sadd.s32 $0x4, s14  }
0xef: {  	v48 =	vmovc v22;
	v49 =	vmovc v20;
	v46 =	vmov s17;
	v10 =	vadd.f32 v35, v32;
	v45 =	vshll.u32 v41, $0x4;
	v47 =	vld.idx.msk [tilespmem:v13+s30+$0x0], $0xffff  }
0xf0: {  	v18 =	vadd.f32 v18, v24;
	v50 =	vmovc v25;
	v32 =	vshll.u32 v42, $0x4;
	v20 =	vor.u32 v0, v45;
	v35 =	vld.idx.msk [tilespmem:v23+s30+$0x0], $0xffff  }
0xf1: {  	v21 =	vmax.f32 v10, $1.000000000e+00;
	v33 =	vadd.f32 v33, v16;
	v25 =	vld.idx.msk [tilespmem:v26+s26+$0x0], $0xffff;
	(erf) = vrcp.f32 v38;
	v38 =	vmovc v7;
	v7 =	vmovc v23  }
0xf2: {  	v15 =	vadd.f32 v34, v15;
	v34 =	vmovc v5;
	v5 =	vmovc v26;
	v16 =	vmax.f32 v18, $1.000000000e+00;
	v10 =	vld.idx.msk [tilespmem:v26+s30+$0x0], $0xffff;
	(erf) = vrcp.f32 v21  }
0xf3: {  	v26 =	vadd.f32 v39, v31;
	v23 =	vld.idx.msk [tilespmem:v23+s26+$0x0], $0xffff;
	(erf) = vrcp.f32 v16;
	v16 =	vadd.f32 v17, v28  }
0xf4: {  	v15 =	vadd.f32 v15, v4;
	v21 =	vmax.f32 v36, $0.0e+00;
	v17 =	vadd.f32 v29, v11;
	v11 =	vld.idx.msk [tilespmem:v46+s28+$0x0], $0xffff  }
0xf5: {  	v22 =	vmax.f32 v37, $0.0e+00;
	v29 =	vmov s15;
	v18 =	vld.idx.msk [tilespmem:v41+s29+$0x0], $0xffff;
	[tilespmem:v9+s0+$0x0] =	vst.idx.msk $0xffff, v21;
	v28 =	vmul.f32 v30, v16;
	v9 =	vmovc v13  }
0xf6: {  	v30 =	vshll.u32 v29, $0x4;
	v13 =	vmax.f32 v17, $1.000000000e+00;
	v17 =	vmax.f32 v15, $0.0e+00;
	v16 =	vld.idx.msk [tilespmem:v20+s25+$0x0], $0xffff;
	[tilespmem:v6+s0+$0x0] =	vst.idx.msk $0xffff, v22;
	v6 =	vmovc v8  }
0xf7: {  	v39 =	vshll.u32 v46, $0x4;
	v24 =	vld.idx.msk [tilespmem:v41+s28+$0x0], $0xffff;
	(erf) = vrcp.f32 v13;
	[tilespmem:v27+s1+$0x0] =	vst.idx.msk $0xffff, v21;
	v13 =	vadd.f32 v28, v44  }
0xf8: {  	v37 =	vand.u32 $0x3FC8, v30;
	v8 =	vmovc v20;
	v27 =	vand.u32 $0x3FE8, v32;
	v28 =	vand.u32 $0x3FF8, v39;
	v31 =	vld.idx.msk [tilespmem:v7+s25+$0x0], $0xffff;
	[tilespmem:v19+s1+$0x0] =	vst.idx.msk $0xffff, v22  }
0xf9: {  	v21 =	vor.u32 v2, v37;
	v22 =	vor.u32 v2, v27;
	v41 =	vld.idx.msk [tilespmem:v42+s29+$0x0], $0xffff;
	v51 =	vadd.f32 v13, v4  }
0xfa: {  	v15 =	vmov v35;
	v27 =	vand.u32 $0x3FD8, v45;
	v20 =	vor.u32 v2, v28;
	v42 =	vld.idx.msk [tilespmem:v42+s28+$0x0], $0xffff;
	v36 =	vpop (erf);
	[tilespmem:v38+s0+$0x0] =	vst.idx.msk $0xffff, v17  }
0xfb: {  	v13 =	vor.u32 v0, v32;
	v28 =	vld.idx.msk [tilespmem:v5+s25+$0x0], $0xffff;
	v44 =	vpop (erf);
	[tilespmem:v40+s1+$0x0] =	vst.idx.msk $0xffff, v17;
	v37 =	vmax.f32 v51, $0.0e+00;
	v17 =	vmov v25  }
.Ltmp0:
0xfc: {  	v25 =	vor.u32 v2, v27;
	v26 =	vmul.f32 v36, v26;
	v32 =	vld.idx.msk [tilespmem:v29+s28+$0x0], $0xffff;
	v19 =	vpop (erf);
	[tilespmem:v34+s0+$0x0] =	vst.idx.msk $0xffff, v37;
	(pc) =	sbr.rel @p1 .LBB2_2-.Ltmp0, $4  }
0xfd: {  	v35 =	vld.idx.msk [tilespmem:v29+s29+$0x0], $0xffff;
	v27 =	vmul.f32 v19, v33;
	v19 =	vor.u32 v3, v50;
	[tilespmem:v12+s1+$0x0] =	vst.idx.msk $0xffff, v37  }
0xfe: {  	v34 =	vadd.f32 v23, v31;
	v36 =	vadd.f32 v26, v47;
	v12 =	vor.u32 v3, v49;
	v29 =	vld.idx.msk [tilespmem:v46+s29+$0x0], $0xffff  }
0xff: {  	v23 =	vor.u32 v0, v30;
	v33 =	vld.idx.msk [tilespmem:v8+s26+$0x0], $0xffff;
	v37 =	vadd.f32 v27, v43;
	v27 =	vor.u32 v3, v48  }
0x100: {  	v26 =	vor.u32 v0, v39;
	v38 =	vadd.f32 v41, v42;
	v34 =	vmul.f32 v44, v34;
	v31 =	vld.idx.msk [tilespmem:v13+s25+$0x0], $0xffff;
	v30 =	vpop (erf)  }
0x101: {  	_ = 	snop  }
0x102: {  	v32 =	vadd.f32 v35, v32;
	v61 =	vmax.f32 v38, $1.000000000e+00  }
0x103: {  	v18 =	vadd.f32 v18, v24;
	(erf) = vrcp.f32 v61  }
0x104: {  	v62 =	vmax.f32 v32, $1.000000000e+00  }
0x105: {  	v63 =	vld.idx.msk [tilespmem:v13+s26+$0x0], $0xffff;
	v18 =	vmax.f32 v18, $1.000000000e+00;
	(erf) = vrcp.f32 v62  }
0x106: {  	v40 =	vld.idx.msk [tilespmem:v13+s30+$0x0], $0xffff;
	v11 =	vadd.f32 v29, v11;
	(erf) = vrcp.f32 v18  }
0x107: {  	v42 =	vld.idx.msk [tilespmem:v23+s26+$0x0], $0xffff  }
0x108: {  	v17 =	vadd.f32 v17, v28;
	v45 =	vld.idx.msk [tilespmem:v23+s25+$0x0], $0xffff;
	v11 =	vmax.f32 v11, $1.000000000e+00  }
0x109: {  	v14 =	vor.u32 v3, v14;
	v39 =	vadd.f32 v36, v4;
	v46 =	vld.idx.msk [tilespmem:v26+s26+$0x0], $0xffff;
	(erf) = vrcp.f32 v11  }
0x10a: {  	v41 =	vadd.f32 v37, v4;
	v49 =	vld.idx.msk [tilespmem:v26+s25+$0x0], $0xffff;
	v43 =	vadd.f32 v34, v15;
	v17 =	vmul.f32 v30, v17  }
0x10b: {  	v51 =	vld.idx.msk [tilespmem:v23+s30+$0x0], $0xffff;
	v56 =	vor.u32 v3, v22;
	v44 =	vmax.f32 v39, $0.0e+00;
	v18 =	vadd.f32 v63, v31  }
0x10c: {  	v28 =	vmax.f32 v41, $0.0e+00;
	[tilespmem:v9+s0+$0x0] =	vst.idx.msk $0xffff, v44;
	v48 =	vadd.f32 v17, v10;
	v11 =	vadd.f32 v43, v4;
	v47 =	vpop (erf)  }
0x10d: {  	v38 =	vld.idx.msk [tilespmem:v8+s30+$0x0], $0xffff;
	[tilespmem:v6+s0+$0x0] =	vst.idx.msk $0xffff, v28;
	v54 =	vadd.f32 v42, v45;
	v9 =	vmul.f32 v47, v18  }
0x10e: {  	v16 =	vadd.f32 v33, v16;
	[tilespmem:v27+s1+$0x0] =	vst.idx.msk $0xffff, v44;
	v6 =	vadd.f32 v48, v4;
	v11 =	vmax.f32 v11, $0.0e+00;
	v50 =	vpop (erf)  }
0x10f: {  	v53 =	vld.idx.msk [tilespmem:v26+s30+$0x0], $0xffff;
	[tilespmem:v7+s0+$0x0] =	vst.idx.msk $0xffff, v11;
	v52 =	vpop (erf);
	v9 =	vadd.f32 v9, v40;
	v7 =	vmul.f32 v50, v54  }
0x110: {  	[tilespmem:v19+s1+$0x0] =	vst.idx.msk $0xffff, v28;
	v10 =	vadd.f32 v46, v49;
	v6 =	vmax.f32 v6, $0.0e+00;
	v15 =	vmul.f32 v52, v16  }
0x111: {  	[tilespmem:v5+s0+$0x0] =	vst.idx.msk $0xffff, v6;
	v9 =	vadd.f32 v9, v4;
	v58 =	vadd.f32 v7, v51  }
0x112: {  	v61 =	vor.u32 v3, v21;
	[tilespmem:v14+s1+$0x0] =	vst.idx.msk $0xffff, v11;
	v57 =	vpop (erf);
	v55 =	vadd.f32 v15, v38  }
0x113: {  	[tilespmem:v12+s1+$0x0] =	vst.idx.msk $0xffff, v6;
	v60 =	vmul.f32 v57, v10;
	v59 =	vmax.f32 v9, $0.0e+00;
	v6 =	vadd.f32 v58, v4  }
0x114: {  	v5 =	vor.u32 v3, v25;
	v11 =	vadd.f32 v55, v4;
	[tilespmem:v13+s0+$0x0] =	vst.idx.msk $0xffff, v59  }
0x115: {  	v62 =	vadd.f32 v60, v53;
	[tilespmem:v56+s1+$0x0] =	vst.idx.msk $0xffff, v59;
	v6 =	vmax.f32 v6, $0.0e+00  }
0x116: {  	v63 =	vor.u32 v3, v20;
	v11 =	vmax.f32 v11, $0.0e+00;
	[tilespmem:v23+s0+$0x0] =	vst.idx.msk $0xffff, v6  }
0x117: {  	v4 =	vadd.f32 v62, v4;
	[tilespmem:v8+s0+$0x0] =	vst.idx.msk $0xffff, v11  }
0x118: {  	[tilespmem:v61+s1+$0x0] =	vst.idx.msk $0xffff, v6  }
0x119: {  	v4 =	vmax.f32 v4, $0.0e+00;
	[tilespmem:v5+s1+$0x0] =	vst.idx.msk $0xffff, v11  }
0x11a: {  	[tilespmem:v26+s0+$0x0] =	vst.idx.msk $0xffff, v4  }
0x11b: {  	[tilespmem:v63+s1+$0x0] =	vst.idx.msk $0xffff, v4  }
0x11c: {  	s6 =	rddreg [dreg:$0x10]  }
0x11d: {  	[spmem:s6] =	stream.linear.scatter [tilespmem:s0], [sflag:$0x9], $0x2800, $0x38;
	[tilespmem:$0x1B510] =	vst v63  }
0x11e: {  	_ =	swait.ge [sflag:s24], $0x2800  }
0x11f: {  	s14 =	simm.s32 @!p0 $0x0;
	[sflag:s24] =	ssyncset.done $0x0  }
0x120: {  	s15 =	simm.s32 @!p0 $0x11D10;
	s6 =	rddreg [dreg:$0x11];
	[sflag:s24] =	ssyncadd.s32 $0xFFFFD800  }
0x121: {  	[hbm4b:s6+s14] =	stream.linear.scatter @!p0 [tilespmem:s15], [sflag:$0x9], $0x2800, $0x38;
	[tilespmem:$0x1B510] =	vst v63  }
0x122: {  	s14 =	simm.s32 @!p0 $0x9  }
0x123: {  	_ =	swait.ge @!p0 [sflag:s14], $0x2800  }
0x124: {  	[sflag:s14] =	ssyncset.done @!p0 $0x0  }
0x125: {  	s17 =	rddreg [dreg:$0x12];
	[sflag:s14] =	ssyncadd.s32 @!p0 $0xFFFFD800  }
0x126: {  	[tilespmem:s20], [sflag:$0x9] =	stream.linear.gather [hbm4b:s17+s20], $0x2800, $0x38;
	[tilespmem:$0x1B510] =	vst v63  }
0x127: {  	_ =	swait.ge [sflag:s24], $0x2800  }
0x128: {  	[sflag:s24] =	ssyncset.done $0x0  }
0x129: {  	s21 =	simm.s32 $0x2800;
	s18 =	rddreg [dreg:$0x13];
	[sflag:s24] =	ssyncadd.s32 $0xFFFFD800  }
0x12a: {  	[tilespmem:s21], [sflag:$0x9] =	stream.linear.gather [hbm4b:s18+s20], $0x2800, $0x38;
	[tilespmem:$0x1B510] =	vst v63  }
0x12b: {  	_ =	swait.ge [sflag:s24], $0x2800  }
0x12c: {  	[sflag:s24] =	ssyncset.done $0x0  }
0x12d: {  	s22 =	rddreg [dreg:$0x14];
	[sflag:s24] =	ssyncadd.s32 $0xFFFFD800  }
0x12e: {  	[tilespmem:s31], [sflag:$0x9] =	stream.linear.gather [hbm4b:s22+s20], $0x2800, $0x38;
	[tilespmem:$0x1B510] =	vst v63  }
0x12f: {  	_ =	swait.ge [sflag:s24], $0x2800  }
0x130: {  	[sflag:s24] =	ssyncset.done $0x0  }
0x131: {  	[sflag:s24] =	ssyncadd.s32 $0xFFFFD800  }
0x132: {  	[bflag:$0x0] =	sbarrier.arrive $0xFFFF  }
0x133: {  	[tilespmem:s23], [sflag:$0x1] =	stream.indirect.gather [spmem:s3], $0x10, s20, s5, $0xb8;
	[tilespmem:$0x1B510] =	vst v63  }
0x134: {  	s21 =	simm.s32 $0x0  }
0x135: {  	[tilespmem:s7], [sflag:$0x2] =	stream.indirect.gather [spmem:s3], $0x10, s5, s5, $0xb8;
	[tilespmem:$0x1B510] =	vst v63  }
.LBB2_4:
0x136: {  	s18 =	sshll.u32 s21, $0x2;
	_ =	swait.ge [sflag:s8], $0x800;
	v5 =	vmov s20  }
0x137: {  	p1 =	seq.s32 s21, $0x0;
	[sflag:s8] =	ssyncset.done $0x0;
	s14 =	sshll.u32 s18, $0x7;
	v5 =	vshll.u32 v5, $0x4  }
0x138: {  	s17 =	simm.s32 $0x6;
	s15 =	simm.s32 @!p1 $0x7;
	[sflag:s8] =	ssyncadd.s32 $0xFFFFF800;
	v4 =	vmov s14;
	v10 =	vor.u32 v0, v5  }
0x139: {  	s6 =	simm.s32 $0x7;
	v8 =	vmov s17;
	_ =	swait.ge @!p1 [sflag:s15], $0x800;
	v6 =	vor.u32 s20, v4  }
0x13a: {  	s16 =	sor.u32 $0x2, s18;
	v5 =	vmov s6;
	v8 =	vshll.u32 v8, $0x4;
	v7 =	vor.u32 s6, v4;
	[sflag:s15] =	ssyncset.done @!p1 $0x0  }
0x13b: {  	s22 =	sshll.u32 s16, $0x7;
	v5 =	vshll.u32 v5, $0x4;
	s6 =	simm.s32 $0x5;
	v13 =	vor.u32 v0, v8;
	[sflag:s15] =	ssyncadd.s32 @!p1 $0xFFFFF800  }
0x13c: {  	v9 =	vor.u32 v0, v5;
	v5 =	vor.u32 s17, v4;
	[tilespmem:s9], [sflag:$0x3] =	stream.indirect.gather [spmem:s3], $0x10, s22, s5, $0xb8;
	[tilespmem:$0x1B510] =	vst v63  }
0x13d: {  	v11 =	vmov s6;
	v8 =	vld.idx.msk [tilespmem:v10+s23+$0x0], $0xffff  }
0x13e: {  	v17 =	vor.u32 s6, v4;
	v11 =	vshll.u32 v11, $0x4;
	s15 =	simm.s32 $0x4;
	v6 =	vld.idx.msk [tilespmem:v6+s31+$0x0], $0xffff  }
0x13f: {  	v12 =	vor.u32 v0, v11;
	v11 =	vld.idx.msk [tilespmem:v7+s31+$0x0], $0xffff;
	v7 =	vmov s15  }
0x140: {  	s16 =	simm.s32 $0x3;
	v19 =	vor.u32 s15, v4;
	v16 =	vld.idx.msk [tilespmem:v13+s23+$0x0], $0xffff;
	v7 =	vshll.u32 v7, $0x4  }
0x141: {  	v18 =	vmov s16;
	v14 =	vld.idx.msk [tilespmem:v5+s31+$0x0], $0xffff;
	v5 =	vor.u32 v0, v7  }
0x142: {  	v20 =	vor.u32 s16, v4;
	s17 =	simm.s32 $0x2;
	v15 =	vld.idx.msk [tilespmem:v9+s23+$0x0], $0xffff;
	v7 =	vshll.u32 v18, $0x4  }
0x143: {  	v17 =	vld.idx.msk [tilespmem:v17+s31+$0x0], $0xffff;
	v18 =	vmov s17;
	v7 =	vor.u32 v0, v7  }
0x144: {  	s14 =	simm.s32 $0x8;
	v21 =	vor.u32 s17, v4;
	s15 =	simm.s32 $0x1;
	v22 =	vshll.u32 v18, $0x4;
	v18 =	vld.idx.msk [tilespmem:v12+s23+$0x0], $0xffff  }
.LBB2_5:
0x145: {  	p2 =	slt.u32 s14, $0x78;
	v23 =	vmov s15;
	v22 =	vor.u32 v0, v22;
	v19 =	vld.idx.msk [tilespmem:v19+s31+$0x0], $0xffff  }
0x146: {  	v24 =	vor.u32 s15, v4;
	v23 =	vshll.u32 v23, $0x4;
	v25 =	vld.idx.msk [tilespmem:v5+s23+$0x0], $0xffff  }
0x147: {  	v26 =	vmov s14;
	v23 =	vor.u32 v0, v23;
	v20 =	vld.idx.msk [tilespmem:v20+s31+$0x0], $0xffff  }
0x148: {  	v27 =	vor.u32 s14, v4;
	s15 =	sadd.s32 $0x7, s14;
	v26 =	vshll.u32 v26, $0x4;
	v28 =	vld.idx.msk [tilespmem:v7+s23+$0x0], $0xffff  }
0x149: {  	v29 =	vmov s15;
	v26 =	vor.u32 v0, v26;
	v21 =	vld.idx.msk [tilespmem:v21+s31+$0x0], $0xffff  }
0x14a: {  	s16 =	sadd.s32 $0x6, s14;
	v30 =	vor.u32 s15, v4;
	v29 =	vshll.u32 v29, $0x4;
	v31 =	vld.idx.msk [tilespmem:v22+s23+$0x0], $0xffff  }
0x14b: {  	v8 =	vmul.f32 v8, v6;
	v32 =	vmov s16;
	v29 =	vor.u32 v0, v29;
	v24 =	vld.idx.msk [tilespmem:v24+s31+$0x0], $0xffff  }
0x14c: {  	v11 =	vmul.f32 v15, v11;
	s15 =	sadd.s32 $0x5, s14;
	v33 =	vor.u32 s16, v4;
	v32 =	vshll.u32 v32, $0x4;
	v34 =	vld.idx.msk [tilespmem:v23+s23+$0x0], $0xffff  }
0x14d: {  	v15 =	vmov s15;
	v6 =	vld.idx.msk [tilespmem:v27+s31+$0x0], $0xffff;
	v27 =	vor.u32 v0, v32;
	[tilespmem:v10+s23+$0x0] =	vst.idx.msk $0xffff, v8;
	v10 =	vmul.f32 v16, v14  }
0x14e: {  	s16 =	sadd.s32 $0x4, s14;
	v32 =	vor.u32 s15, v4;
	v14 =	vshll.u32 v15, $0x4;
	v16 =	vmul.f32 v18, v17;
	v8 =	vld.idx.msk [tilespmem:v26+s23+$0x0], $0xffff;
	[tilespmem:v9+s23+$0x0] =	vst.idx.msk $0xffff, v11  }
0x14f: {  	v17 =	vmul.f32 v25, v19;
	v9 =	vmov s16;
	v35 =	vor.u32 v0, v14;
	v11 =	vld.idx.msk [tilespmem:v30+s31+$0x0], $0xffff;
	[tilespmem:v13+s23+$0x0] =	vst.idx.msk $0xffff, v10  }
.Ltmp1:
0x150: {  	s15 =	sadd.s32 $0x3, s14;
	v19 =	vor.u32 s16, v4;
	v25 =	vmul.f32 v28, v20;
	v9 =	vshll.u32 v9, $0x4;
	v15 =	vld.idx.msk [tilespmem:v29+s23+$0x0], $0xffff;
	[tilespmem:v12+s23+$0x0] =	vst.idx.msk $0xffff, v16;
	(pc) =	sbr.rel @p2 .LBB2_5-.Ltmp1, $4  }
0x151: {  	v28 =	vmul.f32 v31, v21;
	v12 =	vmov s15;
	v14 =	vld.idx.msk [tilespmem:v33+s31+$0x0], $0xffff;
	[tilespmem:v5+s23+$0x0] =	vst.idx.msk $0xffff, v17;
	v5 =	vor.u32 v0, v9  }
0x152: {  	s16 =	sadd.s32 $0x2, s14;
	v20 =	vor.u32 s15, v4;
	v21 =	vshll.u32 v12, $0x4;
	v24 =	vmul.f32 v34, v24;
	v16 =	vld.idx.msk [tilespmem:v27+s23+$0x0], $0xffff;
	[tilespmem:v7+s23+$0x0] =	vst.idx.msk $0xffff, v25  }
0x153: {  	v18 =	vmov s16;
	v10 =	vmovc v26;
	v7 =	vor.u32 v0, v21;
	v9 =	vmov v29;
	v17 =	vld.idx.msk [tilespmem:v32+s31+$0x0], $0xffff;
	[tilespmem:v22+s23+$0x0] =	vst.idx.msk $0xffff, v28  }
0x154: {  	v13 =	vmovc v27;
	s15 =	sadd.s32 $0x1, s14;
	s14 =	sadd.s32 $0x8, s14;
	v21 =	vor.u32 s16, v4;
	v22 =	vshll.u32 v18, $0x4;
	v12 =	vmov v35;
	v18 =	vld.idx.msk [tilespmem:v35+s23+$0x0], $0xffff;
	[tilespmem:v23+s23+$0x0] =	vst.idx.msk $0xffff, v24  }
0x155: {  	_ =	sdelay $0x3  }
0x156: {  	v23 =	vmov s15;
	v22 =	vor.u32 v0, v22;
	v19 =	vld.idx.msk [tilespmem:v19+s31+$0x0], $0xffff  }
0x157: {  	v4 =	vor.u32 s15, v4;
	v24 =	vld.idx.msk [tilespmem:v5+s23+$0x0], $0xffff;
	v23 =	vshll.u32 v23, $0x4  }
0x158: {  	v20 =	vld.idx.msk [tilespmem:v20+s31+$0x0], $0xffff;
	v23 =	vor.u32 v0, v23  }
0x159: {  	v25 =	vld.idx.msk [tilespmem:v7+s23+$0x0], $0xffff  }
0x15a: {  	v21 =	vld.idx.msk [tilespmem:v21+s31+$0x0], $0xffff  }
0x15b: {  	v6 =	vmul.f32 v8, v6;
	v26 =	vld.idx.msk [tilespmem:v22+s23+$0x0], $0xffff  }
0x15c: {  	v8 =	vmul.f32 v15, v11;
	v4 =	vld.idx.msk [tilespmem:v4+s31+$0x0], $0xffff  }
0x15d: {  	[tilespmem:v10+s23+$0x0] =	vst.idx.msk $0xffff, v6;
	v6 =	vmul.f32 v16, v14;
	v11 =	vld.idx.msk [tilespmem:v23+s23+$0x0], $0xffff  }
0x15e: {  	[tilespmem:v9+s23+$0x0] =	vst.idx.msk $0xffff, v8;
	v10 =	vmul.f32 v18, v17  }
0x15f: {  	[tilespmem:v13+s23+$0x0] =	vst.idx.msk $0xffff, v6;
	v8 =	vmul.f32 v24, v19  }
0x160: {  	v6 =	vmul.f32 v25, v20;
	[tilespmem:v12+s23+$0x0] =	vst.idx.msk $0xffff, v10  }
0x161: {  	[tilespmem:v5+s23+$0x0] =	vst.idx.msk $0xffff, v8;
	v9 =	vmul.f32 v26, v21  }
0x162: {  	s14 =	sshll.u32 s21, $0xB;
	[tilespmem:v7+s23+$0x0] =	vst.idx.msk $0xffff, v6;
	v4 =	vmul.f32 v11, v4  }
0x163: {  	s16 =	sshrl.u32 s14, $0x2;
	[tilespmem:v22+s23+$0x0] =	vst.idx.msk $0xffff, v9  }
0x164: {  	s17 =	sor.u32 $0x1, s18;
	s15 =	sadd.s32 $0x2800, s16;
	[tilespmem:v23+s23+$0x0] =	vst.idx.msk $0xffff, v4  }
0x165: {  	[spmem:s2] =	stream.indirect.scatter.add.f32 [tilespmem:s23], [sflag:$0x5], $0x10, s15, s5, $0xb8;
	[tilespmem:$0x1B510] =	vst v63  }
0x166: {  	s15 =	sshll.u32 s17, $0x7;
	_ =	swait.ge [sflag:s10], $0x800  }
0x167: {  	s6 =	sor.u32 $0x3, s18;
	s16 =	simm.s32 $0x0;
	v4 =	vmov s15;
	[sflag:s10] =	ssyncset.done $0x0  }
0x168: {  	v5 =	vmov s16;
	s17 =	simm.s32 @!p1 $0x8;
	v6 =	vor.u32 s16, v4;
	s16 =	simm.s32 $0x7;
	[sflag:s10] =	ssyncadd.s32 $0xFFFFF800  }
0x169: {  	s18 =	sshll.u32 s6, $0x7;
	s6 =	simm.s32 $0x5;
	v5 =	vshll.u32 v5, $0x4;
	v7 =	vor.u32 s16, v4;
	_ =	swait.ge @!p1 [sflag:s17], $0x800  }
0x16a: {  	v10 =	vor.u32 v0, v5;
	v17 =	vor.u32 s6, v4;
	v5 =	vmov s16;
	[sflag:s17] =	ssyncset.done @!p1 $0x0  }
0x16b: {  	v5 =	vshll.u32 v5, $0x4;
	[sflag:s17] =	ssyncadd.s32 @!p1 $0xFFFFF800;
	s17 =	simm.s32 $0x6  }
0x16c: {  	v11 =	vmov s6;
	v9 =	vor.u32 v0, v5;
	[tilespmem:s11], [sflag:$0x4] =	stream.indirect.gather [spmem:s3], $0x10, s18, s5, $0xb8;
	v5 =	vor.u32 s17, v4;
	[tilespmem:$0x1B510] =	vst v63  }
0x16d: {  	v11 =	vshll.u32 v11, $0x4;
	v8 =	vmov s17;
	v6 =	vld.idx.msk [tilespmem:v6+s31+$0x0], $0xffff  }
0x16e: {  	v12 =	vor.u32 v0, v11;
	s6 =	simm.s32 $0x4;
	v8 =	vshll.u32 v8, $0x4;
	v11 =	vld.idx.msk [tilespmem:v7+s31+$0x0], $0xffff  }
0x16f: {  	v7 =	vmov s6;
	v17 =	vld.idx.msk [tilespmem:v17+s31+$0x0], $0xffff;
	v13 =	vor.u32 v0, v8  }
0x170: {  	v19 =	vor.u32 s6, v4;
	s17 =	simm.s32 $0x3;
	v8 =	vld.idx.msk [tilespmem:v10+s7+$0x0], $0xffff;
	v7 =	vshll.u32 v7, $0x4  }
0x171: {  	v18 =	vmov s17;
	s6 =	simm.s32 $0x2;
	v14 =	vld.idx.msk [tilespmem:v5+s31+$0x0], $0xffff;
	v5 =	vor.u32 v0, v7  }
0x172: {  	v20 =	vor.u32 s17, v4;
	v15 =	vld.idx.msk [tilespmem:v9+s7+$0x0], $0xffff;
	v7 =	vshll.u32 v18, $0x4;
	v18 =	vmov s6  }
0x173: {  	v7 =	vor.u32 v0, v7;
	v22 =	vshll.u32 v18, $0x4;
	v18 =	vld.idx.msk [tilespmem:v12+s7+$0x0], $0xffff  }
0x174: {  	s16 =	simm.s32 $0x8;
	s17 =	simm.s32 $0x1;
	v21 =	vor.u32 s6, v4;
	v16 =	vld.idx.msk [tilespmem:v13+s7+$0x0], $0xffff  }
.LBB2_7:
0x175: {  	p1 =	slt.u32 s16, $0x78;
	v23 =	vmov s17;
	v22 =	vor.u32 v0, v22;
	v19 =	vld.idx.msk [tilespmem:v19+s31+$0x0], $0xffff  }
0x176: {  	v24 =	vor.u32 s17, v4;
	v23 =	vshll.u32 v23, $0x4;
	v25 =	vld.idx.msk [tilespmem:v5+s7+$0x0], $0xffff  }
0x177: {  	v26 =	vmov s16;
	v23 =	vor.u32 v0, v23;
	v20 =	vld.idx.msk [tilespmem:v20+s31+$0x0], $0xffff  }
0x178: {  	v27 =	vor.u32 s16, v4;
	s17 =	sadd.s32 $0x7, s16;
	v26 =	vshll.u32 v26, $0x4;
	v28 =	vld.idx.msk [tilespmem:v7+s7+$0x0], $0xffff  }
0x179: {  	v29 =	vmov s17;
	v26 =	vor.u32 v0, v26;
	v21 =	vld.idx.msk [tilespmem:v21+s31+$0x0], $0xffff  }
0x17a: {  	s6 =	sadd.s32 $0x6, s16;
	v30 =	vor.u32 s17, v4;
	v29 =	vshll.u32 v29, $0x4;
	v31 =	vld.idx.msk [tilespmem:v22+s7+$0x0], $0xffff  }
0x17b: {  	v8 =	vmul.f32 v8, v6;
	v32 =	vmov s6;
	v29 =	vor.u32 v0, v29;
	v24 =	vld.idx.msk [tilespmem:v24+s31+$0x0], $0xffff  }
0x17c: {  	v11 =	vmul.f32 v15, v11;
	s17 =	sadd.s32 $0x5, s16;
	v33 =	vor.u32 s6, v4;
	v32 =	vshll.u32 v32, $0x4;
	v34 =	vld.idx.msk [tilespmem:v23+s7+$0x0], $0xffff  }
0x17d: {  	v15 =	vmov s17;
	v6 =	vld.idx.msk [tilespmem:v27+s31+$0x0], $0xffff;
	v27 =	vor.u32 v0, v32;
	[tilespmem:v10+s7+$0x0] =	vst.idx.msk $0xffff, v8;
	v10 =	vmul.f32 v16, v14  }
0x17e: {  	s6 =	sadd.s32 $0x4, s16;
	v32 =	vor.u32 s17, v4;
	v14 =	vshll.u32 v15, $0x4;
	v16 =	vmul.f32 v18, v17;
	v8 =	vld.idx.msk [tilespmem:v26+s7+$0x0], $0xffff;
	[tilespmem:v9+s7+$0x0] =	vst.idx.msk $0xffff, v11  }
0x17f: {  	v17 =	vmul.f32 v25, v19;
	v9 =	vmov s6;
	v35 =	vor.u32 v0, v14;
	v11 =	vld.idx.msk [tilespmem:v30+s31+$0x0], $0xffff;
	[tilespmem:v13+s7+$0x0] =	vst.idx.msk $0xffff, v10  }
.Ltmp2:
0x180: {  	s17 =	sadd.s32 $0x3, s16;
	v19 =	vor.u32 s6, v4;
	v25 =	vmul.f32 v28, v20;
	v9 =	vshll.u32 v9, $0x4;
	v15 =	vld.idx.msk [tilespmem:v29+s7+$0x0], $0xffff;
	[tilespmem:v12+s7+$0x0] =	vst.idx.msk $0xffff, v16;
	(pc) =	sbr.rel @p1 .LBB2_7-.Ltmp2, $4  }
0x181: {  	v28 =	vmul.f32 v31, v21;
	v12 =	vmov s17;
	v14 =	vld.idx.msk [tilespmem:v33+s31+$0x0], $0xffff;
	[tilespmem:v5+s7+$0x0] =	vst.idx.msk $0xffff, v17;
	v5 =	vor.u32 v0, v9  }
0x182: {  	s6 =	sadd.s32 $0x2, s16;
	v20 =	vor.u32 s17, v4;
	v21 =	vshll.u32 v12, $0x4;
	v24 =	vmul.f32 v34, v24;
	v16 =	vld.idx.msk [tilespmem:v27+s7+$0x0], $0xffff;
	[tilespmem:v7+s7+$0x0] =	vst.idx.msk $0xffff, v25  }
0x183: {  	v18 =	vmov s6;
	v10 =	vmovc v26;
	v7 =	vor.u32 v0, v21;
	v9 =	vmov v29;
	v17 =	vld.idx.msk [tilespmem:v32+s31+$0x0], $0xffff;
	[tilespmem:v22+s7+$0x0] =	vst.idx.msk $0xffff, v28  }
0x184: {  	v13 =	vmovc v27;
	s17 =	sadd.s32 $0x1, s16;
	s16 =	sadd.s32 $0x8, s16;
	v21 =	vor.u32 s6, v4;
	v22 =	vshll.u32 v18, $0x4;
	v12 =	vmov v35;
	v18 =	vld.idx.msk [tilespmem:v35+s7+$0x0], $0xffff;
	[tilespmem:v23+s7+$0x0] =	vst.idx.msk $0xffff, v24  }
0x185: {  	_ =	sdelay $0x3  }
0x186: {  	v23 =	vmov s17;
	v22 =	vor.u32 v0, v22;
	v19 =	vld.idx.msk [tilespmem:v19+s31+$0x0], $0xffff  }
0x187: {  	v4 =	vor.u32 s17, v4;
	v24 =	vld.idx.msk [tilespmem:v5+s7+$0x0], $0xffff;
	v23 =	vshll.u32 v23, $0x4  }
0x188: {  	v20 =	vld.idx.msk [tilespmem:v20+s31+$0x0], $0xffff;
	v23 =	vor.u32 v0, v23  }
0x189: {  	v25 =	vld.idx.msk [tilespmem:v7+s7+$0x0], $0xffff  }
0x18a: {  	v21 =	vld.idx.msk [tilespmem:v21+s31+$0x0], $0xffff  }
0x18b: {  	v6 =	vmul.f32 v8, v6;
	v26 =	vld.idx.msk [tilespmem:v22+s7+$0x0], $0xffff  }
0x18c: {  	v8 =	vmul.f32 v15, v11;
	v4 =	vld.idx.msk [tilespmem:v4+s31+$0x0], $0xffff  }
0x18d: {  	[tilespmem:v10+s7+$0x0] =	vst.idx.msk $0xffff, v6;
	v6 =	vmul.f32 v16, v14;
	v11 =	vld.idx.msk [tilespmem:v23+s7+$0x0], $0xffff  }
0x18e: {  	[tilespmem:v9+s7+$0x0] =	vst.idx.msk $0xffff, v8;
	v10 =	vmul.f32 v18, v17  }
0x18f: {  	[tilespmem:v13+s7+$0x0] =	vst.idx.msk $0xffff, v6;
	v8 =	vmul.f32 v24, v19  }
0x190: {  	v6 =	vmul.f32 v25, v20;
	[tilespmem:v12+s7+$0x0] =	vst.idx.msk $0xffff, v10  }
0x191: {  	[tilespmem:v5+s7+$0x0] =	vst.idx.msk $0xffff, v8;
	v9 =	vmul.f32 v26, v21  }
0x192: {  	[tilespmem:v7+s7+$0x0] =	vst.idx.msk $0xffff, v6;
	v4 =	vmul.f32 v11, v4  }
0x193: {  	s6 =	sand.u32 $0x3FFFFF80, s15;
	[tilespmem:v22+s7+$0x0] =	vst.idx.msk $0xffff, v9  }
0x194: {  	s6 =	sadd.s32 $0x2800, s6;
	[tilespmem:v23+s7+$0x0] =	vst.idx.msk $0xffff, v4  }
0x195: {  	[spmem:s2] =	stream.indirect.scatter.add.f32 [tilespmem:s7], [sflag:$0x6], $0x10, s6, s5, $0xb8;
	[tilespmem:$0x1B510] =	vst v63  }
0x196: {  	_ =	swait.ge [sflag:s12], $0x800  }
0x197: {  	p1 =	seq.s32 s21, $0x13;
	s16 =	simm.s32 $0x0;
	[sflag:s12] =	ssyncset.done $0x0  }
0x198: {  	v5 =	vmov s16;
	v4 =	vmov s22;
	s6 =	simm.s32 @!p1 $0x5;
	[sflag:s12] =	ssyncadd.s32 $0xFFFFF800  }
0x199: {  	s15 =	simm.s32 $0x7;
	s14 =	sshrl.u32 @!p1 s14, $0x2;
	v5 =	vshll.u32 v5, $0x4;
	v6 =	vor.u32 s16, v4;
	_ =	swait.ge @!p1 [sflag:s6], $0x800  }
0x19a: {  	s17 =	simm.s32 @!p1 $0x14510;
	v10 =	vor.u32 v0, v5;
	v5 =	vmov s15;
	s16 =	simm.s32 @!p1 $0x80;
	[sflag:s6] =	ssyncset.done @!p1 $0x0  }
0x19b: {  	v5 =	vshll.u32 v5, $0x4;
	v7 =	vor.u32 s15, v4;
	s15 =	simm.s32 $0x6;
	[sflag:s6] =	ssyncadd.s32 @!p1 $0xFFFFF800;
	s6 =	sadd.s32 @!p1 $0x200, s14  }
0x19c: {  	v9 =	vor.u32 v0, v5;
	v8 =	vmov s15;
	[tilespmem:s17], [sflag:$0x1] =	stream.indirect.gather @!p1 [spmem:s3], $0x10, s6, s16, $0xb8;
	[tilespmem:$0x1B510] =	vst v63  }
0x19d: {  	v5 =	vor.u32 s15, v4;
	v8 =	vshll.u32 v8, $0x4;
	s17 =	simm.s32 $0x5  }
0x19e: {  	v13 =	vor.u32 v0, v8;
	v6 =	vld.idx.msk [tilespmem:v6+s31+$0x0], $0xffff;
	v11 =	vmov s17  }
0x19f: {  	s15 =	simm.s32 $0x4;
	v8 =	vld.idx.msk [tilespmem:v10+s9+$0x0], $0xffff;
	v17 =	vor.u32 s17, v4;
	v11 =	vshll.u32 v11, $0x4  }
0x1a0: {  	v12 =	vor.u32 v0, v11;
	v11 =	vld.idx.msk [tilespmem:v7+s31+$0x0], $0xffff;
	v7 =	vmov s15  }
0x1a1: {  	v19 =	vor.u32 s15, v4;
	s16 =	simm.s32 $0x3;
	v15 =	vld.idx.msk [tilespmem:v9+s9+$0x0], $0xffff;
	v7 =	vshll.u32 v7, $0x4  }
0x1a2: {  	v14 =	vld.idx.msk [tilespmem:v5+s31+$0x0], $0xffff;
	v18 =	vmov s16;
	v5 =	vor.u32 v0, v7  }
0x1a3: {  	s17 =	simm.s32 $0x2;
	v16 =	vld.idx.msk [tilespmem:v13+s9+$0x0], $0xffff;
	v20 =	vor.u32 s16, v4;
	v7 =	vshll.u32 v18, $0x4  }
0x1a4: {  	v18 =	vmov s17;
	v17 =	vld.idx.msk [tilespmem:v17+s31+$0x0], $0xffff;
	v7 =	vor.u32 v0, v7  }
0x1a5: {  	s16 =	simm.s32 $0x1;
	v21 =	vor.u32 s17, v4;
	s15 =	simm.s32 $0x8;
	v22 =	vshll.u32 v18, $0x4;
	v18 =	vld.idx.msk [tilespmem:v12+s9+$0x0], $0xffff  }
.LBB2_9:
0x1a6: {  	p2 =	slt.u32 s15, $0x78;
	v23 =	vmov s16;
	v22 =	vor.u32 v0, v22;
	v19 =	vld.idx.msk [tilespmem:v19+s31+$0x0], $0xffff  }
0x1a7: {  	v24 =	vor.u32 s16, v4;
	v23 =	vshll.u32 v23, $0x4;
	v25 =	vld.idx.msk [tilespmem:v5+s9+$0x0], $0xffff  }
0x1a8: {  	v26 =	vmov s15;
	v23 =	vor.u32 v0, v23;
	v20 =	vld.idx.msk [tilespmem:v20+s31+$0x0], $0xffff  }
0x1a9: {  	v27 =	vor.u32 s15, v4;
	s6 =	sadd.s32 $0x7, s15;
	v26 =	vshll.u32 v26, $0x4;
	v28 =	vld.idx.msk [tilespmem:v7+s9+$0x0], $0xffff  }
0x1aa: {  	v29 =	vmov s6;
	v26 =	vor.u32 v0, v26;
	v21 =	vld.idx.msk [tilespmem:v21+s31+$0x0], $0xffff  }
0x1ab: {  	s16 =	sadd.s32 $0x6, s15;
	v30 =	vor.u32 s6, v4;
	v29 =	vshll.u32 v29, $0x4;
	v31 =	vld.idx.msk [tilespmem:v22+s9+$0x0], $0xffff  }
0x1ac: {  	v8 =	vmul.f32 v8, v6;
	v32 =	vmov s16;
	v29 =	vor.u32 v0, v29;
	v24 =	vld.idx.msk [tilespmem:v24+s31+$0x0], $0xffff  }
0x1ad: {  	v11 =	vmul.f32 v15, v11;
	s6 =	sadd.s32 $0x5, s15;
	v33 =	vor.u32 s16, v4;
	v32 =	vshll.u32 v32, $0x4;
	v34 =	vld.idx.msk [tilespmem:v23+s9+$0x0], $0xffff  }
0x1ae: {  	v15 =	vmov s6;
	v6 =	vld.idx.msk [tilespmem:v27+s31+$0x0], $0xffff;
	v27 =	vor.u32 v0, v32;
	[tilespmem:v10+s9+$0x0] =	vst.idx.msk $0xffff, v8;
	v10 =	vmul.f32 v16, v14  }
0x1af: {  	s16 =	sadd.s32 $0x4, s15;
	v32 =	vor.u32 s6, v4;
	v14 =	vshll.u32 v15, $0x4;
	v16 =	vmul.f32 v18, v17;
	v8 =	vld.idx.msk [tilespmem:v26+s9+$0x0], $0xffff;
	[tilespmem:v9+s9+$0x0] =	vst.idx.msk $0xffff, v11  }
0x1b0: {  	v17 =	vmul.f32 v25, v19;
	v9 =	vmov s16;
	v35 =	vor.u32 v0, v14;
	v11 =	vld.idx.msk [tilespmem:v30+s31+$0x0], $0xffff;
	[tilespmem:v13+s9+$0x0] =	vst.idx.msk $0xffff, v10  }
.Ltmp3:
0x1b1: {  	s6 =	sadd.s32 $0x3, s15;
	v19 =	vor.u32 s16, v4;
	v25 =	vmul.f32 v28, v20;
	v9 =	vshll.u32 v9, $0x4;
	v15 =	vld.idx.msk [tilespmem:v29+s9+$0x0], $0xffff;
	[tilespmem:v12+s9+$0x0] =	vst.idx.msk $0xffff, v16;
	(pc) =	sbr.rel @p2 .LBB2_9-.Ltmp3, $4  }
0x1b2: {  	v28 =	vmul.f32 v31, v21;
	v12 =	vmov s6;
	v14 =	vld.idx.msk [tilespmem:v33+s31+$0x0], $0xffff;
	[tilespmem:v5+s9+$0x0] =	vst.idx.msk $0xffff, v17;
	v5 =	vor.u32 v0, v9  }
0x1b3: {  	s17 =	sadd.s32 $0x2, s15;
	v20 =	vor.u32 s6, v4;
	v21 =	vshll.u32 v12, $0x4;
	v24 =	vmul.f32 v34, v24;
	v16 =	vld.idx.msk [tilespmem:v27+s9+$0x0], $0xffff;
	[tilespmem:v7+s9+$0x0] =	vst.idx.msk $0xffff, v25  }
0x1b4: {  	v18 =	vmov s17;
	v10 =	vmovc v26;
	v7 =	vor.u32 v0, v21;
	v9 =	vmov v29;
	v17 =	vld.idx.msk [tilespmem:v32+s31+$0x0], $0xffff;
	[tilespmem:v22+s9+$0x0] =	vst.idx.msk $0xffff, v28  }
0x1b5: {  	s16 =	sadd.s32 $0x1, s15;
	s15 =	sadd.s32 $0x8, s15;
	v13 =	vmovc v27;
	v21 =	vor.u32 s17, v4;
	v22 =	vshll.u32 v18, $0x4;
	v12 =	vmov v35;
	v18 =	vld.idx.msk [tilespmem:v35+s9+$0x0], $0xffff;
	[tilespmem:v23+s9+$0x0] =	vst.idx.msk $0xffff, v24  }
0x1b6: {  	_ =	sdelay $0x3  }
0x1b7: {  	v23 =	vmov s16;
	v22 =	vor.u32 v0, v22;
	v19 =	vld.idx.msk [tilespmem:v19+s31+$0x0], $0xffff  }
0x1b8: {  	v4 =	vor.u32 s16, v4;
	v24 =	vld.idx.msk [tilespmem:v5+s9+$0x0], $0xffff;
	v23 =	vshll.u32 v23, $0x4  }
0x1b9: {  	v20 =	vld.idx.msk [tilespmem:v20+s31+$0x0], $0xffff;
	v23 =	vor.u32 v0, v23  }
0x1ba: {  	v25 =	vld.idx.msk [tilespmem:v7+s9+$0x0], $0xffff  }
0x1bb: {  	v21 =	vld.idx.msk [tilespmem:v21+s31+$0x0], $0xffff  }
0x1bc: {  	v6 =	vmul.f32 v8, v6;
	v26 =	vld.idx.msk [tilespmem:v22+s9+$0x0], $0xffff  }
0x1bd: {  	v8 =	vmul.f32 v15, v11;
	v4 =	vld.idx.msk [tilespmem:v4+s31+$0x0], $0xffff  }
0x1be: {  	[tilespmem:v10+s9+$0x0] =	vst.idx.msk $0xffff, v6;
	v6 =	vmul.f32 v16, v14;
	v11 =	vld.idx.msk [tilespmem:v23+s9+$0x0], $0xffff  }
0x1bf: {  	[tilespmem:v9+s9+$0x0] =	vst.idx.msk $0xffff, v8;
	v10 =	vmul.f32 v18, v17  }
0x1c0: {  	[tilespmem:v13+s9+$0x0] =	vst.idx.msk $0xffff, v6;
	v8 =	vmul.f32 v24, v19  }
0x1c1: {  	v6 =	vmul.f32 v25, v20;
	[tilespmem:v12+s9+$0x0] =	vst.idx.msk $0xffff, v10  }
0x1c2: {  	[tilespmem:v5+s9+$0x0] =	vst.idx.msk $0xffff, v8;
	v9 =	vmul.f32 v26, v21  }
0x1c3: {  	[tilespmem:v7+s9+$0x0] =	vst.idx.msk $0xffff, v6;
	v4 =	vmul.f32 v11, v4  }
0x1c4: {  	[tilespmem:v22+s9+$0x0] =	vst.idx.msk $0xffff, v9  }
0x1c5: {  	s6 =	sadd.s32 $0x2800, s22;
	[tilespmem:v23+s9+$0x0] =	vst.idx.msk $0xffff, v4  }
0x1c6: {  	[spmem:s2] =	stream.indirect.scatter.add.f32 [tilespmem:s9], [sflag:$0x7], $0x10, s6, s5, $0xb8;
	[tilespmem:$0x1B510] =	vst v63  }
0x1c7: {  	_ =	swait.ge [sflag:s13], $0x800  }
0x1c8: {  	s15 =	simm.s32 $0x0;
	[sflag:s13] =	ssyncset.done $0x0  }
0x1c9: {  	v5 =	vmov s15;
	v4 =	vmov s18;
	s6 =	simm.s32 @!p1 $0x6;
	[sflag:s13] =	ssyncadd.s32 $0xFFFFF800  }
0x1ca: {  	s17 =	simm.s32 $0x7;
	v5 =	vshll.u32 v5, $0x4;
	v6 =	vor.u32 s15, v4;
	_ =	swait.ge @!p1 [sflag:s6], $0x800  }
0x1cb: {  	s16 =	simm.s32 @!p1 $0x14D10;
	s22 =	simm.s32 $0x6;
	v10 =	vor.u32 v0, v5;
	v5 =	vmov s17;
	[sflag:s6] =	ssyncset.done @!p1 $0x0  }
0x1cc: {  	v5 =	vshll.u32 v5, $0x4;
	v7 =	vor.u32 s17, v4;
	[sflag:s6] =	ssyncadd.s32 @!p1 $0xFFFFF800;
	s6 =	sadd.s32 @!p1 $0x280, s14;
	s14 =	simm.s32 @!p1 $0x80  }
0x1cd: {  	v8 =	vmov s22;
	v9 =	vor.u32 v0, v5;
	[tilespmem:s16], [sflag:$0x2] =	stream.indirect.gather @!p1 [spmem:s3], $0x10, s6, s14, $0xb8;
	[tilespmem:$0x1B510] =	vst v63  }
0x1ce: {  	v8 =	vshll.u32 v8, $0x4;
	v5 =	vor.u32 s22, v4;
	s14 =	simm.s32 $0x5  }
0x1cf: {  	v13 =	vor.u32 v0, v8;
	v6 =	vld.idx.msk [tilespmem:v6+s31+$0x0], $0xffff;
	v11 =	vmov s14  }
0x1d0: {  	s16 =	simm.s32 $0x4;
	v8 =	vld.idx.msk [tilespmem:v10+s11+$0x0], $0xffff;
	v17 =	vor.u32 s14, v4;
	v11 =	vshll.u32 v11, $0x4  }
0x1d1: {  	v12 =	vor.u32 v0, v11;
	v11 =	vld.idx.msk [tilespmem:v7+s31+$0x0], $0xffff;
	v7 =	vmov s16  }
0x1d2: {  	s17 =	simm.s32 $0x3;
	v15 =	vld.idx.msk [tilespmem:v9+s11+$0x0], $0xffff;
	v19 =	vor.u32 s16, v4;
	v7 =	vshll.u32 v7, $0x4  }
0x1d3: {  	v18 =	vmov s17;
	v14 =	vld.idx.msk [tilespmem:v5+s31+$0x0], $0xffff;
	v5 =	vor.u32 v0, v7  }
0x1d4: {  	s22 =	simm.s32 $0x2;
	v20 =	vor.u32 s17, v4;
	v16 =	vld.idx.msk [tilespmem:v13+s11+$0x0], $0xffff;
	v7 =	vshll.u32 v18, $0x4  }
0x1d5: {  	v18 =	vmov s22;
	v17 =	vld.idx.msk [tilespmem:v17+s31+$0x0], $0xffff;
	v7 =	vor.u32 v0, v7  }
0x1d6: {  	s15 =	simm.s32 $0x1;
	v21 =	vor.u32 s22, v4;
	s14 =	simm.s32 $0x8;
	v22 =	vshll.u32 v18, $0x4;
	v18 =	vld.idx.msk [tilespmem:v12+s11+$0x0], $0xffff  }
.LBB2_11:
0x1d7: {  	p1 =	slt.u32 s14, $0x78;
	v23 =	vmov s15;
	v22 =	vor.u32 v0, v22;
	v19 =	vld.idx.msk [tilespmem:v19+s31+$0x0], $0xffff  }
0x1d8: {  	v24 =	vor.u32 s15, v4;
	v23 =	vshll.u32 v23, $0x4;
	v25 =	vld.idx.msk [tilespmem:v5+s11+$0x0], $0xffff  }
0x1d9: {  	v26 =	vmov s14;
	v23 =	vor.u32 v0, v23;
	v20 =	vld.idx.msk [tilespmem:v20+s31+$0x0], $0xffff  }
0x1da: {  	v27 =	vor.u32 s14, v4;
	s6 =	sadd.s32 $0x7, s14;
	v26 =	vshll.u32 v26, $0x4;
	v28 =	vld.idx.msk [tilespmem:v7+s11+$0x0], $0xffff  }
0x1db: {  	v29 =	vmov s6;
	v26 =	vor.u32 v0, v26;
	v21 =	vld.idx.msk [tilespmem:v21+s31+$0x0], $0xffff  }
0x1dc: {  	s15 =	sadd.s32 $0x6, s14;
	v30 =	vor.u32 s6, v4;
	v29 =	vshll.u32 v29, $0x4;
	v31 =	vld.idx.msk [tilespmem:v22+s11+$0x0], $0xffff  }
0x1dd: {  	v8 =	vmul.f32 v8, v6;
	v32 =	vmov s15;
	v29 =	vor.u32 v0, v29;
	v24 =	vld.idx.msk [tilespmem:v24+s31+$0x0], $0xffff  }
0x1de: {  	v11 =	vmul.f32 v15, v11;
	s6 =	sadd.s32 $0x5, s14;
	v33 =	vor.u32 s15, v4;
	v32 =	vshll.u32 v32, $0x4;
	v34 =	vld.idx.msk [tilespmem:v23+s11+$0x0], $0xffff  }
0x1df: {  	v15 =	vmov s6;
	v6 =	vld.idx.msk [tilespmem:v27+s31+$0x0], $0xffff;
	v27 =	vor.u32 v0, v32;
	[tilespmem:v10+s11+$0x0] =	vst.idx.msk $0xffff, v8;
	v10 =	vmul.f32 v16, v14  }
0x1e0: {  	s15 =	sadd.s32 $0x4, s14;
	v32 =	vor.u32 s6, v4;
	v14 =	vshll.u32 v15, $0x4;
	v16 =	vmul.f32 v18, v17;
	v8 =	vld.idx.msk [tilespmem:v26+s11+$0x0], $0xffff;
	[tilespmem:v9+s11+$0x0] =	vst.idx.msk $0xffff, v11  }
0x1e1: {  	v17 =	vmul.f32 v25, v19;
	v9 =	vmov s15;
	v35 =	vor.u32 v0, v14;
	v11 =	vld.idx.msk [tilespmem:v30+s31+$0x0], $0xffff;
	[tilespmem:v13+s11+$0x0] =	vst.idx.msk $0xffff, v10  }
.Ltmp4:
0x1e2: {  	s6 =	sadd.s32 $0x3, s14;
	v19 =	vor.u32 s15, v4;
	v25 =	vmul.f32 v28, v20;
	v9 =	vshll.u32 v9, $0x4;
	v15 =	vld.idx.msk [tilespmem:v29+s11+$0x0], $0xffff;
	[tilespmem:v12+s11+$0x0] =	vst.idx.msk $0xffff, v16;
	(pc) =	sbr.rel @p1 .LBB2_11-.Ltmp4, $4  }
0x1e3: {  	v28 =	vmul.f32 v31, v21;
	v12 =	vmov s6;
	v14 =	vld.idx.msk [tilespmem:v33+s31+$0x0], $0xffff;
	[tilespmem:v5+s11+$0x0] =	vst.idx.msk $0xffff, v17;
	v5 =	vor.u32 v0, v9  }
0x1e4: {  	s16 =	sadd.s32 $0x2, s14;
	v20 =	vor.u32 s6, v4;
	v21 =	vshll.u32 v12, $0x4;
	v24 =	vmul.f32 v34, v24;
	v16 =	vld.idx.msk [tilespmem:v27+s11+$0x0], $0xffff;
	[tilespmem:v7+s11+$0x0] =	vst.idx.msk $0xffff, v25  }
0x1e5: {  	v18 =	vmov s16;
	v10 =	vmovc v26;
	v7 =	vor.u32 v0, v21;
	v9 =	vmov v29;
	v17 =	vld.idx.msk [tilespmem:v32+s31+$0x0], $0xffff;
	[tilespmem:v22+s11+$0x0] =	vst.idx.msk $0xffff, v28  }
0x1e6: {  	s15 =	sadd.s32 $0x1, s14;
	s14 =	sadd.s32 $0x8, s14;
	v13 =	vmovc v27;
	v21 =	vor.u32 s16, v4;
	v22 =	vshll.u32 v18, $0x4;
	v12 =	vmov v35;
	v18 =	vld.idx.msk [tilespmem:v35+s11+$0x0], $0xffff;
	[tilespmem:v23+s11+$0x0] =	vst.idx.msk $0xffff, v24  }
0x1e7: {  	_ =	sdelay $0x3  }
0x1e8: {  	v23 =	vmov s15;
	v22 =	vor.u32 v0, v22;
	v19 =	vld.idx.msk [tilespmem:v19+s31+$0x0], $0xffff  }
0x1e9: {  	v4 =	vor.u32 s15, v4;
	v24 =	vld.idx.msk [tilespmem:v5+s11+$0x0], $0xffff;
	v23 =	vshll.u32 v23, $0x4  }
0x1ea: {  	v20 =	vld.idx.msk [tilespmem:v20+s31+$0x0], $0xffff;
	v23 =	vor.u32 v0, v23  }
0x1eb: {  	v25 =	vld.idx.msk [tilespmem:v7+s11+$0x0], $0xffff  }
0x1ec: {  	v21 =	vld.idx.msk [tilespmem:v21+s31+$0x0], $0xffff  }
0x1ed: {  	v6 =	vmul.f32 v8, v6;
	v26 =	vld.idx.msk [tilespmem:v22+s11+$0x0], $0xffff  }
0x1ee: {  	v57 =	vmul.f32 v15, v11;
	v4 =	vld.idx.msk [tilespmem:v4+s31+$0x0], $0xffff  }
0x1ef: {  	[tilespmem:v10+s11+$0x0] =	vst.idx.msk $0xffff, v6;
	v59 =	vmul.f32 v16, v14;
	v58 =	vld.idx.msk [tilespmem:v23+s11+$0x0], $0xffff  }
0x1f0: {  	[tilespmem:v9+s11+$0x0] =	vst.idx.msk $0xffff, v57;
	v60 =	vmul.f32 v18, v17  }
0x1f1: {  	s21 =	sadd.s32 $0x1, s21;
	[tilespmem:v13+s11+$0x0] =	vst.idx.msk $0xffff, v59;
	v61 =	vmul.f32 v24, v19  }
0x1f2: {  	p1 =	sne.s32 s21, $0x14;
	v62 =	vmul.f32 v25, v20;
	[tilespmem:v12+s11+$0x0] =	vst.idx.msk $0xffff, v60  }
.Ltmp5:
0x1f3: {  	[tilespmem:v5+s11+$0x0] =	vst.idx.msk $0xffff, v61;
	v63 =	vmul.f32 v26, v21;
	(pc) =	sbr.rel @p1 .LBB2_4-.Ltmp5, $4  }
0x1f4: {  	[tilespmem:v7+s11+$0x0] =	vst.idx.msk $0xffff, v62;
	v4 =	vmul.f32 v58, v4  }
0x1f5: {  	[tilespmem:v22+s11+$0x0] =	vst.idx.msk $0xffff, v63  }
0x1f6: {  	s6 =	sadd.s32 $0x2800, s18;
	[tilespmem:v23+s11+$0x0] =	vst.idx.msk $0xffff, v4  }
0x1f7: {  	[spmem:s2] =	stream.indirect.scatter.add.f32 [tilespmem:s11], [sflag:$0x8], $0x10, s6, s5, $0xb8;
	[tilespmem:$0x1B510] =	vst v63  }
0x1f8: {  	s6 =	simm.s32 $0x5  }
0x1f9: {  	_ =	swait.ge [sflag:s6], $0x800  }
0x1fa: {  	[sflag:s6] =	ssyncset.done $0x0  }
0x1fb: {  	s16 =	simm.s32 $0x6;
	[sflag:s6] =	ssyncadd.s32 $0xFFFFF800  }
0x1fc: {  	_ =	swait.ge [sflag:s16], $0x800  }
0x1fd: {  	[sflag:s16] =	ssyncset.done $0x0  }
0x1fe: {  	s17 =	simm.s32 $0x7;
	[sflag:s16] =	ssyncadd.s32 $0xFFFFF800  }
0x1ff: {  	_ =	swait.ge [sflag:s17], $0x800  }
0x200: {  	[sflag:s17] =	ssyncset.done $0x0  }
0x201: {  	s18 =	simm.s32 $0x8;
	[sflag:s17] =	ssyncadd.s32 $0xFFFFF800  }
0x202: {  	_ =	swait.ge [sflag:s18], $0x800  }
0x203: {  	[sflag:s18] =	ssyncset.done $0x0  }
0x204: {  	[sflag:s18] =	ssyncadd.s32 $0xFFFFF800  }
0x205: {  	s21 =	simm.s32 $0x0;
	[bflag:$0x0] =	sbarrier.arrive $0xFFFF  }
0x206: {  	s22 =	simm.s32 $0x3;
	v4 =	vmov s21;
	s15 =	rddreg [dreg:$0x6]  }
0x207: {  	[tilespmem:s25], [sflag:$0x9] =	stream.linear.gather [spmem:s15], $0x2800, $0x38;
	[tilespmem:$0x1B510] =	vst v63  }
0x208: {  	v6 =	vmov s22;
	_ =	swait.ge [sflag:s24], $0x2800  }
0x209: {  	s14 =	simm.s32 $0x2;
	[sflag:s24] =	ssyncset.done $0x0  }
0x20a: {  	v9 =	vmov s14;
	[sflag:s24] =	ssyncadd.s32 $0xFFFFD800  }
0x20b: {  	v8 =	vld.idx.msk [tilespmem:v4+s28+$0x0], $0xffff  }
0x20c: {  	s16 =	simm.s32 $0x1;
	v10 =	vld.idx.msk [tilespmem:v4+s29+$0x0], $0xffff  }
0x20d: {  	v11 =	vmov s16;
	v12 =	vld.idx.msk [tilespmem:v6+s28+$0x0], $0xffff  }
0x20e: {  	v14 =	vld.idx.msk [tilespmem:v6+s29+$0x0], $0xffff  }
0x20f: {  	s17 =	simm.s32 $0x4;
	v15 =	vld.idx.msk [tilespmem:v9+s28+$0x0], $0xffff  }
0x210: {  	v5 =	vmov s17;
	v17 =	vld.idx.msk [tilespmem:v9+s29+$0x0], $0xffff  }
0x211: {  	s18 =	simm.s32 $0x7  }
0x212: {  	v7 =	vshll.u32 v4, $0x4;
	v19 =	vld.idx.msk [tilespmem:v11+s28+$0x0], $0xffff;
	v4 =	vmov s18;
	v8 =	vadd.f32 v10, v8  }
0x213: {  	v18 =	vor.u32 v0, v7;
	v21 =	vld.idx.msk [tilespmem:v11+s29+$0x0], $0xffff;
	v10 =	vshll.u32 v6, $0x4;
	v12 =	vadd.f32 v14, v12  }
0x214: {  	v22 =	vor.u32 v0, v10;
	v6 =	vmax.f32 v8, $1.000000000e+00  }
0x215: {  	s21 =	simm.s32 $0x6;
	v13 =	vld.idx.msk [tilespmem:v5+s28+$0x0], $0xffff;
	(erf) = vrcp.f32 v6;
	v6 =	vmax.f32 v12, $1.000000000e+00;
	v12 =	vadd.f32 v17, v15  }
0x216: {  	v20 =	vmov s21;
	v16 =	vld.idx.msk [tilespmem:v5+s29+$0x0], $0xffff  }
0x217: {  	v14 =	vld.idx.msk [tilespmem:v4+s29+$0x0], $0xffff;
	v15 =	vshll.u32 v9, $0x4;
	v12 =	vmax.f32 v12, $1.000000000e+00  }
0x218: {  	s22 =	simm.s32 $0x5;
	v21 =	vadd.f32 v21, v19;
	v8 =	vld.idx.msk [tilespmem:v18+s25+$0x0], $0xffff;
	v17 =	vor.u32 v0, v15;
	(erf) = vrcp.f32 v6  }
0x219: {  	v18 =	vshll.u32 v11, $0x4;
	v9 =	vld.idx.msk [tilespmem:v4+s28+$0x0], $0xffff;
	v6 =	vmov s22  }
0x21a: {  	s14 =	simm.s32 $0x8;
	v21 =	vmax.f32 v21, $1.000000000e+00;
	v19 =	vor.u32 v0, v18;
	v11 =	vld.idx.msk [tilespmem:v22+s25+$0x0], $0xffff;
	(erf) = vrcp.f32 v12;
	v12 =	vmovc v20  }
.LBB2_14:
0x21b: {  	v22 =	vmov s14;
	p1 =	slt.u32 s14, $0x27C;
	v23 =	vld.idx.msk [tilespmem:v20+s28+$0x0], $0xffff;
	(erf) = vrcp.f32 v21  }
0x21c: {  	v13 =	vadd.f32 v16, v13;
	v27 =	vand.u32 $0x3FC8, v7;
	v7 =	vshll.u32 v5, $0x4;
	v21 =	vld.idx.msk [tilespmem:v20+s29+$0x0], $0xffff;
	v5 =	vmovc v22  }
0x21d: {  	v20 =	vor.u32 v0, v7;
	v26 =	vor.u32 v2, v27;
	v17 =	vld.idx.msk [tilespmem:v17+s25+$0x0], $0xffff  }
0x21e: {  	s6 =	sadd.s32 $0x3, s14;
	v10 =	vand.u32 $0x3FF8, v10;
	v22 =	vmax.f32 v13, $1.000000000e+00;
	v25 =	vor.u32 v3, v26;
	v24 =	vld.idx.msk [tilespmem:v6+s28+$0x0], $0xffff;
	v16 =	vpop (erf)  }
0x21f: {  	v10 =	vor.u32 v2, v10;
	v26 =	vmov s6;
	v13 =	vand.u32 $0x3FE8, v15;
	v19 =	vld.idx.msk [tilespmem:v19+s25+$0x0], $0xffff  }
0x220: {  	v30 =	vand.u32 $0x3FD8, v18;
	v28 =	vor.u32 v3, v10;
	v18 =	vor.u32 v2, v13;
	v27 =	vld.idx.msk [tilespmem:v6+s29+$0x0], $0xffff  }
0x221: {  	v29 =	vmul.f32 v16, v8;
	v8 =	vor.u32 v2, v30;
	v18 =	vor.u32 v3, v18;
	v13 =	vld.idx.msk [tilespmem:v5+s28+$0x0], $0xffff;
	v15 =	vpop (erf)  }
0x222: {  	v10 =	vshll.u32 v4, $0x4;
	v14 =	vadd.f32 v14, v9;
	v4 =	vmovc v26;
	v30 =	vor.u32 v3, v8;
	v16 =	vld.idx.msk [tilespmem:v5+s29+$0x0], $0xffff  }
0x223: {  	s6 =	sadd.s32 $0x2, s14;
	v31 =	vor.u32 v0, v10;
	v11 =	vmul.f32 v15, v11;
	v8 =	vld.idx.msk [tilespmem:v20+s25+$0x0], $0xffff;
	(erf) = vrcp.f32 v22;
	v15 =	vpop (erf)  }
.Ltmp6:
0x224: {  	v14 =	vmax.f32 v14, $1.000000000e+00;
	v20 =	vmov s6;
	v9 =	vld.idx.msk [tilespmem:v26+s28+$0x0], $0xffff;
	[tilespmem:v25+s1+$0x0] =	vst.idx.msk $0xffff, v29;
	v22 =	vmul.f32 v15, v17;
	v17 =	vpop (erf);
	(pc) =	sbr.rel @p1 .LBB2_14-.Ltmp6, $4  }
0x225: {  	v21 =	vadd.f32 v21, v23;
	v15 =	vshll.u32 v12, $0x4;
	v19 =	vmul.f32 v17, v19;
	[tilespmem:v28+s1+$0x0] =	vst.idx.msk $0xffff, v11  }
0x226: {  	s6 =	sadd.s32 $0x1, s14;
	v11 =	vadd.f32 v27, v24;
	v17 =	vor.u32 v0, v15;
	(erf) = vrcp.f32 v14;
	[tilespmem:v18+s1+$0x0] =	vst.idx.msk $0xffff, v22  }
0x227: {  	v12 =	vmovc v20;
	v18 =	vshll.u32 v6, $0x4;
	v6 =	vmov s6;
	v22 =	vmax.f32 v21, $1.000000000e+00;
	v14 =	vld.idx.msk [tilespmem:v26+s29+$0x0], $0xffff;
	[tilespmem:v30+s1+$0x0] =	vst.idx.msk $0xffff, v19  }
0x228: {  	s14 =	sadd.s32 $0x4, s14;
	v19 =	vor.u32 v0, v18;
	v21 =	vmax.f32 v11, $1.000000000e+00;
	v11 =	vld.idx.msk [tilespmem:v31+s25+$0x0], $0xffff;
	(erf) = vrcp.f32 v22  }
0x229: {  	_ =	sdelay $0x3  }
0x22a: {  	v22 =	vld.idx.msk [tilespmem:v20+s28+$0x0], $0xffff  }
0x22b: {  	v13 =	vadd.f32 v16, v13;
	v36 =	vld.idx.msk [tilespmem:v20+s29+$0x0], $0xffff;
	(erf) = vrcp.f32 v21  }
0x22c: {  	v5 =	vshll.u32 v5, $0x4;
	v7 =	vand.u32 $0x3FC8, v7;
	v37 =	vld.idx.msk [tilespmem:v6+s28+$0x0], $0xffff;
	v10 =	vand.u32 $0x3FF8, v10  }
0x22d: {  	v23 =	vld.idx.msk [tilespmem:v6+s29+$0x0], $0xffff;
	v15 =	vand.u32 $0x3FE8, v15;
	v18 =	vand.u32 $0x3FD8, v18;
	v4 =	vshll.u32 v4, $0x4  }
0x22e: {  	v12 =	vshll.u32 v12, $0x4;
	v45 =	vshll.u32 v6, $0x4;
	v38 =	vor.u32 v0, v5  }
0x22f: {  	v7 =	vor.u32 v2, v7;
	v10 =	vor.u32 v2, v10;
	v15 =	vor.u32 v2, v15  }
0x230: {  	v39 =	vor.u32 v0, v4;
	v43 =	vor.u32 v0, v12;
	v9 =	vadd.f32 v14, v9  }
0x231: {  	v47 =	vor.u32 v2, v18;
	v13 =	vmax.f32 v13, $1.000000000e+00;
	v40 =	vadd.f32 v36, v22  }
0x232: {  	v24 =	vpop (erf);
	(erf) = vrcp.f32 v13;
	v9 =	vmax.f32 v9, $1.000000000e+00;
	v42 =	vadd.f32 v23, v37  }
0x233: {  	v49 =	vor.u32 v0, v45;
	(erf) = vrcp.f32 v9;
	v44 =	vmax.f32 v40, $1.000000000e+00  }
0x234: {  	v5 =	vand.u32 $0x3FC8, v5;
	v46 =	vmax.f32 v42, $1.000000000e+00;
	(erf) = vrcp.f32 v44  }
0x235: {  	v41 =	vld.idx.msk [tilespmem:v17+s25+$0x0], $0xffff;
	v4 =	vand.u32 $0x3FF8, v4;
	v7 =	vor.u32 v3, v7;
	v48 =	vpop (erf);
	(erf) = vrcp.f32 v46  }
0x236: {  	v19 =	vld.idx.msk [tilespmem:v19+s25+$0x0], $0xffff;
	v12 =	vand.u32 $0x3FE8, v12;
	v6 =	vand.u32 $0x3FD8, v45;
	v10 =	vor.u32 v3, v10  }
0x237: {  	v15 =	vor.u32 v3, v15;
	v5 =	vor.u32 v2, v5;
	v4 =	vor.u32 v2, v4;
	v21 =	vld.idx.msk [tilespmem:v38+s25+$0x0], $0xffff  }
0x238: {  	v12 =	vor.u32 v2, v12;
	v8 =	vmul.f32 v24, v8;
	v9 =	vor.u32 v3, v47;
	v54 =	vld.idx.msk [tilespmem:v39+s25+$0x0], $0xffff  }
0x239: {  	v6 =	vor.u32 v2, v6;
	v5 =	vor.u32 v3, v5;
	v55 =	vld.idx.msk [tilespmem:v43+s25+$0x0], $0xffff;
	v11 =	vmul.f32 v48, v11;
	v50 =	vpop (erf)  }
0x23a: {  	v4 =	vor.u32 v3, v4;
	v56 =	vld.idx.msk [tilespmem:v49+s25+$0x0], $0xffff;
	[tilespmem:v7+s1+$0x0] =	vst.idx.msk $0xffff, v8;
	v51 =	vpop (erf);
	v52 =	vmul.f32 v50, v41  }
0x23b: {  	v58 =	vor.u32 v3, v12;
	[tilespmem:v10+s1+$0x0] =	vst.idx.msk $0xffff, v11;
	v53 =	vmul.f32 v51, v19;
	v57 =	vpop (erf)  }
0x23c: {  	v6 =	vor.u32 v3, v6;
	[tilespmem:v15+s1+$0x0] =	vst.idx.msk $0xffff, v52;
	v59 =	vmul.f32 v57, v21;
	v60 =	vpop (erf)  }
0x23d: {  	[tilespmem:v9+s1+$0x0] =	vst.idx.msk $0xffff, v53;
	v61 =	vmul.f32 v60, v54;
	v62 =	vpop (erf)  }
0x23e: {  	[tilespmem:v5+s1+$0x0] =	vst.idx.msk $0xffff, v59;
	v5 =	vmul.f32 v62, v55;
	v63 =	vpop (erf)  }
0x23f: {  	[tilespmem:v4+s1+$0x0] =	vst.idx.msk $0xffff, v61;
	v7 =	vmul.f32 v63, v56  }
0x240: {  	[tilespmem:v58+s1+$0x0] =	vst.idx.msk $0xffff, v5  }
0x241: {  	[tilespmem:v6+s1+$0x0] =	vst.idx.msk $0xffff, v7  }
0x242: {  	s6 =	rddreg [dreg:$0x15]  }
0x243: {  	[hbm4b:s6+s4] =	stream.linear.scatter [tilespmem:s1], [sflag:$0x9], $0x2800, $0x38;
	[tilespmem:$0x1B510] =	vst v63  }
0x244: {  	_ =	swait.ge [sflag:s24], $0x2800  }
0x245: {  	s19 =	sadd.s32 $0x1, s19;
	s22 =	rddreg [dreg:$0x16]  }
0x246: {  	p1 =	sne.s32 s19, s22  }
.Ltmp7:
0x247: {  	_ = 	snop;
	(pc) =	sbr.rel @p1 .LBB2_1-.Ltmp7, $3  }
0x248: {  	_ =	sdelay $0x1  }
0x249: {  	[sflag:s24] =	ssyncset.done $0x0  }
0x24a: {  	[sflag:s24] =	ssyncadd.s32 $0xFFFFD800  }
0x24b: {  	_ =	sfence.sel $0x180000  }
0x24c: {  	[bflag:$0x0] =	sbarrier.arrive $0xFFFF  }
0x24d: {  	_ =	strace $0x9000004A  }
0x24e: {  	s0 =	stileid.u32;
	[bflag:$0x2] =	sbarrier.arrive $0xFFFF  }
0x24f: {  	p0 =	sne.s32 s0, $0x0;
	s0 =	rddreg [dreg:$0x4]  }
0x250: {  	s0 =	sadd.s32 @!p0 $0x100000, s0  }
0x251: {  	[sflag:s0] =	ssyncadd.tile.s32 @!p0 $0x1;
	_ =	shalt  }
.Lfunc_end2:
_tile_overlayer_lowered:
.L_overlay_start_2:
0x252: {  	(tag) =	ssettag $0x2  }
0x253: {  	s0 =	rddreg [dreg:$0x0];
	s2 =	stileid.u32  }
0x254: {  	s1 =	rddreg [dreg:$0x1];
	p0 =	sne.s32 s2, $0x0  }
0x255: {  	s3 =	rddreg [dreg:$0x2];
	[bflag:$0x3] =	sbarrier.arrive $0xFFFF;
	s2 =	simm.s32 @!p0 $0x1C09  }
0x256: {  	[timem:s3], [sflag:s2] =	dma.local @!p0 [hbm:s0], s1  }
0x257: {  	s0 =	simm.s32 @!p0 $0x9  }
0x258: {  	_ =	swait.ge @!p0 [sflag:s0], s1  }
0x259: {  	s1 =	ssub.s32 @!p0 $0x0, s1;
	[sflag:s0] =	ssyncset.done @!p0 $0x0  }
0x25a: {  	[sflag:s0] =	ssyncadd.s32 @!p0 s1  }
0x25b: {  	[bflag:$0x3] =	sbarrier.arrive $0xFFFF  }
0x25c: {  	_ =	shalt  }

</sc_bundles>
